<compile_context>
chip_gen: v7x
topology: tpu7x:2x2x1
jax: 0.10.2.dev20260603
libtpu: 0.0.44.dev20260713+nightly
codegen_flags: <defaults>
</compile_context>

<pallas_src>
import functools

import jax
import jax.numpy as jnp
from jax import lax
from jax.experimental import pallas as pl
from jax.experimental.pallas import tpu as pltpu
from jax.experimental.pallas import tpu_sc as plsc

EMBED_DIM = 64
NUM_WORKERS = 32
BL = 128


def _gather_body(idx_hbm, table_hbm, out_hbm, idx_v, rows0, rows1, tb0, tb1,
                 g0, g1, o0, o1, *, batch, hist):
    n_bb = batch // BL
    bb_per_w = n_bb // NUM_WORKERS
    n_t = bb_per_w * hist
    wid = lax.axis_index("s") * 2 + lax.axis_index("c")

    pltpu.sync_copy(idx_hbm.at[pl.ds(wid * n_t, n_t)], idx_v)

    lanes = lax.broadcasted_iota(jnp.int32, (16,), 0)
    colbases = [(lanes + k) % 16 for k in range(16)]

    def gather(t, rows, sem):
        pltpu.async_copy(table_hbm.at[idx_v.at[t]], rows, sem)

    def wait_gather(rows, sem):
        pltpu.make_async_copy(table_hbm.at[idx_v.at[0]], rows, sem).wait()

    def transpose(rows, tb):
        @plsc.parallel_loop(0, BL // 16, unroll=2)
        def _tp(p):
            rowv = p * 16 + lanes

            @plsc.parallel_loop(0, EMBED_DIM // 16, unroll=4)
            def _tq(q):
                d0 = q * 16
                for k in range(16):
                    col = d0 + colbases[k]
                    v = plsc.load_gather(rows, [rowv, col])
                    plsc.store_scatter(tb, [col, rowv], v)

    def put(t, tb, sem):
        bb_local = t // hist
        h = t - bb_local * hist
        bb = wid * bb_per_w + bb_local

        @plsc.parallel_loop(0, EMBED_DIM // 8)
        def _pp(db):
            pltpu.async_copy(tb.at[pl.ds(db * 8, 8)], out_hbm.at[h, db, bb], sem)

    def wait_put(tb, sem):
        def pw(db, c):
            pltpu.make_async_copy(
                tb.at[pl.ds(0, 8)], out_hbm.at[0, 0, 0], sem
            ).wait()
            return c

        lax.fori_loop(0, EMBED_DIM // 8, pw, 0)

    gather(0, rows0, g0)
    gather(1, rows1, g1)

    wait_gather(rows0, g0)
    transpose(rows0, tb0)
    gather(2, rows0, g0)
    put(0, tb0, o0)
    wait_gather(rows1, g1)
    transpose(rows1, tb1)
    gather(3, rows1, g1)
    put(1, tb1, o1)

    def body(tt, carry):
        t0 = tt * 2
        wait_gather(rows0, g0)
        wait_put(tb0, o0)
        transpose(rows0, tb0)

        @pl.when(t0 + 2 < n_t)
        def _():
            gather(t0 + 2, rows0, g0)

        put(t0, tb0, o0)
        wait_gather(rows1, g1)
        wait_put(tb1, o1)
        transpose(rows1, tb1)

        @pl.when(t0 + 3 < n_t)
        def _():
            gather(t0 + 3, rows1, g1)

        put(t0 + 1, tb1, o1)
        return carry

    lax.fori_loop(1, n_t // 2, body, 0)

    wait_put(tb0, o0)
    wait_put(tb1, o1)


def kernel(x, weight):
    batch, hist = x.shape
    n_bb = batch // BL
    idxb = (
        x.astype(jnp.int32).T.reshape(hist, n_bb, BL)
        .transpose(1, 0, 2)
        .reshape(n_bb * hist, BL)
    )

    mesh = plsc.VectorSubcoreMesh(core_axis_name="c", subcore_axis_name="s")
    gather = functools.partial(
        pl.kernel,
        mesh=mesh,
        out_type=jax.ShapeDtypeStruct(
            (hist, EMBED_DIM // 8, n_bb, 8, BL), jnp.float32
        ),
        scratch_types=[
            pltpu.VMEM((n_bb * hist // NUM_WORKERS, BL), jnp.int32),
            pltpu.VMEM((BL, EMBED_DIM), jnp.float32),
            pltpu.VMEM((BL, EMBED_DIM), jnp.float32),
            pltpu.VMEM((EMBED_DIM, BL), jnp.float32),
            pltpu.VMEM((EMBED_DIM, BL), jnp.float32),
            pltpu.SemaphoreType.DMA,
            pltpu.SemaphoreType.DMA,
            pltpu.SemaphoreType.DMA,
            pltpu.SemaphoreType.DMA,
        ],
        compiler_params=pltpu.CompilerParams(
            use_tc_tiling_on_sc=False,
            needs_layout_passes=False,
            disable_bounds_checks=True,
        ),
    )(functools.partial(_gather_body, batch=batch, hist=hist))

    out5 = gather(idxb, weight)
    return out5.transpose(2, 4, 0, 1, 3).reshape(batch, hist, EMBED_DIM)

# --- scband reference (transcript-rebuilt; emitter-appended) ---
"""Pipeline reference for scband-gather-embedding-15573551415430 (READ-ONLY COPY).

The authoritative reference and input builder live on the scoring server;
editing this copy changes nothing except your own understanding.
"""

import jax, jax.numpy as jnp
import numpy as np

VOCAB = 1000000
EMBED_DIM = 64
BATCH = 16384
HIST = 50

def setup_inputs(seed: int = 0) -> dict:
    key = jax.random.key(seed)
    k_w, k_x = jax.random.split(key)
    weight = jax.random.normal(k_w, (VOCAB, EMBED_DIM), dtype=jnp.float32)
    x = jax.random.randint(k_x, (BATCH, HIST), 0, VOCAB, dtype=jnp.int64 if jax.config.jax_enable_x64 else jnp.int32)
    return {"x": x, "weight": weight}

def reference(x, weight):
    # GatherEmbedding.forward: self.weight[x]
    return jnp.take(weight, x, axis=0)

if __name__ == "__main__":
    import jax
    _d = setup_inputs()
    print(jax.jit(kernel)(*tuple(_d.values())))

</pallas_src>

<mosaic_0001>
#map = affine_map<(d0, d1) -> (0, 0)>
#map1 = affine_map<(d0, d1) -> (0, 0, 0, 0, 0)>
module attributes {stable_mosaic.version = 14 : i64} {
  func.func @_gather_body(%arg0: i32, %arg1: i32, %arg2: memref<6400x128xi32, #tpu.memory_space<hbm>>, %arg3: memref<1000000x64xf32, #tpu.memory_space<hbm>>, %arg4: memref<50x8x128x8x128xf32, #tpu.memory_space<hbm>>, %arg5: memref<200x128xi32, #tpu.memory_space<vmem>>, %arg6: memref<128x64xf32, #tpu.memory_space<vmem>>, %arg7: memref<128x64xf32, #tpu.memory_space<vmem>>, %arg8: memref<64x128xf32, #tpu.memory_space<vmem>>, %arg9: memref<64x128xf32, #tpu.memory_space<vmem>>, %arg10: memref<!tpu.dma_semaphore, #tpu.memory_space<semaphore_mem>>, %arg11: memref<!tpu.dma_semaphore, #tpu.memory_space<semaphore_mem>>, %arg12: memref<!tpu.dma_semaphore, #tpu.memory_space<semaphore_mem>>, %arg13: memref<!tpu.dma_semaphore, #tpu.memory_space<semaphore_mem>>) attributes {dimension_semantics = [#tpu.dimension_semantics<core_parallel>, #tpu.dimension_semantics<subcore_parallel>], iteration_bounds = array<i64: 2, 16>, scalar_prefetch = 0 : i64, scratch_operands = 9 : i64, tpu.core_type = #tpu.core_type<sc_vector_subcore>, window_params = [{transform_indices = #map}, {transform_indices = #map}, {transform_indices = #map1}]} {
    %mul3A = arith.constant 2 : i32
    %mul3A_0 = arith.muli %arg1, %mul3A : i32
    %add3A = arith.addi %mul3A_0, %arg0 : i32
    %mul3A_1 = arith.constant 200 : i32
    %mul3A_2 = arith.muli %add3A, %mul3A_1 : i32
    "tpu.region"() ({
      %run_scoped3A = tpu.sem_alloc : memref<!tpu.dma_semaphore, #tpu.memory_space<semaphore_mem>>
      %dma_start3A_472 = arith.constant 0 : i32
      %dma_start3A_473 = tpu.memref_slice %arg2[%mul3A_2, %dma_start3A_472] : memref<6400x128xi32, #tpu.memory_space<hbm>> -> memref<200x128xi32, #tpu.memory_space<hbm>>
      %dma_start3A_474 = arith.constant 0 : i32
      %dma_start3A_475 = tpu.memref_slice %arg2[%mul3A_2, %dma_start3A_474] : memref<6400x128xi32, #tpu.memory_space<hbm>> -> memref<200x128xi32, #tpu.memory_space<hbm>>
      tpu.enqueue_dma source(%dma_start3A_475 : memref<200x128xi32, #tpu.memory_space<hbm>>) target(%arg5 : memref<200x128xi32, #tpu.memory_space<vmem>>) target_semaphore(%run_scoped3A : memref<!tpu.dma_semaphore, #tpu.memory_space<semaphore_mem>>)
      %dma_wait3A_476 = arith.constant 0 : i32
      %dma_wait3A_477 = tpu.memref_slice %arg2[%mul3A_2, %dma_wait3A_476] : memref<6400x128xi32, #tpu.memory_space<hbm>> -> memref<200x128xi32, #tpu.memory_space<hbm>>
      %dma_wait3A_478 = arith.constant 0 : i32
      %dma_wait3A_479 = tpu.memref_slice %arg2[%mul3A_2, %dma_wait3A_478] : memref<6400x128xi32, #tpu.memory_space<hbm>> -> memref<200x128xi32, #tpu.memory_space<hbm>>
      tpu.wait_dma2 semaphore(%run_scoped3A : memref<!tpu.dma_semaphore, #tpu.memory_space<semaphore_mem>>) src(%dma_wait3A_479 : memref<200x128xi32, #tpu.memory_space<hbm>>) dst(%arg5 : memref<200x128xi32, #tpu.memory_space<vmem>>)
      tpu.yield
    }) : () -> ()
    %iota3A = tpu.iota {dimensions = array<i32: 0>} : vector<16xi32>
    %add3A_3 = arith.constant 0 : i32
    %add3A_4 = vector.broadcast %add3A_3 : i32 to vector<16xi32>
    %add3A_5 = arith.addi %iota3A, %add3A_4 : vector<16xi32>
    %jit3A = arith.constant 16 : i32
    %eq3A = arith.constant 0 : i32
    %eq3A_6 = arith.cmpi eq, %jit3A, %eq3A : i32
    %jit3A_7 = arith.constant 1 : i32
    %select_n3A = arith.select %eq3A_6, %jit3A_7, %jit3A : i32
    %rem3A = vector.broadcast %select_n3A : i32 to vector<16xi32>
    %rem3A_8 = arith.remsi %add3A_5, %rem3A : vector<16xi32>
    %ne3A = arith.constant 0 : i32
    %ne3A_9 = vector.broadcast %ne3A : i32 to vector<16xi32>
    %ne3A_10 = arith.cmpi ne, %rem3A_8, %ne3A_9 : vector<16xi32>
    %lt3A = arith.constant 0 : i32
    %lt3A_11 = vector.broadcast %lt3A : i32 to vector<16xi32>
    %lt3A_12 = arith.cmpi slt, %rem3A_8, %lt3A_11 : vector<16xi32>
    %lt3A_13 = arith.constant 0 : i32
    %lt3A_14 = arith.cmpi slt, %select_n3A, %lt3A_13 : i32
    %ne3A_15 = vector.broadcast %lt3A_14 : i1 to vector<16xi1>
    %ne3A_16 = vector.broadcast %ne3A_15 : vector<16xi1> to vector<16xi1>
    %ne3A_17 = arith.xori %lt3A_12, %ne3A_16 : vector<16xi1>
    %and3A = arith.andi %ne3A_17, %ne3A_10 : vector<16xi1>
    %add3A_18 = vector.broadcast %select_n3A : i32 to vector<16xi32>
    %add3A_19 = arith.addi %rem3A_8, %add3A_18 : vector<16xi32>
    %select_n3A_20 = arith.select %and3A, %add3A_19, %rem3A_8 : vector<16xi1>, vector<16xi32>
    %add3A_21 = arith.constant 1 : i32
    %add3A_22 = vector.broadcast %add3A_21 : i32 to vector<16xi32>
    %add3A_23 = arith.addi %iota3A, %add3A_22 : vector<16xi32>
    %jit3A_24 = arith.constant 16 : i32
    %eq3A_25 = arith.constant 0 : i32
    %eq3A_26 = arith.cmpi eq, %jit3A_24, %eq3A_25 : i32
    %jit3A_27 = arith.constant 1 : i32
    %select_n3A_28 = arith.select %eq3A_26, %jit3A_27, %jit3A_24 : i32
    %rem3A_29 = vector.broadcast %select_n3A_28 : i32 to vector<16xi32>
    %rem3A_30 = arith.remsi %add3A_23, %rem3A_29 : vector<16xi32>
    %ne3A_31 = arith.constant 0 : i32
    %ne3A_32 = vector.broadcast %ne3A_31 : i32 to vector<16xi32>
    %ne3A_33 = arith.cmpi ne, %rem3A_30, %ne3A_32 : vector<16xi32>
    %lt3A_34 = arith.constant 0 : i32
    %lt3A_35 = vector.broadcast %lt3A_34 : i32 to vector<16xi32>
    %lt3A_36 = arith.cmpi slt, %rem3A_30, %lt3A_35 : vector<16xi32>
    %lt3A_37 = arith.constant 0 : i32
    %lt3A_38 = arith.cmpi slt, %select_n3A_28, %lt3A_37 : i32
    %ne3A_39 = vector.broadcast %lt3A_38 : i1 to vector<16xi1>
    %ne3A_40 = vector.broadcast %ne3A_39 : vector<16xi1> to vector<16xi1>
    %ne3A_41 = arith.xori %lt3A_36, %ne3A_40 : vector<16xi1>
    %and3A_42 = arith.andi %ne3A_41, %ne3A_33 : vector<16xi1>
    %add3A_43 = vector.broadcast %select_n3A_28 : i32 to vector<16xi32>
    %add3A_44 = arith.addi %rem3A_30, %add3A_43 : vector<16xi32>
    %select_n3A_45 = arith.select %and3A_42, %add3A_44, %rem3A_30 : vector<16xi1>, vector<16xi32>
    %add3A_46 = arith.constant 2 : i32
    %add3A_47 = vector.broadcast %add3A_46 : i32 to vector<16xi32>
    %add3A_48 = arith.addi %iota3A, %add3A_47 : vector<16xi32>
    %jit3A_49 = arith.constant 16 : i32
    %eq3A_50 = arith.constant 0 : i32
    %eq3A_51 = arith.cmpi eq, %jit3A_49, %eq3A_50 : i32
    %jit3A_52 = arith.constant 1 : i32
    %select_n3A_53 = arith.select %eq3A_51, %jit3A_52, %jit3A_49 : i32
    %rem3A_54 = vector.broadcast %select_n3A_53 : i32 to vector<16xi32>
    %rem3A_55 = arith.remsi %add3A_48, %rem3A_54 : vector<16xi32>
    %ne3A_56 = arith.constant 0 : i32
    %ne3A_57 = vector.broadcast %ne3A_56 : i32 to vector<16xi32>
    %ne3A_58 = arith.cmpi ne, %rem3A_55, %ne3A_57 : vector<16xi32>
    %lt3A_59 = arith.constant 0 : i32
    %lt3A_60 = vector.broadcast %lt3A_59 : i32 to vector<16xi32>
    %lt3A_61 = arith.cmpi slt, %rem3A_55, %lt3A_60 : vector<16xi32>
    %lt3A_62 = arith.constant 0 : i32
    %lt3A_63 = arith.cmpi slt, %select_n3A_53, %lt3A_62 : i32
    %ne3A_64 = vector.broadcast %lt3A_63 : i1 to vector<16xi1>
    %ne3A_65 = vector.broadcast %ne3A_64 : vector<16xi1> to vector<16xi1>
    %ne3A_66 = arith.xori %lt3A_61, %ne3A_65 : vector<16xi1>
    %and3A_67 = arith.andi %ne3A_66, %ne3A_58 : vector<16xi1>
    %add3A_68 = vector.broadcast %select_n3A_53 : i32 to vector<16xi32>
    %add3A_69 = arith.addi %rem3A_55, %add3A_68 : vector<16xi32>
    %select_n3A_70 = arith.select %and3A_67, %add3A_69, %rem3A_55 : vector<16xi1>, vector<16xi32>
    %add3A_71 = arith.constant 3 : i32
    %add3A_72 = vector.broadcast %add3A_71 : i32 to vector<16xi32>
    %add3A_73 = arith.addi %iota3A, %add3A_72 : vector<16xi32>
    %jit3A_74 = arith.constant 16 : i32
    %eq3A_75 = arith.constant 0 : i32
    %eq3A_76 = arith.cmpi eq, %jit3A_74, %eq3A_75 : i32
    %jit3A_77 = arith.constant 1 : i32
    %select_n3A_78 = arith.select %eq3A_76, %jit3A_77, %jit3A_74 : i32
    %rem3A_79 = vector.broadcast %select_n3A_78 : i32 to vector<16xi32>
    %rem3A_80 = arith.remsi %add3A_73, %rem3A_79 : vector<16xi32>
    %ne3A_81 = arith.constant 0 : i32
    %ne3A_82 = vector.broadcast %ne3A_81 : i32 to vector<16xi32>
    %ne3A_83 = arith.cmpi ne, %rem3A_80, %ne3A_82 : vector<16xi32>
    %lt3A_84 = arith.constant 0 : i32
    %lt3A_85 = vector.broadcast %lt3A_84 : i32 to vector<16xi32>
    %lt3A_86 = arith.cmpi slt, %rem3A_80, %lt3A_85 : vector<16xi32>
    %lt3A_87 = arith.constant 0 : i32
    %lt3A_88 = arith.cmpi slt, %select_n3A_78, %lt3A_87 : i32
    %ne3A_89 = vector.broadcast %lt3A_88 : i1 to vector<16xi1>
    %ne3A_90 = vector.broadcast %ne3A_89 : vector<16xi1> to vector<16xi1>
    %ne3A_91 = arith.xori %lt3A_86, %ne3A_90 : vector<16xi1>
    %and3A_92 = arith.andi %ne3A_91, %ne3A_83 : vector<16xi1>
    %add3A_93 = vector.broadcast %select_n3A_78 : i32 to vector<16xi32>
    %add3A_94 = arith.addi %rem3A_80, %add3A_93 : vector<16xi32>
    %select_n3A_95 = arith.select %and3A_92, %add3A_94, %rem3A_80 : vector<16xi1>, vector<16xi32>
    %add3A_96 = arith.constant 4 : i32
    %add3A_97 = vector.broadcast %add3A_96 : i32 to vector<16xi32>
    %add3A_98 = arith.addi %iota3A, %add3A_97 : vector<16xi32>
    %jit3A_99 = arith.constant 16 : i32
    %eq3A_100 = arith.constant 0 : i32
    %eq3A_101 = arith.cmpi eq, %jit3A_99, %eq3A_100 : i32
    %jit3A_102 = arith.constant 1 : i32
    %select_n3A_103 = arith.select %eq3A_101, %jit3A_102, %jit3A_99 : i32
    %rem3A_104 = vector.broadcast %select_n3A_103 : i32 to vector<16xi32>
    %rem3A_105 = arith.remsi %add3A_98, %rem3A_104 : vector<16xi32>
    %ne3A_106 = arith.constant 0 : i32
    %ne3A_107 = vector.broadcast %ne3A_106 : i32 to vector<16xi32>
    %ne3A_108 = arith.cmpi ne, %rem3A_105, %ne3A_107 : vector<16xi32>
    %lt3A_109 = arith.constant 0 : i32
    %lt3A_110 = vector.broadcast %lt3A_109 : i32 to vector<16xi32>
    %lt3A_111 = arith.cmpi slt, %rem3A_105, %lt3A_110 : vector<16xi32>
    %lt3A_112 = arith.constant 0 : i32
    %lt3A_113 = arith.cmpi slt, %select_n3A_103, %lt3A_112 : i32
    %ne3A_114 = vector.broadcast %lt3A_113 : i1 to vector<16xi1>
    %ne3A_115 = vector.broadcast %ne3A_114 : vector<16xi1> to vector<16xi1>
    %ne3A_116 = arith.xori %lt3A_111, %ne3A_115 : vector<16xi1>
    %and3A_117 = arith.andi %ne3A_116, %ne3A_108 : vector<16xi1>
    %add3A_118 = vector.broadcast %select_n3A_103 : i32 to vector<16xi32>
    %add3A_119 = arith.addi %rem3A_105, %add3A_118 : vector<16xi32>
    %select_n3A_120 = arith.select %and3A_117, %add3A_119, %rem3A_105 : vector<16xi1>, vector<16xi32>
    %add3A_121 = arith.constant 5 : i32
    %add3A_122 = vector.broadcast %add3A_121 : i32 to vector<16xi32>
    %add3A_123 = arith.addi %iota3A, %add3A_122 : vector<16xi32>
    %jit3A_124 = arith.constant 16 : i32
    %eq3A_125 = arith.constant 0 : i32
    %eq3A_126 = arith.cmpi eq, %jit3A_124, %eq3A_125 : i32
    %jit3A_127 = arith.constant 1 : i32
    %select_n3A_128 = arith.select %eq3A_126, %jit3A_127, %jit3A_124 : i32
    %rem3A_129 = vector.broadcast %select_n3A_128 : i32 to vector<16xi32>
    %rem3A_130 = arith.remsi %add3A_123, %rem3A_129 : vector<16xi32>
    %ne3A_131 = arith.constant 0 : i32
    %ne3A_132 = vector.broadcast %ne3A_131 : i32 to vector<16xi32>
    %ne3A_133 = arith.cmpi ne, %rem3A_130, %ne3A_132 : vector<16xi32>
    %lt3A_134 = arith.constant 0 : i32
    %lt3A_135 = vector.broadcast %lt3A_134 : i32 to vector<16xi32>
    %lt3A_136 = arith.cmpi slt, %rem3A_130, %lt3A_135 : vector<16xi32>
    %lt3A_137 = arith.constant 0 : i32
    %lt3A_138 = arith.cmpi slt, %select_n3A_128, %lt3A_137 : i32
    %ne3A_139 = vector.broadcast %lt3A_138 : i1 to vector<16xi1>
    %ne3A_140 = vector.broadcast %ne3A_139 : vector<16xi1> to vector<16xi1>
    %ne3A_141 = arith.xori %lt3A_136, %ne3A_140 : vector<16xi1>
    %and3A_142 = arith.andi %ne3A_141, %ne3A_133 : vector<16xi1>
    %add3A_143 = vector.broadcast %select_n3A_128 : i32 to vector<16xi32>
    %add3A_144 = arith.addi %rem3A_130, %add3A_143 : vector<16xi32>
    %select_n3A_145 = arith.select %and3A_142, %add3A_144, %rem3A_130 : vector<16xi1>, vector<16xi32>
    %add3A_146 = arith.constant 6 : i32
    %add3A_147 = vector.broadcast %add3A_146 : i32 to vector<16xi32>
    %add3A_148 = arith.addi %iota3A, %add3A_147 : vector<16xi32>
    %jit3A_149 = arith.constant 16 : i32
    %eq3A_150 = arith.constant 0 : i32
    %eq3A_151 = arith.cmpi eq, %jit3A_149, %eq3A_150 : i32
    %jit3A_152 = arith.constant 1 : i32
    %select_n3A_153 = arith.select %eq3A_151, %jit3A_152, %jit3A_149 : i32
    %rem3A_154 = vector.broadcast %select_n3A_153 : i32 to vector<16xi32>
    %rem3A_155 = arith.remsi %add3A_148, %rem3A_154 : vector<16xi32>
    %ne3A_156 = arith.constant 0 : i32
    %ne3A_157 = vector.broadcast %ne3A_156 : i32 to vector<16xi32>
    %ne3A_158 = arith.cmpi ne, %rem3A_155, %ne3A_157 : vector<16xi32>
    %lt3A_159 = arith.constant 0 : i32
    %lt3A_160 = vector.broadcast %lt3A_159 : i32 to vector<16xi32>
    %lt3A_161 = arith.cmpi slt, %rem3A_155, %lt3A_160 : vector<16xi32>
    %lt3A_162 = arith.constant 0 : i32
    %lt3A_163 = arith.cmpi slt, %select_n3A_153, %lt3A_162 : i32
    %ne3A_164 = vector.broadcast %lt3A_163 : i1 to vector<16xi1>
    %ne3A_165 = vector.broadcast %ne3A_164 : vector<16xi1> to vector<16xi1>
    %ne3A_166 = arith.xori %lt3A_161, %ne3A_165 : vector<16xi1>
    %and3A_167 = arith.andi %ne3A_166, %ne3A_158 : vector<16xi1>
    %add3A_168 = vector.broadcast %select_n3A_153 : i32 to vector<16xi32>
    %add3A_169 = arith.addi %rem3A_155, %add3A_168 : vector<16xi32>
    %select_n3A_170 = arith.select %and3A_167, %add3A_169, %rem3A_155 : vector<16xi1>, vector<16xi32>
    %add3A_171 = arith.constant 7 : i32
    %add3A_172 = vector.broadcast %add3A_171 : i32 to vector<16xi32>
    %add3A_173 = arith.addi %iota3A, %add3A_172 : vector<16xi32>
    %jit3A_174 = arith.constant 16 : i32
    %eq3A_175 = arith.constant 0 : i32
    %eq3A_176 = arith.cmpi eq, %jit3A_174, %eq3A_175 : i32
    %jit3A_177 = arith.constant 1 : i32
    %select_n3A_178 = arith.select %eq3A_176, %jit3A_177, %jit3A_174 : i32
    %rem3A_179 = vector.broadcast %select_n3A_178 : i32 to vector<16xi32>
    %rem3A_180 = arith.remsi %add3A_173, %rem3A_179 : vector<16xi32>
    %ne3A_181 = arith.constant 0 : i32
    %ne3A_182 = vector.broadcast %ne3A_181 : i32 to vector<16xi32>
    %ne3A_183 = arith.cmpi ne, %rem3A_180, %ne3A_182 : vector<16xi32>
    %lt3A_184 = arith.constant 0 : i32
    %lt3A_185 = vector.broadcast %lt3A_184 : i32 to vector<16xi32>
    %lt3A_186 = arith.cmpi slt, %rem3A_180, %lt3A_185 : vector<16xi32>
    %lt3A_187 = arith.constant 0 : i32
    %lt3A_188 = arith.cmpi slt, %select_n3A_178, %lt3A_187 : i32
    %ne3A_189 = vector.broadcast %lt3A_188 : i1 to vector<16xi1>
    %ne3A_190 = vector.broadcast %ne3A_189 : vector<16xi1> to vector<16xi1>
    %ne3A_191 = arith.xori %lt3A_186, %ne3A_190 : vector<16xi1>
    %and3A_192 = arith.andi %ne3A_191, %ne3A_183 : vector<16xi1>
    %add3A_193 = vector.broadcast %select_n3A_178 : i32 to vector<16xi32>
    %add3A_194 = arith.addi %rem3A_180, %add3A_193 : vector<16xi32>
    %select_n3A_195 = arith.select %and3A_192, %add3A_194, %rem3A_180 : vector<16xi1>, vector<16xi32>
    %add3A_196 = arith.constant 8 : i32
    %add3A_197 = vector.broadcast %add3A_196 : i32 to vector<16xi32>
    %add3A_198 = arith.addi %iota3A, %add3A_197 : vector<16xi32>
    %jit3A_199 = arith.constant 16 : i32
    %eq3A_200 = arith.constant 0 : i32
    %eq3A_201 = arith.cmpi eq, %jit3A_199, %eq3A_200 : i32
    %jit3A_202 = arith.constant 1 : i32
    %select_n3A_203 = arith.select %eq3A_201, %jit3A_202, %jit3A_199 : i32
    %rem3A_204 = vector.broadcast %select_n3A_203 : i32 to vector<16xi32>
    %rem3A_205 = arith.remsi %add3A_198, %rem3A_204 : vector<16xi32>
    %ne3A_206 = arith.constant 0 : i32
    %ne3A_207 = vector.broadcast %ne3A_206 : i32 to vector<16xi32>
    %ne3A_208 = arith.cmpi ne, %rem3A_205, %ne3A_207 : vector<16xi32>
    %lt3A_209 = arith.constant 0 : i32
    %lt3A_210 = vector.broadcast %lt3A_209 : i32 to vector<16xi32>
    %lt3A_211 = arith.cmpi slt, %rem3A_205, %lt3A_210 : vector<16xi32>
    %lt3A_212 = arith.constant 0 : i32
    %lt3A_213 = arith.cmpi slt, %select_n3A_203, %lt3A_212 : i32
    %ne3A_214 = vector.broadcast %lt3A_213 : i1 to vector<16xi1>
    %ne3A_215 = vector.broadcast %ne3A_214 : vector<16xi1> to vector<16xi1>
    %ne3A_216 = arith.xori %lt3A_211, %ne3A_215 : vector<16xi1>
    %and3A_217 = arith.andi %ne3A_216, %ne3A_208 : vector<16xi1>
    %add3A_218 = vector.broadcast %select_n3A_203 : i32 to vector<16xi32>
    %add3A_219 = arith.addi %rem3A_205, %add3A_218 : vector<16xi32>
    %select_n3A_220 = arith.select %and3A_217, %add3A_219, %rem3A_205 : vector<16xi1>, vector<16xi32>
    %add3A_221 = arith.constant 9 : i32
    %add3A_222 = vector.broadcast %add3A_221 : i32 to vector<16xi32>
    %add3A_223 = arith.addi %iota3A, %add3A_222 : vector<16xi32>
    %jit3A_224 = arith.constant 16 : i32
    %eq3A_225 = arith.constant 0 : i32
    %eq3A_226 = arith.cmpi eq, %jit3A_224, %eq3A_225 : i32
    %jit3A_227 = arith.constant 1 : i32
    %select_n3A_228 = arith.select %eq3A_226, %jit3A_227, %jit3A_224 : i32
    %rem3A_229 = vector.broadcast %select_n3A_228 : i32 to vector<16xi32>
    %rem3A_230 = arith.remsi %add3A_223, %rem3A_229 : vector<16xi32>
    %ne3A_231 = arith.constant 0 : i32
    %ne3A_232 = vector.broadcast %ne3A_231 : i32 to vector<16xi32>
    %ne3A_233 = arith.cmpi ne, %rem3A_230, %ne3A_232 : vector<16xi32>
    %lt3A_234 = arith.constant 0 : i32
    %lt3A_235 = vector.broadcast %lt3A_234 : i32 to vector<16xi32>
    %lt3A_236 = arith.cmpi slt, %rem3A_230, %lt3A_235 : vector<16xi32>
    %lt3A_237 = arith.constant 0 : i32
    %lt3A_238 = arith.cmpi slt, %select_n3A_228, %lt3A_237 : i32
    %ne3A_239 = vector.broadcast %lt3A_238 : i1 to vector<16xi1>
    %ne3A_240 = vector.broadcast %ne3A_239 : vector<16xi1> to vector<16xi1>
    %ne3A_241 = arith.xori %lt3A_236, %ne3A_240 : vector<16xi1>
    %and3A_242 = arith.andi %ne3A_241, %ne3A_233 : vector<16xi1>
    %add3A_243 = vector.broadcast %select_n3A_228 : i32 to vector<16xi32>
    %add3A_244 = arith.addi %rem3A_230, %add3A_243 : vector<16xi32>
    %select_n3A_245 = arith.select %and3A_242, %add3A_244, %rem3A_230 : vector<16xi1>, vector<16xi32>
    %add3A_246 = arith.constant 10 : i32
    %add3A_247 = vector.broadcast %add3A_246 : i32 to vector<16xi32>
    %add3A_248 = arith.addi %iota3A, %add3A_247 : vector<16xi32>
    %jit3A_249 = arith.constant 16 : i32
    %eq3A_250 = arith.constant 0 : i32
    %eq3A_251 = arith.cmpi eq, %jit3A_249, %eq3A_250 : i32
    %jit3A_252 = arith.constant 1 : i32
    %select_n3A_253 = arith.select %eq3A_251, %jit3A_252, %jit3A_249 : i32
    %rem3A_254 = vector.broadcast %select_n3A_253 : i32 to vector<16xi32>
    %rem3A_255 = arith.remsi %add3A_248, %rem3A_254 : vector<16xi32>
    %ne3A_256 = arith.constant 0 : i32
    %ne3A_257 = vector.broadcast %ne3A_256 : i32 to vector<16xi32>
    %ne3A_258 = arith.cmpi ne, %rem3A_255, %ne3A_257 : vector<16xi32>
    %lt3A_259 = arith.constant 0 : i32
    %lt3A_260 = vector.broadcast %lt3A_259 : i32 to vector<16xi32>
    %lt3A_261 = arith.cmpi slt, %rem3A_255, %lt3A_260 : vector<16xi32>
    %lt3A_262 = arith.constant 0 : i32
    %lt3A_263 = arith.cmpi slt, %select_n3A_253, %lt3A_262 : i32
    %ne3A_264 = vector.broadcast %lt3A_263 : i1 to vector<16xi1>
    %ne3A_265 = vector.broadcast %ne3A_264 : vector<16xi1> to vector<16xi1>
    %ne3A_266 = arith.xori %lt3A_261, %ne3A_265 : vector<16xi1>
    %and3A_267 = arith.andi %ne3A_266, %ne3A_258 : vector<16xi1>
    %add3A_268 = vector.broadcast %select_n3A_253 : i32 to vector<16xi32>
    %add3A_269 = arith.addi %rem3A_255, %add3A_268 : vector<16xi32>
    %select_n3A_270 = arith.select %and3A_267, %add3A_269, %rem3A_255 : vector<16xi1>, vector<16xi32>
    %add3A_271 = arith.constant 11 : i32
    %add3A_272 = vector.broadcast %add3A_271 : i32 to vector<16xi32>
    %add3A_273 = arith.addi %iota3A, %add3A_272 : vector<16xi32>
    %jit3A_274 = arith.constant 16 : i32
    %eq3A_275 = arith.constant 0 : i32
    %eq3A_276 = arith.cmpi eq, %jit3A_274, %eq3A_275 : i32
    %jit3A_277 = arith.constant 1 : i32
    %select_n3A_278 = arith.select %eq3A_276, %jit3A_277, %jit3A_274 : i32
    %rem3A_279 = vector.broadcast %select_n3A_278 : i32 to vector<16xi32>
    %rem3A_280 = arith.remsi %add3A_273, %rem3A_279 : vector<16xi32>
    %ne3A_281 = arith.constant 0 : i32
    %ne3A_282 = vector.broadcast %ne3A_281 : i32 to vector<16xi32>
    %ne3A_283 = arith.cmpi ne, %rem3A_280, %ne3A_282 : vector<16xi32>
    %lt3A_284 = arith.constant 0 : i32
    %lt3A_285 = vector.broadcast %lt3A_284 : i32 to vector<16xi32>
    %lt3A_286 = arith.cmpi slt, %rem3A_280, %lt3A_285 : vector<16xi32>
    %lt3A_287 = arith.constant 0 : i32
    %lt3A_288 = arith.cmpi slt, %select_n3A_278, %lt3A_287 : i32
    %ne3A_289 = vector.broadcast %lt3A_288 : i1 to vector<16xi1>
    %ne3A_290 = vector.broadcast %ne3A_289 : vector<16xi1> to vector<16xi1>
    %ne3A_291 = arith.xori %lt3A_286, %ne3A_290 : vector<16xi1>
    %and3A_292 = arith.andi %ne3A_291, %ne3A_283 : vector<16xi1>
    %add3A_293 = vector.broadcast %select_n3A_278 : i32 to vector<16xi32>
    %add3A_294 = arith.addi %rem3A_280, %add3A_293 : vector<16xi32>
    %select_n3A_295 = arith.select %and3A_292, %add3A_294, %rem3A_280 : vector<16xi1>, vector<16xi32>
    %add3A_296 = arith.constant 12 : i32
    %add3A_297 = vector.broadcast %add3A_296 : i32 to vector<16xi32>
    %add3A_298 = arith.addi %iota3A, %add3A_297 : vector<16xi32>
    %jit3A_299 = arith.constant 16 : i32
    %eq3A_300 = arith.constant 0 : i32
    %eq3A_301 = arith.cmpi eq, %jit3A_299, %eq3A_300 : i32
    %jit3A_302 = arith.constant 1 : i32
    %select_n3A_303 = arith.select %eq3A_301, %jit3A_302, %jit3A_299 : i32
    %rem3A_304 = vector.broadcast %select_n3A_303 : i32 to vector<16xi32>
    %rem3A_305 = arith.remsi %add3A_298, %rem3A_304 : vector<16xi32>
    %ne3A_306 = arith.constant 0 : i32
    %ne3A_307 = vector.broadcast %ne3A_306 : i32 to vector<16xi32>
    %ne3A_308 = arith.cmpi ne, %rem3A_305, %ne3A_307 : vector<16xi32>
    %lt3A_309 = arith.constant 0 : i32
    %lt3A_310 = vector.broadcast %lt3A_309 : i32 to vector<16xi32>
    %lt3A_311 = arith.cmpi slt, %rem3A_305, %lt3A_310 : vector<16xi32>
    %lt3A_312 = arith.constant 0 : i32
    %lt3A_313 = arith.cmpi slt, %select_n3A_303, %lt3A_312 : i32
    %ne3A_314 = vector.broadcast %lt3A_313 : i1 to vector<16xi1>
    %ne3A_315 = vector.broadcast %ne3A_314 : vector<16xi1> to vector<16xi1>
    %ne3A_316 = arith.xori %lt3A_311, %ne3A_315 : vector<16xi1>
    %and3A_317 = arith.andi %ne3A_316, %ne3A_308 : vector<16xi1>
    %add3A_318 = vector.broadcast %select_n3A_303 : i32 to vector<16xi32>
    %add3A_319 = arith.addi %rem3A_305, %add3A_318 : vector<16xi32>
    %select_n3A_320 = arith.select %and3A_317, %add3A_319, %rem3A_305 : vector<16xi1>, vector<16xi32>
    %add3A_321 = arith.constant 13 : i32
    %add3A_322 = vector.broadcast %add3A_321 : i32 to vector<16xi32>
    %add3A_323 = arith.addi %iota3A, %add3A_322 : vector<16xi32>
    %jit3A_324 = arith.constant 16 : i32
    %eq3A_325 = arith.constant 0 : i32
    %eq3A_326 = arith.cmpi eq, %jit3A_324, %eq3A_325 : i32
    %jit3A_327 = arith.constant 1 : i32
    %select_n3A_328 = arith.select %eq3A_326, %jit3A_327, %jit3A_324 : i32
    %rem3A_329 = vector.broadcast %select_n3A_328 : i32 to vector<16xi32>
    %rem3A_330 = arith.remsi %add3A_323, %rem3A_329 : vector<16xi32>
    %ne3A_331 = arith.constant 0 : i32
    %ne3A_332 = vector.broadcast %ne3A_331 : i32 to vector<16xi32>
    %ne3A_333 = arith.cmpi ne, %rem3A_330, %ne3A_332 : vector<16xi32>
    %lt3A_334 = arith.constant 0 : i32
    %lt3A_335 = vector.broadcast %lt3A_334 : i32 to vector<16xi32>
    %lt3A_336 = arith.cmpi slt, %rem3A_330, %lt3A_335 : vector<16xi32>
    %lt3A_337 = arith.constant 0 : i32
    %lt3A_338 = arith.cmpi slt, %select_n3A_328, %lt3A_337 : i32
    %ne3A_339 = vector.broadcast %lt3A_338 : i1 to vector<16xi1>
    %ne3A_340 = vector.broadcast %ne3A_339 : vector<16xi1> to vector<16xi1>
    %ne3A_341 = arith.xori %lt3A_336, %ne3A_340 : vector<16xi1>
    %and3A_342 = arith.andi %ne3A_341, %ne3A_333 : vector<16xi1>
    %add3A_343 = vector.broadcast %select_n3A_328 : i32 to vector<16xi32>
    %add3A_344 = arith.addi %rem3A_330, %add3A_343 : vector<16xi32>
    %select_n3A_345 = arith.select %and3A_342, %add3A_344, %rem3A_330 : vector<16xi1>, vector<16xi32>
    %add3A_346 = arith.constant 14 : i32
    %add3A_347 = vector.broadcast %add3A_346 : i32 to vector<16xi32>
    %add3A_348 = arith.addi %iota3A, %add3A_347 : vector<16xi32>
    %jit3A_349 = arith.constant 16 : i32
    %eq3A_350 = arith.constant 0 : i32
    %eq3A_351 = arith.cmpi eq, %jit3A_349, %eq3A_350 : i32
    %jit3A_352 = arith.constant 1 : i32
    %select_n3A_353 = arith.select %eq3A_351, %jit3A_352, %jit3A_349 : i32
    %rem3A_354 = vector.broadcast %select_n3A_353 : i32 to vector<16xi32>
    %rem3A_355 = arith.remsi %add3A_348, %rem3A_354 : vector<16xi32>
    %ne3A_356 = arith.constant 0 : i32
    %ne3A_357 = vector.broadcast %ne3A_356 : i32 to vector<16xi32>
    %ne3A_358 = arith.cmpi ne, %rem3A_355, %ne3A_357 : vector<16xi32>
    %lt3A_359 = arith.constant 0 : i32
    %lt3A_360 = vector.broadcast %lt3A_359 : i32 to vector<16xi32>
    %lt3A_361 = arith.cmpi slt, %rem3A_355, %lt3A_360 : vector<16xi32>
    %lt3A_362 = arith.constant 0 : i32
    %lt3A_363 = arith.cmpi slt, %select_n3A_353, %lt3A_362 : i32
    %ne3A_364 = vector.broadcast %lt3A_363 : i1 to vector<16xi1>
    %ne3A_365 = vector.broadcast %ne3A_364 : vector<16xi1> to vector<16xi1>
    %ne3A_366 = arith.xori %lt3A_361, %ne3A_365 : vector<16xi1>
    %and3A_367 = arith.andi %ne3A_366, %ne3A_358 : vector<16xi1>
    %add3A_368 = vector.broadcast %select_n3A_353 : i32 to vector<16xi32>
    %add3A_369 = arith.addi %rem3A_355, %add3A_368 : vector<16xi32>
    %select_n3A_370 = arith.select %and3A_367, %add3A_369, %rem3A_355 : vector<16xi1>, vector<16xi32>
    %add3A_371 = arith.constant 15 : i32
    %add3A_372 = vector.broadcast %add3A_371 : i32 to vector<16xi32>
    %add3A_373 = arith.addi %iota3A, %add3A_372 : vector<16xi32>
    %jit3A_374 = arith.constant 16 : i32
    %eq3A_375 = arith.constant 0 : i32
    %eq3A_376 = arith.cmpi eq, %jit3A_374, %eq3A_375 : i32
    %jit3A_377 = arith.constant 1 : i32
    %select_n3A_378 = arith.select %eq3A_376, %jit3A_377, %jit3A_374 : i32
    %rem3A_379 = vector.broadcast %select_n3A_378 : i32 to vector<16xi32>
    %rem3A_380 = arith.remsi %add3A_373, %rem3A_379 : vector<16xi32>
    %ne3A_381 = arith.constant 0 : i32
    %ne3A_382 = vector.broadcast %ne3A_381 : i32 to vector<16xi32>
    %ne3A_383 = arith.cmpi ne, %rem3A_380, %ne3A_382 : vector<16xi32>
    %lt3A_384 = arith.constant 0 : i32
    %lt3A_385 = vector.broadcast %lt3A_384 : i32 to vector<16xi32>
    %lt3A_386 = arith.cmpi slt, %rem3A_380, %lt3A_385 : vector<16xi32>
    %lt3A_387 = arith.constant 0 : i32
    %lt3A_388 = arith.cmpi slt, %select_n3A_378, %lt3A_387 : i32
    %ne3A_389 = vector.broadcast %lt3A_388 : i1 to vector<16xi1>
    %ne3A_390 = vector.broadcast %ne3A_389 : vector<16xi1> to vector<16xi1>
    %ne3A_391 = arith.xori %lt3A_386, %ne3A_390 : vector<16xi1>
    %and3A_392 = arith.andi %ne3A_391, %ne3A_383 : vector<16xi1>
    %add3A_393 = vector.broadcast %select_n3A_378 : i32 to vector<16xi32>
    %add3A_394 = arith.addi %rem3A_380, %add3A_393 : vector<16xi32>
    %select_n3A_395 = arith.select %and3A_392, %add3A_394, %rem3A_380 : vector<16xi1>, vector<16xi32>
    %dma_start3A = arith.constant 0 : i32
    %dma_start3A_396 = arith.constant 0 : i32
    %dma_start3A_397 = tpu.memref_slice %arg5[%dma_start3A, %dma_start3A_396] : memref<200x128xi32, #tpu.memory_space<vmem>> -> memref<1x128xi32, #tpu.memory_space<vmem>>
    %dma_start3A_398 = tpu.memref_squeeze %dma_start3A_397 : memref<1x128xi32, #tpu.memory_space<vmem>> -> memref<128xi32, #tpu.memory_space<vmem>>
    %dma_start3A_399 = arith.constant 0 : i32
    %dma_start3A_400 = arith.constant 0 : i32
    %dma_start3A_401 = tpu.memref_slice %arg3[%dma_start3A_399, %dma_start3A_400] : memref<1000000x64xf32, #tpu.memory_space<hbm>> -> memref<1000000x64xf32, #tpu.memory_space<hbm>>
    tpu.enqueue_indirect_dma source(%dma_start3A_401 : memref<1000000x64xf32, #tpu.memory_space<hbm>>) target(%arg6 : memref<128x64xf32, #tpu.memory_space<vmem>>) offsets(%dma_start3A_398 : memref<128xi32, #tpu.memory_space<vmem>>) semaphore(%arg10 : memref<!tpu.dma_semaphore, #tpu.memory_space<semaphore_mem>>)
    %dma_start3A_402 = arith.constant 1 : i32
    %dma_start3A_403 = arith.constant 0 : i32
    %dma_start3A_404 = tpu.memref_slice %arg5[%dma_start3A_402, %dma_start3A_403] : memref<200x128xi32, #tpu.memory_space<vmem>> -> memref<1x128xi32, #tpu.memory_space<vmem>>
    %dma_start3A_405 = tpu.memref_squeeze %dma_start3A_404 : memref<1x128xi32, #tpu.memory_space<vmem>> -> memref<128xi32, #tpu.memory_space<vmem>>
    %dma_start3A_406 = arith.constant 0 : i32
    %dma_start3A_407 = arith.constant 0 : i32
    %dma_start3A_408 = tpu.memref_slice %arg3[%dma_start3A_406, %dma_start3A_407] : memref<1000000x64xf32, #tpu.memory_space<hbm>> -> memref<1000000x64xf32, #tpu.memory_space<hbm>>
    tpu.enqueue_indirect_dma source(%dma_start3A_408 : memref<1000000x64xf32, #tpu.memory_space<hbm>>) target(%arg7 : memref<128x64xf32, #tpu.memory_space<vmem>>) offsets(%dma_start3A_405 : memref<128xi32, #tpu.memory_space<vmem>>) semaphore(%arg11 : memref<!tpu.dma_semaphore, #tpu.memory_space<semaphore_mem>>)
    %dma_wait3A = arith.constant 0 : i32
    %dma_wait3A_409 = arith.constant 0 : i32
    %dma_wait3A_410 = tpu.memref_slice %arg5[%dma_wait3A, %dma_wait3A_409] : memref<200x128xi32, #tpu.memory_space<vmem>> -> memref<1x128xi32, #tpu.memory_space<vmem>>
    %dma_wait3A_411 = tpu.memref_squeeze %dma_wait3A_410 : memref<1x128xi32, #tpu.memory_space<vmem>> -> memref<128xi32, #tpu.memory_space<vmem>>
    %dma_wait3A_412 = arith.constant 0 : i32
    %dma_wait3A_413 = arith.constant 0 : i32
    %dma_wait3A_414 = tpu.memref_slice %arg3[%dma_wait3A_412, %dma_wait3A_413] : memref<1000000x64xf32, #tpu.memory_space<hbm>> -> memref<1000000x64xf32, #tpu.memory_space<hbm>>
    tpu.wait_indirect_dma semaphore(%arg10 : memref<!tpu.dma_semaphore, #tpu.memory_space<semaphore_mem>>) src(%dma_wait3A_414 : memref<1000000x64xf32, #tpu.memory_space<hbm>>) dst(%arg6 : memref<128x64xf32, #tpu.memory_space<vmem>>)
    %parallel_loop3A = arith.constant 0 : i32
    %parallel_loop3A_415 = arith.constant 8 : i32
    %parallel_loop3A_416 = arith.constant 1 : i32
    scf.for %parallel_loop3A_472 = %parallel_loop3A to %parallel_loop3A_415 step %parallel_loop3A_416  : i32 {
      %parallel_loop3A_473 = arith.constant 16 : i32
      %parallel_loop3A_474 = arith.muli %parallel_loop3A_472, %parallel_loop3A_473 : i32
      %parallel_loop3A_475 = vector.broadcast %parallel_loop3A_474 : i32 to vector<16xi32>
      %parallel_loop3A_476 = arith.addi %parallel_loop3A_475, %iota3A : vector<16xi32>
      %parallel_loop3A_477 = arith.constant 0 : i32
      %parallel_loop3A_478 = arith.constant 4 : i32
      %parallel_loop3A_479 = arith.constant 1 : i32
      scf.for %parallel_loop3A_480 = %parallel_loop3A_477 to %parallel_loop3A_478 step %parallel_loop3A_479  : i32 {
        %parallel_loop3A_481 = arith.constant 16 : i32
        %parallel_loop3A_482 = arith.muli %parallel_loop3A_480, %parallel_loop3A_481 : i32
        %parallel_loop3A_483 = vector.broadcast %parallel_loop3A_482 : i32 to vector<16xi32>
        %parallel_loop3A_484 = arith.addi %parallel_loop3A_483, %select_n3A_20 : vector<16xi32>
        %parallel_loop3A_485 = tpu.vector_load_idx %arg6[%parallel_loop3A_476, %parallel_loop3A_484] : memref<128x64xf32, #tpu.memory_space<vmem>>[vector<16xi32>, vector<16xi32>], vector<16xf32>,
        tpu.vector_store_idx %arg8[%parallel_loop3A_484, %parallel_loop3A_476], %parallel_loop3A_485 : memref<64x128xf32, #tpu.memory_space<vmem>>[vector<16xi32>, vector<16xi32>], vector<16xf32>,
        %parallel_loop3A_486 = vector.broadcast %parallel_loop3A_482 : i32 to vector<16xi32>
        %parallel_loop3A_487 = arith.addi %parallel_loop3A_486, %select_n3A_45 : vector<16xi32>
        %parallel_loop3A_488 = tpu.vector_load_idx %arg6[%parallel_loop3A_476, %parallel_loop3A_487] : memref<128x64xf32, #tpu.memory_space<vmem>>[vector<16xi32>, vector<16xi32>], vector<16xf32>,
        tpu.vector_store_idx %arg8[%parallel_loop3A_487, %parallel_loop3A_476], %parallel_loop3A_488 : memref<64x128xf32, #tpu.memory_space<vmem>>[vector<16xi32>, vector<16xi32>], vector<16xf32>,
        %parallel_loop3A_489 = vector.broadcast %parallel_loop3A_482 : i32 to vector<16xi32>
        %parallel_loop3A_490 = arith.addi %parallel_loop3A_489, %select_n3A_70 : vector<16xi32>
        %parallel_loop3A_491 = tpu.vector_load_idx %arg6[%parallel_loop3A_476, %parallel_loop3A_490] : memref<128x64xf32, #tpu.memory_space<vmem>>[vector<16xi32>, vector<16xi32>], vector<16xf32>,
        tpu.vector_store_idx %arg8[%parallel_loop3A_490, %parallel_loop3A_476], %parallel_loop3A_491 : memref<64x128xf32, #tpu.memory_space<vmem>>[vector<16xi32>, vector<16xi32>], vector<16xf32>,
        %parallel_loop3A_492 = vector.broadcast %parallel_loop3A_482 : i32 to vector<16xi32>
        %parallel_loop3A_493 = arith.addi %parallel_loop3A_492, %select_n3A_95 : vector<16xi32>
        %parallel_loop3A_494 = tpu.vector_load_idx %arg6[%parallel_loop3A_476, %parallel_loop3A_493] : memref<128x64xf32, #tpu.memory_space<vmem>>[vector<16xi32>, vector<16xi32>], vector<16xf32>,
        tpu.vector_store_idx %arg8[%parallel_loop3A_493, %parallel_loop3A_476], %parallel_loop3A_494 : memref<64x128xf32, #tpu.memory_space<vmem>>[vector<16xi32>, vector<16xi32>], vector<16xf32>,
        %parallel_loop3A_495 = vector.broadcast %parallel_loop3A_482 : i32 to vector<16xi32>
        %parallel_loop3A_496 = arith.addi %parallel_loop3A_495, %select_n3A_120 : vector<16xi32>
        %parallel_loop3A_497 = tpu.vector_load_idx %arg6[%parallel_loop3A_476, %parallel_loop3A_496] : memref<128x64xf32, #tpu.memory_space<vmem>>[vector<16xi32>, vector<16xi32>], vector<16xf32>,
        tpu.vector_store_idx %arg8[%parallel_loop3A_496, %parallel_loop3A_476], %parallel_loop3A_497 : memref<64x128xf32, #tpu.memory_space<vmem>>[vector<16xi32>, vector<16xi32>], vector<16xf32>,
        %parallel_loop3A_498 = vector.broadcast %parallel_loop3A_482 : i32 to vector<16xi32>
        %parallel_loop3A_499 = arith.addi %parallel_loop3A_498, %select_n3A_145 : vector<16xi32>
        %parallel_loop3A_500 = tpu.vector_load_idx %arg6[%parallel_loop3A_476, %parallel_loop3A_499] : memref<128x64xf32, #tpu.memory_space<vmem>>[vector<16xi32>, vector<16xi32>], vector<16xf32>,
        tpu.vector_store_idx %arg8[%parallel_loop3A_499, %parallel_loop3A_476], %parallel_loop3A_500 : memref<64x128xf32, #tpu.memory_space<vmem>>[vector<16xi32>, vector<16xi32>], vector<16xf32>,
        %parallel_loop3A_501 = vector.broadcast %parallel_loop3A_482 : i32 to vector<16xi32>
        %parallel_loop3A_502 = arith.addi %parallel_loop3A_501, %select_n3A_170 : vector<16xi32>
        %parallel_loop3A_503 = tpu.vector_load_idx %arg6[%parallel_loop3A_476, %parallel_loop3A_502] : memref<128x64xf32, #tpu.memory_space<vmem>>[vector<16xi32>, vector<16xi32>], vector<16xf32>,
        tpu.vector_store_idx %arg8[%parallel_loop3A_502, %parallel_loop3A_476], %parallel_loop3A_503 : memref<64x128xf32, #tpu.memory_space<vmem>>[vector<16xi32>, vector<16xi32>], vector<16xf32>,
        %parallel_loop3A_504 = vector.broadcast %parallel_loop3A_482 : i32 to vector<16xi32>
        %parallel_loop3A_505 = arith.addi %parallel_loop3A_504, %select_n3A_195 : vector<16xi32>
        %parallel_loop3A_506 = tpu.vector_load_idx %arg6[%parallel_loop3A_476, %parallel_loop3A_505] : memref<128x64xf32, #tpu.memory_space<vmem>>[vector<16xi32>, vector<16xi32>], vector<16xf32>,
        tpu.vector_store_idx %arg8[%parallel_loop3A_505, %parallel_loop3A_476], %parallel_loop3A_506 : memref<64x128xf32, #tpu.memory_space<vmem>>[vector<16xi32>, vector<16xi32>], vector<16xf32>,
        %parallel_loop3A_507 = vector.broadcast %parallel_loop3A_482 : i32 to vector<16xi32>
        %parallel_loop3A_508 = arith.addi %parallel_loop3A_507, %select_n3A_220 : vector<16xi32>
        %parallel_loop3A_509 = tpu.vector_load_idx %arg6[%parallel_loop3A_476, %parallel_loop3A_508] : memref<128x64xf32, #tpu.memory_space<vmem>>[vector<16xi32>, vector<16xi32>], vector<16xf32>,
        tpu.vector_store_idx %arg8[%parallel_loop3A_508, %parallel_loop3A_476], %parallel_loop3A_509 : memref<64x128xf32, #tpu.memory_space<vmem>>[vector<16xi32>, vector<16xi32>], vector<16xf32>,
        %parallel_loop3A_510 = vector.broadcast %parallel_loop3A_482 : i32 to vector<16xi32>
        %parallel_loop3A_511 = arith.addi %parallel_loop3A_510, %select_n3A_245 : vector<16xi32>
        %parallel_loop3A_512 = tpu.vector_load_idx %arg6[%parallel_loop3A_476, %parallel_loop3A_511] : memref<128x64xf32, #tpu.memory_space<vmem>>[vector<16xi32>, vector<16xi32>], vector<16xf32>,
        tpu.vector_store_idx %arg8[%parallel_loop3A_511, %parallel_loop3A_476], %parallel_loop3A_512 : memref<64x128xf32, #tpu.memory_space<vmem>>[vector<16xi32>, vector<16xi32>], vector<16xf32>,
        %parallel_loop3A_513 = vector.broadcast %parallel_loop3A_482 : i32 to vector<16xi32>
        %parallel_loop3A_514 = arith.addi %parallel_loop3A_513, %select_n3A_270 : vector<16xi32>
        %parallel_loop3A_515 = tpu.vector_load_idx %arg6[%parallel_loop3A_476, %parallel_loop3A_514] : memref<128x64xf32, #tpu.memory_space<vmem>>[vector<16xi32>, vector<16xi32>], vector<16xf32>,
        tpu.vector_store_idx %arg8[%parallel_loop3A_514, %parallel_loop3A_476], %parallel_loop3A_515 : memref<64x128xf32, #tpu.memory_space<vmem>>[vector<16xi32>, vector<16xi32>], vector<16xf32>,
        %parallel_loop3A_516 = vector.broadcast %parallel_loop3A_482 : i32 to vector<16xi32>
        %parallel_loop3A_517 = arith.addi %parallel_loop3A_516, %select_n3A_295 : vector<16xi32>
        %parallel_loop3A_518 = tpu.vector_load_idx %arg6[%parallel_loop3A_476, %parallel_loop3A_517] : memref<128x64xf32, #tpu.memory_space<vmem>>[vector<16xi32>, vector<16xi32>], vector<16xf32>,
        tpu.vector_store_idx %arg8[%parallel_loop3A_517, %parallel_loop3A_476], %parallel_loop3A_518 : memref<64x128xf32, #tpu.memory_space<vmem>>[vector<16xi32>, vector<16xi32>], vector<16xf32>,
        %parallel_loop3A_519 = vector.broadcast %parallel_loop3A_482 : i32 to vector<16xi32>
        %parallel_loop3A_520 = arith.addi %parallel_loop3A_519, %select_n3A_320 : vector<16xi32>
        %parallel_loop3A_521 = tpu.vector_load_idx %arg6[%parallel_loop3A_476, %parallel_loop3A_520] : memref<128x64xf32, #tpu.memory_space<vmem>>[vector<16xi32>, vector<16xi32>], vector<16xf32>,
        tpu.vector_store_idx %arg8[%parallel_loop3A_520, %parallel_loop3A_476], %parallel_loop3A_521 : memref<64x128xf32, #tpu.memory_space<vmem>>[vector<16xi32>, vector<16xi32>], vector<16xf32>,
        %parallel_loop3A_522 = vector.broadcast %parallel_loop3A_482 : i32 to vector<16xi32>
        %parallel_loop3A_523 = arith.addi %parallel_loop3A_522, %select_n3A_345 : vector<16xi32>
        %parallel_loop3A_524 = tpu.vector_load_idx %arg6[%parallel_loop3A_476, %parallel_loop3A_523] : memref<128x64xf32, #tpu.memory_space<vmem>>[vector<16xi32>, vector<16xi32>], vector<16xf32>,
        tpu.vector_store_idx %arg8[%parallel_loop3A_523, %parallel_loop3A_476], %parallel_loop3A_524 : memref<64x128xf32, #tpu.memory_space<vmem>>[vector<16xi32>, vector<16xi32>], vector<16xf32>,
        %parallel_loop3A_525 = vector.broadcast %parallel_loop3A_482 : i32 to vector<16xi32>
        %parallel_loop3A_526 = arith.addi %parallel_loop3A_525, %select_n3A_370 : vector<16xi32>
        %parallel_loop3A_527 = tpu.vector_load_idx %arg6[%parallel_loop3A_476, %parallel_loop3A_526] : memref<128x64xf32, #tpu.memory_space<vmem>>[vector<16xi32>, vector<16xi32>], vector<16xf32>,
        tpu.vector_store_idx %arg8[%parallel_loop3A_526, %parallel_loop3A_476], %parallel_loop3A_527 : memref<64x128xf32, #tpu.memory_space<vmem>>[vector<16xi32>, vector<16xi32>], vector<16xf32>,
        %parallel_loop3A_528 = vector.broadcast %parallel_loop3A_482 : i32 to vector<16xi32>
        %parallel_loop3A_529 = arith.addi %parallel_loop3A_528, %select_n3A_395 : vector<16xi32>
        %parallel_loop3A_530 = tpu.vector_load_idx %arg6[%parallel_loop3A_476, %parallel_loop3A_529] : memref<128x64xf32, #tpu.memory_space<vmem>>[vector<16xi32>, vector<16xi32>], vector<16xf32>,
        tpu.vector_store_idx %arg8[%parallel_loop3A_529, %parallel_loop3A_476], %parallel_loop3A_530 : memref<64x128xf32, #tpu.memory_space<vmem>>[vector<16xi32>, vector<16xi32>], vector<16xf32>,
      } {sc.loop_unroll_factor = 4 : i64, sc.parallel_access}
    } {sc.loop_unroll_factor = 2 : i64, sc.parallel_access}
    %dma_start3A_417 = arith.constant 2 : i32
    %dma_start3A_418 = arith.constant 0 : i32
    %dma_start3A_419 = tpu.memref_slice %arg5[%dma_start3A_417, %dma_start3A_418] : memref<200x128xi32, #tpu.memory_space<vmem>> -> memref<1x128xi32, #tpu.memory_space<vmem>>
    %dma_start3A_420 = tpu.memref_squeeze %dma_start3A_419 : memref<1x128xi32, #tpu.memory_space<vmem>> -> memref<128xi32, #tpu.memory_space<vmem>>
    %dma_start3A_421 = arith.constant 0 : i32
    %dma_start3A_422 = arith.constant 0 : i32
    %dma_start3A_423 = tpu.memref_slice %arg3[%dma_start3A_421, %dma_start3A_422] : memref<1000000x64xf32, #tpu.memory_space<hbm>> -> memref<1000000x64xf32, #tpu.memory_space<hbm>>
    tpu.enqueue_indirect_dma source(%dma_start3A_423 : memref<1000000x64xf32, #tpu.memory_space<hbm>>) target(%arg6 : memref<128x64xf32, #tpu.memory_space<vmem>>) offsets(%dma_start3A_420 : memref<128xi32, #tpu.memory_space<vmem>>) semaphore(%arg10 : memref<!tpu.dma_semaphore, #tpu.memory_space<semaphore_mem>>)
    %mul3A_424 = arith.constant 4 : i32
    %mul3A_425 = arith.muli %add3A, %mul3A_424 : i32
    %add3A_426 = arith.constant 0 : i32
    %add3A_427 = arith.addi %mul3A_425, %add3A_426 : i32
    %parallel_loop3A_428 = arith.constant 0 : i32
    %parallel_loop3A_429 = arith.constant 8 : i32
    %parallel_loop3A_430 = arith.constant 1 : i32
    scf.for %parallel_loop3A_472 = %parallel_loop3A_428 to %parallel_loop3A_429 step %parallel_loop3A_430  : i32 {
      %parallel_loop3A_473 = arith.constant 8 : i32
      %parallel_loop3A_474 = arith.muli %parallel_loop3A_472, %parallel_loop3A_473 : i32
      %parallel_loop3A_475 = arith.constant 0 : i32
      %parallel_loop3A_476 = arith.constant 0 : i32
      %parallel_loop3A_477 = tpu.memref_slice %arg8[%parallel_loop3A_474, %parallel_loop3A_476] : memref<64x128xf32, #tpu.memory_space<vmem>> -> memref<8x128xf32, #tpu.memory_space<vmem>>
      %parallel_loop3A_478 = arith.constant 0 : i32
      %parallel_loop3A_479 = arith.constant 0 : i32
      %parallel_loop3A_480 = tpu.memref_slice %arg4[%parallel_loop3A_475, %parallel_loop3A_472, %add3A_427, %parallel_loop3A_478, %parallel_loop3A_479] : memref<50x8x128x8x128xf32, #tpu.memory_space<hbm>> -> memref<1x1x1x8x128xf32, #tpu.memory_space<hbm>>
      %parallel_loop3A_481 = tpu.memref_squeeze %parallel_loop3A_480 : memref<1x1x1x8x128xf32, #tpu.memory_space<hbm>> -> memref<8x128xf32, #tpu.memory_space<hbm>>
      %parallel_loop3A_482 = arith.constant 0 : i32
      %parallel_loop3A_483 = arith.constant 0 : i32
      %parallel_loop3A_484 = tpu.memref_slice %arg4[%parallel_loop3A_475, %parallel_loop3A_472, %add3A_427, %parallel_loop3A_482, %parallel_loop3A_483] : memref<50x8x128x8x128xf32, #tpu.memory_space<hbm>> -> memref<1x1x1x8x128xf32, #tpu.memory_space<hbm>>
      %parallel_loop3A_485 = tpu.memref_squeeze %parallel_loop3A_484 : memref<1x1x1x8x128xf32, #tpu.memory_space<hbm>> -> memref<8x128xf32, #tpu.memory_space<hbm>>
      %parallel_loop3A_486 = arith.constant 0 : i32
      %parallel_loop3A_487 = tpu.memref_slice %arg8[%parallel_loop3A_474, %parallel_loop3A_486] : memref<64x128xf32, #tpu.memory_space<vmem>> -> memref<8x128xf32, #tpu.memory_space<vmem>>
      tpu.enqueue_dma source(%parallel_loop3A_487 : memref<8x128xf32, #tpu.memory_space<vmem>>) target(%parallel_loop3A_485 : memref<8x128xf32, #tpu.memory_space<hbm>>) target_semaphore(%arg12 : memref<!tpu.dma_semaphore, #tpu.memory_space<semaphore_mem>>)
    } {sc.loop_unroll_factor = 1 : i64, sc.parallel_access}
    %dma_wait3A_431 = arith.constant 0 : i32
    %dma_wait3A_432 = arith.constant 0 : i32
    %dma_wait3A_433 = tpu.memref_slice %arg5[%dma_wait3A_431, %dma_wait3A_432] : memref<200x128xi32, #tpu.memory_space<vmem>> -> memref<1x128xi32, #tpu.memory_space<vmem>>
    %dma_wait3A_434 = tpu.memref_squeeze %dma_wait3A_433 : memref<1x128xi32, #tpu.memory_space<vmem>> -> memref<128xi32, #tpu.memory_space<vmem>>
    %dma_wait3A_435 = arith.constant 0 : i32
    %dma_wait3A_436 = arith.constant 0 : i32
    %dma_wait3A_437 = tpu.memref_slice %arg3[%dma_wait3A_435, %dma_wait3A_436] : memref<1000000x64xf32, #tpu.memory_space<hbm>> -> memref<1000000x64xf32, #tpu.memory_space<hbm>>
    tpu.wait_indirect_dma semaphore(%arg11 : memref<!tpu.dma_semaphore, #tpu.memory_space<semaphore_mem>>) src(%dma_wait3A_437 : memref<1000000x64xf32, #tpu.memory_space<hbm>>) dst(%arg7 : memref<128x64xf32, #tpu.memory_space<vmem>>)
    %parallel_loop3A_438 = arith.constant 0 : i32
    %parallel_loop3A_439 = arith.constant 8 : i32
    %parallel_loop3A_440 = arith.constant 1 : i32
    scf.for %parallel_loop3A_472 = %parallel_loop3A_438 to %parallel_loop3A_439 step %parallel_loop3A_440  : i32 {
      %parallel_loop3A_473 = arith.constant 16 : i32
      %parallel_loop3A_474 = arith.muli %parallel_loop3A_472, %parallel_loop3A_473 : i32
      %parallel_loop3A_475 = vector.broadcast %parallel_loop3A_474 : i32 to vector<16xi32>
      %parallel_loop3A_476 = arith.addi %parallel_loop3A_475, %iota3A : vector<16xi32>
      %parallel_loop3A_477 = arith.constant 0 : i32
      %parallel_loop3A_478 = arith.constant 4 : i32
      %parallel_loop3A_479 = arith.constant 1 : i32
      scf.for %parallel_loop3A_480 = %parallel_loop3A_477 to %parallel_loop3A_478 step %parallel_loop3A_479  : i32 {
        %parallel_loop3A_481 = arith.constant 16 : i32
        %parallel_loop3A_482 = arith.muli %parallel_loop3A_480, %parallel_loop3A_481 : i32
        %parallel_loop3A_483 = vector.broadcast %parallel_loop3A_482 : i32 to vector<16xi32>
        %parallel_loop3A_484 = arith.addi %parallel_loop3A_483, %select_n3A_20 : vector<16xi32>
        %parallel_loop3A_485 = tpu.vector_load_idx %arg7[%parallel_loop3A_476, %parallel_loop3A_484] : memref<128x64xf32, #tpu.memory_space<vmem>>[vector<16xi32>, vector<16xi32>], vector<16xf32>,
        tpu.vector_store_idx %arg9[%parallel_loop3A_484, %parallel_loop3A_476], %parallel_loop3A_485 : memref<64x128xf32, #tpu.memory_space<vmem>>[vector<16xi32>, vector<16xi32>], vector<16xf32>,
        %parallel_loop3A_486 = vector.broadcast %parallel_loop3A_482 : i32 to vector<16xi32>
        %parallel_loop3A_487 = arith.addi %parallel_loop3A_486, %select_n3A_45 : vector<16xi32>
        %parallel_loop3A_488 = tpu.vector_load_idx %arg7[%parallel_loop3A_476, %parallel_loop3A_487] : memref<128x64xf32, #tpu.memory_space<vmem>>[vector<16xi32>, vector<16xi32>], vector<16xf32>,
        tpu.vector_store_idx %arg9[%parallel_loop3A_487, %parallel_loop3A_476], %parallel_loop3A_488 : memref<64x128xf32, #tpu.memory_space<vmem>>[vector<16xi32>, vector<16xi32>], vector<16xf32>,
        %parallel_loop3A_489 = vector.broadcast %parallel_loop3A_482 : i32 to vector<16xi32>
        %parallel_loop3A_490 = arith.addi %parallel_loop3A_489, %select_n3A_70 : vector<16xi32>
        %parallel_loop3A_491 = tpu.vector_load_idx %arg7[%parallel_loop3A_476, %parallel_loop3A_490] : memref<128x64xf32, #tpu.memory_space<vmem>>[vector<16xi32>, vector<16xi32>], vector<16xf32>,
        tpu.vector_store_idx %arg9[%parallel_loop3A_490, %parallel_loop3A_476], %parallel_loop3A_491 : memref<64x128xf32, #tpu.memory_space<vmem>>[vector<16xi32>, vector<16xi32>], vector<16xf32>,
        %parallel_loop3A_492 = vector.broadcast %parallel_loop3A_482 : i32 to vector<16xi32>
        %parallel_loop3A_493 = arith.addi %parallel_loop3A_492, %select_n3A_95 : vector<16xi32>
        %parallel_loop3A_494 = tpu.vector_load_idx %arg7[%parallel_loop3A_476, %parallel_loop3A_493] : memref<128x64xf32, #tpu.memory_space<vmem>>[vector<16xi32>, vector<16xi32>], vector<16xf32>,
        tpu.vector_store_idx %arg9[%parallel_loop3A_493, %parallel_loop3A_476], %parallel_loop3A_494 : memref<64x128xf32, #tpu.memory_space<vmem>>[vector<16xi32>, vector<16xi32>], vector<16xf32>,
        %parallel_loop3A_495 = vector.broadcast %parallel_loop3A_482 : i32 to vector<16xi32>
        %parallel_loop3A_496 = arith.addi %parallel_loop3A_495, %select_n3A_120 : vector<16xi32>
        %parallel_loop3A_497 = tpu.vector_load_idx %arg7[%parallel_loop3A_476, %parallel_loop3A_496] : memref<128x64xf32, #tpu.memory_space<vmem>>[vector<16xi32>, vector<16xi32>], vector<16xf32>,
        tpu.vector_store_idx %arg9[%parallel_loop3A_496, %parallel_loop3A_476], %parallel_loop3A_497 : memref<64x128xf32, #tpu.memory_space<vmem>>[vector<16xi32>, vector<16xi32>], vector<16xf32>,
        %parallel_loop3A_498 = vector.broadcast %parallel_loop3A_482 : i32 to vector<16xi32>
        %parallel_loop3A_499 = arith.addi %parallel_loop3A_498, %select_n3A_145 : vector<16xi32>
        %parallel_loop3A_500 = tpu.vector_load_idx %arg7[%parallel_loop3A_476, %parallel_loop3A_499] : memref<128x64xf32, #tpu.memory_space<vmem>>[vector<16xi32>, vector<16xi32>], vector<16xf32>,
        tpu.vector_store_idx %arg9[%parallel_loop3A_499, %parallel_loop3A_476], %parallel_loop3A_500 : memref<64x128xf32, #tpu.memory_space<vmem>>[vector<16xi32>, vector<16xi32>], vector<16xf32>,
        %parallel_loop3A_501 = vector.broadcast %parallel_loop3A_482 : i32 to vector<16xi32>
        %parallel_loop3A_502 = arith.addi %parallel_loop3A_501, %select_n3A_170 : vector<16xi32>
        %parallel_loop3A_503 = tpu.vector_load_idx %arg7[%parallel_loop3A_476, %parallel_loop3A_502] : memref<128x64xf32, #tpu.memory_space<vmem>>[vector<16xi32>, vector<16xi32>], vector<16xf32>,
        tpu.vector_store_idx %arg9[%parallel_loop3A_502, %parallel_loop3A_476], %parallel_loop3A_503 : memref<64x128xf32, #tpu.memory_space<vmem>>[vector<16xi32>, vector<16xi32>], vector<16xf32>,
        %parallel_loop3A_504 = vector.broadcast %parallel_loop3A_482 : i32 to vector<16xi32>
        %parallel_loop3A_505 = arith.addi %parallel_loop3A_504, %select_n3A_195 : vector<16xi32>
        %parallel_loop3A_506 = tpu.vector_load_idx %arg7[%parallel_loop3A_476, %parallel_loop3A_505] : memref<128x64xf32, #tpu.memory_space<vmem>>[vector<16xi32>, vector<16xi32>], vector<16xf32>,
        tpu.vector_store_idx %arg9[%parallel_loop3A_505, %parallel_loop3A_476], %parallel_loop3A_506 : memref<64x128xf32, #tpu.memory_space<vmem>>[vector<16xi32>, vector<16xi32>], vector<16xf32>,
        %parallel_loop3A_507 = vector.broadcast %parallel_loop3A_482 : i32 to vector<16xi32>
        %parallel_loop3A_508 = arith.addi %parallel_loop3A_507, %select_n3A_220 : vector<16xi32>
        %parallel_loop3A_509 = tpu.vector_load_idx %arg7[%parallel_loop3A_476, %parallel_loop3A_508] : memref<128x64xf32, #tpu.memory_space<vmem>>[vector<16xi32>, vector<16xi32>], vector<16xf32>,
        tpu.vector_store_idx %arg9[%parallel_loop3A_508, %parallel_loop3A_476], %parallel_loop3A_509 : memref<64x128xf32, #tpu.memory_space<vmem>>[vector<16xi32>, vector<16xi32>], vector<16xf32>,
        %parallel_loop3A_510 = vector.broadcast %parallel_loop3A_482 : i32 to vector<16xi32>
        %parallel_loop3A_511 = arith.addi %parallel_loop3A_510, %select_n3A_245 : vector<16xi32>
        %parallel_loop3A_512 = tpu.vector_load_idx %arg7[%parallel_loop3A_476, %parallel_loop3A_511] : memref<128x64xf32, #tpu.memory_space<vmem>>[vector<16xi32>, vector<16xi32>], vector<16xf32>,
        tpu.vector_store_idx %arg9[%parallel_loop3A_511, %parallel_loop3A_476], %parallel_loop3A_512 : memref<64x128xf32, #tpu.memory_space<vmem>>[vector<16xi32>, vector<16xi32>], vector<16xf32>,
        %parallel_loop3A_513 = vector.broadcast %parallel_loop3A_482 : i32 to vector<16xi32>
        %parallel_loop3A_514 = arith.addi %parallel_loop3A_513, %select_n3A_270 : vector<16xi32>
        %parallel_loop3A_515 = tpu.vector_load_idx %arg7[%parallel_loop3A_476, %parallel_loop3A_514] : memref<128x64xf32, #tpu.memory_space<vmem>>[vector<16xi32>, vector<16xi32>], vector<16xf32>,
        tpu.vector_store_idx %arg9[%parallel_loop3A_514, %parallel_loop3A_476], %parallel_loop3A_515 : memref<64x128xf32, #tpu.memory_space<vmem>>[vector<16xi32>, vector<16xi32>], vector<16xf32>,
        %parallel_loop3A_516 = vector.broadcast %parallel_loop3A_482 : i32 to vector<16xi32>
        %parallel_loop3A_517 = arith.addi %parallel_loop3A_516, %select_n3A_295 : vector<16xi32>
        %parallel_loop3A_518 = tpu.vector_load_idx %arg7[%parallel_loop3A_476, %parallel_loop3A_517] : memref<128x64xf32, #tpu.memory_space<vmem>>[vector<16xi32>, vector<16xi32>], vector<16xf32>,
        tpu.vector_store_idx %arg9[%parallel_loop3A_517, %parallel_loop3A_476], %parallel_loop3A_518 : memref<64x128xf32, #tpu.memory_space<vmem>>[vector<16xi32>, vector<16xi32>], vector<16xf32>,
        %parallel_loop3A_519 = vector.broadcast %parallel_loop3A_482 : i32 to vector<16xi32>
        %parallel_loop3A_520 = arith.addi %parallel_loop3A_519, %select_n3A_320 : vector<16xi32>
        %parallel_loop3A_521 = tpu.vector_load_idx %arg7[%parallel_loop3A_476, %parallel_loop3A_520] : memref<128x64xf32, #tpu.memory_space<vmem>>[vector<16xi32>, vector<16xi32>], vector<16xf32>,
        tpu.vector_store_idx %arg9[%parallel_loop3A_520, %parallel_loop3A_476], %parallel_loop3A_521 : memref<64x128xf32, #tpu.memory_space<vmem>>[vector<16xi32>, vector<16xi32>], vector<16xf32>,
        %parallel_loop3A_522 = vector.broadcast %parallel_loop3A_482 : i32 to vector<16xi32>
        %parallel_loop3A_523 = arith.addi %parallel_loop3A_522, %select_n3A_345 : vector<16xi32>
        %parallel_loop3A_524 = tpu.vector_load_idx %arg7[%parallel_loop3A_476, %parallel_loop3A_523] : memref<128x64xf32, #tpu.memory_space<vmem>>[vector<16xi32>, vector<16xi32>], vector<16xf32>,
        tpu.vector_store_idx %arg9[%parallel_loop3A_523, %parallel_loop3A_476], %parallel_loop3A_524 : memref<64x128xf32, #tpu.memory_space<vmem>>[vector<16xi32>, vector<16xi32>], vector<16xf32>,
        %parallel_loop3A_525 = vector.broadcast %parallel_loop3A_482 : i32 to vector<16xi32>
        %parallel_loop3A_526 = arith.addi %parallel_loop3A_525, %select_n3A_370 : vector<16xi32>
        %parallel_loop3A_527 = tpu.vector_load_idx %arg7[%parallel_loop3A_476, %parallel_loop3A_526] : memref<128x64xf32, #tpu.memory_space<vmem>>[vector<16xi32>, vector<16xi32>], vector<16xf32>,
        tpu.vector_store_idx %arg9[%parallel_loop3A_526, %parallel_loop3A_476], %parallel_loop3A_527 : memref<64x128xf32, #tpu.memory_space<vmem>>[vector<16xi32>, vector<16xi32>], vector<16xf32>,
        %parallel_loop3A_528 = vector.broadcast %parallel_loop3A_482 : i32 to vector<16xi32>
        %parallel_loop3A_529 = arith.addi %parallel_loop3A_528, %select_n3A_395 : vector<16xi32>
        %parallel_loop3A_530 = tpu.vector_load_idx %arg7[%parallel_loop3A_476, %parallel_loop3A_529] : memref<128x64xf32, #tpu.memory_space<vmem>>[vector<16xi32>, vector<16xi32>], vector<16xf32>,
        tpu.vector_store_idx %arg9[%parallel_loop3A_529, %parallel_loop3A_476], %parallel_loop3A_530 : memref<64x128xf32, #tpu.memory_space<vmem>>[vector<16xi32>, vector<16xi32>], vector<16xf32>,
      } {sc.loop_unroll_factor = 4 : i64, sc.parallel_access}
    } {sc.loop_unroll_factor = 2 : i64, sc.parallel_access}
    %dma_start3A_441 = arith.constant 3 : i32
    %dma_start3A_442 = arith.constant 0 : i32
    %dma_start3A_443 = tpu.memref_slice %arg5[%dma_start3A_441, %dma_start3A_442] : memref<200x128xi32, #tpu.memory_space<vmem>> -> memref<1x128xi32, #tpu.memory_space<vmem>>
    %dma_start3A_444 = tpu.memref_squeeze %dma_start3A_443 : memref<1x128xi32, #tpu.memory_space<vmem>> -> memref<128xi32, #tpu.memory_space<vmem>>
    %dma_start3A_445 = arith.constant 0 : i32
    %dma_start3A_446 = arith.constant 0 : i32
    %dma_start3A_447 = tpu.memref_slice %arg3[%dma_start3A_445, %dma_start3A_446] : memref<1000000x64xf32, #tpu.memory_space<hbm>> -> memref<1000000x64xf32, #tpu.memory_space<hbm>>
    tpu.enqueue_indirect_dma source(%dma_start3A_447 : memref<1000000x64xf32, #tpu.memory_space<hbm>>) target(%arg7 : memref<128x64xf32, #tpu.memory_space<vmem>>) offsets(%dma_start3A_444 : memref<128xi32, #tpu.memory_space<vmem>>) semaphore(%arg11 : memref<!tpu.dma_semaphore, #tpu.memory_space<semaphore_mem>>)
    %mul3A_448 = arith.constant 4 : i32
    %mul3A_449 = arith.muli %add3A, %mul3A_448 : i32
    %add3A_450 = arith.constant 0 : i32
    %add3A_451 = arith.addi %mul3A_449, %add3A_450 : i32
    %parallel_loop3A_452 = arith.constant 0 : i32
    %parallel_loop3A_453 = arith.constant 8 : i32
    %parallel_loop3A_454 = arith.constant 1 : i32
    scf.for %parallel_loop3A_472 = %parallel_loop3A_452 to %parallel_loop3A_453 step %parallel_loop3A_454  : i32 {
      %parallel_loop3A_473 = arith.constant 8 : i32
      %parallel_loop3A_474 = arith.muli %parallel_loop3A_472, %parallel_loop3A_473 : i32
      %parallel_loop3A_475 = arith.constant 1 : i32
      %parallel_loop3A_476 = arith.constant 0 : i32
      %parallel_loop3A_477 = tpu.memref_slice %arg9[%parallel_loop3A_474, %parallel_loop3A_476] : memref<64x128xf32, #tpu.memory_space<vmem>> -> memref<8x128xf32, #tpu.memory_space<vmem>>
      %parallel_loop3A_478 = arith.constant 0 : i32
      %parallel_loop3A_479 = arith.constant 0 : i32
      %parallel_loop3A_480 = tpu.memref_slice %arg4[%parallel_loop3A_475, %parallel_loop3A_472, %add3A_451, %parallel_loop3A_478, %parallel_loop3A_479] : memref<50x8x128x8x128xf32, #tpu.memory_space<hbm>> -> memref<1x1x1x8x128xf32, #tpu.memory_space<hbm>>
      %parallel_loop3A_481 = tpu.memref_squeeze %parallel_loop3A_480 : memref<1x1x1x8x128xf32, #tpu.memory_space<hbm>> -> memref<8x128xf32, #tpu.memory_space<hbm>>
      %parallel_loop3A_482 = arith.constant 0 : i32
      %parallel_loop3A_483 = arith.constant 0 : i32
      %parallel_loop3A_484 = tpu.memref_slice %arg4[%parallel_loop3A_475, %parallel_loop3A_472, %add3A_451, %parallel_loop3A_482, %parallel_loop3A_483] : memref<50x8x128x8x128xf32, #tpu.memory_space<hbm>> -> memref<1x1x1x8x128xf32, #tpu.memory_space<hbm>>
      %parallel_loop3A_485 = tpu.memref_squeeze %parallel_loop3A_484 : memref<1x1x1x8x128xf32, #tpu.memory_space<hbm>> -> memref<8x128xf32, #tpu.memory_space<hbm>>
      %parallel_loop3A_486 = arith.constant 0 : i32
      %parallel_loop3A_487 = tpu.memref_slice %arg9[%parallel_loop3A_474, %parallel_loop3A_486] : memref<64x128xf32, #tpu.memory_space<vmem>> -> memref<8x128xf32, #tpu.memory_space<vmem>>
      tpu.enqueue_dma source(%parallel_loop3A_487 : memref<8x128xf32, #tpu.memory_space<vmem>>) target(%parallel_loop3A_485 : memref<8x128xf32, #tpu.memory_space<hbm>>) target_semaphore(%arg13 : memref<!tpu.dma_semaphore, #tpu.memory_space<semaphore_mem>>)
    } {sc.loop_unroll_factor = 1 : i64, sc.parallel_access}
    %scan3A = arith.constant 0 : i32
    %scan3A_455 = arith.constant 1 : i32
    %scan3A_456 = arith.constant 99 : i32
    %scan3A_457 = arith.addi %scan3A_455, %scan3A_456 : i32
    %scan3A_458 = arith.constant 1 : i32
    scf.for %scan3A_472 = %scan3A_455 to %scan3A_457 step %scan3A_458  : i32 {
      %mul3A_473 = arith.constant 2 : i32
      %mul3A_474 = arith.muli %scan3A_472, %mul3A_473 : i32
      %dma_wait3A_475 = arith.constant 0 : i32
      %dma_wait3A_476 = arith.constant 0 : i32
      %dma_wait3A_477 = tpu.memref_slice %arg5[%dma_wait3A_475, %dma_wait3A_476] : memref<200x128xi32, #tpu.memory_space<vmem>> -> memref<1x128xi32, #tpu.memory_space<vmem>>
      %dma_wait3A_478 = tpu.memref_squeeze %dma_wait3A_477 : memref<1x128xi32, #tpu.memory_space<vmem>> -> memref<128xi32, #tpu.memory_space<vmem>>
      %dma_wait3A_479 = arith.constant 0 : i32
      %dma_wait3A_480 = arith.constant 0 : i32
      %dma_wait3A_481 = tpu.memref_slice %arg3[%dma_wait3A_479, %dma_wait3A_480] : memref<1000000x64xf32, #tpu.memory_space<hbm>> -> memref<1000000x64xf32, #tpu.memory_space<hbm>>
      tpu.wait_indirect_dma semaphore(%arg10 : memref<!tpu.dma_semaphore, #tpu.memory_space<semaphore_mem>>) src(%dma_wait3A_481 : memref<1000000x64xf32, #tpu.memory_space<hbm>>) dst(%arg6 : memref<128x64xf32, #tpu.memory_space<vmem>>)
      %scan3A_482 = arith.constant 0 : i32
      %scan3A_483 = arith.constant 0 : i32
      %scan3A_484 = arith.constant 8 : i32
      %scan3A_485 = arith.addi %scan3A_483, %scan3A_484 : i32
      %scan3A_486 = arith.constant 1 : i32
      scf.for %scan3A_584 = %scan3A_483 to %scan3A_485 step %scan3A_486  : i32 {
        %dma_wait3A_585 = arith.constant 0 : i32
        %dma_wait3A_586 = arith.constant 0 : i32
        %dma_wait3A_587 = arith.constant 0 : i32
        %dma_wait3A_588 = arith.constant 0 : i32
        %dma_wait3A_589 = arith.constant 0 : i32
        %dma_wait3A_590 = tpu.memref_slice %arg8[%dma_wait3A_588, %dma_wait3A_589] : memref<64x128xf32, #tpu.memory_space<vmem>> -> memref<8x128xf32, #tpu.memory_space<vmem>>
        %dma_wait3A_591 = arith.constant 0 : i32
        %dma_wait3A_592 = arith.constant 0 : i32
        %dma_wait3A_593 = tpu.memref_slice %arg4[%dma_wait3A_585, %dma_wait3A_586, %dma_wait3A_587, %dma_wait3A_591, %dma_wait3A_592] : memref<50x8x128x8x128xf32, #tpu.memory_space<hbm>> -> memref<1x1x1x8x128xf32, #tpu.memory_space<hbm>>
        %dma_wait3A_594 = tpu.memref_squeeze %dma_wait3A_593 : memref<1x1x1x8x128xf32, #tpu.memory_space<hbm>> -> memref<8x128xf32, #tpu.memory_space<hbm>>
        %dma_wait3A_595 = arith.constant 0 : i32
        %dma_wait3A_596 = arith.constant 0 : i32
        %dma_wait3A_597 = tpu.memref_slice %arg4[%dma_wait3A_585, %dma_wait3A_586, %dma_wait3A_587, %dma_wait3A_595, %dma_wait3A_596] : memref<50x8x128x8x128xf32, #tpu.memory_space<hbm>> -> memref<1x1x1x8x128xf32, #tpu.memory_space<hbm>>
        %dma_wait3A_598 = tpu.memref_squeeze %dma_wait3A_597 : memref<1x1x1x8x128xf32, #tpu.memory_space<hbm>> -> memref<8x128xf32, #tpu.memory_space<hbm>>
        %dma_wait3A_599 = arith.constant 0 : i32
        %dma_wait3A_600 = arith.constant 0 : i32
        %dma_wait3A_601 = tpu.memref_slice %arg8[%dma_wait3A_599, %dma_wait3A_600] : memref<64x128xf32, #tpu.memory_space<vmem>> -> memref<8x128xf32, #tpu.memory_space<vmem>>
        tpu.wait_dma2 semaphore(%arg12 : memref<!tpu.dma_semaphore, #tpu.memory_space<semaphore_mem>>) src(%dma_wait3A_601 : memref<8x128xf32, #tpu.memory_space<vmem>>) dst(%dma_wait3A_598 : memref<8x128xf32, #tpu.memory_space<hbm>>)
      }
      %scan3A_487 = arith.constant 8 : i32
      %parallel_loop3A_488 = arith.constant 0 : i32
      %parallel_loop3A_489 = arith.constant 8 : i32
      %parallel_loop3A_490 = arith.constant 1 : i32
      scf.for %parallel_loop3A_584 = %parallel_loop3A_488 to %parallel_loop3A_489 step %parallel_loop3A_490  : i32 {
        %parallel_loop3A_585 = arith.constant 16 : i32
        %parallel_loop3A_586 = arith.muli %parallel_loop3A_584, %parallel_loop3A_585 : i32
        %parallel_loop3A_587 = vector.broadcast %parallel_loop3A_586 : i32 to vector<16xi32>
        %parallel_loop3A_588 = arith.addi %parallel_loop3A_587, %iota3A : vector<16xi32>
        %parallel_loop3A_589 = arith.constant 0 : i32
        %parallel_loop3A_590 = arith.constant 4 : i32
        %parallel_loop3A_591 = arith.constant 1 : i32
        scf.for %parallel_loop3A_592 = %parallel_loop3A_589 to %parallel_loop3A_590 step %parallel_loop3A_591  : i32 {
          %parallel_loop3A_593 = arith.constant 16 : i32
          %parallel_loop3A_594 = arith.muli %parallel_loop3A_592, %parallel_loop3A_593 : i32
          %parallel_loop3A_595 = vector.broadcast %parallel_loop3A_594 : i32 to vector<16xi32>
          %parallel_loop3A_596 = arith.addi %parallel_loop3A_595, %select_n3A_20 : vector<16xi32>
          %parallel_loop3A_597 = tpu.vector_load_idx %arg6[%parallel_loop3A_588, %parallel_loop3A_596] : memref<128x64xf32, #tpu.memory_space<vmem>>[vector<16xi32>, vector<16xi32>], vector<16xf32>,
          tpu.vector_store_idx %arg8[%parallel_loop3A_596, %parallel_loop3A_588], %parallel_loop3A_597 : memref<64x128xf32, #tpu.memory_space<vmem>>[vector<16xi32>, vector<16xi32>], vector<16xf32>,
          %parallel_loop3A_598 = vector.broadcast %parallel_loop3A_594 : i32 to vector<16xi32>
          %parallel_loop3A_599 = arith.addi %parallel_loop3A_598, %select_n3A_45 : vector<16xi32>
          %parallel_loop3A_600 = tpu.vector_load_idx %arg6[%parallel_loop3A_588, %parallel_loop3A_599] : memref<128x64xf32, #tpu.memory_space<vmem>>[vector<16xi32>, vector<16xi32>], vector<16xf32>,
          tpu.vector_store_idx %arg8[%parallel_loop3A_599, %parallel_loop3A_588], %parallel_loop3A_600 : memref<64x128xf32, #tpu.memory_space<vmem>>[vector<16xi32>, vector<16xi32>], vector<16xf32>,
          %parallel_loop3A_601 = vector.broadcast %parallel_loop3A_594 : i32 to vector<16xi32>
          %parallel_loop3A_602 = arith.addi %parallel_loop3A_601, %select_n3A_70 : vector<16xi32>
          %parallel_loop3A_603 = tpu.vector_load_idx %arg6[%parallel_loop3A_588, %parallel_loop3A_602] : memref<128x64xf32, #tpu.memory_space<vmem>>[vector<16xi32>, vector<16xi32>], vector<16xf32>,
          tpu.vector_store_idx %arg8[%parallel_loop3A_602, %parallel_loop3A_588], %parallel_loop3A_603 : memref<64x128xf32, #tpu.memory_space<vmem>>[vector<16xi32>, vector<16xi32>], vector<16xf32>,
          %parallel_loop3A_604 = vector.broadcast %parallel_loop3A_594 : i32 to vector<16xi32>
          %parallel_loop3A_605 = arith.addi %parallel_loop3A_604, %select_n3A_95 : vector<16xi32>
          %parallel_loop3A_606 = tpu.vector_load_idx %arg6[%parallel_loop3A_588, %parallel_loop3A_605] : memref<128x64xf32, #tpu.memory_space<vmem>>[vector<16xi32>, vector<16xi32>], vector<16xf32>,
          tpu.vector_store_idx %arg8[%parallel_loop3A_605, %parallel_loop3A_588], %parallel_loop3A_606 : memref<64x128xf32, #tpu.memory_space<vmem>>[vector<16xi32>, vector<16xi32>], vector<16xf32>,
          %parallel_loop3A_607 = vector.broadcast %parallel_loop3A_594 : i32 to vector<16xi32>
          %parallel_loop3A_608 = arith.addi %parallel_loop3A_607, %select_n3A_120 : vector<16xi32>
          %parallel_loop3A_609 = tpu.vector_load_idx %arg6[%parallel_loop3A_588, %parallel_loop3A_608] : memref<128x64xf32, #tpu.memory_space<vmem>>[vector<16xi32>, vector<16xi32>], vector<16xf32>,
          tpu.vector_store_idx %arg8[%parallel_loop3A_608, %parallel_loop3A_588], %parallel_loop3A_609 : memref<64x128xf32, #tpu.memory_space<vmem>>[vector<16xi32>, vector<16xi32>], vector<16xf32>,
          %parallel_loop3A_610 = vector.broadcast %parallel_loop3A_594 : i32 to vector<16xi32>
          %parallel_loop3A_611 = arith.addi %parallel_loop3A_610, %select_n3A_145 : vector<16xi32>
          %parallel_loop3A_612 = tpu.vector_load_idx %arg6[%parallel_loop3A_588, %parallel_loop3A_611] : memref<128x64xf32, #tpu.memory_space<vmem>>[vector<16xi32>, vector<16xi32>], vector<16xf32>,
          tpu.vector_store_idx %arg8[%parallel_loop3A_611, %parallel_loop3A_588], %parallel_loop3A_612 : memref<64x128xf32, #tpu.memory_space<vmem>>[vector<16xi32>, vector<16xi32>], vector<16xf32>,
          %parallel_loop3A_613 = vector.broadcast %parallel_loop3A_594 : i32 to vector<16xi32>
          %parallel_loop3A_614 = arith.addi %parallel_loop3A_613, %select_n3A_170 : vector<16xi32>
          %parallel_loop3A_615 = tpu.vector_load_idx %arg6[%parallel_loop3A_588, %parallel_loop3A_614] : memref<128x64xf32, #tpu.memory_space<vmem>>[vector<16xi32>, vector<16xi32>], vector<16xf32>,
          tpu.vector_store_idx %arg8[%parallel_loop3A_614, %parallel_loop3A_588], %parallel_loop3A_615 : memref<64x128xf32, #tpu.memory_space<vmem>>[vector<16xi32>, vector<16xi32>], vector<16xf32>,
          %parallel_loop3A_616 = vector.broadcast %parallel_loop3A_594 : i32 to vector<16xi32>
          %parallel_loop3A_617 = arith.addi %parallel_loop3A_616, %select_n3A_195 : vector<16xi32>
          %parallel_loop3A_618 = tpu.vector_load_idx %arg6[%parallel_loop3A_588, %parallel_loop3A_617] : memref<128x64xf32, #tpu.memory_space<vmem>>[vector<16xi32>, vector<16xi32>], vector<16xf32>,
          tpu.vector_store_idx %arg8[%parallel_loop3A_617, %parallel_loop3A_588], %parallel_loop3A_618 : memref<64x128xf32, #tpu.memory_space<vmem>>[vector<16xi32>, vector<16xi32>], vector<16xf32>,
          %parallel_loop3A_619 = vector.broadcast %parallel_loop3A_594 : i32 to vector<16xi32>
          %parallel_loop3A_620 = arith.addi %parallel_loop3A_619, %select_n3A_220 : vector<16xi32>
          %parallel_loop3A_621 = tpu.vector_load_idx %arg6[%parallel_loop3A_588, %parallel_loop3A_620] : memref<128x64xf32, #tpu.memory_space<vmem>>[vector<16xi32>, vector<16xi32>], vector<16xf32>,
          tpu.vector_store_idx %arg8[%parallel_loop3A_620, %parallel_loop3A_588], %parallel_loop3A_621 : memref<64x128xf32, #tpu.memory_space<vmem>>[vector<16xi32>, vector<16xi32>], vector<16xf32>,
          %parallel_loop3A_622 = vector.broadcast %parallel_loop3A_594 : i32 to vector<16xi32>
          %parallel_loop3A_623 = arith.addi %parallel_loop3A_622, %select_n3A_245 : vector<16xi32>
          %parallel_loop3A_624 = tpu.vector_load_idx %arg6[%parallel_loop3A_588, %parallel_loop3A_623] : memref<128x64xf32, #tpu.memory_space<vmem>>[vector<16xi32>, vector<16xi32>], vector<16xf32>,
          tpu.vector_store_idx %arg8[%parallel_loop3A_623, %parallel_loop3A_588], %parallel_loop3A_624 : memref<64x128xf32, #tpu.memory_space<vmem>>[vector<16xi32>, vector<16xi32>], vector<16xf32>,
          %parallel_loop3A_625 = vector.broadcast %parallel_loop3A_594 : i32 to vector<16xi32>
          %parallel_loop3A_626 = arith.addi %parallel_loop3A_625, %select_n3A_270 : vector<16xi32>
          %parallel_loop3A_627 = tpu.vector_load_idx %arg6[%parallel_loop3A_588, %parallel_loop3A_626] : memref<128x64xf32, #tpu.memory_space<vmem>>[vector<16xi32>, vector<16xi32>], vector<16xf32>,
          tpu.vector_store_idx %arg8[%parallel_loop3A_626, %parallel_loop3A_588], %parallel_loop3A_627 : memref<64x128xf32, #tpu.memory_space<vmem>>[vector<16xi32>, vector<16xi32>], vector<16xf32>,
          %parallel_loop3A_628 = vector.broadcast %parallel_loop3A_594 : i32 to vector<16xi32>
          %parallel_loop3A_629 = arith.addi %parallel_loop3A_628, %select_n3A_295 : vector<16xi32>
          %parallel_loop3A_630 = tpu.vector_load_idx %arg6[%parallel_loop3A_588, %parallel_loop3A_629] : memref<128x64xf32, #tpu.memory_space<vmem>>[vector<16xi32>, vector<16xi32>], vector<16xf32>,
          tpu.vector_store_idx %arg8[%parallel_loop3A_629, %parallel_loop3A_588], %parallel_loop3A_630 : memref<64x128xf32, #tpu.memory_space<vmem>>[vector<16xi32>, vector<16xi32>], vector<16xf32>,
          %parallel_loop3A_631 = vector.broadcast %parallel_loop3A_594 : i32 to vector<16xi32>
          %parallel_loop3A_632 = arith.addi %parallel_loop3A_631, %select_n3A_320 : vector<16xi32>
          %parallel_loop3A_633 = tpu.vector_load_idx %arg6[%parallel_loop3A_588, %parallel_loop3A_632] : memref<128x64xf32, #tpu.memory_space<vmem>>[vector<16xi32>, vector<16xi32>], vector<16xf32>,
          tpu.vector_store_idx %arg8[%parallel_loop3A_632, %parallel_loop3A_588], %parallel_loop3A_633 : memref<64x128xf32, #tpu.memory_space<vmem>>[vector<16xi32>, vector<16xi32>], vector<16xf32>,
          %parallel_loop3A_634 = vector.broadcast %parallel_loop3A_594 : i32 to vector<16xi32>
          %parallel_loop3A_635 = arith.addi %parallel_loop3A_634, %select_n3A_345 : vector<16xi32>
          %parallel_loop3A_636 = tpu.vector_load_idx %arg6[%parallel_loop3A_588, %parallel_loop3A_635] : memref<128x64xf32, #tpu.memory_space<vmem>>[vector<16xi32>, vector<16xi32>], vector<16xf32>,
          tpu.vector_store_idx %arg8[%parallel_loop3A_635, %parallel_loop3A_588], %parallel_loop3A_636 : memref<64x128xf32, #tpu.memory_space<vmem>>[vector<16xi32>, vector<16xi32>], vector<16xf32>,
          %parallel_loop3A_637 = vector.broadcast %parallel_loop3A_594 : i32 to vector<16xi32>
          %parallel_loop3A_638 = arith.addi %parallel_loop3A_637, %select_n3A_370 : vector<16xi32>
          %parallel_loop3A_639 = tpu.vector_load_idx %arg6[%parallel_loop3A_588, %parallel_loop3A_638] : memref<128x64xf32, #tpu.memory_space<vmem>>[vector<16xi32>, vector<16xi32>], vector<16xf32>,
          tpu.vector_store_idx %arg8[%parallel_loop3A_638, %parallel_loop3A_588], %parallel_loop3A_639 : memref<64x128xf32, #tpu.memory_space<vmem>>[vector<16xi32>, vector<16xi32>], vector<16xf32>,
          %parallel_loop3A_640 = vector.broadcast %parallel_loop3A_594 : i32 to vector<16xi32>
          %parallel_loop3A_641 = arith.addi %parallel_loop3A_640, %select_n3A_395 : vector<16xi32>
          %parallel_loop3A_642 = tpu.vector_load_idx %arg6[%parallel_loop3A_588, %parallel_loop3A_641] : memref<128x64xf32, #tpu.memory_space<vmem>>[vector<16xi32>, vector<16xi32>], vector<16xf32>,
          tpu.vector_store_idx %arg8[%parallel_loop3A_641, %parallel_loop3A_588], %parallel_loop3A_642 : memref<64x128xf32, #tpu.memory_space<vmem>>[vector<16xi32>, vector<16xi32>], vector<16xf32>,
        } {sc.loop_unroll_factor = 4 : i64, sc.parallel_access}
      } {sc.loop_unroll_factor = 2 : i64, sc.parallel_access}
      %add3A_491 = arith.constant 2 : i32
      %add3A_492 = arith.addi %mul3A_474, %add3A_491 : i32
      %lt3A_493 = arith.constant 200 : i32
      %lt3A_494 = arith.cmpi slt, %add3A_492, %lt3A_493 : i32
      %convert_element_type3A = arith.extui %lt3A_494 : i1 to i32
      %cond3A = arith.constant 0 : i32
      %cond3A_495 = arith.cmpi ne, %convert_element_type3A, %cond3A : i32
      scf.if %cond3A_495 {
        %add3A_584 = arith.constant 2 : i32
        %add3A_585 = arith.addi %mul3A_474, %add3A_584 : i32
        %dma_start3A_586 = arith.constant 0 : i32
        %dma_start3A_587 = tpu.memref_slice %arg5[%add3A_585, %dma_start3A_586] : memref<200x128xi32, #tpu.memory_space<vmem>> -> memref<1x128xi32, #tpu.memory_space<vmem>>
        %dma_start3A_588 = tpu.memref_squeeze %dma_start3A_587 : memref<1x128xi32, #tpu.memory_space<vmem>> -> memref<128xi32, #tpu.memory_space<vmem>>
        %dma_start3A_589 = arith.constant 0 : i32
        %dma_start3A_590 = arith.constant 0 : i32
        %dma_start3A_591 = tpu.memref_slice %arg3[%dma_start3A_589, %dma_start3A_590] : memref<1000000x64xf32, #tpu.memory_space<hbm>> -> memref<1000000x64xf32, #tpu.memory_space<hbm>>
        tpu.enqueue_indirect_dma source(%dma_start3A_591 : memref<1000000x64xf32, #tpu.memory_space<hbm>>) target(%arg6 : memref<128x64xf32, #tpu.memory_space<vmem>>) offsets(%dma_start3A_588 : memref<128xi32, #tpu.memory_space<vmem>>) semaphore(%arg10 : memref<!tpu.dma_semaphore, #tpu.memory_space<semaphore_mem>>)
      } else {
      }
      %jit3A_496 = arith.constant 50 : i32
      %div3A = arith.divsi %mul3A_474, %jit3A_496 : i32
      %sign3A = arith.constant 0 : i32
      %sign3A_497 = arith.cmpi sgt, %mul3A_474, %sign3A : i32
      %sign3A_498 = arith.extui %sign3A_497 : i1 to i32
      %sign3A_499 = arith.constant 0 : i32
      %sign3A_500 = arith.cmpi slt, %mul3A_474, %sign3A_499 : i32
      %sign3A_501 = arith.extui %sign3A_500 : i1 to i32
      %sign3A_502 = arith.subi %sign3A_498, %sign3A_501 : i32
      %sign3A_503 = arith.constant 0 : i32
      %sign3A_504 = arith.cmpi sgt, %jit3A_496, %sign3A_503 : i32
      %sign3A_505 = arith.extui %sign3A_504 : i1 to i32
      %sign3A_506 = arith.constant 0 : i32
      %sign3A_507 = arith.cmpi slt, %jit3A_496, %sign3A_506 : i32
      %sign3A_508 = arith.extui %sign3A_507 : i1 to i32
      %sign3A_509 = arith.subi %sign3A_505, %sign3A_508 : i32
      %ne3A_510 = arith.cmpi ne, %sign3A_502, %sign3A_509 : i32
      %rem3A_511 = arith.remsi %mul3A_474, %jit3A_496 : i32
      %ne3A_512 = arith.constant 0 : i32
      %ne3A_513 = arith.cmpi ne, %rem3A_511, %ne3A_512 : i32
      %and3A_514 = arith.andi %ne3A_510, %ne3A_513 : i1
      %sub3A = arith.constant 1 : i32
      %sub3A_515 = arith.subi %div3A, %sub3A : i32
      %select_n3A_516 = arith.select %and3A_514, %sub3A_515, %div3A : i32
      %mul3A_517 = arith.constant 50 : i32
      %mul3A_518 = arith.muli %select_n3A_516, %mul3A_517 : i32
      %sub3A_519 = arith.subi %mul3A_474, %mul3A_518 : i32
      %mul3A_520 = arith.constant 4 : i32
      %mul3A_521 = arith.muli %add3A, %mul3A_520 : i32
      %add3A_522 = arith.addi %mul3A_521, %select_n3A_516 : i32
      %parallel_loop3A_523 = arith.constant 0 : i32
      %parallel_loop3A_524 = arith.constant 8 : i32
      %parallel_loop3A_525 = arith.constant 1 : i32
      scf.for %parallel_loop3A_584 = %parallel_loop3A_523 to %parallel_loop3A_524 step %parallel_loop3A_525  : i32 {
        %parallel_loop3A_585 = arith.constant 8 : i32
        %parallel_loop3A_586 = arith.muli %parallel_loop3A_584, %parallel_loop3A_585 : i32
        %parallel_loop3A_587 = arith.constant 0 : i32
        %parallel_loop3A_588 = tpu.memref_slice %arg8[%parallel_loop3A_586, %parallel_loop3A_587] : memref<64x128xf32, #tpu.memory_space<vmem>> -> memref<8x128xf32, #tpu.memory_space<vmem>>
        %parallel_loop3A_589 = arith.constant 0 : i32
        %parallel_loop3A_590 = arith.constant 0 : i32
        %parallel_loop3A_591 = tpu.memref_slice %arg4[%sub3A_519, %parallel_loop3A_584, %add3A_522, %parallel_loop3A_589, %parallel_loop3A_590] : memref<50x8x128x8x128xf32, #tpu.memory_space<hbm>> -> memref<1x1x1x8x128xf32, #tpu.memory_space<hbm>>
        %parallel_loop3A_592 = tpu.memref_squeeze %parallel_loop3A_591 : memref<1x1x1x8x128xf32, #tpu.memory_space<hbm>> -> memref<8x128xf32, #tpu.memory_space<hbm>>
        %parallel_loop3A_593 = arith.constant 0 : i32
        %parallel_loop3A_594 = arith.constant 0 : i32
        %parallel_loop3A_595 = tpu.memref_slice %arg4[%sub3A_519, %parallel_loop3A_584, %add3A_522, %parallel_loop3A_593, %parallel_loop3A_594] : memref<50x8x128x8x128xf32, #tpu.memory_space<hbm>> -> memref<1x1x1x8x128xf32, #tpu.memory_space<hbm>>
        %parallel_loop3A_596 = tpu.memref_squeeze %parallel_loop3A_595 : memref<1x1x1x8x128xf32, #tpu.memory_space<hbm>> -> memref<8x128xf32, #tpu.memory_space<hbm>>
        %parallel_loop3A_597 = arith.constant 0 : i32
        %parallel_loop3A_598 = tpu.memref_slice %arg8[%parallel_loop3A_586, %parallel_loop3A_597] : memref<64x128xf32, #tpu.memory_space<vmem>> -> memref<8x128xf32, #tpu.memory_space<vmem>>
        tpu.enqueue_dma source(%parallel_loop3A_598 : memref<8x128xf32, #tpu.memory_space<vmem>>) target(%parallel_loop3A_596 : memref<8x128xf32, #tpu.memory_space<hbm>>) target_semaphore(%arg12 : memref<!tpu.dma_semaphore, #tpu.memory_space<semaphore_mem>>)
      } {sc.loop_unroll_factor = 1 : i64, sc.parallel_access}
      %dma_wait3A_526 = arith.constant 0 : i32
      %dma_wait3A_527 = arith.constant 0 : i32
      %dma_wait3A_528 = tpu.memref_slice %arg5[%dma_wait3A_526, %dma_wait3A_527] : memref<200x128xi32, #tpu.memory_space<vmem>> -> memref<1x128xi32, #tpu.memory_space<vmem>>
      %dma_wait3A_529 = tpu.memref_squeeze %dma_wait3A_528 : memref<1x128xi32, #tpu.memory_space<vmem>> -> memref<128xi32, #tpu.memory_space<vmem>>
      %dma_wait3A_530 = arith.constant 0 : i32
      %dma_wait3A_531 = arith.constant 0 : i32
      %dma_wait3A_532 = tpu.memref_slice %arg3[%dma_wait3A_530, %dma_wait3A_531] : memref<1000000x64xf32, #tpu.memory_space<hbm>> -> memref<1000000x64xf32, #tpu.memory_space<hbm>>
      tpu.wait_indirect_dma semaphore(%arg11 : memref<!tpu.dma_semaphore, #tpu.memory_space<semaphore_mem>>) src(%dma_wait3A_532 : memref<1000000x64xf32, #tpu.memory_space<hbm>>) dst(%arg7 : memref<128x64xf32, #tpu.memory_space<vmem>>)
      %scan3A_533 = arith.constant 0 : i32
      %scan3A_534 = arith.constant 0 : i32
      %scan3A_535 = arith.constant 8 : i32
      %scan3A_536 = arith.addi %scan3A_534, %scan3A_535 : i32
      %scan3A_537 = arith.constant 1 : i32
      scf.for %scan3A_584 = %scan3A_534 to %scan3A_536 step %scan3A_537  : i32 {
        %dma_wait3A_585 = arith.constant 0 : i32
        %dma_wait3A_586 = arith.constant 0 : i32
        %dma_wait3A_587 = arith.constant 0 : i32
        %dma_wait3A_588 = arith.constant 0 : i32
        %dma_wait3A_589 = arith.constant 0 : i32
        %dma_wait3A_590 = tpu.memref_slice %arg9[%dma_wait3A_588, %dma_wait3A_589] : memref<64x128xf32, #tpu.memory_space<vmem>> -> memref<8x128xf32, #tpu.memory_space<vmem>>
        %dma_wait3A_591 = arith.constant 0 : i32
        %dma_wait3A_592 = arith.constant 0 : i32
        %dma_wait3A_593 = tpu.memref_slice %arg4[%dma_wait3A_585, %dma_wait3A_586, %dma_wait3A_587, %dma_wait3A_591, %dma_wait3A_592] : memref<50x8x128x8x128xf32, #tpu.memory_space<hbm>> -> memref<1x1x1x8x128xf32, #tpu.memory_space<hbm>>
        %dma_wait3A_594 = tpu.memref_squeeze %dma_wait3A_593 : memref<1x1x1x8x128xf32, #tpu.memory_space<hbm>> -> memref<8x128xf32, #tpu.memory_space<hbm>>
        %dma_wait3A_595 = arith.constant 0 : i32
        %dma_wait3A_596 = arith.constant 0 : i32
        %dma_wait3A_597 = tpu.memref_slice %arg4[%dma_wait3A_585, %dma_wait3A_586, %dma_wait3A_587, %dma_wait3A_595, %dma_wait3A_596] : memref<50x8x128x8x128xf32, #tpu.memory_space<hbm>> -> memref<1x1x1x8x128xf32, #tpu.memory_space<hbm>>
        %dma_wait3A_598 = tpu.memref_squeeze %dma_wait3A_597 : memref<1x1x1x8x128xf32, #tpu.memory_space<hbm>> -> memref<8x128xf32, #tpu.memory_space<hbm>>
        %dma_wait3A_599 = arith.constant 0 : i32
        %dma_wait3A_600 = arith.constant 0 : i32
        %dma_wait3A_601 = tpu.memref_slice %arg9[%dma_wait3A_599, %dma_wait3A_600] : memref<64x128xf32, #tpu.memory_space<vmem>> -> memref<8x128xf32, #tpu.memory_space<vmem>>
        tpu.wait_dma2 semaphore(%arg13 : memref<!tpu.dma_semaphore, #tpu.memory_space<semaphore_mem>>) src(%dma_wait3A_601 : memref<8x128xf32, #tpu.memory_space<vmem>>) dst(%dma_wait3A_598 : memref<8x128xf32, #tpu.memory_space<hbm>>)
      }
      %scan3A_538 = arith.constant 8 : i32
      %parallel_loop3A_539 = arith.constant 0 : i32
      %parallel_loop3A_540 = arith.constant 8 : i32
      %parallel_loop3A_541 = arith.constant 1 : i32
      scf.for %parallel_loop3A_584 = %parallel_loop3A_539 to %parallel_loop3A_540 step %parallel_loop3A_541  : i32 {
        %parallel_loop3A_585 = arith.constant 16 : i32
        %parallel_loop3A_586 = arith.muli %parallel_loop3A_584, %parallel_loop3A_585 : i32
        %parallel_loop3A_587 = vector.broadcast %parallel_loop3A_586 : i32 to vector<16xi32>
        %parallel_loop3A_588 = arith.addi %parallel_loop3A_587, %iota3A : vector<16xi32>
        %parallel_loop3A_589 = arith.constant 0 : i32
        %parallel_loop3A_590 = arith.constant 4 : i32
        %parallel_loop3A_591 = arith.constant 1 : i32
        scf.for %parallel_loop3A_592 = %parallel_loop3A_589 to %parallel_loop3A_590 step %parallel_loop3A_591  : i32 {
          %parallel_loop3A_593 = arith.constant 16 : i32
          %parallel_loop3A_594 = arith.muli %parallel_loop3A_592, %parallel_loop3A_593 : i32
          %parallel_loop3A_595 = vector.broadcast %parallel_loop3A_594 : i32 to vector<16xi32>
          %parallel_loop3A_596 = arith.addi %parallel_loop3A_595, %select_n3A_20 : vector<16xi32>
          %parallel_loop3A_597 = tpu.vector_load_idx %arg7[%parallel_loop3A_588, %parallel_loop3A_596] : memref<128x64xf32, #tpu.memory_space<vmem>>[vector<16xi32>, vector<16xi32>], vector<16xf32>,
          tpu.vector_store_idx %arg9[%parallel_loop3A_596, %parallel_loop3A_588], %parallel_loop3A_597 : memref<64x128xf32, #tpu.memory_space<vmem>>[vector<16xi32>, vector<16xi32>], vector<16xf32>,
          %parallel_loop3A_598 = vector.broadcast %parallel_loop3A_594 : i32 to vector<16xi32>
          %parallel_loop3A_599 = arith.addi %parallel_loop3A_598, %select_n3A_45 : vector<16xi32>
          %parallel_loop3A_600 = tpu.vector_load_idx %arg7[%parallel_loop3A_588, %parallel_loop3A_599] : memref<128x64xf32, #tpu.memory_space<vmem>>[vector<16xi32>, vector<16xi32>], vector<16xf32>,
          tpu.vector_store_idx %arg9[%parallel_loop3A_599, %parallel_loop3A_588], %parallel_loop3A_600 : memref<64x128xf32, #tpu.memory_space<vmem>>[vector<16xi32>, vector<16xi32>], vector<16xf32>,
          %parallel_loop3A_601 = vector.broadcast %parallel_loop3A_594 : i32 to vector<16xi32>
          %parallel_loop3A_602 = arith.addi %parallel_loop3A_601, %select_n3A_70 : vector<16xi32>
          %parallel_loop3A_603 = tpu.vector_load_idx %arg7[%parallel_loop3A_588, %parallel_loop3A_602] : memref<128x64xf32, #tpu.memory_space<vmem>>[vector<16xi32>, vector<16xi32>], vector<16xf32>,
          tpu.vector_store_idx %arg9[%parallel_loop3A_602, %parallel_loop3A_588], %parallel_loop3A_603 : memref<64x128xf32, #tpu.memory_space<vmem>>[vector<16xi32>, vector<16xi32>], vector<16xf32>,
          %parallel_loop3A_604 = vector.broadcast %parallel_loop3A_594 : i32 to vector<16xi32>
          %parallel_loop3A_605 = arith.addi %parallel_loop3A_604, %select_n3A_95 : vector<16xi32>
          %parallel_loop3A_606 = tpu.vector_load_idx %arg7[%parallel_loop3A_588, %parallel_loop3A_605] : memref<128x64xf32, #tpu.memory_space<vmem>>[vector<16xi32>, vector<16xi32>], vector<16xf32>,
          tpu.vector_store_idx %arg9[%parallel_loop3A_605, %parallel_loop3A_588], %parallel_loop3A_606 : memref<64x128xf32, #tpu.memory_space<vmem>>[vector<16xi32>, vector<16xi32>], vector<16xf32>,
          %parallel_loop3A_607 = vector.broadcast %parallel_loop3A_594 : i32 to vector<16xi32>
          %parallel_loop3A_608 = arith.addi %parallel_loop3A_607, %select_n3A_120 : vector<16xi32>
          %parallel_loop3A_609 = tpu.vector_load_idx %arg7[%parallel_loop3A_588, %parallel_loop3A_608] : memref<128x64xf32, #tpu.memory_space<vmem>>[vector<16xi32>, vector<16xi32>], vector<16xf32>,
          tpu.vector_store_idx %arg9[%parallel_loop3A_608, %parallel_loop3A_588], %parallel_loop3A_609 : memref<64x128xf32, #tpu.memory_space<vmem>>[vector<16xi32>, vector<16xi32>], vector<16xf32>,
          %parallel_loop3A_610 = vector.broadcast %parallel_loop3A_594 : i32 to vector<16xi32>
          %parallel_loop3A_611 = arith.addi %parallel_loop3A_610, %select_n3A_145 : vector<16xi32>
          %parallel_loop3A_612 = tpu.vector_load_idx %arg7[%parallel_loop3A_588, %parallel_loop3A_611] : memref<128x64xf32, #tpu.memory_space<vmem>>[vector<16xi32>, vector<16xi32>], vector<16xf32>,
          tpu.vector_store_idx %arg9[%parallel_loop3A_611, %parallel_loop3A_588], %parallel_loop3A_612 : memref<64x128xf32, #tpu.memory_space<vmem>>[vector<16xi32>, vector<16xi32>], vector<16xf32>,
          %parallel_loop3A_613 = vector.broadcast %parallel_loop3A_594 : i32 to vector<16xi32>
          %parallel_loop3A_614 = arith.addi %parallel_loop3A_613, %select_n3A_170 : vector<16xi32>
          %parallel_loop3A_615 = tpu.vector_load_idx %arg7[%parallel_loop3A_588, %parallel_loop3A_614] : memref<128x64xf32, #tpu.memory_space<vmem>>[vector<16xi32>, vector<16xi32>], vector<16xf32>,
          tpu.vector_store_idx %arg9[%parallel_loop3A_614, %parallel_loop3A_588], %parallel_loop3A_615 : memref<64x128xf32, #tpu.memory_space<vmem>>[vector<16xi32>, vector<16xi32>], vector<16xf32>,
          %parallel_loop3A_616 = vector.broadcast %parallel_loop3A_594 : i32 to vector<16xi32>
          %parallel_loop3A_617 = arith.addi %parallel_loop3A_616, %select_n3A_195 : vector<16xi32>
          %parallel_loop3A_618 = tpu.vector_load_idx %arg7[%parallel_loop3A_588, %parallel_loop3A_617] : memref<128x64xf32, #tpu.memory_space<vmem>>[vector<16xi32>, vector<16xi32>], vector<16xf32>,
          tpu.vector_store_idx %arg9[%parallel_loop3A_617, %parallel_loop3A_588], %parallel_loop3A_618 : memref<64x128xf32, #tpu.memory_space<vmem>>[vector<16xi32>, vector<16xi32>], vector<16xf32>,
          %parallel_loop3A_619 = vector.broadcast %parallel_loop3A_594 : i32 to vector<16xi32>
          %parallel_loop3A_620 = arith.addi %parallel_loop3A_619, %select_n3A_220 : vector<16xi32>
          %parallel_loop3A_621 = tpu.vector_load_idx %arg7[%parallel_loop3A_588, %parallel_loop3A_620] : memref<128x64xf32, #tpu.memory_space<vmem>>[vector<16xi32>, vector<16xi32>], vector<16xf32>,
          tpu.vector_store_idx %arg9[%parallel_loop3A_620, %parallel_loop3A_588], %parallel_loop3A_621 : memref<64x128xf32, #tpu.memory_space<vmem>>[vector<16xi32>, vector<16xi32>], vector<16xf32>,
          %parallel_loop3A_622 = vector.broadcast %parallel_loop3A_594 : i32 to vector<16xi32>
          %parallel_loop3A_623 = arith.addi %parallel_loop3A_622, %select_n3A_245 : vector<16xi32>
          %parallel_loop3A_624 = tpu.vector_load_idx %arg7[%parallel_loop3A_588, %parallel_loop3A_623] : memref<128x64xf32, #tpu.memory_space<vmem>>[vector<16xi32>, vector<16xi32>], vector<16xf32>,
          tpu.vector_store_idx %arg9[%parallel_loop3A_623, %parallel_loop3A_588], %parallel_loop3A_624 : memref<64x128xf32, #tpu.memory_space<vmem>>[vector<16xi32>, vector<16xi32>], vector<16xf32>,
          %parallel_loop3A_625 = vector.broadcast %parallel_loop3A_594 : i32 to vector<16xi32>
          %parallel_loop3A_626 = arith.addi %parallel_loop3A_625, %select_n3A_270 : vector<16xi32>
          %parallel_loop3A_627 = tpu.vector_load_idx %arg7[%parallel_loop3A_588, %parallel_loop3A_626] : memref<128x64xf32, #tpu.memory_space<vmem>>[vector<16xi32>, vector<16xi32>], vector<16xf32>,
          tpu.vector_store_idx %arg9[%parallel_loop3A_626, %parallel_loop3A_588], %parallel_loop3A_627 : memref<64x128xf32, #tpu.memory_space<vmem>>[vector<16xi32>, vector<16xi32>], vector<16xf32>,
          %parallel_loop3A_628 = vector.broadcast %parallel_loop3A_594 : i32 to vector<16xi32>
          %parallel_loop3A_629 = arith.addi %parallel_loop3A_628, %select_n3A_295 : vector<16xi32>
          %parallel_loop3A_630 = tpu.vector_load_idx %arg7[%parallel_loop3A_588, %parallel_loop3A_629] : memref<128x64xf32, #tpu.memory_space<vmem>>[vector<16xi32>, vector<16xi32>], vector<16xf32>,
          tpu.vector_store_idx %arg9[%parallel_loop3A_629, %parallel_loop3A_588], %parallel_loop3A_630 : memref<64x128xf32, #tpu.memory_space<vmem>>[vector<16xi32>, vector<16xi32>], vector<16xf32>,
          %parallel_loop3A_631 = vector.broadcast %parallel_loop3A_594 : i32 to vector<16xi32>
          %parallel_loop3A_632 = arith.addi %parallel_loop3A_631, %select_n3A_320 : vector<16xi32>
          %parallel_loop3A_633 = tpu.vector_load_idx %arg7[%parallel_loop3A_588, %parallel_loop3A_632] : memref<128x64xf32, #tpu.memory_space<vmem>>[vector<16xi32>, vector<16xi32>], vector<16xf32>,
          tpu.vector_store_idx %arg9[%parallel_loop3A_632, %parallel_loop3A_588], %parallel_loop3A_633 : memref<64x128xf32, #tpu.memory_space<vmem>>[vector<16xi32>, vector<16xi32>], vector<16xf32>,
          %parallel_loop3A_634 = vector.broadcast %parallel_loop3A_594 : i32 to vector<16xi32>
          %parallel_loop3A_635 = arith.addi %parallel_loop3A_634, %select_n3A_345 : vector<16xi32>
          %parallel_loop3A_636 = tpu.vector_load_idx %arg7[%parallel_loop3A_588, %parallel_loop3A_635] : memref<128x64xf32, #tpu.memory_space<vmem>>[vector<16xi32>, vector<16xi32>], vector<16xf32>,
          tpu.vector_store_idx %arg9[%parallel_loop3A_635, %parallel_loop3A_588], %parallel_loop3A_636 : memref<64x128xf32, #tpu.memory_space<vmem>>[vector<16xi32>, vector<16xi32>], vector<16xf32>,
          %parallel_loop3A_637 = vector.broadcast %parallel_loop3A_594 : i32 to vector<16xi32>
          %parallel_loop3A_638 = arith.addi %parallel_loop3A_637, %select_n3A_370 : vector<16xi32>
          %parallel_loop3A_639 = tpu.vector_load_idx %arg7[%parallel_loop3A_588, %parallel_loop3A_638] : memref<128x64xf32, #tpu.memory_space<vmem>>[vector<16xi32>, vector<16xi32>], vector<16xf32>,
          tpu.vector_store_idx %arg9[%parallel_loop3A_638, %parallel_loop3A_588], %parallel_loop3A_639 : memref<64x128xf32, #tpu.memory_space<vmem>>[vector<16xi32>, vector<16xi32>], vector<16xf32>,
          %parallel_loop3A_640 = vector.broadcast %parallel_loop3A_594 : i32 to vector<16xi32>
          %parallel_loop3A_641 = arith.addi %parallel_loop3A_640, %select_n3A_395 : vector<16xi32>
          %parallel_loop3A_642 = tpu.vector_load_idx %arg7[%parallel_loop3A_588, %parallel_loop3A_641] : memref<128x64xf32, #tpu.memory_space<vmem>>[vector<16xi32>, vector<16xi32>], vector<16xf32>,
          tpu.vector_store_idx %arg9[%parallel_loop3A_641, %parallel_loop3A_588], %parallel_loop3A_642 : memref<64x128xf32, #tpu.memory_space<vmem>>[vector<16xi32>, vector<16xi32>], vector<16xf32>,
        } {sc.loop_unroll_factor = 4 : i64, sc.parallel_access}
      } {sc.loop_unroll_factor = 2 : i64, sc.parallel_access}
      %add3A_542 = arith.constant 3 : i32
      %add3A_543 = arith.addi %mul3A_474, %add3A_542 : i32
      %lt3A_544 = arith.constant 200 : i32
      %lt3A_545 = arith.cmpi slt, %add3A_543, %lt3A_544 : i32
      %convert_element_type3A_546 = arith.extui %lt3A_545 : i1 to i32
      %cond3A_547 = arith.constant 0 : i32
      %cond3A_548 = arith.cmpi ne, %convert_element_type3A_546, %cond3A_547 : i32
      scf.if %cond3A_548 {
        %add3A_584 = arith.constant 3 : i32
        %add3A_585 = arith.addi %mul3A_474, %add3A_584 : i32
        %dma_start3A_586 = arith.constant 0 : i32
        %dma_start3A_587 = tpu.memref_slice %arg5[%add3A_585, %dma_start3A_586] : memref<200x128xi32, #tpu.memory_space<vmem>> -> memref<1x128xi32, #tpu.memory_space<vmem>>
        %dma_start3A_588 = tpu.memref_squeeze %dma_start3A_587 : memref<1x128xi32, #tpu.memory_space<vmem>> -> memref<128xi32, #tpu.memory_space<vmem>>
        %dma_start3A_589 = arith.constant 0 : i32
        %dma_start3A_590 = arith.constant 0 : i32
        %dma_start3A_591 = tpu.memref_slice %arg3[%dma_start3A_589, %dma_start3A_590] : memref<1000000x64xf32, #tpu.memory_space<hbm>> -> memref<1000000x64xf32, #tpu.memory_space<hbm>>
        tpu.enqueue_indirect_dma source(%dma_start3A_591 : memref<1000000x64xf32, #tpu.memory_space<hbm>>) target(%arg7 : memref<128x64xf32, #tpu.memory_space<vmem>>) offsets(%dma_start3A_588 : memref<128xi32, #tpu.memory_space<vmem>>) semaphore(%arg11 : memref<!tpu.dma_semaphore, #tpu.memory_space<semaphore_mem>>)
      } else {
      }
      %add3A_549 = arith.constant 1 : i32
      %add3A_550 = arith.addi %mul3A_474, %add3A_549 : i32
      %jit3A_551 = arith.constant 50 : i32
      %div3A_552 = arith.divsi %add3A_550, %jit3A_551 : i32
      %sign3A_553 = arith.constant 0 : i32
      %sign3A_554 = arith.cmpi sgt, %add3A_550, %sign3A_553 : i32
      %sign3A_555 = arith.extui %sign3A_554 : i1 to i32
      %sign3A_556 = arith.constant 0 : i32
      %sign3A_557 = arith.cmpi slt, %add3A_550, %sign3A_556 : i32
      %sign3A_558 = arith.extui %sign3A_557 : i1 to i32
      %sign3A_559 = arith.subi %sign3A_555, %sign3A_558 : i32
      %sign3A_560 = arith.constant 0 : i32
      %sign3A_561 = arith.cmpi sgt, %jit3A_551, %sign3A_560 : i32
      %sign3A_562 = arith.extui %sign3A_561 : i1 to i32
      %sign3A_563 = arith.constant 0 : i32
      %sign3A_564 = arith.cmpi slt, %jit3A_551, %sign3A_563 : i32
      %sign3A_565 = arith.extui %sign3A_564 : i1 to i32
      %sign3A_566 = arith.subi %sign3A_562, %sign3A_565 : i32
      %ne3A_567 = arith.cmpi ne, %sign3A_559, %sign3A_566 : i32
      %rem3A_568 = arith.remsi %add3A_550, %jit3A_551 : i32
      %ne3A_569 = arith.constant 0 : i32
      %ne3A_570 = arith.cmpi ne, %rem3A_568, %ne3A_569 : i32
      %and3A_571 = arith.andi %ne3A_567, %ne3A_570 : i1
      %sub3A_572 = arith.constant 1 : i32
      %sub3A_573 = arith.subi %div3A_552, %sub3A_572 : i32
      %select_n3A_574 = arith.select %and3A_571, %sub3A_573, %div3A_552 : i32
      %mul3A_575 = arith.constant 50 : i32
      %mul3A_576 = arith.muli %select_n3A_574, %mul3A_575 : i32
      %sub3A_577 = arith.subi %add3A_550, %mul3A_576 : i32
      %mul3A_578 = arith.constant 4 : i32
      %mul3A_579 = arith.muli %add3A, %mul3A_578 : i32
      %add3A_580 = arith.addi %mul3A_579, %select_n3A_574 : i32
      %parallel_loop3A_581 = arith.constant 0 : i32
      %parallel_loop3A_582 = arith.constant 8 : i32
      %parallel_loop3A_583 = arith.constant 1 : i32
      scf.for %parallel_loop3A_584 = %parallel_loop3A_581 to %parallel_loop3A_582 step %parallel_loop3A_583  : i32 {
        %parallel_loop3A_585 = arith.constant 8 : i32
        %parallel_loop3A_586 = arith.muli %parallel_loop3A_584, %parallel_loop3A_585 : i32
        %parallel_loop3A_587 = arith.constant 0 : i32
        %parallel_loop3A_588 = tpu.memref_slice %arg9[%parallel_loop3A_586, %parallel_loop3A_587] : memref<64x128xf32, #tpu.memory_space<vmem>> -> memref<8x128xf32, #tpu.memory_space<vmem>>
        %parallel_loop3A_589 = arith.constant 0 : i32
        %parallel_loop3A_590 = arith.constant 0 : i32
        %parallel_loop3A_591 = tpu.memref_slice %arg4[%sub3A_577, %parallel_loop3A_584, %add3A_580, %parallel_loop3A_589, %parallel_loop3A_590] : memref<50x8x128x8x128xf32, #tpu.memory_space<hbm>> -> memref<1x1x1x8x128xf32, #tpu.memory_space<hbm>>
        %parallel_loop3A_592 = tpu.memref_squeeze %parallel_loop3A_591 : memref<1x1x1x8x128xf32, #tpu.memory_space<hbm>> -> memref<8x128xf32, #tpu.memory_space<hbm>>
        %parallel_loop3A_593 = arith.constant 0 : i32
        %parallel_loop3A_594 = arith.constant 0 : i32
        %parallel_loop3A_595 = tpu.memref_slice %arg4[%sub3A_577, %parallel_loop3A_584, %add3A_580, %parallel_loop3A_593, %parallel_loop3A_594] : memref<50x8x128x8x128xf32, #tpu.memory_space<hbm>> -> memref<1x1x1x8x128xf32, #tpu.memory_space<hbm>>
        %parallel_loop3A_596 = tpu.memref_squeeze %parallel_loop3A_595 : memref<1x1x1x8x128xf32, #tpu.memory_space<hbm>> -> memref<8x128xf32, #tpu.memory_space<hbm>>
        %parallel_loop3A_597 = arith.constant 0 : i32
        %parallel_loop3A_598 = tpu.memref_slice %arg9[%parallel_loop3A_586, %parallel_loop3A_597] : memref<64x128xf32, #tpu.memory_space<vmem>> -> memref<8x128xf32, #tpu.memory_space<vmem>>
        tpu.enqueue_dma source(%parallel_loop3A_598 : memref<8x128xf32, #tpu.memory_space<vmem>>) target(%parallel_loop3A_596 : memref<8x128xf32, #tpu.memory_space<hbm>>) target_semaphore(%arg13 : memref<!tpu.dma_semaphore, #tpu.memory_space<semaphore_mem>>)
      } {sc.loop_unroll_factor = 1 : i64, sc.parallel_access}
    }
    %scan3A_459 = arith.constant 99 : i32
    %scan3A_460 = arith.constant 0 : i32
    %scan3A_461 = arith.constant 0 : i32
    %scan3A_462 = arith.constant 8 : i32
    %scan3A_463 = arith.addi %scan3A_461, %scan3A_462 : i32
    %scan3A_464 = arith.constant 1 : i32
    scf.for %scan3A_472 = %scan3A_461 to %scan3A_463 step %scan3A_464  : i32 {
      %dma_wait3A_473 = arith.constant 0 : i32
      %dma_wait3A_474 = arith.constant 0 : i32
      %dma_wait3A_475 = arith.constant 0 : i32
      %dma_wait3A_476 = arith.constant 0 : i32
      %dma_wait3A_477 = arith.constant 0 : i32
      %dma_wait3A_478 = tpu.memref_slice %arg8[%dma_wait3A_476, %dma_wait3A_477] : memref<64x128xf32, #tpu.memory_space<vmem>> -> memref<8x128xf32, #tpu.memory_space<vmem>>
      %dma_wait3A_479 = arith.constant 0 : i32
      %dma_wait3A_480 = arith.constant 0 : i32
      %dma_wait3A_481 = tpu.memref_slice %arg4[%dma_wait3A_473, %dma_wait3A_474, %dma_wait3A_475, %dma_wait3A_479, %dma_wait3A_480] : memref<50x8x128x8x128xf32, #tpu.memory_space<hbm>> -> memref<1x1x1x8x128xf32, #tpu.memory_space<hbm>>
      %dma_wait3A_482 = tpu.memref_squeeze %dma_wait3A_481 : memref<1x1x1x8x128xf32, #tpu.memory_space<hbm>> -> memref<8x128xf32, #tpu.memory_space<hbm>>
      %dma_wait3A_483 = arith.constant 0 : i32
      %dma_wait3A_484 = arith.constant 0 : i32
      %dma_wait3A_485 = tpu.memref_slice %arg4[%dma_wait3A_473, %dma_wait3A_474, %dma_wait3A_475, %dma_wait3A_483, %dma_wait3A_484] : memref<50x8x128x8x128xf32, #tpu.memory_space<hbm>> -> memref<1x1x1x8x128xf32, #tpu.memory_space<hbm>>
      %dma_wait3A_486 = tpu.memref_squeeze %dma_wait3A_485 : memref<1x1x1x8x128xf32, #tpu.memory_space<hbm>> -> memref<8x128xf32, #tpu.memory_space<hbm>>
      %dma_wait3A_487 = arith.constant 0 : i32
      %dma_wait3A_488 = arith.constant 0 : i32
      %dma_wait3A_489 = tpu.memref_slice %arg8[%dma_wait3A_487, %dma_wait3A_488] : memref<64x128xf32, #tpu.memory_space<vmem>> -> memref<8x128xf32, #tpu.memory_space<vmem>>
      tpu.wait_dma2 semaphore(%arg12 : memref<!tpu.dma_semaphore, #tpu.memory_space<semaphore_mem>>) src(%dma_wait3A_489 : memref<8x128xf32, #tpu.memory_space<vmem>>) dst(%dma_wait3A_486 : memref<8x128xf32, #tpu.memory_space<hbm>>)
    }
    %scan3A_465 = arith.constant 8 : i32
    %scan3A_466 = arith.constant 0 : i32
    %scan3A_467 = arith.constant 0 : i32
    %scan3A_468 = arith.constant 8 : i32
    %scan3A_469 = arith.addi %scan3A_467, %scan3A_468 : i32
    %scan3A_470 = arith.constant 1 : i32
    scf.for %scan3A_472 = %scan3A_467 to %scan3A_469 step %scan3A_470  : i32 {
      %dma_wait3A_473 = arith.constant 0 : i32
      %dma_wait3A_474 = arith.constant 0 : i32
      %dma_wait3A_475 = arith.constant 0 : i32
      %dma_wait3A_476 = arith.constant 0 : i32
      %dma_wait3A_477 = arith.constant 0 : i32
      %dma_wait3A_478 = tpu.memref_slice %arg9[%dma_wait3A_476, %dma_wait3A_477] : memref<64x128xf32, #tpu.memory_space<vmem>> -> memref<8x128xf32, #tpu.memory_space<vmem>>
      %dma_wait3A_479 = arith.constant 0 : i32
      %dma_wait3A_480 = arith.constant 0 : i32
      %dma_wait3A_481 = tpu.memref_slice %arg4[%dma_wait3A_473, %dma_wait3A_474, %dma_wait3A_475, %dma_wait3A_479, %dma_wait3A_480] : memref<50x8x128x8x128xf32, #tpu.memory_space<hbm>> -> memref<1x1x1x8x128xf32, #tpu.memory_space<hbm>>
      %dma_wait3A_482 = tpu.memref_squeeze %dma_wait3A_481 : memref<1x1x1x8x128xf32, #tpu.memory_space<hbm>> -> memref<8x128xf32, #tpu.memory_space<hbm>>
      %dma_wait3A_483 = arith.constant 0 : i32
      %dma_wait3A_484 = arith.constant 0 : i32
      %dma_wait3A_485 = tpu.memref_slice %arg4[%dma_wait3A_473, %dma_wait3A_474, %dma_wait3A_475, %dma_wait3A_483, %dma_wait3A_484] : memref<50x8x128x8x128xf32, #tpu.memory_space<hbm>> -> memref<1x1x1x8x128xf32, #tpu.memory_space<hbm>>
      %dma_wait3A_486 = tpu.memref_squeeze %dma_wait3A_485 : memref<1x1x1x8x128xf32, #tpu.memory_space<hbm>> -> memref<8x128xf32, #tpu.memory_space<hbm>>
      %dma_wait3A_487 = arith.constant 0 : i32
      %dma_wait3A_488 = arith.constant 0 : i32
      %dma_wait3A_489 = tpu.memref_slice %arg9[%dma_wait3A_487, %dma_wait3A_488] : memref<64x128xf32, #tpu.memory_space<vmem>> -> memref<8x128xf32, #tpu.memory_space<vmem>>
      tpu.wait_dma2 semaphore(%arg13 : memref<!tpu.dma_semaphore, #tpu.memory_space<semaphore_mem>>) src(%dma_wait3A_489 : memref<8x128xf32, #tpu.memory_space<vmem>>) dst(%dma_wait3A_486 : memref<8x128xf32, #tpu.memory_space<hbm>>)
    }
    %scan3A_471 = arith.constant 8 : i32
    return
  }
}

</mosaic_0001>

<sc_bundles>
// kernel: kernel.3.cloned.1.call-start
scs
__scs_entry_jumppad:
0x0: {  	(pc) =	sbr.rel $0x88, $3  }
0x1: {  	(tag) =	ssettag $0x0;
	lr =	simm.s32 $0x1  }
0x2: {  	[smem:$0x3F9F] =	sst lr;
	_ =	strace $0xD0000000  }
0x3: {  	_ = 	snop  }
0x4: {  	_ = 	snop  }
0x5: {  	_ = 	snop  }
0x6: {  	_ = 	snop  }
0x7: {  	_ = 	snop  }
__scs_overlays_trampoline_lowered:
0x8: {  	[smem:$0x3FAE] =	sst s0  }
0x9: {  	[smem:$0x3FAF] =	sst s1  }
0xa: {  	[smem:$0x3FB0] =	sst s2  }
0xb: {  	[smem:$0x3FB1] =	sst s3  }
0xc: {  	[smem:$0x3FB2] =	sst s4  }
0xd: {  	[smem:$0x3FB3] =	sst s5  }
0xe: {  	[smem:$0x3FB4] =	sst s6  }
0xf: {  	[smem:$0x3FB5] =	sst s7  }
0x10: {  	[smem:$0x3FB6] =	sst s8  }
0x11: {  	[smem:$0x3FB7] =	sst s9;
	s0 =	simm.s32 @!p0 $0x0  }
0x12: {  	s1 =	sld [smem:$0x3F9D];
	s0 =	simm.s32 @p0 $0x1  }
0x13: {  	[smem:$0x3FB8] =	sst s0;
	s0 =	simm.s32 @!p1 $0x0  }
0x14: {  	s2 =	sld [smem:$0x3F9C];
	s0 =	simm.s32 @p1 $0x1  }
0x15: {  	[smem:$0x3FB9] =	sst s0;
	s0 =	simm.s32 @!p2 $0x0  }
0x16: {  	s3 =	sld [smem:$0x3FDB];
	s0 =	simm.s32 @p2 $0x1  }
0x17: {  	s4 =	simm.s32 $0x1BF5;
	[smem:$0x3FBB] =	sst s0  }
0x18: {  	s0 =	sld [smem:$0x3F9E];
	_ =	swait.ge [sflag:s4], $0x0  }
0x19: {  	s7 =	sld [smem:$0x3F9F]  }
0x1a: {  	s8 =	sadd.s32 $0xFFFFE003, lr  }
0x1b: {  	s9 =	sadd.s32 $0xFFFFFEF7, lr;
	s5 =	simm.s32 $0xFFFFFFFF;
	p2 =	slt.u32 s8, $0xFFFFF086  }
0x1c: {  	p1 =	slt.u32 s9, $0xF7A;
	s5 =	simm.s32 @!p2 $0x0  }
0x1d: {  	s5 =	simm.s32 @p1 $0x1;
	p0 =	seq.s32 s7, s2  }
0x1e: {  	s7 =	smul.u32 @!p0 $0xF7A, s2;
	p2 =	seq.s32 @!p0 s5, $0x0  }
0x1f: {  	s9 =	smul.u32 $0xF7A, s1;
	s8 =	simm.s32 @!p0 $0x1BF5;
	p2 =	por !p2, p0  }
0x20: {  	[sflag:s8] =	ssyncset.s32 @!p0 $0xFFFFF086;
	s6 =	sadd.s32 @!p0 s3, s7;
	s7 =	simm.s32 @!p0 $0x108  }
0x21: {  	s3 =	sadd.s32 s3, s9;
	s6 =	sadd.s32 @!p0 $0x88, s6;
	s7 =	simm.s32 @p2 $0x1082  }
0x22: {  	[simem:s7], [sflag:s8] =	dma.local @!p0 [hbm:s6], $0xF7A  }
0x23: {  	s9 =	sor.u32 $0xD0000000, s2;
	s6 =	simm.s32 $0x108;
	_ =	swait.ge @!p0 [sflag:s8], $0x0  }
0x24: {  	s3 =	sadd.s32 $0x88, s3;
	s6 =	simm.s32 @!p1 $0x1082;
	[sflag:s4] =	ssyncset.s32 $0xFFFFF086  }
0x25: {  	[simem:s6], [sflag:s4] =	dma.local [hbm:s3], $0xF7A  }
0x26: {  	[smem:$0x3F9F] =	sst s1;
	(tag) =	ssettag s2;
	_ =	strace s9  }
0x27: {  	s1 =	sld [smem:$0x3FAF]  }
0x28: {  	s2 =	sld [smem:$0x3FB0]  }
0x29: {  	s4 =	sld [smem:$0x3FB2]  }
0x2a: {  	p0 =	seq.s32 s5, $0x0;
	s5 =	sld [smem:$0x3FB3]  }
0x2b: {  	s6 =	sld [smem:$0x3FB4]  }
0x2c: {  	s7 =	sld [smem:$0x3FB5]  }
0x2d: {  	s3 =	simm.s32 $0x108;
	s8 =	sld [smem:$0x3FB6]  }
0x2e: {  	s3 =	simm.s32 @!p0 $0x1082;
	s9 =	sld [smem:$0x3FB7]  }
0x2f: {  	lr =	sadd.s32 s0, s3;
	s0 =	sld [smem:$0x3FAE]  }
0x30: {  	s3 =	sld [smem:$0x3FB1]  }
0x31: {  	[smem:$0x3FBA] =	sst s10  }
0x32: {  	s10 =	sld [smem:$0x3FB8];
	_ =	sdelay $0x3  }
0x33: {  	p0 =	seq.s32 s10, $0x1;
	s10 =	sld [smem:$0x3FBA];
	_ =	sdelay $0x3  }
0x34: {  	[smem:$0x3FBA] =	sst s10  }
0x35: {  	s10 =	sld [smem:$0x3FB9];
	_ =	sdelay $0x3  }
0x36: {  	p1 =	seq.s32 s10, $0x1;
	s10 =	sld [smem:$0x3FBA];
	_ =	sdelay $0x3  }
0x37: {  	[smem:$0x3FBA] =	sst s10  }
0x38: {  	s10 =	sld [smem:$0x3FBB]  }
0x39: {  	_ = 	snop;
	(pc) =	sbr.ind lr, $3  }
0x3a: {  	_ = 	snop  }
0x3b: {  	_ = 	snop  }
0x3c: {  	p2 =	seq.s32 s10, $0x1;
	s10 =	sld [smem:$0x3FBA]  }
0x3d: {  	_ =	shalt  }
0x3e: {  	_ =	shalt  }
0x3f: {  	_ =	shalt  }
0x40: {  	_ =	shalt  }
0x41: {  	_ =	shalt  }
0x42: {  	_ =	shalt  }
0x43: {  	_ =	shalt  }
0x44: {  	_ =	shalt  }
0x45: {  	_ =	shalt  }
0x46: {  	_ =	shalt  }
0x47: {  	_ =	shalt  }
0x48: {  	_ =	shalt  }
0x49: {  	_ =	shalt  }
0x4a: {  	_ =	shalt  }
0x4b: {  	_ =	shalt  }
0x4c: {  	_ =	shalt  }
0x4d: {  	_ =	shalt  }
0x4e: {  	_ =	shalt  }
0x4f: {  	_ =	shalt  }
0x50: {  	_ =	shalt  }
0x51: {  	_ =	shalt  }
0x52: {  	_ =	shalt  }
0x53: {  	_ =	shalt  }
0x54: {  	_ =	shalt  }
0x55: {  	_ =	shalt  }
0x56: {  	_ =	shalt  }
0x57: {  	_ =	shalt  }
0x58: {  	_ =	shalt  }
0x59: {  	_ =	shalt  }
0x5a: {  	_ =	shalt  }
0x5b: {  	_ =	shalt  }
0x5c: {  	_ =	shalt  }
0x5d: {  	_ =	shalt  }
0x5e: {  	_ =	shalt  }
0x5f: {  	_ =	shalt  }
0x60: {  	_ =	shalt  }
0x61: {  	_ =	shalt  }
0x62: {  	_ =	shalt  }
0x63: {  	_ =	shalt  }
0x64: {  	_ =	shalt  }
0x65: {  	_ =	shalt  }
0x66: {  	_ =	shalt  }
0x67: {  	_ =	shalt  }
0x68: {  	_ =	shalt  }
0x69: {  	_ =	shalt  }
0x6a: {  	_ =	shalt  }
0x6b: {  	_ =	shalt  }
0x6c: {  	_ =	shalt  }
0x6d: {  	_ =	shalt  }
0x6e: {  	_ =	shalt  }
0x6f: {  	_ =	shalt  }
0x70: {  	_ =	shalt  }
0x71: {  	_ =	shalt  }
0x72: {  	_ =	shalt  }
0x73: {  	_ =	shalt  }
0x74: {  	_ =	shalt  }
0x75: {  	_ =	shalt  }
0x76: {  	_ =	shalt  }
0x77: {  	_ =	shalt  }
0x78: {  	_ =	shalt  }
0x79: {  	_ =	shalt  }
0x7a: {  	_ =	shalt  }
0x7b: {  	_ =	shalt  }
0x7c: {  	_ =	shalt  }
0x7d: {  	_ =	shalt  }
0x7e: {  	_ =	shalt  }
0x7f: {  	_ =	shalt  }
0x80: {  	_ =	shalt  }
0x81: {  	_ =	shalt  }
0x82: {  	_ =	shalt  }
0x83: {  	_ =	shalt  }
0x84: {  	_ =	shalt  }
0x85: {  	_ =	shalt  }
0x86: {  	_ =	shalt  }
0x87: {  	_ =	shalt  }
.Lfunc_end0:
.L_simem_size_0:
called_computation_lowered:
.L_overlay_start_0:
0x88: {  	s2 =	sld [smem:$0x3FD9]  }
0x89: {  	s3 =	sld [smem:$0x3FFE];
	_ =	sdelay $0x1  }
0x8a: {  	s1 =	srdreg.scid  }
0x8b: {  	s0 =	sand.u32 $0x1, s1  }
0x8c: {  	s17 =	sshll.u32 s0, $0xA;
	s2 =	sadd.s32 s3, s2  }
0x8d: {  	s2 =	sadd.s32 s2, s17  }
0x8e: {  	[smem:$0x3FC6] =	sst s2  }
0x8f: {  	_ = 	snop  }
0x90: {  	s2 =	sld [smem:$0x3FD0];
	(tm) =	ssettm $0x1  }
0x91: {  	s18 =	sld [smem:$0x3FFB];
	_ =	sdelay $0x3  }
0x92: {  	_ =	strace s18  }
0x93: {  	s3 =	sld [smem:$0x3FFC];
	_ =	sdelay $0x3  }
0x94: {  	_ =	strace s3  }
0x95: {  	s3 =	sld [smem:$0x3FFD];
	_ =	sdelay $0x3  }
0x96: {  	_ =	strace s3  }
0x97: {  	_ =	strace $0x8FFFFFFF  }
0x98: {  	s19 =	sld [smem:$0x3FDB];
	_ =	sdelay $0x1  }
0x99: {  	s4 =	simm.s32 $_scs_section_size  }
0x9a: {  	s5 =	simm.s32 $_size__tile_overlayer_lowered;
	s6 =	simm.s32 $_tile_overlayer_lowered  }
0x9b: {  	s22 =	simm.s32 $0x1BFF;
	s21 =	sshll.u32 s6, $0x1;
	s3 =	sadd.s32 s4, s19  }
0x9c: {  	s7 =	simm.s32 $0x0;
	s20 =	sshll.u32 s5, $0x1;
	s5 =	sadd.s32 s21, s3  }
0x9d: {  	[timem:s7], [sflag:s22] =	dma.local [hbm:s5], s20  }
0x9e: {  	_ =	swait.ge [sflag:s22], s20  }
0x9f: {  	s4 =	ssub.s32 $0x0, s20;
	[sflag:s22] =	ssyncset.done $0x0  }
0xa0: {  	[sflag:s22] =	ssyncadd.s32 s4;
	_ =	sdelay $0x1  }
0xa1: {  	s23 =	simm.s32 $0x1B8B  }
0xa2: {  	_ =	swait.ge [sflag:s23], $0x1  }
0xa3: {  	[sflag:s23] =	ssyncset.done $0x0  }
0xa4: {  	s25 =	simm.s32 $0x1B8E;
	s24 =	sld [smem:$0x3FFE];
	[sflag:s23] =	ssyncadd.s32 $0xFFFFFFFF  }
0xa5: {  	s26 =	simm.s32 $execute0_lowered;
	[smem:$0x3FD2] =	sst s25  }
0xa6: {  	s5 =	sshll.u32 s26, $0x1;
	_ =	strace $0x80000046;
	[dreg:$0x1] =	wrdreg $0xFFFFFFFF  }
0xa7: {  	s28 =	simm.s32 $_size_execute0_lowered;
	s3 =	sadd.s32 s3, s5;
	[dreg:$0x0] =	wrdreg $0x0  }
0xa8: {  	s5 =	sshll.u32 s28, $0x1;
	[dreg:$0x2] =	wrdreg s3  }
0xa9: {  	[dreg:$0x3] =	wrdreg s5  }
0xaa: {  	[dreg:$0x4] =	wrdreg $0xC0  }
0xab: {  	_ =	task [dreg:s7], $0x5FFFF  }
0xac: {  	[dreg:$0x1] =	wrdreg $0xFFFFFFFF  }
0xad: {  	[dreg:$0x0] =	wrdreg $0x60  }
0xae: {  	[dreg:$0x2] =	wrdreg s24  }
0xaf: {  	[dreg:$0x3] =	wrdreg s2  }
0xb0: {  	[dreg:$0x4] =	wrdreg $0x9  }
0xb1: {  	_ =	task.clear_ibuf [dreg:s7], $0x5FFFF;
	_ =	strace $0x90000046  }
0xb2: {  	s29 =	simm.s32 $0x9;
	_ =	strace $0x80000048  }
0xb3: {  	_ =	swait.ge [sflag:s29], $0x1  }
0xb4: {  	[sflag:s29] =	ssyncadd.s32 $0xFFFFFFFF  }
0xb5: {  	_ =	strace $0x90000048  }
0xb6: {  	_ =	sfence  }
0xb7: {  	s30 =	sld [smem:$0x0];
	_ =	sdelay $0x2  }
0xb8: {  	s31 =	sshll.u32 s1, $0xD;
	s1 =	sshrl.u32 s1, $0x2  }
0xb9: {  	s3 =	sand.u32 $0x4000, s31;
	s1 =	sadd.s32 s1, s30  }
0xba: {  	s0 =	sor.u32 s3, s0;
	s1 =	sshll.u32 s1, $0x11  }
0xbb: {  	s0 =	sor.u32 s1, s0  }
0xbc: {  	s0 =	sadd.s32 $0x8F2B, s0  }
0xbd: {  	[sflag:s0] =	ssyncadd.remote.s32 $0x1  }
0xbe: {  	_ =	sfence.sel $0xFFFF  }
0xbf: {  	[dreg:$0x0] =	wrdreg $0xFFFFFFFF;
	(pc) =	sbr.abs _section_cstart, $3  }
0xc0: {  	[dreg:$0x1] =	wrdreg $0xFFFFFFFF  }
0xc1: {  	_ =	task.clear_ibuf [dreg:s7], $0x2FFFF;
	_ =	strace $0x9FFFFFFF  }
0xc2: {  	(tm) =	ssettm $0x7FFFFFFF  }
0xc3: {  	_ =	shalt  }
tec
execute0_lowered:
.L_overlay_start_1:
0x0: {  	(tag) =	ssettag $0x1  }
0x1: {  	vm14 =	vcmask $0x300;
	v0 =	vimm.s32 $0x787  }
0x2: {  	vm13 =	vcmask $0x704;
	vm12 =	vcmask $0xB08;
	vm11 =	vcmask $0xF0C  }
0x3: {  	vm10 =	vcmask $0x1310;
	vm9 =	vcmask $0x1714;
	vm8 =	vcmask $0x1B18  }
0x4: {  	vm7 =	vcmask $0x1F1C;
	vm5 =	vcmask $0x2320;
	v1 =	vimm.s32 $0x7  }
0x5: {  	vm6 =	vcmask $0x2724;
	vm4 =	vcmask $0x2B28;
	vm1 =	vcmask $0x2F2C  }
0x6: {  	vm2 =	vcmask $0x3330;
	vm3 =	vcmask $0x3734;
	v3 =	vimm.s32 $0x87654321  }
0x7: {  	v4 =	vimm.s32 $0x87;
	vm0 =	vcmask $0x3B38;
	v35 =	vimm.s32 $0x107  }
0x8: {  	v36 =	vimm.s32 $0x98765432;
	v38 =	vimm.s32 $0x210FEDCB;
	v7 =	vimm.s32 $0xA9876543  }
0x9: {  	v42 =	vimm.s32 $0x187;
	v45 =	vimm.s32 $0xBA987654;
	v10 =	vimm.s32 $0x207  }
0xa: {  	v56 =	vimm.s32 $0x43210FED;
	v58 =	vimm.s32 $0xCBA98765;
	v13 =	vimm.s32 $0x287  }
0xb: {  	v22 =	vimm.s32 $0x543210FE;
	v15 =	vimm.s32 $0xEDCBA987;
	v33 =	vimm.s32 $0xFEDCBA98  }
0xc: {  	v19 =	vimm.s32 $0x1187;
	v24 =	vimm.s32 $0x1407;
	v25 =	vimm.s32 $0x1487  }
0xd: {  	v26 =	vimm.s32 $0x1507;
	v27 =	vimm.s32 $0x1587;
	v28 =	vimm.s32 $0x1607  }
0xe: {  	v29 =	vimm.s32 $0x1687;
	v0 =	vsel vm14, $0x0, v0;
	v1 =	vsel vm14, $0x80, v1  }
0xf: {  	v3 =	vunpack.c.l.s4.s8 v3;
	v4 =	vsel vm14, $0x100, v4;
	v7 =	vunpack.c.l.s4.s8 v7  }
0x10: {  	v43 =	vsel vm14, $0x200, v42;
	v10 =	vsel vm14, $0x280, v10;
	v20 =	vsel vm14, $0x300, v13  }
0x11: {  	v15 =	vunpack.c.l.s4.s8 v15;
	v42 =	vimm.s32 $0xB87;
	v19 =	vsel vm14, $0x1200, v19  }
0x12: {  	v24 =	vsel vm14, $0x1480, v24;
	v25 =	vsel vm14, $0x1500, v25;
	v26 =	vsel vm14, $0x1580, v26  }
0x13: {  	v27 =	vsel vm14, $0x1600, v27;
	v28 =	vsel vm14, $0x1680, v28;
	v29 =	vsel vm14, $0x1700, v29  }
0x14: {  	v0 =	vsel vm13, $0x81, v0;
	v1 =	vsel vm13, $0x101, v1;
	v4 =	vsel vm13, $0x181, v4  }
0x15: {  	v10 =	vsel vm13, $0x301, v10;
	v19 =	vsel vm13, $0x1281, v19;
	v24 =	vsel vm13, $0x1501, v24  }
0x16: {  	v25 =	vsel vm13, $0x1581, v25;
	v26 =	vsel vm13, $0x1601, v26;
	v27 =	vsel vm13, $0x1681, v27  }
0x17: {  	v28 =	vsel vm13, $0x1701, v28;
	v29 =	vsel vm13, $0x1781, v29;
	v0 =	vsel vm12, $0x102, v0  }
0x18: {  	v1 =	vsel vm12, $0x182, v1;
	v4 =	vsel vm12, $0x202, v4;
	v0 =	vsel vm11, $0x183, v0  }
0x19: {  	v7 =	vunpack.c.0.s8.s32 v7;
	v10 =	vsel vm12, $0x382, v10;
	v0 =	vsel vm10, $0x204, v0  }
0x1a: {  	v31 =	vunpack.c.0.s8.s32 v15;
	v1 =	vsel vm11, $0x203, v1;
	v0 =	vsel vm9, $0x285, v0  }
0x1b: {  	v10 =	vsel vm11, $0x403, v10;
	v1 =	vsel vm10, $0x284, v1;
	v0 =	vsel vm8, $0x306, v0  }
0x1c: {  	v54 =	vsel vm10, $0x484, v10;
	v1 =	vsel vm9, $0x305, v1;
	v0 =	vsel vm7, $0x387, v0  }
0x1d: {  	v10 =	vunpack.c.l.s4.s8 v56;
	v1 =	vsel vm8, $0x386, v1;
	v0 =	vsel vm5, $0x400, v0  }
0x1e: {  	v4 =	vsel vm11, $0x283, v4;
	v1 =	vsel vm7, $0x407, v1;
	v0 =	vsel vm6, $0x481, v0  }
0x1f: {  	v59 =	vunpack.c.0.s8.s32 v10;
	v5 =	vsel vm5, $0x480, v1;
	v0 =	vsel vm4, $0x502, v0  }
0x20: {  	v1 =	vunpack.c.0.s8.s32 v3;
	v3 =	vsel vm6, $0x501, v5;
	v0 =	vsel vm1, $0x583, v0  }
0x21: {  	v5 =	vunpack.c.l.s4.s8 v36;
	v36 =	vimm.s32 $0x487;
	v0 =	vsel vm2, $0x604, v0  }
0x22: {  	v3 =	vsel vm4, $0x582, v3;
	v2 =	vsel vm3, $0x685, v0;
	v0 =	vimm.s32 $0xFEDCBA9  }
0x23: {  	v3 =	vsel vm1, $0x603, v3;
	v0 =	vunpack.c.l.s4.s8 v0;
	v51 =	vsel vm0, $0x706, v2  }
0x24: {  	v2 =	vsel vm2, $0x684, v3;
	v3 =	vsel vm10, $0x304, v4;
	v4 =	vsel vm14, $0x180, v35  }
0x25: {  	v35 =	vimm.s32 $0x407;
	v2 =	vsel vm3, $0x705, v2;
	v3 =	vsel vm9, $0x385, v3  }
0x26: {  	v4 =	vsel vm13, $0x201, v4;
	v0 =	vunpack.c.0.s8.s32 v0;
	v57 =	vsel vm0, $0x786, v2  }
0x27: {  	v2 =	vimm.s32 $0x10FEDCBA;
	v3 =	vsel vm8, $0x406, v3;
	v6 =	vsel vm12, $0x282, v4  }
0x28: {  	v4 =	vunpack.c.0.s8.s32 v5;
	v2 =	vunpack.c.l.s4.s8 v2;
	v3 =	vsel vm7, $0x487, v3  }
0x29: {  	v37 =	vsel vm11, $0x303, v6;
	v6 =	vunpack.c.l.s4.s8 v38;
	v34 =	vcombine.low v1, v0  }
0x2a: {  	v3 =	vsel vm5, $0x500, v3;
	v5 =	vsel vm10, $0x384, v37;
	v0 =	vcombine.low v0, v1  }
0x2b: {  	v3 =	vsel vm6, $0x581, v3;
	v2 =	vunpack.c.0.s8.s32 v2;
	v5 =	vsel vm9, $0x405, v5  }
0x2c: {  	v39 =	vunpack.c.0.s8.s32 v6;
	v52 =	vand.u32 $0xF, v34;
	v3 =	vsel vm4, $0x602, v3  }
0x2d: {  	v9 =	vsel vm8, $0x486, v5;
	v34 =	vimm.s32 $0x76543210;
	v0 =	vand.u32 $0xF, v0  }
0x2e: {  	v3 =	vsel vm1, $0x683, v3;
	v8 =	vcombine.low v4, v2;
	v40 =	vsel vm7, $0x507, v9  }
0x2f: {  	v41 =	vcombine.low v7, v39;
	v9 =	vunpack.c.l.s4.s8 v45;
	v2 =	vcombine.low v2, v4  }
0x30: {  	v38 =	vcombine.low v39, v7;
	v39 =	vimm.s32 $0xA07;
	v7 =	vsel vm14, $0xC00, v42  }
0x31: {  	v45 =	vimm.s32 $0xD07;
	v42 =	vimm.s32 $0x1D07;
	v3 =	vsel vm2, $0x704, v3  }
0x32: {  	v6 =	vsel vm5, $0x580, v40;
	v4 =	vsel vm14, $0xA80, v39;
	v40 =	vimm.s32 $0xA87  }
0x33: {  	v39 =	vimm.s32 $0x1B87;
	v42 =	vsel vm14, $0x1D80, v42;
	v7 =	vsel vm13, $0xC81, v7  }
0x34: {  	v49 =	vand.u32 $0xF, v8;
	v3 =	vsel vm3, $0x785, v3;
	v6 =	vsel vm6, $0x601, v6  }
0x35: {  	v60 =	vand.u32 $0xF, v41;
	v46 =	vunpack.c.0.s8.s32 v9;
	v2 =	vand.u32 $0xF, v2  }
0x36: {  	v5 =	vsel vm14, $0xB00, v40;
	v41 =	vimm.s32 $0xB07;
	v40 =	vimm.s32 $0x1C07  }
0x37: {  	v39 =	vsel vm14, $0x1C00, v39;
	v4 =	vsel vm13, $0xB01, v4;
	v42 =	vsel vm13, $0x1E01, v42  }
0x38: {  	v50 =	vsel vm0, $0x6, v3;
	v3 =	vsel vm4, $0x682, v6;
	v6 =	vsel vm13, $0x281, v43  }
0x39: {  	[tilespmem:$0x1F860] =	vst v2;
	v2 =	vimm.s32 $0x587;
	v43 =	vimm.s32 $0xC07;
	v40 =	vsel vm14, $0x1C80, v40  }
0x3a: {  	v5 =	vsel vm13, $0xB81, v5;
	v39 =	vsel vm13, $0x1C81, v39;
	v3 =	vsel vm1, $0x703, v3  }
0x3b: {  	v6 =	vsel vm12, $0x302, v6;
	v2 =	vsel vm14, $0x600, v2;
	v40 =	vsel vm13, $0x1D01, v40  }
0x3c: {  	v44 =	vsel vm2, $0x784, v3;
	v3 =	vimm.s32 $0x3210FEDC;
	v6 =	vsel vm11, $0x383, v6  }
0x3d: {  	v3 =	vunpack.c.l.s4.s8 v3;
	v6 =	vsel vm10, $0x404, v6;
	v8 =	vsel vm3, $0x5, v44  }
0x3e: {  	v44 =	vimm.s32 $0xC87;
	v11 =	vsel vm9, $0x485, v6;
	v61 =	vsel vm0, $0x86, v8  }
0x3f: {  	v6 =	vsel vm14, $0xB80, v41;
	v41 =	vimm.s32 $0x1C87;
	v3 =	vunpack.c.0.s8.s32 v3  }
0x40: {  	v47 =	vsel vm8, $0x506, v11;
	v11 =	vunpack.c.l.s4.s8 v58;
	v41 =	vsel vm14, $0x1D00, v41  }
0x41: {  	v6 =	vsel vm13, $0xC01, v6;
	v9 =	vsel vm7, $0x587, v47;
	v47 =	vimm.s32 $0x1007  }
0x42: {  	v41 =	vsel vm13, $0x1D81, v41;
	v48 =	vcombine.low v46, v3;
	v9 =	vsel vm5, $0x600, v9  }
0x43: {  	v63 =	vunpack.c.0.s8.s32 v11;
	v11 =	vsel vm13, $0x381, v20;
	v3 =	vcombine.low v3, v46  }
0x44: {  	v46 =	vimm.s32 $0xD87;
	v20 =	vimm.s32 $0x1207;
	v53 =	vsel vm6, $0x681, v9  }
0x45: {  	v9 =	vsel vm9, $0x505, v54;
	v11 =	vsel vm12, $0x402, v11;
	v54 =	vimm.s32 $0x1107  }
0x46: {  	v20 =	vsel vm14, $0x1280, v20;
	v55 =	vand.u32 $0xF, v48;
	v8 =	vsel vm4, $0x702, v53  }
0x47: {  	v9 =	vsel vm8, $0x586, v9;
	v13 =	vcombine.low v63, v59;
	v11 =	vsel vm11, $0x483, v11  }
0x48: {  	v53 =	vimm.s32 $0x1087;
	v20 =	vsel vm13, $0x1301, v20;
	v8 =	vsel vm1, $0x783, v8  }
0x49: {  	v9 =	vsel vm7, $0x607, v9;
	v21 =	vsel vm10, $0x504, v11;
	v11 =	vunpack.c.l.s4.s8 v22  }
0x4a: {  	[tilespmem:$0x1F7A0] =	vst v55;
	v22 =	vimm.s32 $0x1307;
	v55 =	vimm.s32 $0x18171615;
	v12 =	vsel vm2, $0x4, v8  }
0x4b: {  	v9 =	vsel vm5, $0x680, v9;
	v8 =	vsel vm14, $0xC80, v43;
	v22 =	vsel vm14, $0x1380, v22  }
0x4c: {  	v43 =	vimm.s32 $0x1D87;
	v62 =	vsel vm6, $0x701, v9;
	v12 =	vsel vm3, $0x85, v12  }
0x4d: {  	v9 =	vsel vm14, $0xD00, v44;
	v43 =	vsel vm14, $0x1E00, v43;
	v44 =	vimm.s32 $0x1E07  }
0x4e: {  	v8 =	vsel vm13, $0xD01, v8;
	v22 =	vsel vm13, $0x1401, v22;
	v10 =	vsel vm4, $0x782, v62  }
0x4f: {  	v12 =	vsel vm0, $0x106, v12;
	v44 =	vsel vm14, $0x1E80, v44;
	v9 =	vsel vm13, $0xD81, v9  }
0x50: {  	v43 =	vsel vm13, $0x1E81, v43;
	v10 =	vsel vm1, $0x3, v10;
	[tilespmem:$0x1F7B0] =	vst v12;
	v12 =	vand.u32 $0xF, v13  }
0x51: {  	v13 =	vimm.s32 $0xDCBA9876;
	v44 =	vsel vm13, $0x1F01, v44;
	v10 =	vsel vm2, $0x84, v10  }
0x52: {  	[tilespmem:$0x1F7C0] =	vst v12;
	v12 =	vimm.s32 $0x307;
	v13 =	vunpack.c.l.s4.s8 v13;
	v10 =	vsel vm3, $0x105, v10  }
0x53: {  	v62 =	vsel vm12, $0x1F82, v44;
	v12 =	vsel vm14, $0x380, v12;
	v10 =	vsel vm0, $0x186, v10  }
0x54: {  	v12 =	vsel vm13, $0x401, v12;
	v13 =	vunpack.c.0.s8.s32 v13;
	[tilespmem:$0x1F7D0] =	vst v10;
	v10 =	vsel vm9, $0x585, v21  }
0x55: {  	v14 =	vsel vm12, $0x482, v12;
	v12 =	vunpack.c.0.s8.s32 v11;
	v21 =	vimm.s32 $0x1287  }
0x56: {  	v10 =	vsel vm8, $0x606, v10;
	v23 =	vsel vm11, $0x503, v14;
	v14 =	vimm.s32 $0x6543210F  }
0x57: {  	v21 =	vsel vm14, $0x1300, v21;
	v10 =	vsel vm7, $0x687, v10;
	v11 =	vsel vm10, $0x584, v23  }
0x58: {  	v14 =	vunpack.c.l.s4.s8 v14;
	v16 =	vcombine.low v13, v12;
	v23 =	vimm.s32 $0x1387  }
0x59: {  	v21 =	vsel vm13, $0x1381, v21;
	v10 =	vsel vm5, $0x700, v10;
	v11 =	vsel vm9, $0x605, v11  }
0x5a: {  	v23 =	vsel vm14, $0x1400, v23;
	v10 =	vsel vm6, $0x781, v10;
	v11 =	vsel vm8, $0x686, v11  }
0x5b: {  	v30 =	vunpack.c.0.s8.s32 v14;
	v15 =	vand.u32 $0xF, v16;
	v23 =	vsel vm13, $0x1481, v23  }
0x5c: {  	v10 =	vsel vm4, $0x2, v10;
	v18 =	vsel vm7, $0x707, v11;
	v11 =	vsel vm14, $0xE00, v46  }
0x5d: {  	v46 =	vimm.s32 $0x1F07;
	v17 =	vsel vm1, $0x83, v10;
	v14 =	vsel vm5, $0x780, v18  }
0x5e: {  	v32 =	vcombine.low v31, v30;
	v10 =	vsel vm14, $0xD80, v45;
	v18 =	vsel vm14, $0x1180, v54  }
0x5f: {  	v45 =	vimm.s32 $0x1E87;
	v46 =	vsel vm14, $0x1F80, v46;
	v11 =	vsel vm13, $0xE81, v11  }
0x60: {  	[tilespmem:$0x1F7E0] =	vst v15;
	v15 =	vsel vm2, $0x104, v17;
	v14 =	vsel vm6, $0x1, v14;
	v17 =	vsel vm14, $0x480, v35  }
0x61: {  	v35 =	vimm.s32 $0x1987;
	v45 =	vsel vm14, $0x1F00, v45;
	v10 =	vsel vm13, $0xE01, v10  }
0x62: {  	v18 =	vsel vm13, $0x1201, v18;
	v46 =	vsel vm13, $0x1801, v46;
	v15 =	vsel vm3, $0x185, v15  }
0x63: {  	v14 =	vsel vm4, $0x82, v14;
	v16 =	vand.u32 $0xF, v32;
	v17 =	vsel vm13, $0x501, v17  }
0x64: {  	v32 =	vimm.s32 $0x1807;
	v35 =	vsel vm14, $0x1A00, v35;
	v45 =	vsel vm13, $0x1F81, v45  }
0x65: {  	v54 =	vsel vm12, $0x1882, v46;
	v15 =	vsel vm0, $0x206, v15;
	v14 =	vsel vm1, $0x103, v14  }
0x66: {  	[tilespmem:$0x1F800] =	vst v16;
	v16 =	vunpack.c.l.s4.s8 v33;
	v32 =	vsel vm14, $0x1880, v32;
	v33 =	vimm.s32 $0x1887  }
0x67: {  	v35 =	vsel vm13, $0x1A81, v35;
	[tilespmem:$0x1F7F0] =	vst v15;
	v15 =	vimm.s32 $0x387;
	v14 =	vsel vm2, $0x184, v14  }
0x68: {  	v33 =	vsel vm14, $0x1900, v33;
	v15 =	vsel vm14, $0x400, v15;
	v14 =	vsel vm3, $0x205, v14  }
0x69: {  	v32 =	vsel vm13, $0x1901, v32;
	v15 =	vsel vm13, $0x481, v15;
	v14 =	vsel vm0, $0x286, v14  }
0x6a: {  	v16 =	vunpack.c.0.s8.s32 v16;
	v15 =	vsel vm12, $0x502, v15;
	[tilespmem:$0x1F810] =	vst v14;
	v14 =	vunpack.c.l.s4.s8 v34  }
0x6b: {  	v33 =	vsel vm13, $0x1981, v33;
	v34 =	vimm.s32 $0x1907;
	v15 =	vsel vm11, $0x583, v15  }
0x6c: {  	v34 =	vsel vm14, $0x1980, v34;
	v15 =	vsel vm10, $0x604, v15;
	v14 =	vunpack.c.0.s8.s32 v14  }
0x6d: {  	v16 =	vand.u32 $0xF, v16;
	v34 =	vsel vm13, $0x1A01, v34;
	v15 =	vsel vm9, $0x685, v15  }
0x6e: {  	v14 =	vcombine.low v16, v14;
	v16 =	vsel vm14, $0x500, v36;
	v36 =	vimm.s32 $0x1A07  }
0x6f: {  	v15 =	vsel vm8, $0x706, v15;
	v16 =	vsel vm13, $0x581, v16;
	v36 =	vsel vm14, $0x1A80, v36  }
0x70: {  	[tilespmem:$0x1F820] =	vst v14;
	v14 =	vsel vm7, $0x787, v15;
	v15 =	vsel vm12, $0x582, v17;
	v16 =	vsel vm12, $0x602, v16  }
0x71: {  	v17 =	vsel vm14, $0x1100, v53;
	v36 =	vsel vm13, $0x1B01, v36;
	v53 =	vsel vm12, $0x1802, v45  }
0x72: {  	v14 =	vsel vm5, $0x0, v14;
	v15 =	vsel vm11, $0x603, v15;
	v16 =	vsel vm11, $0x683, v16  }
0x73: {  	v17 =	vsel vm13, $0x1181, v17;
	v44 =	vsel vm11, $0x1883, v53;
	v15 =	vsel vm10, $0x684, v15  }
0x74: {  	v14 =	vsel vm6, $0x81, v14;
	v16 =	vsel vm10, $0x704, v16;
	v15 =	vsel vm9, $0x705, v15  }
0x75: {  	v44 =	vsel vm10, $0x1904, v44;
	v14 =	vsel vm4, $0x102, v14;
	v15 =	vsel vm8, $0x786, v15  }
0x76: {  	v44 =	vsel vm9, $0x1985, v44;
	v14 =	vsel vm1, $0x183, v14;
	v15 =	vsel vm7, $0x7, v15  }
0x77: {  	v44 =	vsel vm8, $0x1A06, v44;
	v14 =	vsel vm2, $0x204, v14;
	v15 =	vsel vm5, $0x80, v15  }
0x78: {  	v14 =	vsel vm3, $0x285, v14;
	v1 =	vsel vm6, $0x101, v15;
	v15 =	vsel vm9, $0x785, v16  }
0x79: {  	v14 =	vsel vm0, $0x306, v14;
	v16 =	vsel vm14, $0x1080, v47;
	v47 =	vimm.s32 $0x14131211  }
0x7a: {  	[tilespmem:$0x1F830] =	vst v14;
	v1 =	vsel vm4, $0x182, v1;
	v14 =	vsel vm8, $0x6, v15;
	v15 =	vimm.s32 $0x1787  }
0x7b: {  	[tilespmem:$0x1F840] =	vst v0;
	v47 =	vunpack.c.0.s8.s32 v47;
	v16 =	vsel vm13, $0x1101, v16;
	v0 =	vsel vm1, $0x203, v1  }
0x7c: {  	v1 =	vsel vm7, $0x87, v14;
	v14 =	vimm.s32 $0x507;
	v15 =	vsel vm14, $0x1000, v15  }
0x7d: {  	v0 =	vsel vm2, $0x284, v0;
	v1 =	vsel vm5, $0x100, v1;
	v14 =	vsel vm14, $0x580, v14  }
0x7e: {  	[tilespmem:$0x1FDB0] =	vst v47;
	v15 =	vsel vm13, $0x1081, v15;
	v47 =	vunpack.c.0.s8.s32 v55;
	v55 =	vimm.s32 $0x1D1C1B1A  }
0x7f: {  	v0 =	vsel vm3, $0x305, v0;
	v1 =	vsel vm6, $0x181, v1;
	v37 =	vsel vm13, $0x601, v14  }
0x80: {  	v14 =	vimm.s32 $0xF07;
	v1 =	vsel vm4, $0x202, v1;
	v0 =	vsel vm0, $0x386, v0  }
0x81: {  	v46 =	vunpack.c.0.s8.s32 v55;
	[tilespmem:$0x1F850] =	vst v0;
	v0 =	vsel vm1, $0x283, v1;
	v1 =	vsel vm12, $0x682, v37  }
0x82: {  	v14 =	vsel vm14, $0xF80, v14;
	v0 =	vsel vm2, $0x304, v0;
	v1 =	vsel vm11, $0x703, v1  }
0x83: {  	v37 =	vimm.s32 $0x1A87;
	v0 =	vsel vm3, $0x385, v0;
	v1 =	vsel vm10, $0x784, v1  }
0x84: {  	v37 =	vsel vm14, $0x1B00, v37;
	v1 =	vsel vm9, $0x5, v1;
	v0 =	vsel vm0, $0x406, v0  }
0x85: {  	v14 =	vsel vm13, $0x801, v14;
	v37 =	vsel vm13, $0x1B81, v37;
	[tilespmem:$0x1F870] =	vst v0;
	v0 =	vsel vm8, $0x86, v1  }
0x86: {  	v1 =	vsel vm13, $0x681, v2;
	v2 =	vand.u32 $0xF, v38;
	v38 =	vimm.s32 $0x1B07  }
0x87: {  	[tilespmem:$0x1F880] =	vst v2;
	v0 =	vsel vm7, $0x107, v0;
	v1 =	vsel vm12, $0x702, v1;
	v2 =	vimm.s32 $0x607  }
0x88: {  	v38 =	vsel vm14, $0x1B80, v38;
	v0 =	vsel vm5, $0x180, v0;
	v1 =	vsel vm11, $0x783, v1  }
0x89: {  	v2 =	vsel vm14, $0x680, v2;
	v0 =	vsel vm6, $0x201, v0;
	v1 =	vsel vm10, $0x4, v1  }
0x8a: {  	v2 =	vsel vm13, $0x701, v2;
	v0 =	vsel vm4, $0x282, v0;
	v1 =	vsel vm9, $0x85, v1  }
0x8b: {  	v2 =	vsel vm12, $0x782, v2;
	v0 =	vsel vm1, $0x303, v0;
	v1 =	vsel vm8, $0x106, v1  }
0x8c: {  	v2 =	vsel vm11, $0x3, v2;
	v0 =	vsel vm2, $0x384, v0;
	v1 =	vsel vm7, $0x187, v1  }
0x8d: {  	v2 =	vsel vm10, $0x84, v2;
	v0 =	vsel vm3, $0x405, v0;
	v1 =	vsel vm5, $0x200, v1  }
0x8e: {  	v2 =	vsel vm9, $0x105, v2;
	v1 =	vsel vm6, $0x281, v1;
	v0 =	vsel vm0, $0x486, v0  }
0x8f: {  	v38 =	vsel vm13, $0x1C01, v38;
	[tilespmem:$0x1F890] =	vst v0;
	v0 =	vsel vm4, $0x302, v1;
	v1 =	vsel vm8, $0x186, v2  }
0x90: {  	v2 =	vand.u32 $0xF, v3;
	v3 =	vcombine.low v12, v13;
	v12 =	vimm.s32 $0xE07  }
0x91: {  	v13 =	vimm.s32 $0xE87;
	v0 =	vsel vm1, $0x383, v0;
	v1 =	vsel vm7, $0x207, v1  }
0x92: {  	[tilespmem:$0x1F8A0] =	vst v2;
	v2 =	vimm.s32 $0x687;
	v12 =	vsel vm14, $0xE80, v12;
	v0 =	vsel vm2, $0x404, v0  }
0x93: {  	v13 =	vsel vm14, $0xF00, v13;
	v1 =	vsel vm5, $0x280, v1;
	v0 =	vsel vm3, $0x485, v0  }
0x94: {  	v2 =	vsel vm14, $0x700, v2;
	v1 =	vsel vm6, $0x301, v1;
	v0 =	vsel vm0, $0x506, v0  }
0x95: {  	v12 =	vsel vm13, $0xF01, v12;
	v13 =	vsel vm13, $0xF81, v13;
	[tilespmem:$0x1F8B0] =	vst v0;
	v0 =	vsel vm4, $0x382, v1  }
0x96: {  	v1 =	vsel vm13, $0x781, v2;
	v2 =	vcombine.low v59, v63;
	v59 =	vsel vm12, $0x1F02, v43  }
0x97: {  	v43 =	vsel vm11, $0x1803, v62;
	v0 =	vsel vm1, $0x403, v0;
	v1 =	vsel vm12, $0x2, v1  }
0x98: {  	v43 =	vsel vm10, $0x1884, v43;
	v0 =	vsel vm2, $0x484, v0;
	v1 =	vsel vm11, $0x83, v1  }
0x99: {  	v2 =	vand.u32 $0xF, v2;
	v43 =	vsel vm9, $0x1905, v43;
	v0 =	vsel vm3, $0x505, v0  }
0x9a: {  	[tilespmem:$0x1F8C0] =	vst v2;
	v1 =	vsel vm10, $0x104, v1;
	v2 =	vimm.s32 $0xF87;
	v0 =	vsel vm0, $0x586, v0  }
0x9b: {  	v43 =	vsel vm8, $0x1986, v43;
	v2 =	vsel vm14, $0x800, v2;
	[tilespmem:$0x1F8D0] =	vst v0;
	v0 =	vand.u32 $0xF, v3  }
0x9c: {  	v2 =	vsel vm13, $0x881, v2;
	[tilespmem:$0x1F8E0] =	vst v0;
	v0 =	vsel vm9, $0x185, v1;
	v1 =	vimm.s32 $0x707  }
0x9d: {  	v3 =	vcombine.low v30, v31;
	v0 =	vsel vm8, $0x206, v0;
	v1 =	vsel vm14, $0x780, v1  }
0x9e: {  	v30 =	vimm.s32 $0x1707;
	v0 =	vsel vm7, $0x287, v0;
	v1 =	vsel vm13, $0x1, v1  }
0x9f: {  	v31 =	vimm.s32 $0x1F87;
	v0 =	vsel vm5, $0x300, v0;
	v1 =	vsel vm12, $0x82, v1  }
0xa0: {  	v2 =	vsel vm12, $0x902, v2;
	v0 =	vsel vm6, $0x381, v0;
	v1 =	vsel vm11, $0x103, v1  }
0xa1: {  	v30 =	vsel vm14, $0x1780, v30;
	v0 =	vsel vm4, $0x402, v0;
	v1 =	vsel vm10, $0x184, v1  }
0xa2: {  	v2 =	vsel vm11, $0x983, v2;
	v0 =	vsel vm1, $0x483, v0;
	v1 =	vsel vm9, $0x205, v1  }
0xa3: {  	v2 =	vsel vm10, $0xA04, v2;
	v0 =	vsel vm2, $0x504, v0;
	v1 =	vsel vm8, $0x286, v1  }
0xa4: {  	v2 =	vsel vm9, $0xA85, v2;
	v0 =	vsel vm3, $0x585, v0;
	v1 =	vsel vm7, $0x307, v1  }
0xa5: {  	v2 =	vsel vm8, $0xB06, v2;
	v48 =	vsel vm0, $0x606, v0;
	v0 =	vsel vm5, $0x380, v1  }
0xa6: {  	v31 =	vsel vm14, $0x1800, v31;
	v2 =	vsel vm7, $0xB87, v2;
	v0 =	vsel vm6, $0x401, v0  }
0xa7: {  	v1 =	vsel vm5, $0xC00, v2;
	v2 =	vand.u32 $0xF, v3;
	v0 =	vsel vm4, $0x482, v0  }
0xa8: {  	[tilespmem:$0x1F8F0] =	vst v2;
	v1 =	vsel vm6, $0xC81, v1;
	v2 =	vimm.s32 $0x807;
	v0 =	vsel vm1, $0x503, v0  }
0xa9: {  	v1 =	vsel vm4, $0xD02, v1;
	v2 =	vsel vm14, $0x880, v2;
	v0 =	vsel vm2, $0x584, v0  }
0xaa: {  	v1 =	vsel vm1, $0xD83, v1;
	v2 =	vsel vm13, $0x901, v2;
	v0 =	vsel vm3, $0x605, v0  }
0xab: {  	v1 =	vsel vm2, $0xE04, v1;
	v2 =	vsel vm12, $0x982, v2;
	v0 =	vsel vm0, $0x686, v0  }
0xac: {  	v30 =	vsel vm13, $0x1001, v30;
	v1 =	vsel vm3, $0xE85, v1;
	[tilespmem:$0x1F900] =	vst v0;
	v0 =	vsel vm11, $0xA03, v2  }
0xad: {  	v31 =	vsel vm13, $0x1881, v31;
	v58 =	vsel vm0, $0xF06, v1;
	v0 =	vsel vm10, $0xA84, v0  }
0xae: {  	v1 =	vimm.s32 $0x1C1B1A19;
	v2 =	vimm.s32 $0x887;
	v0 =	vsel vm9, $0xB05, v0  }
0xaf: {  	v63 =	vunpack.c.0.s8.s32 v1;
	v1 =	vsel vm14, $0x900, v2;
	v0 =	vsel vm8, $0xB86, v0  }
0xb0: {  	v3 =	vimm.s32 $0x987;
	v1 =	vsel vm13, $0x981, v1;
	v0 =	vsel vm7, $0xC07, v0  }
0xb1: {  	v3 =	vsel vm14, $0xA00, v3;
	v1 =	vsel vm12, $0xA02, v1;
	v0 =	vsel vm5, $0xC80, v0  }
0xb2: {  	v2 =	vimm.s32 $0x101F1E1D;
	v1 =	vsel vm11, $0xA83, v1;
	v0 =	vsel vm6, $0xD01, v0  }
0xb3: {  	v56 =	vunpack.c.0.s8.s32 v2;
	v1 =	vsel vm10, $0xB04, v1;
	v0 =	vsel vm4, $0xD82, v0  }
0xb4: {  	v2 =	vimm.s32 $0x907;
	v1 =	vsel vm9, $0xB85, v1;
	v0 =	vsel vm1, $0xE03, v0  }
0xb5: {  	v2 =	vsel vm14, $0x980, v2;
	v1 =	vsel vm8, $0xC06, v1;
	v0 =	vsel vm2, $0xE84, v0  }
0xb6: {  	v2 =	vsel vm13, $0xA01, v2;
	v1 =	vsel vm7, $0xC87, v1;
	v0 =	vsel vm3, $0xF05, v0  }
0xb7: {  	v2 =	vsel vm12, $0xA82, v2;
	v1 =	vsel vm5, $0xD00, v1;
	v0 =	vsel vm0, $0xF86, v0  }
0xb8: {  	v3 =	vsel vm13, $0xA81, v3;
	v2 =	vsel vm11, $0xB03, v2;
	[tilespmem:$0x1F910] =	vst v0;
	v0 =	vsel vm6, $0xD81, v1  }
0xb9: {  	v1 =	vsel vm10, $0xB84, v2;
	v2 =	vsel vm12, $0xB02, v3;
	v3 =	vsel vm12, $0xB82, v4  }
0xba: {  	v4 =	vsel vm12, $0xC02, v5;
	v5 =	vsel vm12, $0xC82, v6;
	v6 =	vsel vm12, $0xD02, v7  }
0xbb: {  	v7 =	vsel vm12, $0xD82, v8;
	v8 =	vsel vm12, $0xE02, v9;
	v9 =	vsel vm12, $0xE82, v10  }
0xbc: {  	v10 =	vsel vm12, $0xF02, v11;
	v11 =	vsel vm12, $0xF82, v12;
	v12 =	vsel vm12, $0x802, v13  }
0xbd: {  	v13 =	vsel vm12, $0x882, v14;
	v14 =	vsel vm12, $0x1102, v15;
	v15 =	vsel vm12, $0x1182, v16  }
0xbe: {  	v16 =	vsel vm12, $0x1202, v17;
	v17 =	vsel vm12, $0x1282, v18;
	v18 =	vsel vm12, $0x1302, v19  }
0xbf: {  	v19 =	vsel vm12, $0x1382, v20;
	v20 =	vsel vm12, $0x1402, v21;
	v21 =	vsel vm12, $0x1482, v22  }
0xc0: {  	v22 =	vsel vm12, $0x1502, v23;
	v23 =	vsel vm12, $0x1582, v24;
	v24 =	vsel vm12, $0x1602, v25  }
0xc1: {  	v25 =	vsel vm12, $0x1682, v26;
	v26 =	vsel vm12, $0x1702, v27;
	v27 =	vsel vm12, $0x1782, v28  }
0xc2: {  	v28 =	vsel vm12, $0x1002, v29;
	v29 =	vsel vm12, $0x1082, v30;
	v30 =	vsel vm12, $0x1902, v31  }
0xc3: {  	v31 =	vsel vm12, $0x1982, v32;
	v32 =	vsel vm12, $0x1A02, v33;
	v33 =	vsel vm12, $0x1A82, v34  }
0xc4: {  	v34 =	vsel vm12, $0x1B02, v35;
	v35 =	vsel vm12, $0x1B82, v36;
	v36 =	vsel vm12, $0x1C02, v37  }
0xc5: {  	v37 =	vsel vm12, $0x1C82, v38;
	v38 =	vsel vm12, $0x1D02, v39;
	v39 =	vsel vm12, $0x1D82, v40  }
0xc6: {  	v40 =	vsel vm12, $0x1E02, v41;
	v41 =	vsel vm12, $0x1E82, v42;
	v42 =	vsel vm11, $0x1F83, v59  }
0xc7: {  	v59 =	vimm.s32 $0x11101F1E;
	v0 =	vsel vm4, $0xE02, v0;
	v1 =	vsel vm9, $0xC05, v1  }
0xc8: {  	v2 =	vsel vm11, $0xB83, v2;
	v3 =	vsel vm11, $0xC03, v3;
	v4 =	vsel vm11, $0xC83, v4  }
0xc9: {  	v5 =	vsel vm11, $0xD03, v5;
	v6 =	vsel vm11, $0xD83, v6;
	v7 =	vsel vm11, $0xE03, v7  }
0xca: {  	v8 =	vsel vm11, $0xE83, v8;
	v9 =	vsel vm11, $0xF03, v9;
	v10 =	vsel vm11, $0xF83, v10  }
0xcb: {  	v11 =	vsel vm11, $0x803, v11;
	v12 =	vsel vm11, $0x883, v12;
	v13 =	vsel vm11, $0x903, v13  }
0xcc: {  	v14 =	vsel vm11, $0x1183, v14;
	v15 =	vsel vm11, $0x1203, v15;
	v16 =	vsel vm11, $0x1283, v16  }
0xcd: {  	v17 =	vsel vm11, $0x1303, v17;
	v18 =	vsel vm11, $0x1383, v18;
	v19 =	vsel vm11, $0x1403, v19  }
0xce: {  	v20 =	vsel vm11, $0x1483, v20;
	v21 =	vsel vm11, $0x1503, v21;
	v22 =	vsel vm11, $0x1583, v22  }
0xcf: {  	v23 =	vsel vm11, $0x1603, v23;
	v24 =	vsel vm11, $0x1683, v24;
	v25 =	vsel vm11, $0x1703, v25  }
0xd0: {  	v26 =	vsel vm11, $0x1783, v26;
	v27 =	vsel vm11, $0x1003, v27;
	v28 =	vsel vm11, $0x1083, v28  }
0xd1: {  	v29 =	vsel vm11, $0x1103, v29;
	v30 =	vsel vm11, $0x1983, v30;
	v31 =	vsel vm11, $0x1A03, v31  }
0xd2: {  	v32 =	vsel vm11, $0x1A83, v32;
	v33 =	vsel vm11, $0x1B03, v33;
	v34 =	vsel vm11, $0x1B83, v34  }
0xd3: {  	v35 =	vsel vm11, $0x1C03, v35;
	v36 =	vsel vm11, $0x1C83, v36;
	v37 =	vsel vm11, $0x1D03, v37  }
0xd4: {  	v38 =	vsel vm11, $0x1D83, v38;
	v39 =	vsel vm11, $0x1E03, v39;
	v40 =	vsel vm11, $0x1E83, v40  }
0xd5: {  	v41 =	vsel vm11, $0x1F03, v41;
	v55 =	vunpack.c.0.s8.s32 v59;
	v42 =	vsel vm10, $0x1804, v42  }
0xd6: {  	v59 =	vimm.s32 $0x1E1D1C1B;
	v0 =	vsel vm1, $0xE83, v0;
	v1 =	vsel vm8, $0xC86, v1  }
0xd7: {  	v2 =	vsel vm10, $0xC04, v2;
	v3 =	vsel vm10, $0xC84, v3;
	v4 =	vsel vm10, $0xD04, v4  }
0xd8: {  	v5 =	vsel vm10, $0xD84, v5;
	v6 =	vsel vm10, $0xE04, v6;
	v7 =	vsel vm10, $0xE84, v7  }
0xd9: {  	v8 =	vsel vm10, $0xF04, v8;
	v9 =	vsel vm10, $0xF84, v9;
	v10 =	vsel vm10, $0x804, v10  }
0xda: {  	v11 =	vsel vm10, $0x884, v11;
	v12 =	vsel vm10, $0x904, v12;
	v13 =	vsel vm10, $0x984, v13  }
0xdb: {  	v14 =	vsel vm10, $0x1204, v14;
	v15 =	vsel vm10, $0x1284, v15;
	v16 =	vsel vm10, $0x1304, v16  }
0xdc: {  	v17 =	vsel vm10, $0x1384, v17;
	v18 =	vsel vm10, $0x1404, v18;
	v19 =	vsel vm10, $0x1484, v19  }
0xdd: {  	v20 =	vsel vm10, $0x1504, v20;
	v21 =	vsel vm10, $0x1584, v21;
	v22 =	vsel vm10, $0x1604, v22  }
0xde: {  	v23 =	vsel vm10, $0x1684, v23;
	v24 =	vsel vm10, $0x1704, v24;
	v25 =	vsel vm10, $0x1784, v25  }
0xdf: {  	v26 =	vsel vm10, $0x1004, v26;
	v27 =	vsel vm10, $0x1084, v27;
	v28 =	vsel vm10, $0x1104, v28  }
0xe0: {  	v29 =	vsel vm10, $0x1184, v29;
	v30 =	vsel vm10, $0x1A04, v30;
	v31 =	vsel vm10, $0x1A84, v31  }
0xe1: {  	v32 =	vsel vm10, $0x1B04, v32;
	v33 =	vsel vm10, $0x1B84, v33;
	v34 =	vsel vm10, $0x1C04, v34  }
0xe2: {  	v35 =	vsel vm10, $0x1C84, v35;
	v36 =	vsel vm10, $0x1D04, v36;
	v37 =	vsel vm10, $0x1D84, v37  }
0xe3: {  	v38 =	vsel vm10, $0x1E04, v38;
	v39 =	vsel vm10, $0x1E84, v39;
	v40 =	vsel vm10, $0x1F04, v40  }
0xe4: {  	v41 =	vsel vm10, $0x1F84, v41;
	v42 =	vsel vm9, $0x1885, v42;
	v0 =	vsel vm2, $0xF04, v0  }
0xe5: {  	v1 =	vsel vm7, $0xD07, v1;
	v2 =	vsel vm9, $0xC85, v2;
	v3 =	vsel vm9, $0xD05, v3  }
0xe6: {  	v4 =	vsel vm9, $0xD85, v4;
	v5 =	vsel vm9, $0xE05, v5;
	v6 =	vsel vm9, $0xE85, v6  }
0xe7: {  	v7 =	vsel vm9, $0xF05, v7;
	v8 =	vsel vm9, $0xF85, v8;
	v9 =	vsel vm9, $0x805, v9  }
0xe8: {  	v10 =	vsel vm9, $0x885, v10;
	v11 =	vsel vm9, $0x905, v11;
	v12 =	vsel vm9, $0x985, v12  }
0xe9: {  	v13 =	vsel vm9, $0xA05, v13;
	v14 =	vsel vm9, $0x1285, v14;
	v15 =	vsel vm9, $0x1305, v15  }
0xea: {  	v16 =	vsel vm9, $0x1385, v16;
	v17 =	vsel vm9, $0x1405, v17;
	v18 =	vsel vm9, $0x1485, v18  }
0xeb: {  	v19 =	vsel vm9, $0x1505, v19;
	v20 =	vsel vm9, $0x1585, v20;
	v21 =	vsel vm9, $0x1605, v21  }
0xec: {  	v22 =	vsel vm9, $0x1685, v22;
	v23 =	vsel vm9, $0x1705, v23;
	v24 =	vsel vm9, $0x1785, v24  }
0xed: {  	v25 =	vsel vm9, $0x1005, v25;
	v26 =	vsel vm9, $0x1085, v26;
	v27 =	vsel vm9, $0x1105, v27  }
0xee: {  	v28 =	vsel vm9, $0x1185, v28;
	v29 =	vsel vm9, $0x1205, v29;
	v30 =	vsel vm9, $0x1A85, v30  }
0xef: {  	v31 =	vsel vm9, $0x1B05, v31;
	v32 =	vsel vm9, $0x1B85, v32;
	v33 =	vsel vm9, $0x1C05, v33  }
0xf0: {  	v34 =	vsel vm9, $0x1C85, v34;
	v35 =	vsel vm9, $0x1D05, v35;
	v36 =	vsel vm9, $0x1D85, v36  }
0xf1: {  	v37 =	vsel vm9, $0x1E05, v37;
	v38 =	vsel vm9, $0x1E85, v38;
	v39 =	vsel vm9, $0x1F05, v39  }
0xf2: {  	v40 =	vsel vm9, $0x1F85, v40;
	v41 =	vsel vm9, $0x1805, v41;
	v42 =	vsel vm8, $0x1906, v42  }
0xf3: {  	v0 =	vsel vm3, $0xF85, v0;
	v1 =	vsel vm5, $0xD80, v1;
	v2 =	vsel vm8, $0xD06, v2  }
0xf4: {  	v3 =	vsel vm8, $0xD86, v3;
	v4 =	vsel vm8, $0xE06, v4;
	v5 =	vsel vm8, $0xE86, v5  }
0xf5: {  	v6 =	vsel vm8, $0xF06, v6;
	v7 =	vsel vm8, $0xF86, v7;
	v8 =	vsel vm8, $0x806, v8  }
0xf6: {  	v9 =	vsel vm8, $0x886, v9;
	v10 =	vsel vm8, $0x906, v10;
	v11 =	vsel vm8, $0x986, v11  }
0xf7: {  	v12 =	vsel vm8, $0xA06, v12;
	v13 =	vsel vm8, $0xA86, v13;
	v14 =	vsel vm8, $0x1306, v14  }
0xf8: {  	v15 =	vsel vm8, $0x1386, v15;
	v16 =	vsel vm8, $0x1406, v16;
	v17 =	vsel vm8, $0x1486, v17  }
0xf9: {  	v18 =	vsel vm8, $0x1506, v18;
	v19 =	vsel vm8, $0x1586, v19;
	v20 =	vsel vm8, $0x1606, v20  }
0xfa: {  	v21 =	vsel vm8, $0x1686, v21;
	v22 =	vsel vm8, $0x1706, v22;
	v23 =	vsel vm8, $0x1786, v23  }
0xfb: {  	v24 =	vsel vm8, $0x1006, v24;
	v25 =	vsel vm8, $0x1086, v25;
	v26 =	vsel vm8, $0x1106, v26  }
0xfc: {  	v27 =	vsel vm8, $0x1186, v27;
	v28 =	vsel vm8, $0x1206, v28;
	v29 =	vsel vm8, $0x1286, v29  }
0xfd: {  	v30 =	vsel vm8, $0x1B06, v30;
	v31 =	vsel vm8, $0x1B86, v31;
	v32 =	vsel vm8, $0x1C06, v32  }
0xfe: {  	v33 =	vsel vm8, $0x1C86, v33;
	v34 =	vsel vm8, $0x1D06, v34;
	v0 =	vsel vm0, $0x806, v0  }
0xff: {  	v35 =	vsel vm8, $0x1D86, v35;
	v36 =	vsel vm8, $0x1E06, v36;
	[tilespmem:$0x1FE10] =	vst v0;
	v0 =	vunpack.c.0.s8.s32 v59  }
0x100: {  	v37 =	vsel vm8, $0x1E86, v37;
	v38 =	vsel vm8, $0x1F06, v38;
	v39 =	vsel vm8, $0x1F86, v39  }
0x101: {  	v40 =	vsel vm8, $0x1806, v40;
	v41 =	vsel vm8, $0x1886, v41;
	[tilespmem:$0x1F920] =	vst v0;
	v0 =	vsel vm6, $0xE01, v1  }
0x102: {  	v1 =	vsel vm7, $0xD87, v2;
	v2 =	vsel vm7, $0xE07, v3;
	v3 =	vsel vm7, $0xE87, v4  }
0x103: {  	v4 =	vsel vm7, $0xF07, v5;
	v5 =	vsel vm7, $0xF87, v6;
	v6 =	vsel vm7, $0x807, v7  }
0x104: {  	v7 =	vsel vm7, $0x887, v8;
	v8 =	vsel vm7, $0x907, v9;
	v9 =	vsel vm7, $0x987, v10  }
0x105: {  	v10 =	vsel vm7, $0xA07, v11;
	v11 =	vsel vm7, $0xA87, v12;
	v12 =	vsel vm7, $0xB07, v13  }
0x106: {  	v13 =	vsel vm7, $0x1387, v14;
	v14 =	vsel vm7, $0x1407, v15;
	v15 =	vsel vm7, $0x1487, v16  }
0x107: {  	v16 =	vsel vm7, $0x1507, v17;
	v17 =	vsel vm7, $0x1587, v18;
	v18 =	vsel vm7, $0x1607, v19  }
0x108: {  	v19 =	vsel vm7, $0x1687, v20;
	v20 =	vsel vm7, $0x1707, v21;
	v21 =	vsel vm7, $0x1787, v22  }
0x109: {  	v22 =	vsel vm7, $0x1007, v23;
	v23 =	vsel vm7, $0x1087, v24;
	v24 =	vsel vm7, $0x1107, v25  }
0x10a: {  	v25 =	vsel vm7, $0x1187, v26;
	v26 =	vsel vm7, $0x1207, v27;
	v27 =	vsel vm7, $0x1287, v28  }
0x10b: {  	v28 =	vsel vm7, $0x1307, v29;
	v29 =	vsel vm7, $0x1B87, v30;
	v30 =	vsel vm7, $0x1C07, v31  }
0x10c: {  	v31 =	vsel vm7, $0x1C87, v32;
	v32 =	vsel vm7, $0x1D07, v33;
	v33 =	vsel vm7, $0x1D87, v34  }
0x10d: {  	v34 =	vsel vm7, $0x1E07, v35;
	v35 =	vsel vm7, $0x1E87, v36;
	v36 =	vsel vm7, $0x1F07, v37  }
0x10e: {  	v37 =	vsel vm7, $0x1F87, v38;
	v38 =	vsel vm7, $0x1807, v39;
	v39 =	vsel vm7, $0x1887, v40  }
0x10f: {  	v40 =	vsel vm7, $0x1907, v41;
	v41 =	vsel vm7, $0x1987, v42;
	v42 =	vsel vm7, $0x1A07, v43  }
0x110: {  	v43 =	vsel vm7, $0x1A87, v44;
	v0 =	vsel vm4, $0xE82, v0;
	v1 =	vsel vm5, $0xE00, v1  }
0x111: {  	v2 =	vsel vm5, $0xE80, v2;
	v3 =	vsel vm5, $0xF00, v3;
	v4 =	vsel vm5, $0xF80, v4  }
0x112: {  	v5 =	vsel vm5, $0x800, v5;
	v6 =	vsel vm5, $0x880, v6;
	v7 =	vsel vm5, $0x900, v7  }
0x113: {  	v8 =	vsel vm5, $0x980, v8;
	v9 =	vsel vm5, $0xA00, v9;
	v10 =	vsel vm5, $0xA80, v10  }
0x114: {  	v11 =	vsel vm5, $0xB00, v11;
	v12 =	vsel vm5, $0xB80, v12;
	v13 =	vsel vm5, $0x1400, v13  }
0x115: {  	v14 =	vsel vm5, $0x1480, v14;
	v15 =	vsel vm5, $0x1500, v15;
	v16 =	vsel vm5, $0x1580, v16  }
0x116: {  	v17 =	vsel vm5, $0x1600, v17;
	v18 =	vsel vm5, $0x1680, v18;
	v19 =	vsel vm5, $0x1700, v19  }
0x117: {  	v20 =	vsel vm5, $0x1780, v20;
	v21 =	vsel vm5, $0x1000, v21;
	v22 =	vsel vm5, $0x1080, v22  }
0x118: {  	v23 =	vsel vm5, $0x1100, v23;
	v24 =	vsel vm5, $0x1180, v24;
	v25 =	vsel vm5, $0x1200, v25  }
0x119: {  	v26 =	vsel vm5, $0x1280, v26;
	v27 =	vsel vm5, $0x1300, v27;
	v28 =	vsel vm5, $0x1380, v28  }
0x11a: {  	v29 =	vsel vm5, $0x1C00, v29;
	v30 =	vsel vm5, $0x1C80, v30;
	v31 =	vsel vm5, $0x1D00, v31  }
0x11b: {  	v32 =	vsel vm5, $0x1D80, v32;
	v33 =	vsel vm5, $0x1E00, v33;
	v34 =	vsel vm5, $0x1E80, v34  }
0x11c: {  	v35 =	vsel vm5, $0x1F00, v35;
	v36 =	vsel vm5, $0x1F80, v36;
	v37 =	vsel vm5, $0x1800, v37  }
0x11d: {  	v38 =	vsel vm5, $0x1880, v38;
	v39 =	vsel vm5, $0x1900, v39;
	v40 =	vsel vm5, $0x1980, v40  }
0x11e: {  	v41 =	vsel vm5, $0x1A00, v41;
	v42 =	vsel vm5, $0x1A80, v42;
	v43 =	vsel vm5, $0x1B00, v43  }
0x11f: {  	v0 =	vsel vm1, $0xF03, v0;
	v1 =	vsel vm6, $0xE81, v1;
	v2 =	vsel vm6, $0xF01, v2  }
0x120: {  	v3 =	vsel vm6, $0xF81, v3;
	v4 =	vsel vm6, $0x801, v4;
	v5 =	vsel vm6, $0x881, v5  }
0x121: {  	v6 =	vsel vm6, $0x901, v6;
	v7 =	vsel vm6, $0x981, v7;
	v8 =	vsel vm6, $0xA01, v8  }
0x122: {  	v9 =	vsel vm6, $0xA81, v9;
	v10 =	vsel vm6, $0xB01, v10;
	v11 =	vsel vm6, $0xB81, v11  }
0x123: {  	v12 =	vsel vm6, $0xC01, v12;
	v13 =	vsel vm6, $0x1481, v13;
	v14 =	vsel vm6, $0x1501, v14  }
0x124: {  	v15 =	vsel vm6, $0x1581, v15;
	v16 =	vsel vm6, $0x1601, v16;
	v17 =	vsel vm6, $0x1681, v17  }
0x125: {  	v18 =	vsel vm6, $0x1701, v18;
	v19 =	vsel vm6, $0x1781, v19;
	v20 =	vsel vm6, $0x1001, v20  }
0x126: {  	v21 =	vsel vm6, $0x1081, v21;
	v22 =	vsel vm6, $0x1101, v22;
	v23 =	vsel vm6, $0x1181, v23  }
0x127: {  	v24 =	vsel vm6, $0x1201, v24;
	v25 =	vsel vm6, $0x1281, v25;
	v26 =	vsel vm6, $0x1301, v26  }
0x128: {  	v27 =	vsel vm6, $0x1381, v27;
	v28 =	vsel vm6, $0x1401, v28;
	v29 =	vsel vm6, $0x1C81, v29  }
0x129: {  	v30 =	vsel vm6, $0x1D01, v30;
	v31 =	vsel vm6, $0x1D81, v31;
	v32 =	vsel vm6, $0x1E01, v32  }
0x12a: {  	v33 =	vsel vm6, $0x1E81, v33;
	v34 =	vsel vm6, $0x1F01, v34;
	v35 =	vsel vm6, $0x1F81, v35  }
0x12b: {  	v36 =	vsel vm6, $0x1801, v36;
	v37 =	vsel vm6, $0x1881, v37;
	v38 =	vsel vm6, $0x1901, v38  }
0x12c: {  	v39 =	vsel vm6, $0x1981, v39;
	v40 =	vsel vm6, $0x1A01, v40;
	v0 =	vsel vm2, $0xF84, v0  }
0x12d: {  	v41 =	vsel vm6, $0x1A81, v41;
	v42 =	vsel vm6, $0x1B01, v42;
	v0 =	vsel vm3, $0x805, v0  }
0x12e: {  	v1 =	vsel vm4, $0xF02, v1;
	v2 =	vsel vm4, $0xF82, v2;
	v0 =	vsel vm0, $0x886, v0  }
0x12f: {  	v43 =	vsel vm6, $0x1B81, v43;
	[tilespmem:$0x1F960] =	vst v0;
	v0 =	vsel vm1, $0xF83, v1;
	v1 =	vsel vm1, $0x803, v2  }
0x130: {  	v2 =	vsel vm4, $0x802, v3;
	v3 =	vsel vm4, $0x882, v4;
	v4 =	vsel vm4, $0x902, v5  }
0x131: {  	v5 =	vsel vm4, $0x982, v6;
	v6 =	vsel vm4, $0xA02, v7;
	v7 =	vsel vm4, $0xA82, v8  }
0x132: {  	v8 =	vsel vm4, $0xB02, v9;
	v9 =	vsel vm4, $0xB82, v10;
	v10 =	vsel vm4, $0xC02, v11  }
0x133: {  	v11 =	vsel vm4, $0xC82, v12;
	v12 =	vsel vm4, $0x1502, v13;
	v13 =	vsel vm4, $0x1582, v14  }
0x134: {  	v14 =	vsel vm4, $0x1602, v15;
	v15 =	vsel vm4, $0x1682, v16;
	v16 =	vsel vm4, $0x1702, v17  }
0x135: {  	v17 =	vsel vm4, $0x1782, v18;
	v18 =	vsel vm4, $0x1002, v19;
	v19 =	vsel vm4, $0x1082, v20  }
0x136: {  	v20 =	vsel vm4, $0x1102, v21;
	v21 =	vsel vm4, $0x1182, v22;
	v22 =	vsel vm4, $0x1202, v23  }
0x137: {  	v23 =	vsel vm4, $0x1282, v24;
	v24 =	vsel vm4, $0x1302, v25;
	v25 =	vsel vm4, $0x1382, v26  }
0x138: {  	v26 =	vsel vm4, $0x1402, v27;
	v27 =	vsel vm4, $0x1482, v28;
	v28 =	vsel vm4, $0x1D02, v29  }
0x139: {  	v29 =	vsel vm4, $0x1D82, v30;
	v30 =	vsel vm4, $0x1E02, v31;
	v31 =	vsel vm4, $0x1E82, v32  }
0x13a: {  	v32 =	vsel vm4, $0x1F02, v33;
	v33 =	vsel vm4, $0x1F82, v34;
	v34 =	vsel vm4, $0x1802, v35  }
0x13b: {  	v35 =	vsel vm4, $0x1882, v36;
	v36 =	vsel vm4, $0x1902, v37;
	v37 =	vsel vm4, $0x1982, v38  }
0x13c: {  	v38 =	vsel vm4, $0x1A02, v39;
	v39 =	vsel vm4, $0x1A82, v40;
	v40 =	vsel vm4, $0x1B02, v41  }
0x13d: {  	v41 =	vsel vm4, $0x1B82, v42;
	v42 =	vsel vm4, $0x1C02, v43;
	v0 =	vsel vm2, $0x804, v0  }
0x13e: {  	v1 =	vsel vm2, $0x884, v1;
	v3 =	vsel vm1, $0x903, v3;
	v4 =	vsel vm1, $0x983, v4  }
0x13f: {  	v6 =	vsel vm1, $0xA83, v6;
	v7 =	vsel vm1, $0xB03, v7;
	v8 =	vsel vm1, $0xB83, v8  }
0x140: {  	v9 =	vsel vm1, $0xC03, v9;
	v10 =	vsel vm1, $0xC83, v10;
	v11 =	vsel vm1, $0xD03, v11  }
0x141: {  	v19 =	vsel vm1, $0x1103, v19;
	v20 =	vsel vm1, $0x1183, v20;
	v22 =	vsel vm1, $0x1283, v22  }
0x142: {  	v23 =	vsel vm1, $0x1303, v23;
	v24 =	vsel vm1, $0x1383, v24;
	v25 =	vsel vm1, $0x1403, v25  }
0x143: {  	v26 =	vsel vm1, $0x1483, v26;
	v27 =	vsel vm1, $0x1503, v27;
	v28 =	vsel vm1, $0x1D83, v28  }
0x144: {  	v29 =	vsel vm1, $0x1E03, v29;
	v41 =	vsel vm1, $0x1C03, v41;
	v42 =	vsel vm1, $0x1C83, v42  }
0x145: {  	v0 =	vsel vm3, $0x885, v0;
	v1 =	vsel vm3, $0x905, v1;
	v3 =	vsel vm2, $0x984, v3  }
0x146: {  	v4 =	vsel vm2, $0xA04, v4;
	v6 =	vsel vm2, $0xB04, v6;
	v41 =	vsel vm2, $0x1C84, v41  }
0x147: {  	[tilespmem:$0x1FDC0] =	vst v47;
	v42 =	vsel vm2, $0x1D04, v42;
	v47 =	vsel vm3, $0xA05, v3;
	v1 =	vsel vm0, $0x986, v1  }
0x148: {  	v4 =	vsel vm3, $0xA85, v4;
	v41 =	vsel vm3, $0x1D05, v41;
	[tilespmem:$0x1F9B0] =	vst v1;
	v1 =	vsel vm0, $0xA86, v47  }
0x149: {  	v3 =	vsel vm3, $0x1D85, v42;
	v42 =	vsel vm0, $0x906, v0;
	v0 =	vsel vm0, $0x1D86, v41;
	[tilespmem:$0x1F9C0] =	vst v1  }
0x14a: {  	v7 =	vsel vm2, $0xB84, v7;
	v6 =	vsel vm3, $0xB85, v6;
	v1 =	vsel vm0, $0xB06, v4;
	[tilespmem:$0x1FB80] =	vst v0  }
0x14b: {  	v7 =	vsel vm3, $0xC05, v7;
	v0 =	vimm.s32 $0x2C2B2A29;
	[tilespmem:$0x1F9D0] =	vst v1;
	v1 =	vsel vm0, $0xC06, v6  }
0x14c: {  	v8 =	vsel vm2, $0xC04, v8;
	v0 =	vunpack.c.0.s8.s32 v0;
	[tilespmem:$0x1F9E0] =	vst v1;
	v1 =	vsel vm0, $0xC86, v7  }
0x14d: {  	v34 =	vsel vm1, $0x1883, v34;
	v9 =	vsel vm2, $0xC84, v9;
	v8 =	vsel vm3, $0xC85, v8;
	[tilespmem:$0x1F9F0] =	vst v1  }
0x14e: {  	v10 =	vsel vm2, $0xD04, v10;
	v9 =	vsel vm3, $0xD05, v9;
	v1 =	vsel vm0, $0xD06, v8;
	[tilespmem:$0x1FB90] =	vst v0  }
0x14f: {  	v11 =	vsel vm2, $0xD84, v11;
	v10 =	vsel vm3, $0xD85, v10;
	[tilespmem:$0x1FA00] =	vst v1;
	v1 =	vsel vm0, $0xD86, v9  }
0x150: {  	v19 =	vsel vm2, $0x1184, v19;
	v11 =	vsel vm3, $0xE05, v11;
	[tilespmem:$0x1FA10] =	vst v1;
	v1 =	vsel vm0, $0xE06, v10  }
0x151: {  	v20 =	vsel vm2, $0x1204, v20;
	v19 =	vsel vm3, $0x1205, v19;
	[tilespmem:$0x1FA20] =	vst v1;
	v1 =	vsel vm0, $0xE86, v11  }
0x152: {  	v22 =	vsel vm2, $0x1304, v22;
	v20 =	vsel vm3, $0x1285, v20;
	[tilespmem:$0x1FA30] =	vst v1;
	v1 =	vsel vm0, $0x1286, v19  }
0x153: {  	v23 =	vsel vm2, $0x1384, v23;
	v22 =	vsel vm3, $0x1385, v22;
	[tilespmem:$0x1FA60] =	vst v1;
	v1 =	vsel vm0, $0x1306, v20  }
0x154: {  	v24 =	vsel vm2, $0x1404, v24;
	v23 =	vsel vm3, $0x1405, v23;
	[tilespmem:$0x1FA70] =	vst v1;
	v1 =	vsel vm0, $0x1406, v22  }
0x155: {  	v25 =	vsel vm2, $0x1484, v25;
	v24 =	vsel vm3, $0x1485, v24;
	[tilespmem:$0x1FA80] =	vst v1;
	v1 =	vsel vm0, $0x1486, v23  }
0x156: {  	v26 =	vsel vm2, $0x1504, v26;
	v25 =	vsel vm3, $0x1505, v25;
	[tilespmem:$0x1FA90] =	vst v1;
	v1 =	vsel vm0, $0x1506, v24  }
0x157: {  	v27 =	vsel vm2, $0x1584, v27;
	v26 =	vsel vm3, $0x1585, v26;
	[tilespmem:$0x1FAA0] =	vst v1;
	v1 =	vsel vm0, $0x1586, v25  }
0x158: {  	v28 =	vsel vm2, $0x1E04, v28;
	v27 =	vsel vm3, $0x1605, v27;
	[tilespmem:$0x1FAB0] =	vst v1;
	v1 =	vsel vm0, $0x1606, v26  }
0x159: {  	v29 =	vsel vm2, $0x1E84, v29;
	v28 =	vsel vm3, $0x1E85, v28;
	[tilespmem:$0x1FAC0] =	vst v1;
	v1 =	vsel vm0, $0x1686, v27  }
0x15a: {  	v34 =	vsel vm2, $0x1904, v34;
	v29 =	vsel vm3, $0x1F05, v29;
	[tilespmem:$0x1FAD0] =	vst v1;
	v1 =	vsel vm0, $0x1F06, v28  }
0x15b: {  	v34 =	vsel vm3, $0x1985, v34;
	v0 =	vimm.s32 $0x202F2E2D;
	[tilespmem:$0x1FAE0] =	vst v1;
	v1 =	vsel vm0, $0x1F86, v29  }
0x15c: {  	v0 =	vunpack.c.0.s8.s32 v0;
	[tilespmem:$0x1FAF0] =	vst v1;
	v1 =	vsel vm0, $0x1A06, v34  }
0x15d: {  	[tilespmem:$0x1FB30] =	vst v1;
	v1 =	vimm.s32 $0x24232221  }
0x15e: {  	[tilespmem:$0x1FBA0] =	vst v0;
	v0 =	vunpack.c.0.s8.s32 v1;
	_ =	sdelay $0x1  }
0x15f: {  	[tilespmem:$0x1FBB0] =	vst v0;
	v0 =	vimm.s32 $0x28272625  }
0x160: {  	v0 =	vunpack.c.0.s8.s32 v0;
	_ =	sdelay $0x1  }
0x161: {  	[tilespmem:$0x1FBC0] =	vst v0;
	v0 =	vimm.s32 $0x2D2C2B2A  }
0x162: {  	v0 =	vunpack.c.0.s8.s32 v0  }
0x163: {  	v1 =	vimm.s32 $0x21202F2E  }
0x164: {  	v45 =	vsel vm11, $0x1903, v54;
	[tilespmem:$0x1FBD0] =	vst v0;
	v0 =	vunpack.c.0.s8.s32 v1  }
0x165: {  	v45 =	vsel vm10, $0x1984, v45  }
0x166: {  	v45 =	vsel vm9, $0x1A05, v45;
	[tilespmem:$0x1FBE0] =	vst v0;
	v0 =	vimm.s32 $0x25242322  }
0x167: {  	v45 =	vsel vm8, $0x1A86, v45;
	v62 =	vimm.s32 $0x15141312;
	v0 =	vunpack.c.0.s8.s32 v0  }
0x168: {  	v54 =	vunpack.c.0.s8.s32 v62;
	v62 =	vsel vm7, $0x1B07, v45;
	v59 =	vimm.s32 $0x1211101F  }
0x169: {  	v45 =	vunpack.c.0.s8.s32 v59;
	v59 =	vimm.s32 $0x1A191817;
	[tilespmem:$0x1FBF0] =	vst v0;
	v0 =	vimm.s32 $0x29282726  }
0x16a: {  	v44 =	vsel vm5, $0x1B80, v62;
	v62 =	vimm.s32 $0x16151413;
	v0 =	vunpack.c.0.s8.s32 v0  }
0x16b: {  	[tilespmem:$0x1F930] =	vst v45;
	v45 =	vunpack.c.0.s8.s32 v62;
	v62 =	vunpack.c.0.s8.s32 v59;
	v1 =	vimm.s32 $0x2E2D2C2B  }
0x16c: {  	[tilespmem:$0x1FC00] =	vst v0;
	v0 =	vunpack.c.0.s8.s32 v1  }
0x16d: {  	v44 =	vsel vm6, $0x1C01, v44;
	[tilespmem:$0x1F950] =	vst v62;
	v62 =	vimm.s32 $0x1F1E1D1C  }
0x16e: {  	v59 =	vsel vm4, $0x1C82, v44;
	v44 =	vunpack.c.0.s8.s32 v62;
	[tilespmem:$0x1FC10] =	vst v0;
	v0 =	vimm.s32 $0x2221202F  }
0x16f: {  	v0 =	vunpack.c.0.s8.s32 v0  }
0x170: {  	[tilespmem:$0x1F970] =	vst v44  }
0x171: {  	v43 =	vsel vm1, $0x1D03, v59;
	v44 =	vimm.s32 $0x13121110;
	[tilespmem:$0x1FC20] =	vst v0;
	v0 =	vimm.s32 $0x26252423  }
0x172: {  	v59 =	vimm.s32 $0x1B1A1918;
	v2 =	vsel vm1, $0x883, v2;
	v0 =	vunpack.c.0.s8.s32 v0  }
0x173: {  	v12 =	vsel vm1, $0x1583, v12;
	v13 =	vsel vm1, $0x1603, v13;
	v1 =	vimm.s32 $0x2A292827  }
0x174: {  	v14 =	vsel vm1, $0x1683, v14;
	v16 =	vsel vm1, $0x1783, v16;
	[tilespmem:$0x1FC30] =	vst v0;
	v0 =	vunpack.c.0.s8.s32 v1  }
0x175: {  	v30 =	vsel vm1, $0x1E83, v30;
	v31 =	vsel vm1, $0x1F03, v31;
	v32 =	vsel vm1, $0x1F83, v32  }
0x176: {  	v35 =	vsel vm1, $0x1903, v35;
	v36 =	vsel vm1, $0x1983, v36;
	[tilespmem:$0x1FC40] =	vst v0;
	v0 =	vimm.s32 $0x2F2E2D2C  }
0x177: {  	v37 =	vsel vm1, $0x1A03, v37;
	v38 =	vsel vm1, $0x1A83, v38;
	v0 =	vunpack.c.0.s8.s32 v0  }
0x178: {  	[tilespmem:$0x1FDD0] =	vst v46;
	v39 =	vsel vm1, $0x1B03, v39;
	v44 =	vunpack.c.0.s8.s32 v44;
	v59 =	vunpack.c.0.s8.s32 v59  }
0x179: {  	v2 =	vsel vm2, $0x904, v2;
	v12 =	vsel vm2, $0x1604, v12;
	[tilespmem:$0x1FC50] =	vst v0;
	v0 =	vimm.s32 $0x23222120  }
0x17a: {  	[tilespmem:$0x1F940] =	vst v45;
	v13 =	vsel vm2, $0x1684, v13;
	v14 =	vsel vm2, $0x1704, v14;
	v0 =	vunpack.c.0.s8.s32 v0  }
0x17b: {  	v16 =	vsel vm2, $0x1004, v16;
	v30 =	vsel vm2, $0x1F04, v30;
	[tilespmem:$0x1F980] =	vst v44;
	v1 =	vimm.s32 $0x27262524  }
0x17c: {  	v31 =	vsel vm2, $0x1F84, v31;
	v32 =	vsel vm2, $0x1804, v32;
	[tilespmem:$0x1FC60] =	vst v0;
	v0 =	vunpack.c.0.s8.s32 v1  }
0x17d: {  	v2 =	vsel vm3, $0x985, v2;
	v14 =	vsel vm3, $0x1785, v14;
	v30 =	vsel vm3, $0x1F85, v30;
	[tilespmem:$0x1F9A0] =	vst v59  }
0x17e: {  	v45 =	vsel vm0, $0xA06, v2;
	v2 =	vsel vm0, $0x1006, v14;
	[tilespmem:$0x1FC70] =	vst v0;
	v0 =	vimm.s32 $0x2B2A2928  }
0x17f: {  	v35 =	vsel vm2, $0x1984, v35;
	v30 =	vsel vm0, $0x1806, v30;
	[tilespmem:$0x1FA40] =	vst v2;
	v0 =	vunpack.c.0.s8.s32 v0  }
0x180: {  	v36 =	vsel vm2, $0x1A04, v36;
	v37 =	vsel vm2, $0x1A84, v37;
	v32 =	vsel vm3, $0x1885, v32;
	[tilespmem:$0x1FB00] =	vst v30  }
0x181: {  	v35 =	vsel vm3, $0x1A05, v35;
	v32 =	vsel vm0, $0x1906, v32;
	[tilespmem:$0x1FC80] =	vst v0;
	v0 =	vimm.s32 $0x3C3B3A39  }
0x182: {  	v39 =	vsel vm2, $0x1B84, v39;
	v35 =	vsel vm0, $0x1A86, v35;
	[tilespmem:$0x1FB20] =	vst v32;
	v0 =	vunpack.c.0.s8.s32 v0  }
0x183: {  	v36 =	vsel vm3, $0x1A85, v36;
	v62 =	vsel vm3, $0x1C05, v39;
	[tilespmem:$0x1FB40] =	vst v35;
	v1 =	vimm.s32 $0x303F3E3D  }
0x184: {  	v39 =	vimm.s32 $0x17161514;
	v36 =	vsel vm0, $0x1B06, v36;
	[tilespmem:$0x1FC90] =	vst v0;
	v0 =	vunpack.c.0.s8.s32 v1  }
0x185: {  	v38 =	vsel vm2, $0x1B04, v38;
	v12 =	vsel vm3, $0x1685, v12;
	v39 =	vunpack.c.0.s8.s32 v39;
	[tilespmem:$0x1FB50] =	vst v36  }
0x186: {  	v13 =	vsel vm3, $0x1705, v13;
	v16 =	vsel vm3, $0x1085, v16;
	[tilespmem:$0x1FCA0] =	vst v0;
	v0 =	vimm.s32 $0x34333231  }
0x187: {  	v31 =	vsel vm3, $0x1805, v31;
	v2 =	vsel vm0, $0x1106, v16;
	[tilespmem:$0x1F990] =	vst v39;
	v0 =	vunpack.c.0.s8.s32 v0  }
0x188: {  	v37 =	vsel vm3, $0x1B05, v37;
	v38 =	vsel vm3, $0x1B85, v38;
	v39 =	vsel vm0, $0x1706, v12;
	[tilespmem:$0x1FA50] =	vst v2  }
0x189: {  	v12 =	vsel vm0, $0x1786, v13;
	v2 =	vsel vm0, $0x1886, v31;
	[tilespmem:$0x1FCB0] =	vst v0;
	v0 =	vimm.s32 $0x38373635  }
0x18a: {  	v13 =	vsel vm0, $0x1B86, v37;
	v37 =	vsel vm0, $0x1C06, v38;
	[tilespmem:$0x1FB10] =	vst v2;
	v0 =	vunpack.c.0.s8.s32 v0  }
0x18b: {  	[tilespmem:$0x1FB60] =	vst v37;
	v1 =	vimm.s32 $0x3D3C3B3A  }
0x18c: {  	v38 =	vsel vm0, $0x1C86, v62;
	[tilespmem:$0x1FCC0] =	vst v0;
	v0 =	vunpack.c.0.s8.s32 v1  }
0x18d: {  	s4 =	rddreg [dreg:$0x0];
	s3 =	simm.s32 $0x0;
	[tilespmem:$0x1FB70] =	vst v38  }
0x18e: {  	[smem:$0x7FF] =	sst s3;
	[tilespmem:$0x1FCD0] =	vst v0  }
0x18f: {  	s2 =	rddreg [dreg:$0x1];
	_ =	strace $0x80000047;
	[tilespmem:$0x1FD90] =	vst v63  }
0x190: {  	v53 =	vimm.s32 $0x19181716;
	[tilespmem:$0x1FDA0] =	vst v56  }
0x191: {  	v53 =	vunpack.c.0.s8.s32 v53;
	[tilespmem:$0x1FDE0] =	vst v55  }
0x192: {  	[tilespmem:$0x1FDF0] =	vst v54  }
0x193: {  	[tilespmem:$0x1FE00] =	vst v53  }
0x194: {  	[tilespmem:$0x1FE60] =	vst v49  }
0x195: {  	[tilespmem:$0x1FE70] =	vst v50  }
0x196: {  	[tilespmem:$0x1FE80] =	vst v60  }
0x197: {  	[tilespmem:$0x1FE90] =	vst v61  }
0x198: {  	[tilespmem:$0x1FEA0] =	vst v57  }
0x199: {  	v0 =	vimm.s32 $0x31303F3E;
	[tilespmem:$0x1FEB0] =	vst v48  }
0x19a: {  	v0 =	vunpack.c.0.s8.s32 v0;
	[tilespmem:$0x1FEC0] =	vst v51  }
0x19b: {  	[tilespmem:$0x1FED0] =	vst v52  }
0x19c: {  	[tilespmem:$0x1FCE0] =	vst v0;
	v0 =	vimm.s32 $0x35343332  }
0x19d: {  	v5 =	vsel vm1, $0xA03, v5;
	[tilespmem:$0x1FEE0] =	vst v58;
	v0 =	vunpack.c.0.s8.s32 v0  }
0x19e: {  	v5 =	vsel vm2, $0xA84, v5;
	v1 =	vimm.s32 $0x39383736;
	[tilespmem:$0x1FEF0] =	vst v42  }
0x19f: {  	v5 =	vsel vm3, $0xB05, v5;
	[tilespmem:$0x1FCF0] =	vst v0;
	v0 =	vunpack.c.0.s8.s32 v1  }
0x1a0: {  	v5 =	vsel vm0, $0xB86, v5;
	[tilespmem:$0x1FF00] =	vst v45  }
0x1a1: {  	v23 =	vmov v5;
	[tilespmem:$0x1FD00] =	vst v0;
	v0 =	vimm.s32 $0x3E3D3C3B  }
0x1a2: {  	v15 =	vsel vm1, $0x1703, v15;
	[tilespmem:$0x1FF10] =	vst v23;
	v0 =	vunpack.c.0.s8.s32 v0  }
0x1a3: {  	v17 =	vsel vm1, $0x1003, v17;
	v15 =	vsel vm2, $0x1784, v15;
	[tilespmem:$0x1FF20] =	vst v39  }
0x1a4: {  	v18 =	vsel vm1, $0x1083, v18;
	v15 =	vsel vm3, $0x1005, v15;
	[tilespmem:$0x1FD10] =	vst v0;
	v0 =	vimm.s32 $0x3231303F  }
0x1a5: {  	v17 =	vsel vm2, $0x1084, v17;
	v59 =	vsel vm0, $0x1086, v15;
	[tilespmem:$0x1FF30] =	vst v12;
	v0 =	vunpack.c.0.s8.s32 v0  }
0x1a6: {  	v21 =	vsel vm1, $0x1203, v21;
	v17 =	vsel vm3, $0x1105, v17;
	[tilespmem:$0x1FF40] =	vst v59;
	v1 =	vimm.s32 $0x36353433  }
0x1a7: {  	v18 =	vsel vm2, $0x1104, v18;
	v17 =	vsel vm0, $0x1186, v17;
	[tilespmem:$0x1FD20] =	vst v0;
	v0 =	vunpack.c.0.s8.s32 v1  }
0x1a8: {  	v33 =	vsel vm1, $0x1803, v33;
	v21 =	vsel vm2, $0x1284, v21;
	v18 =	vsel vm3, $0x1185, v18;
	[tilespmem:$0x1FF50] =	vst v17  }
0x1a9: {  	v21 =	vsel vm3, $0x1305, v21;
	v18 =	vsel vm0, $0x1206, v18;
	[tilespmem:$0x1FD30] =	vst v0;
	v0 =	vimm.s32 $0x3A393837  }
0x1aa: {  	v33 =	vsel vm2, $0x1884, v33;
	v21 =	vsel vm0, $0x1386, v21;
	[tilespmem:$0x1FF60] =	vst v18;
	v0 =	vunpack.c.0.s8.s32 v0  }
0x1ab: {  	v33 =	vsel vm3, $0x1905, v33;
	[tilespmem:$0x1FF70] =	vst v21  }
0x1ac: {  	v40 =	vsel vm1, $0x1B83, v40;
	v14 =	vsel vm0, $0x1986, v33;
	[tilespmem:$0x1FD40] =	vst v0;
	v0 =	vimm.s32 $0x3F3E3D3C  }
0x1ad: {  	v40 =	vsel vm2, $0x1C04, v40;
	[tilespmem:$0x1FF80] =	vst v14;
	v0 =	vunpack.c.0.s8.s32 v0  }
0x1ae: {  	v40 =	vsel vm3, $0x1C85, v40;
	[tilespmem:$0x1FF90] =	vst v13;
	v2 =	vld [tilespmem:$0x1FDC0];
	v1 =	vimm.s32 $0x33323130  }
0x1af: {  	v44 =	vsel vm0, $0x1D06, v40;
	[tilespmem:$0x1FD50] =	vst v0;
	v0 =	vunpack.c.0.s8.s32 v1;
	v1 =	vld [tilespmem:$0x1FDB0]  }
0x1b0: {  	v43 =	vsel vm2, $0x1D84, v43;
	[tilespmem:$0x1FFA0] =	vst v44  }
0x1b1: {  	s1 =	srdreg.scid;
	s0 =	stileid.u32;
	s11 =	simm.s32 $0x5;
	v43 =	vsel vm3, $0x1E05, v43;
	v28 =	vsel vm0, $0x1E06, v3;
	[tilespmem:$0x1FD60] =	vst v0;
	v0 =	vimm.s32 $0x37363534  }
0x1b2: {  	s12 =	simm.s32 $0x80;
	s13 =	simm.s32 $0x6400;
	s14 =	simm.s32 $0x8400;
	v47 =	vsel vm0, $0x1E86, v43;
	[tilespmem:$0x1FFB0] =	vst v28;
	v0 =	vunpack.c.0.s8.s32 v0  }
0x1b3: {  	s15 =	simm.s32 $0x1;
	s16 =	simm.s32 $0xA400;
	s19 =	simm.s32 $0xC400;
	v25 =	vlaneseq.u32;
	vm0 =	vcmask $0x1F10;
	[tilespmem:$0x1FFC0] =	vst v47  }
0x1b4: {  	s17 =	simm.s32 $0x100;
	s18 =	simm.s32 $0x2;
	s20 =	simm.s32 $0x180;
	v26 =	vor.u32 $0x10, v25;
	[tilespmem:$0x1FD70] =	vst v0;
	v0 =	vimm.s32 $0x3B3A3938;
	v1 =	vsel vm0, v2, v1;
	v2 =	vld [tilespmem:$0x1FDD0]  }
0x1b5: {  	s21 =	simm.s32 $0x3;
	s22 =	simm.s32 $0x4;
	s23 =	simm.s32 $0x0;
	[tilespmem:$0x1FFD0] =	vst v26;
	v0 =	vunpack.c.0.s8.s32 v0  }
0x1b6: {  	s7 =	sand.u32 $0x1, s1;
	s29 =	sshll.u32 s0, $0x1;
	s30 =	sshll.u32 s0, $0xA;
	[tilespmem:$0x1FE30] =	vst v1  }
0x1b7: {  	s31 =	sshll.u32 s0, $0xD;
	s5 =	sor.u32 s7, s29;
	s6 =	ssub.s32 $0x2, s7;
	[tilespmem:$0x1FD80] =	vst v0;
	v0 =	vsel vm0, v56, v63  }
0x1b8: {  	s10 =	sshll.u32 s7, $0xC;
	s5 =	smul.u32 $0xC80, s5;
	s8 =	sshrl.u32 s6, $0x1;
	v56 =	vsel vm0, v53, v54;
	[tilespmem:$0x1FE20] =	vst v0  }
0x1b9: {  	s9 =	sshll.u32 s7, $0x9;
	s10 =	sor.u32 s10, s31;
	s8 =	ssub.s32 s6, s8;
	v27 =	vcombine.low v1, v0;
	[tilespmem:$0x1FE50] =	vst v56;
	v2 =	vsel vm0, v55, v2  }
0x1ba: {  	s6 =	sadd.s32 s30, s2;
	s5 =	sadd.s32 s5, s4;
	s4 =	sadd.s32 $0xF42A00, s4;
	[tilespmem:$0x1FE40] =	vst v2;
	v0 =	vcombine.low v56, v2  }
0x1bb: {  	s6 =	sadd.s32 s9, s6;
	s7 =	smax.u32 s8, $0x1;
	s9 =	sor.u32 $0x200000, s10;
	[tilespmem:$0x1FFE0] =	vst v27  }
0x1bc: {  	s10 =	sor.u32 $0x300000, s10;
	s5 =	sadd.s32 $0x600, s5;
	s8 =	sadd.s32 $0x20000, s6;
	v46 =	vmov v57;
	v62 =	vld [tilespmem:$0x1FE10];
	[tilespmem:$0x1FFF0] =	vst v0  }
.LBB2_1:
0x1bd: {  	v54 =	vmov v61;
	v61 =	vmov v60;
	v60 =	vmov v0;
	v0 =	vld [tilespmem:$0x1FDE0]  }
0x1be: {  	v1 =	vld [tilespmem:$0x1FDF0];
	_ =	sdelay $0x4  }
0x1bf: {  	v0 =	vsel vm0, v1, v0;
	v1 =	vld [tilespmem:$0x1FE00]  }
0x1c0: {  	[tilespmem:$0x1F750] =	vst v0;
	v0 =	vld [tilespmem:$0x1FDD0];
	_ =	sdelay $0x4  }
0x1c1: {  	v0 =	vsel vm0, v0, v1;
	v1 =	vld [tilespmem:$0x1FDB0]  }
0x1c2: {  	[tilespmem:$0x1F510] =	vst v0;
	v0 =	vld [tilespmem:$0x1FDA0];
	_ =	sdelay $0x4  }
0x1c3: {  	v0 =	vsel vm0, v1, v0;
	v1 =	vld [tilespmem:$0x1FDC0]  }
0x1c4: {  	[tilespmem:$0x1F4A0] =	vst v0;
	v0 =	vld [tilespmem:$0x1FD90];
	_ =	sdelay $0x3  }
0x1c5: {  	v2 =	vld [tilespmem:$0x1FBB0]  }
0x1c6: {  	v0 =	vsel vm0, v0, v1;
	v1 =	vld [tilespmem:$0x1FBA0];
	_ =	sdelay $0x4  }
0x1c7: {  	v3 =	vld [tilespmem:$0x1FBC0];
	[tilespmem:$0x1F4B0] =	vst v0;
	v0 =	vsel vm0, v2, v1  }
0x1c8: {  	[tilespmem:$0x1F4C0] =	vst v0;
	v0 =	vld [tilespmem:$0x1FB90];
	_ =	sdelay $0x4  }
0x1c9: {  	v6 =	vld [tilespmem:$0x1F980];
	v4 =	vsel vm0, v0, v3  }
0x1ca: {  	[tilespmem:$0x1F4D0] =	vst v4;
	v4 =	vld [tilespmem:$0x1F970];
	_ =	sdelay $0x3  }
0x1cb: {  	v7 =	vld [tilespmem:$0x1F990]  }
0x1cc: {  	v6 =	vsel vm0, v6, v4;
	v4 =	vld [tilespmem:$0x1F9A0];
	_ =	sdelay $0x4  }
0x1cd: {  	v9 =	vsel vm0, v4, v7;
	v4 =	vld [tilespmem:$0x1FC50]  }
0x1ce: {  	v7 =	vld [tilespmem:$0x1FC60];
	_ =	sdelay $0x3  }
0x1cf: {  	v8 =	vld [tilespmem:$0x1FC70]  }
0x1d0: {  	v4 =	vsel vm0, v7, v4;
	v7 =	vld [tilespmem:$0x1FC80];
	_ =	sdelay $0x3  }
0x1d1: {  	v10 =	vld [tilespmem:$0x1F930]  }
0x1d2: {  	v8 =	vsel vm0, v7, v8;
	v7 =	vld [tilespmem:$0x1F920];
	_ =	sdelay $0x3  }
0x1d3: {  	v11 =	vld [tilespmem:$0x1F940]  }
0x1d4: {  	v10 =	vsel vm0, v10, v7;
	v7 =	vld [tilespmem:$0x1F950];
	_ =	sdelay $0x4  }
0x1d5: {  	v13 =	vsel vm0, v7, v11;
	v7 =	vld [tilespmem:$0x1FC10]  }
0x1d6: {  	v11 =	vld [tilespmem:$0x1FC20];
	_ =	sdelay $0x3  }
0x1d7: {  	v56 =	vmov v12;
	v12 =	vld [tilespmem:$0x1FC30]  }
0x1d8: {  	v11 =	vsel vm0, v11, v7;
	v7 =	vld [tilespmem:$0x1FC40];
	_ =	sdelay $0x2  }
0x1d9: {  	[tilespmem:s3], [sflag:$0x5] =	stream.linear.gather [hbm4b:s5+s3], $0x6400, $0x38;
	v0 =	vsel vm0, v1, v0;
	[tilespmem:$0xE400] =	vst v63  }
0x1da: {  	v14 =	vld [tilespmem:$0x1FBE0];
	v1 =	vsel vm0, v3, v2;
	[tilespmem:$0x1F5F0] =	vst v0  }
0x1db: {  	[tilespmem:$0x1F600] =	vst v1;
	v12 =	vsel vm0, v7, v12;
	v7 =	vld [tilespmem:$0x1FBD0]  }
0x1dc: {  	[tilespmem:$0x1F6F0] =	vst v6;
	v2 =	vcombine.low v9, v6  }
0x1dd: {  	[tilespmem:$0x1F700] =	vst v9  }
0x1de: {  	[tilespmem:$0x1F470] =	vst v2  }
0x1df: {  	v15 =	vld [tilespmem:$0x1FBF0];
	[tilespmem:$0x1F710] =	vst v4  }
0x1e0: {  	[tilespmem:$0x1F720] =	vst v8;
	v14 =	vsel vm0, v14, v7;
	v7 =	vld [tilespmem:$0x1FC00]  }
0x1e1: {  	[tilespmem:$0x1F680] =	vst v10  }
0x1e2: {  	[tilespmem:$0x1F690] =	vst v13  }
0x1e3: {  	[tilespmem:$0x1F6A0] =	vst v11  }
0x1e4: {  	[tilespmem:$0x1F6B0] =	vst v12  }
0x1e5: {  	v43 =	vld [tilespmem:$0x1FB10];
	[tilespmem:$0x1F630] =	vst v14;
	v15 =	vsel vm0, v7, v15  }
0x1e6: {  	v57 =	vld [tilespmem:$0x1FAF0];
	[tilespmem:$0x1F640] =	vst v15  }
0x1e7: {  	v55 =	vld [tilespmem:$0x1FA50];
	_ =	swait.ge [sflag:s11], $0x6400  }
0x1e8: {  	[sflag:s11] =	ssyncset.done $0x0  }
0x1e9: {  	[sflag:s11] =	ssyncadd.s32 $0xFFFF9C00  }
0x1ea: {  	v48 =	vcombine.low v13, v10;
	v10 =	vor.u32 $0x20, v25;
	[tilespmem:s13], [sflag:$0x1] =	stream.indirect.gather [hbm4b:s4+s12], $0x40, s3, s12, $0xb8;
	[tilespmem:$0xE400] =	vst v63  }
0x1eb: {  	[tilespmem:$0x1F3E0] =	vst v10  }
0x1ec: {  	[tilespmem:s14], [sflag:$0x2] =	stream.indirect.gather [hbm4b:s4+s12], $0x40, s12, s12, $0xb8;
	[tilespmem:$0xE400] =	vst v63  }
0x1ed: {  	_ =	swait.ge [sflag:s15], $0x2000  }
0x1ee: {  	v47 =	vld [tilespmem:$0x1FC90]  }
0x1ef: {  	v41 =	vld [tilespmem:$0x1FCA0]  }
0x1f0: {  	s24 =	simm.s32 $0x10;
	s25 =	simm.s32 $0x0;
	v28 =	vld [tilespmem:$0x1FCB0]  }
0x1f1: {  	v3 =	vor.u32 s25, v25;
	v22 =	vcombine.low v1, v0;
	v0 =	vor.u32 s24, v25;
	v34 =	vld [tilespmem:$0x1FCC0]  }
0x1f2: {  	v1 =	vshll.u32 v0, $0x6;
	v2 =	vshll.u32 v3, $0x6  }
0x1f3: {  	v45 =	vcombine.low v8, v4;
	v4 =	vor.u32 v25, v1;
	v13 =	vor.u32 $0x30, v25  }
0x1f4: {  	v7 =	vor.u32 v13, v2;
	v21 =	vld [tilespmem:$0x1FAE0]  }
0x1f5: {  	[tilespmem:$0x1F3F0] =	vst v13;
	v23 =	vsel vm0, v41, v47  }
0x1f6: {  	v5 =	vor.u32 v25, v2;
	[sflag:s15] =	ssyncset.done $0x0;
	v19 =	vsel vm0, v34, v28;
	[tilespmem:$0x1F560] =	vst v23  }
0x1f7: {  	v53 =	vmovc v50;
	v0 =	vand.u32 $0x78, v0;
	v3 =	vand.u32 $0x68, v3;
	v6 =	vor.u32 v26, v2;
	[sflag:s15] =	ssyncadd.s32 $0xFFFFE000;
	[tilespmem:$0x1F550] =	vst v19  }
0x1f8: {  	v8 =	vor.u32 v10, v2;
	v50 =	vcombine.low v12, v11;
	v11 =	vor.u32 v51, v0;
	v4 =	vld.idx.msk [tilespmem:v4+s13+$0x0], $0xffff  }
0x1f9: {  	v9 =	vor.u32 v26, v1;
	v16 =	vor.u32 v21, v0;
	v21 =	vor.u32 v21, v3;
	v7 =	vld.idx.msk [tilespmem:v7+s13+$0x0], $0xffff  }
0x1fa: {  	v26 =	vld [tilespmem:$0x1F910];
	v23 =	vcombine.low v19, v23  }
0x1fb: {  	v5 =	vld.idx.msk [tilespmem:v5+s13+$0x0], $0xffff;
	[tilespmem:$0x1F400] =	vst v22  }
0x1fc: {  	v6 =	vld.idx.msk [tilespmem:v6+s13+$0x0], $0xffff;
	[tilespmem:$0x1F410] =	vst v23  }
0x1fd: {  	v8 =	vld.idx.msk [tilespmem:v8+s13+$0x0], $0xffff;
	[tilespmem:v11+s16+$0x0] =	vst.idx.msk $0xffff, v4  }
0x1fe: {  	v10 =	vor.u32 v10, v1;
	v9 =	vld.idx.msk [tilespmem:v9+s13+$0x0], $0xffff;
	[tilespmem:v21+s16+$0x0] =	vst.idx.msk $0xffff, v7  }
0x1ff: {  	v19 =	vor.u32 v51, v3;
	v40 =	vld [tilespmem:$0x1FCD0]  }
0x200: {  	v33 =	vor.u32 v27, v1;
	v20 =	vor.u32 v58, v3;
	v13 =	vor.u32 v13, v1;
	v63 =	vld [tilespmem:$0x1FCE0]  }
0x201: {  	v17 =	vor.u32 v27, v2;
	v29 =	vor.u32 v39, v3;
	v30 =	vor.u32 v23, v2;
	v27 =	vld [tilespmem:$0x1FCF0]  }
0x202: {  	v12 =	vor.u32 v58, v0;
	v24 =	vcombine.low v15, v14;
	v14 =	vor.u32 v52, v2;
	v36 =	vld [tilespmem:$0x1FD00]  }
0x203: {  	v15 =	vor.u32 v39, v0;
	v10 =	vld.idx.msk [tilespmem:v10+s13+$0x0], $0xffff  }
0x204: {  	v18 =	vor.u32 v22, v2;
	[tilespmem:v19+s16+$0x0] =	vst.idx.msk $0xffff, v5  }
0x205: {  	v7 =	vld.idx.msk [tilespmem:v13+s13+$0x0], $0xffff;
	[tilespmem:v20+s16+$0x0] =	vst.idx.msk $0xffff, v6  }
0x206: {  	v13 =	vld.idx.msk [tilespmem:v30+s13+$0x0], $0xffff;
	v6 =	vor.u32 v57, v3;
	[tilespmem:v29+s16+$0x0] =	vst.idx.msk $0xffff, v8  }
0x207: {  	v14 =	vld.idx.msk [tilespmem:v14+s13+$0x0], $0xffff;
	[tilespmem:v12+s16+$0x0] =	vst.idx.msk $0xffff, v9;
	v44 =	vsel vm0, v63, v40;
	v58 =	vsel vm0, v36, v27  }
0x208: {  	v17 =	vld.idx.msk [tilespmem:v17+s13+$0x0], $0xffff;
	[tilespmem:v15+s16+$0x0] =	vst.idx.msk $0xffff, v10;
	v11 =	vcombine.low v58, v44  }
0x209: {  	v9 =	vld.idx.msk [tilespmem:v18+s13+$0x0], $0xffff;
	[tilespmem:$0x1F420] =	vst v24  }
0x20a: {  	[tilespmem:$0x1F430] =	vst v11  }
0x20b: {  	[tilespmem:v16+s16+$0x0] =	vst.idx.msk $0xffff, v7  }
0x20c: {  	v7 =	vld.idx.msk [tilespmem:v33+s13+$0x0], $0xffff;
	[tilespmem:v6+s16+$0x0] =	vst.idx.msk $0xffff, v13  }
0x20d: {  	v19 =	vor.u32 v57, v0;
	v57 =	vld [tilespmem:$0x1FD10]  }
0x20e: {  	v33 =	vld [tilespmem:$0x1FD20]  }
0x20f: {  	v29 =	vld [tilespmem:$0x1FD30]  }
0x210: {  	v32 =	vor.u32 v52, v1;
	v39 =	vor.u32 v60, v1;
	v21 =	vor.u32 v60, v2;
	v60 =	vld [tilespmem:$0x1FD40];
	_ =	sdelay $0x1  }
0x211: {  	v31 =	vor.u32 v22, v1;
	v22 =	vor.u32 v46, v3  }
0x212: {  	v37 =	vor.u32 v26, v3  }
0x213: {  	v8 =	vor.u32 v11, v2;
	v12 =	vor.u32 v11, v1;
	v11 =	vsel vm0, v33, v57  }
0x214: {  	v15 =	vld.idx.msk [tilespmem:v32+s13+$0x0], $0xffff;
	v16 =	vsel vm0, v60, v29;
	[tilespmem:$0x1F5A0] =	vst v11  }
0x215: {  	[tilespmem:$0x1F5B0] =	vst v16  }
0x216: {  	[tilespmem:v22+s16+$0x0] =	vst.idx.msk $0xffff, v14  }
0x217: {  	[tilespmem:v37+s16+$0x0] =	vst.idx.msk $0xffff, v17  }
0x218: {  	v35 =	vor.u32 v23, v1;
	v25 =	vld [tilespmem:$0x1FB00]  }
0x219: {  	v38 =	vor.u32 v56, v3;
	v20 =	vor.u32 v49, v2  }
0x21a: {  	v4 =	vor.u32 v46, v0  }
0x21b: {  	v23 =	vor.u32 v26, v0;
	v6 =	vld.idx.msk [tilespmem:v31+s13+$0x0], $0xffff  }
0x21c: {  	v5 =	vor.u32 v56, v0;
	v30 =	vor.u32 v24, v2;
	v8 =	vld.idx.msk [tilespmem:v8+s13+$0x0], $0xffff  }
0x21d: {  	v18 =	vor.u32 v49, v1;
	v32 =	vcombine.low v16, v11;
	v17 =	vld.idx.msk [tilespmem:v35+s13+$0x0], $0xffff;
	v16 =	vor.u32 v25, v3  }
0x21e: {  	[tilespmem:v38+s16+$0x0] =	vst.idx.msk $0xffff, v9;
	v20 =	vld.idx.msk [tilespmem:v20+s13+$0x0], $0xffff  }
0x21f: {  	v10 =	vor.u32 v24, v1;
	v24 =	vld [tilespmem:$0x1FA40];
	[tilespmem:v4+s16+$0x0] =	vst.idx.msk $0xffff, v15  }
0x220: {  	v21 =	vld.idx.msk [tilespmem:v21+s13+$0x0], $0xffff;
	[tilespmem:v23+s16+$0x0] =	vst.idx.msk $0xffff, v7  }
0x221: {  	v13 =	vor.u32 v53, v3;
	v11 =	vor.u32 v53, v0;
	v53 =	vld.idx.msk [tilespmem:v30+s13+$0x0], $0xffff;
	[tilespmem:v5+s16+$0x0] =	vst.idx.msk $0xffff, v6  }
0x222: {  	v5 =	vld.idx.msk [tilespmem:v18+s13+$0x0], $0xffff;
	[tilespmem:v16+s16+$0x0] =	vst.idx.msk $0xffff, v8  }
0x223: {  	v31 =	vor.u32 v32, v2;
	v38 =	vld [tilespmem:$0x1FD50]  }
0x224: {  	v14 =	vor.u32 v62, v3;
	v23 =	vor.u32 v25, v0;
	v25 =	vld [tilespmem:$0x1FD60]  }
0x225: {  	v9 =	vor.u32 v24, v3;
	v7 =	vor.u32 v24, v0;
	v24 =	vld [tilespmem:$0x1FD70]  }
0x226: {  	v26 =	vld [tilespmem:$0x1FD80];
	[tilespmem:v19+s16+$0x0] =	vst.idx.msk $0xffff, v17  }
0x227: {  	v6 =	vld.idx.msk [tilespmem:v39+s13+$0x0], $0xffff;
	[tilespmem:v13+s16+$0x0] =	vst.idx.msk $0xffff, v20  }
0x228: {  	v16 =	vld.idx.msk [tilespmem:v31+s13+$0x0], $0xffff;
	[tilespmem:$0x1F440] =	vst v48  }
0x229: {  	v22 =	vor.u32 v62, v0;
	[tilespmem:v14+s16+$0x0] =	vst.idx.msk $0xffff, v21  }
0x22a: {  	v13 =	vor.u32 v43, v3;
	v10 =	vld.idx.msk [tilespmem:v10+s13+$0x0], $0xffff;
	[tilespmem:$0x1F450] =	vst v50  }
0x22b: {  	[tilespmem:v9+s16+$0x0] =	vst.idx.msk $0xffff, v53  }
0x22c: {  	v62 =	vor.u32 v48, v2;
	v12 =	vld.idx.msk [tilespmem:v12+s13+$0x0], $0xffff;
	[tilespmem:$0x1F460] =	vst v32  }
0x22d: {  	v4 =	vor.u32 v61, v2;
	v15 =	vor.u32 v48, v1;
	v53 =	vld [tilespmem:$0x1F960];
	[tilespmem:v11+s16+$0x0] =	vst.idx.msk $0xffff, v5  }
0x22e: {  	v49 =	vsel vm0, v25, v38;
	v56 =	vsel vm0, v26, v24;
	[tilespmem:v22+s16+$0x0] =	vst.idx.msk $0xffff, v6  }
0x22f: {  	v48 =	vsel vm0, v28, v41;
	v30 =	vcombine.low v56, v49;
	v28 =	vld [tilespmem:$0x1F470];
	[tilespmem:v13+s16+$0x0] =	vst.idx.msk $0xffff, v16  }
0x230: {  	[tilespmem:v7+s16+$0x0] =	vst.idx.msk $0xffff, v10  }
0x231: {  	v14 =	vor.u32 v30, v2;
	v22 =	vld [tilespmem:$0x1FB20]  }
0x232: {  	v8 =	vor.u32 v50, v2  }
0x233: {  	v21 =	vor.u32 v54, v3;
	v20 =	vld.idx.msk [tilespmem:v4+s13+$0x0], $0xffff  }
0x234: {  	v18 =	vor.u32 v50, v1;
	v50 =	vsel vm0, v47, v34  }
0x235: {  	v9 =	vor.u32 v61, v1;
	v31 =	vcombine.low v50, v48;
	v4 =	vld.idx.msk [tilespmem:v62+s13+$0x0], $0xffff;
	v17 =	vor.u32 v53, v3  }
0x236: {  	v13 =	vld.idx.msk [tilespmem:v14+s13+$0x0], $0xffff;
	v7 =	vor.u32 v22, v3  }
0x237: {  	v5 =	vld.idx.msk [tilespmem:v8+s13+$0x0], $0xffff;
	v6 =	vor.u32 v59, v3;
	v11 =	vor.u32 v31, v2;
	[tilespmem:v23+s16+$0x0] =	vst.idx.msk $0xffff, v12  }
0x238: {  	v12 =	vld.idx.msk [tilespmem:v15+s13+$0x0], $0xffff;
	[tilespmem:v21+s16+$0x0] =	vst.idx.msk $0xffff, v20  }
0x239: {  	v10 =	vor.u32 v53, v0;
	v15 =	vld [tilespmem:$0x1F7A0]  }
0x23a: {  	v9 =	vld.idx.msk [tilespmem:v9+s13+$0x0], $0xffff;
	[tilespmem:v17+s16+$0x0] =	vst.idx.msk $0xffff, v4  }
0x23b: {  	v17 =	vld.idx.msk [tilespmem:v18+s13+$0x0], $0xffff;
	[tilespmem:v7+s16+$0x0] =	vst.idx.msk $0xffff, v13  }
0x23c: {  	v19 =	vor.u32 v32, v1;
	[tilespmem:v6+s16+$0x0] =	vst.idx.msk $0xffff, v5;
	v7 =	vld.idx.msk [tilespmem:v11+s13+$0x0], $0xffff  }
0x23d: {  	v8 =	vor.u32 v54, v0;
	v4 =	vor.u32 v28, v2;
	v11 =	vld [tilespmem:$0x1F7A0]  }
0x23e: {  	v15 =	vor.u32 v15, v2;
	v13 =	vld [tilespmem:$0x1FF80];
	[tilespmem:v10+s16+$0x0] =	vst.idx.msk $0xffff, v12  }
0x23f: {  	v5 =	vor.u32 v45, v2;
	v14 =	vor.u32 v59, v0;
	v21 =	vld [tilespmem:$0x1F7B0];
	_ =	sdelay $0x1  }
0x240: {  	v16 =	vor.u32 v43, v0;
	v18 =	vld.idx.msk [tilespmem:v19+s13+$0x0], $0xffff;
	[tilespmem:$0x1F480] =	vst v45  }
0x241: {  	[tilespmem:v8+s16+$0x0] =	vst.idx.msk $0xffff, v9;
	v4 =	vld.idx.msk [tilespmem:v4+s13+$0x0], $0xffff  }
0x242: {  	v12 =	vld.idx.msk [tilespmem:v15+s13+$0x0], $0xffff;
	[tilespmem:$0x1F490] =	vst v30;
	v13 =	vor.u32 v13, v3  }
0x243: {  	[tilespmem:v14+s16+$0x0] =	vst.idx.msk $0xffff, v17;
	v5 =	vld.idx.msk [tilespmem:v5+s13+$0x0], $0xffff;
	v15 =	vor.u32 v21, v3  }
0x244: {  	v61 =	vsel vm0, v40, v36;
	v6 =	vor.u32 v28, v1;
	v8 =	vor.u32 v42, v3;
	v53 =	vld [tilespmem:$0x1F4A0]  }
0x245: {  	v59 =	vsel vm0, v27, v63;
	v10 =	vor.u32 v45, v1;
	v45 =	vld [tilespmem:$0x1F4B0];
	[tilespmem:v16+s16+$0x0] =	vst.idx.msk $0xffff, v18  }
0x246: {  	v20 =	vcombine.low v61, v59;
	v11 =	vor.u32 v11, v1;
	v47 =	vld [tilespmem:$0x1F4C0]  }
0x247: {  	v43 =	vld [tilespmem:$0x1F4D0];
	[tilespmem:v13+s16+$0x0] =	vst.idx.msk $0xffff, v7  }
0x248: {  	v9 =	vor.u32 v20, v2;
	v14 =	vor.u32 v55, v3;
	v13 =	vld [tilespmem:$0x1F7C0];
	[tilespmem:v15+s16+$0x0] =	vst.idx.msk $0xffff, v12  }
0x249: {  	v19 =	vor.u32 v30, v1;
	v6 =	vld.idx.msk [tilespmem:v6+s13+$0x0], $0xffff;
	v16 =	vor.u32 v42, v0;
	[tilespmem:v8+s16+$0x0] =	vst.idx.msk $0xffff, v4  }
0x24a: {  	v4 =	vld [tilespmem:$0x1FB30]  }
0x24b: {  	v7 =	vor.u32 v21, v0;
	v11 =	vld.idx.msk [tilespmem:v11+s13+$0x0], $0xffff  }
0x24c: {  	v10 =	vld.idx.msk [tilespmem:v10+s13+$0x0], $0xffff  }
0x24d: {  	v12 =	vor.u32 v55, v0;
	v9 =	vld.idx.msk [tilespmem:v9+s13+$0x0], $0xffff;
	[tilespmem:v14+s16+$0x0] =	vst.idx.msk $0xffff, v5  }
0x24e: {  	v5 =	vld.idx.msk [tilespmem:v19+s13+$0x0], $0xffff;
	[tilespmem:v16+s16+$0x0] =	vst.idx.msk $0xffff, v6  }
0x24f: {  	v17 =	vcombine.low v45, v53;
	v6 =	vld [tilespmem:$0x1FBE0];
	v13 =	vor.u32 v13, v2;
	v4 =	vor.u32 v4, v3  }
0x250: {  	v15 =	vor.u32 v22, v0;
	v14 =	vld [tilespmem:$0x1FBF0];
	[tilespmem:v7+s16+$0x0] =	vst.idx.msk $0xffff, v11  }
0x251: {  	v18 =	vcombine.low v43, v47;
	[tilespmem:$0x1F4E0] =	vst v17  }
0x252: {  	[tilespmem:v12+s16+$0x0] =	vst.idx.msk $0xffff, v10  }
0x253: {  	[tilespmem:$0x1F4F0] =	vst v18  }
0x254: {  	[tilespmem:v4+s16+$0x0] =	vst.idx.msk $0xffff, v9;
	v9 =	vld.idx.msk [tilespmem:v13+s13+$0x0], $0xffff  }
0x255: {  	v4 =	vld [tilespmem:$0x1F7D0];
	[tilespmem:v15+s16+$0x0] =	vst.idx.msk $0xffff, v5  }
0x256: {  	v12 =	vsel vm0, v24, v25;
	v5 =	vsel vm0, v38, v26;
	v13 =	vld [tilespmem:$0x1F7C0]  }
0x257: {  	v8 =	vor.u32 v17, v2;
	v32 =	vcombine.low v5, v12;
	v12 =	vld [tilespmem:$0x1FBD0]  }
0x258: {  	v27 =	vsel vm0, v57, v60;
	v57 =	vsel vm0, v14, v6;
	v14 =	vld [tilespmem:$0x1FC00]  }
0x259: {  	v30 =	vsel vm0, v29, v33;
	v7 =	vor.u32 v17, v1;
	v6 =	vor.u32 v18, v2;
	v17 =	vld [tilespmem:$0x1F9B0]  }
0x25a: {  	v23 =	vcombine.low v27, v30;
	v41 =	vld [tilespmem:$0x1F510]  }
0x25b: {  	v15 =	vld [tilespmem:$0x1F750]  }
0x25c: {  	v10 =	vor.u32 v23, v2;
	v8 =	vld.idx.msk [tilespmem:v8+s13+$0x0], $0xffff  }
0x25d: {  	v54 =	vsel vm0, v12, v14;
	v14 =	vld [tilespmem:$0x1FF50]  }
0x25e: {  	v11 =	vor.u32 v18, v1;
	v6 =	vld.idx.msk [tilespmem:v6+s13+$0x0], $0xffff;
	v4 =	vor.u32 v4, v3  }
0x25f: {  	v55 =	vld [tilespmem:$0x1FB40]  }
0x260: {  	[tilespmem:$0x1F500] =	vst v31;
	v13 =	vor.u32 v13, v1;
	v5 =	vor.u32 v17, v3;
	v24 =	vcombine.low v41, v15;
	v15 =	vld [tilespmem:$0x1F7E0]  }
0x261: {  	v10 =	vld.idx.msk [tilespmem:v10+s13+$0x0], $0xffff  }
0x262: {  	v7 =	vld.idx.msk [tilespmem:v7+s13+$0x0], $0xffff;
	v12 =	vor.u32 v31, v1;
	v14 =	vor.u32 v14, v3  }
0x263: {  	[tilespmem:v4+s16+$0x0] =	vst.idx.msk $0xffff, v9;
	v4 =	vld.idx.msk [tilespmem:v11+s13+$0x0], $0xffff  }
0x264: {  	v9 =	vld [tilespmem:$0x1FF50]  }
0x265: {  	v16 =	vor.u32 v55, v3;
	v15 =	vor.u32 v15, v2;
	[tilespmem:v5+s16+$0x0] =	vst.idx.msk $0xffff, v8;
	v5 =	vld.idx.msk [tilespmem:v13+s13+$0x0], $0xffff  }
0x266: {  	v8 =	vld [tilespmem:$0x1F7D0]  }
0x267: {  	v18 =	vor.u32 v32, v2;
	v17 =	vor.u32 v17, v0;
	[tilespmem:v14+s16+$0x0] =	vst.idx.msk $0xffff, v6;
	v6 =	vld.idx.msk [tilespmem:v12+s13+$0x0], $0xffff  }
0x268: {  	v12 =	vld [tilespmem:$0x1FF80]  }
0x269: {  	v26 =	vcombine.low v54, v57;
	v11 =	vor.u32 v24, v2;
	v9 =	vor.u32 v9, v0;
	v14 =	vld [tilespmem:$0x1F7E0]  }
0x26a: {  	[tilespmem:v16+s16+$0x0] =	vst.idx.msk $0xffff, v10;
	v10 =	vld.idx.msk [tilespmem:v15+s13+$0x0], $0xffff  }
0x26b: {  	v13 =	vor.u32 v26, v2;
	v8 =	vor.u32 v8, v0;
	v15 =	vld [tilespmem:$0x1F7F0]  }
0x26c: {  	[tilespmem:v17+s16+$0x0] =	vst.idx.msk $0xffff, v7;
	v7 =	vld.idx.msk [tilespmem:v18+s13+$0x0], $0xffff  }
0x26d: {  	v25 =	vld [tilespmem:$0x1FB50]  }
0x26e: {  	[tilespmem:v9+s16+$0x0] =	vst.idx.msk $0xffff, v4;
	v4 =	vld.idx.msk [tilespmem:v11+s13+$0x0], $0xffff  }
0x26f: {  	[tilespmem:$0x1F520] =	vst v24;
	v11 =	vld [tilespmem:$0x1FF00]  }
0x270: {  	v12 =	vor.u32 v12, v0;
	v14 =	vor.u32 v14, v1;
	[tilespmem:v8+s16+$0x0] =	vst.idx.msk $0xffff, v5;
	v5 =	vld.idx.msk [tilespmem:v13+s13+$0x0], $0xffff  }
0x271: {  	v13 =	vld [tilespmem:$0x1FF60];
	_ =	sdelay $0x1  }
0x272: {  	v15 =	vor.u32 v15, v3  }
0x273: {  	v16 =	vor.u32 v25, v3;
	[tilespmem:$0x1F530] =	vst v26  }
0x274: {  	v9 =	vor.u32 v24, v1;
	v11 =	vor.u32 v11, v3;
	[tilespmem:v12+s16+$0x0] =	vst.idx.msk $0xffff, v6;
	v6 =	vld.idx.msk [tilespmem:v14+s13+$0x0], $0xffff  }
0x275: {  	v14 =	vld [tilespmem:$0x1F7F0];
	v13 =	vor.u32 v13, v3  }
0x276: {  	[tilespmem:$0x1F540] =	vst v20  }
0x277: {  	[tilespmem:v15+s16+$0x0] =	vst.idx.msk $0xffff, v10  }
0x278: {  	v8 =	vor.u32 v26, v1;
	[tilespmem:v16+s16+$0x0] =	vst.idx.msk $0xffff, v7  }
0x279: {  	[tilespmem:v11+s16+$0x0] =	vst.idx.msk $0xffff, v4;
	v4 =	vld.idx.msk [tilespmem:v9+s13+$0x0], $0xffff  }
0x27a: {  	v14 =	vor.u32 v14, v0;
	v7 =	vld [tilespmem:$0x1FF00];
	[tilespmem:v13+s16+$0x0] =	vst.idx.msk $0xffff, v5  }
0x27b: {  	v9 =	vld [tilespmem:$0x1F550]  }
0x27c: {  	v10 =	vld [tilespmem:$0x1F560]  }
0x27d: {  	v5 =	vld.idx.msk [tilespmem:v8+s13+$0x0], $0xffff  }
0x27e: {  	v8 =	vld [tilespmem:$0x1FF60]  }
0x27f: {  	v34 =	vld [tilespmem:$0x1FEB0];
	[tilespmem:v14+s16+$0x0] =	vst.idx.msk $0xffff, v6  }
0x280: {  	v11 =	vld [tilespmem:$0x1F940]  }
0x281: {  	v29 =	vcombine.low v10, v9;
	v10 =	vld [tilespmem:$0x1F930];
	_ =	sdelay $0x4  }
0x282: {  	v22 =	vsel vm0, v11, v10;
	v10 =	vld [tilespmem:$0x1F920]  }
0x283: {  	v11 =	vld [tilespmem:$0x1F950];
	_ =	sdelay $0x3  }
0x284: {  	v6 =	vld [tilespmem:$0x1FB30]  }
0x285: {  	v12 =	vor.u32 v20, v1;
	v26 =	vsel vm0, v10, v11;
	v10 =	vld [tilespmem:$0x1FC20]  }
0x286: {  	v11 =	vld [tilespmem:$0x1FC30];
	_ =	sdelay $0x2  }
0x287: {  	v7 =	vor.u32 v7, v0  }
0x288: {  	v8 =	vor.u32 v8, v0;
	v9 =	vld.idx.msk [tilespmem:v12+s13+$0x0], $0xffff  }
0x289: {  	v6 =	vor.u32 v6, v0;
	v62 =	vsel vm0, v11, v10;
	v10 =	vld [tilespmem:$0x1FC10]  }
0x28a: {  	v11 =	vld [tilespmem:$0x1FC40];
	_ =	sdelay $0x1  }
0x28b: {  	[tilespmem:v7+s16+$0x0] =	vst.idx.msk $0xffff, v4  }
0x28c: {  	v4 =	vld [tilespmem:$0x1F800];
	[tilespmem:v8+s16+$0x0] =	vst.idx.msk $0xffff, v5  }
0x28d: {  	[tilespmem:v6+s16+$0x0] =	vst.idx.msk $0xffff, v9  }
0x28e: {  	v7 =	vld [tilespmem:$0x1F980];
	v63 =	vsel vm0, v10, v11;
	v10 =	vor.u32 v29, v2  }
0x28f: {  	v8 =	vld [tilespmem:$0x1F990]  }
0x290: {  	v12 =	vld [tilespmem:$0x1F9A0]  }
0x291: {  	v19 =	vld [tilespmem:$0x1F810]  }
0x292: {  	v14 =	vld [tilespmem:$0x1FC70]  }
0x293: {  	v9 =	vld.idx.msk [tilespmem:v10+s13+$0x0], $0xffff  }
0x294: {  	v10 =	vld [tilespmem:$0x1F970]  }
0x295: {  	v24 =	vld [tilespmem:$0x1F9C0];
	v4 =	vor.u32 v4, v2  }
0x296: {  	v7 =	vsel vm0, v8, v7;
	v8 =	vld [tilespmem:$0x1F800]  }
0x297: {  	v16 =	vld [tilespmem:$0x1FC50];
	v11 =	vcombine.low v26, v22  }
0x298: {  	v17 =	vld [tilespmem:$0x1FC80];
	v13 =	vcombine.low v63, v62  }
0x299: {  	v5 =	vor.u32 v11, v2;
	[tilespmem:$0x1F570] =	vst v11;
	v10 =	vsel vm0, v10, v12;
	v12 =	vld [tilespmem:$0x1FF90]  }
0x29a: {  	v31 =	vcombine.low v44, v58;
	v6 =	vor.u32 v13, v2;
	v4 =	vld.idx.msk [tilespmem:v4+s13+$0x0], $0xffff  }
0x29b: {  	[tilespmem:$0x1F580] =	vst v13;
	v8 =	vor.u32 v8, v1;
	v44 =	vcombine.low v10, v7;
	v7 =	vor.u32 v13, v1;
	v13 =	vld [tilespmem:$0x1FC60]  }
0x29c: {  	v18 =	vld [tilespmem:$0x1FA60]  }
0x29d: {  	v35 =	vld [tilespmem:$0x1FFA0];
	v10 =	vor.u32 v19, v3  }
0x29e: {  	v11 =	vor.u32 v11, v1;
	v5 =	vld.idx.msk [tilespmem:v5+s13+$0x0], $0xffff;
	v12 =	vor.u32 v12, v3  }
0x29f: {  	v15 =	vor.u32 v31, v2;
	v16 =	vsel vm0, v16, v17;
	v6 =	vld.idx.msk [tilespmem:v6+s13+$0x0], $0xffff;
	[tilespmem:$0x1F590] =	vst v23  }
0x2a0: {  	v17 =	vor.u32 v23, v1;
	v8 =	vld.idx.msk [tilespmem:v8+s13+$0x0], $0xffff;
	v13 =	vsel vm0, v14, v13;
	v14 =	vor.u32 v24, v3  }
0x2a1: {  	v18 =	vor.u32 v18, v3;
	v23 =	vcombine.low v16, v13;
	v13 =	vor.u32 v19, v0;
	v19 =	vld [tilespmem:$0x1F820]  }
0x2a2: {  	[tilespmem:v10+s16+$0x0] =	vst.idx.msk $0xffff, v4;
	v4 =	vld.idx.msk [tilespmem:v7+s13+$0x0], $0xffff  }
0x2a3: {  	[tilespmem:v12+s16+$0x0] =	vst.idx.msk $0xffff, v9;
	v9 =	vld.idx.msk [tilespmem:v11+s13+$0x0], $0xffff  }
0x2a4: {  	v7 =	vld [tilespmem:$0x1FA60]  }
0x2a5: {  	[tilespmem:v14+s16+$0x0] =	vst.idx.msk $0xffff, v5;
	v5 =	vld.idx.msk [tilespmem:v15+s13+$0x0], $0xffff  }
0x2a6: {  	v11 =	vor.u32 v24, v0;
	v24 =	vld [tilespmem:$0x1FB60];
	[tilespmem:v18+s16+$0x0] =	vst.idx.msk $0xffff, v6  }
0x2a7: {  	v16 =	vor.u32 v19, v2;
	v6 =	vld [tilespmem:$0x1F5A0]  }
0x2a8: {  	v18 =	vld [tilespmem:$0x1F5B0]  }
0x2a9: {  	v39 =	vld [tilespmem:$0x1FAA0]  }
0x2aa: {  	v40 =	vld [tilespmem:$0x1FA80]  }
0x2ab: {  	v12 =	vor.u32 v44, v2;
	v38 =	vld [tilespmem:$0x1FF10]  }
0x2ac: {  	v10 =	vor.u32 v23, v2;
	[tilespmem:v13+s16+$0x0] =	vst.idx.msk $0xffff, v8;
	v7 =	vor.u32 v7, v0;
	v8 =	vld.idx.msk [tilespmem:v16+s13+$0x0], $0xffff  }
0x2ad: {  	v37 =	vcombine.low v6, v18;
	v6 =	vld.idx.msk [tilespmem:v17+s13+$0x0], $0xffff;
	[tilespmem:$0x1F5C0] =	vst v44  }
0x2ae: {  	v18 =	vld [tilespmem:$0x1F830];
	[tilespmem:v11+s16+$0x0] =	vst.idx.msk $0xffff, v9  }
0x2af: {  	v14 =	vor.u32 v19, v1;
	v19 =	vld [tilespmem:$0x1F9D0]  }
0x2b0: {  	v15 =	vor.u32 v24, v3;
	v9 =	vld.idx.msk [tilespmem:v12+s13+$0x0], $0xffff  }
0x2b1: {  	[tilespmem:v7+s16+$0x0] =	vst.idx.msk $0xffff, v4;
	v4 =	vld.idx.msk [tilespmem:v10+s13+$0x0], $0xffff  }
0x2b2: {  	v17 =	vor.u32 v55, v0;
	v7 =	vor.u32 v23, v1;
	[tilespmem:$0x1F5D0] =	vst v23;
	v23 =	vld [tilespmem:$0x1FA70]  }
0x2b3: {  	v16 =	vor.u32 v18, v3  }
0x2b4: {  	v12 =	vor.u32 v37, v2;
	v11 =	vor.u32 v19, v3  }
0x2b5: {  	[tilespmem:v15+s16+$0x0] =	vst.idx.msk $0xffff, v5  }
0x2b6: {  	v5 =	vld.idx.msk [tilespmem:v14+s13+$0x0], $0xffff;
	[tilespmem:$0x1F5E0] =	vst v32  }
0x2b7: {  	[tilespmem:v17+s16+$0x0] =	vst.idx.msk $0xffff, v6;
	v10 =	vor.u32 v23, v3  }
0x2b8: {  	v17 =	vld [tilespmem:$0x1F840];
	[tilespmem:v16+s16+$0x0] =	vst.idx.msk $0xffff, v8  }
0x2b9: {  	[tilespmem:v11+s16+$0x0] =	vst.idx.msk $0xffff, v9;
	v9 =	vld.idx.msk [tilespmem:v12+s13+$0x0], $0xffff  }
0x2ba: {  	v13 =	vor.u32 v44, v1;
	v11 =	vld [tilespmem:$0x1FE20]  }
0x2bb: {  	v15 =	vor.u32 v18, v0;
	v12 =	vld [tilespmem:$0x1FE30]  }
0x2bc: {  	v36 =	vld [tilespmem:$0x1FB70];
	[tilespmem:v10+s16+$0x0] =	vst.idx.msk $0xffff, v4  }
0x2bd: {  	v4 =	vld [tilespmem:$0x1F5F0]  }
0x2be: {  	v10 =	vld [tilespmem:$0x1F600]  }
0x2bf: {  	v8 =	vld.idx.msk [tilespmem:v13+s13+$0x0], $0xffff  }
0x2c0: {  	v14 =	vor.u32 v32, v1;
	v33 =	vld [tilespmem:$0x1FA10];
	[tilespmem:v15+s16+$0x0] =	vst.idx.msk $0xffff, v5  }
0x2c1: {  	v13 =	vor.u32 v19, v0;
	v6 =	vor.u32 v17, v2;
	v18 =	vld [tilespmem:$0x1F850]  }
0x2c2: {  	v16 =	vcombine.low v11, v12;
	v11 =	vor.u32 v36, v3  }
0x2c3: {  	v55 =	vcombine.low v4, v10;
	v4 =	vld.idx.msk [tilespmem:v7+s13+$0x0], $0xffff;
	v7 =	vor.u32 v23, v0;
	_ =	sdelay $0x1  }
0x2c4: {  	v5 =	vld.idx.msk [tilespmem:v14+s13+$0x0], $0xffff;
	v10 =	vor.u32 v25, v0;
	v12 =	vor.u32 v16, v2  }
0x2c5: {  	[tilespmem:v13+s16+$0x0] =	vst.idx.msk $0xffff, v8;
	v6 =	vld.idx.msk [tilespmem:v6+s13+$0x0], $0xffff;
	v15 =	vor.u32 v18, v3;
	v14 =	vor.u32 v55, v2  }
0x2c6: {  	[tilespmem:v11+s16+$0x0] =	vst.idx.msk $0xffff, v9  }
0x2c7: {  	[tilespmem:v7+s16+$0x0] =	vst.idx.msk $0xffff, v4  }
0x2c8: {  	[tilespmem:$0x1F610] =	vst v16  }
0x2c9: {  	[tilespmem:v10+s16+$0x0] =	vst.idx.msk $0xffff, v5;
	v5 =	vld.idx.msk [tilespmem:v12+s13+$0x0], $0xffff  }
0x2ca: {  	[tilespmem:v15+s16+$0x0] =	vst.idx.msk $0xffff, v6;
	v6 =	vld.idx.msk [tilespmem:v14+s13+$0x0], $0xffff  }
0x2cb: {  	v58 =	vld [tilespmem:$0x1FF70]  }
0x2cc: {  	v12 =	vld [tilespmem:$0x1FE40]  }
0x2cd: {  	v23 =	vcombine.low v49, v56;
	v13 =	vld [tilespmem:$0x1FE50]  }
0x2ce: {  	v8 =	vor.u32 v17, v1;
	v14 =	vld [tilespmem:$0x1F630]  }
0x2cf: {  	v9 =	vor.u32 v23, v2;
	v15 =	vld [tilespmem:$0x1F640];
	_ =	sdelay $0x1  }
0x2d0: {  	v7 =	vor.u32 v38, v3  }
0x2d1: {  	[tilespmem:$0x1F620] =	vst v55;
	v19 =	vld [tilespmem:$0x1F860];
	v11 =	vor.u32 v58, v3  }
0x2d2: {  	v4 =	vor.u32 v16, v1;
	v8 =	vld.idx.msk [tilespmem:v8+s13+$0x0], $0xffff;
	v20 =	vcombine.low v12, v13;
	v13 =	vor.u32 v18, v0  }
0x2d3: {  	v9 =	vld.idx.msk [tilespmem:v9+s13+$0x0], $0xffff;
	v12 =	vor.u32 v29, v1;
	v21 =	vcombine.low v14, v15;
	v15 =	vor.u32 v35, v3;
	_ =	sdelay $0x1  }
0x2d4: {  	v60 =	vld [tilespmem:$0x1FF90];
	[tilespmem:v7+s16+$0x0] =	vst.idx.msk $0xffff, v5  }
0x2d5: {  	v10 =	vor.u32 v55, v1;
	[tilespmem:v11+s16+$0x0] =	vst.idx.msk $0xffff, v6  }
0x2d6: {  	v4 =	vld.idx.msk [tilespmem:v4+s13+$0x0], $0xffff;
	v14 =	vor.u32 v19, v2;
	[tilespmem:v13+s16+$0x0] =	vst.idx.msk $0xffff, v8  }
0x2d7: {  	v16 =	vor.u32 v38, v0;
	v17 =	vor.u32 v20, v2;
	v8 =	vld.idx.msk [tilespmem:v12+s13+$0x0], $0xffff;
	[tilespmem:v15+s16+$0x0] =	vst.idx.msk $0xffff, v9  }
0x2d8: {  	v12 =	vor.u32 v19, v1;
	v19 =	vld [tilespmem:$0x1F870]  }
0x2d9: {  	v25 =	vcombine.low v48, v50;
	v5 =	vor.u32 v21, v2  }
0x2da: {  	v7 =	vor.u32 v58, v0;
	v6 =	vld.idx.msk [tilespmem:v10+s13+$0x0], $0xffff  }
0x2db: {  	v10 =	vor.u32 v25, v2;
	v9 =	vld.idx.msk [tilespmem:v14+s13+$0x0], $0xffff  }
0x2dc: {  	v11 =	vor.u32 v60, v0;
	[tilespmem:v16+s16+$0x0] =	vst.idx.msk $0xffff, v4;
	v4 =	vld.idx.msk [tilespmem:v17+s13+$0x0], $0xffff  }
0x2dd: {  	v14 =	vor.u32 v20, v1;
	[tilespmem:$0x1F650] =	vst v20;
	v20 =	vld [tilespmem:$0x1F9E0];
	v13 =	vor.u32 v19, v3  }
0x2de: {  	v5 =	vld.idx.msk [tilespmem:v5+s13+$0x0], $0xffff;
	[tilespmem:$0x1F660] =	vst v21  }
0x2df: {  	[tilespmem:v7+s16+$0x0] =	vst.idx.msk $0xffff, v6  }
0x2e0: {  	v6 =	vld.idx.msk [tilespmem:v10+s13+$0x0], $0xffff;
	[tilespmem:$0x1F670] =	vst v31  }
0x2e1: {  	v7 =	vor.u32 v31, v1;
	v31 =	vld [tilespmem:$0x1FB80];
	[tilespmem:v11+s16+$0x0] =	vst.idx.msk $0xffff, v8  }
0x2e2: {  	v15 =	vor.u32 v20, v3;
	[tilespmem:v13+s16+$0x0] =	vst.idx.msk $0xffff, v9  }
0x2e3: {  	v9 =	vld [tilespmem:$0x1F680]  }
0x2e4: {  	v13 =	vld [tilespmem:$0x1F690]  }
0x2e5: {  	v50 =	vcombine.low v59, v61;
	v16 =	vor.u32 v21, v1;
	v17 =	vor.u32 v40, v3;
	v21 =	vld [tilespmem:$0x1F880]  }
0x2e6: {  	v10 =	vor.u32 v31, v3  }
0x2e7: {  	v8 =	vld.idx.msk [tilespmem:v12+s13+$0x0], $0xffff;
	v11 =	vor.u32 v19, v0;
	v12 =	vor.u32 v50, v2;
	[tilespmem:v15+s16+$0x0] =	vst.idx.msk $0xffff, v4  }
0x2e8: {  	v4 =	vld [tilespmem:$0x1F6A0]  }
0x2e9: {  	v19 =	vcombine.low v9, v13;
	v13 =	vld [tilespmem:$0x1F6B0]  }
0x2ea: {  	v9 =	vor.u32 v21, v2;
	[tilespmem:v17+s16+$0x0] =	vst.idx.msk $0xffff, v5;
	v5 =	vld.idx.msk [tilespmem:v16+s13+$0x0], $0xffff  }
0x2eb: {  	[tilespmem:v10+s16+$0x0] =	vst.idx.msk $0xffff, v6;
	v6 =	vld.idx.msk [tilespmem:v7+s13+$0x0], $0xffff  }
0x2ec: {  	[tilespmem:v11+s16+$0x0] =	vst.idx.msk $0xffff, v8;
	v8 =	vld.idx.msk [tilespmem:v12+s13+$0x0], $0xffff  }
0x2ed: {  	v49 =	vld [tilespmem:$0x1FFB0]  }
0x2ee: {  	v18 =	vcombine.low v4, v13;
	v4 =	vld.idx.msk [tilespmem:v14+s13+$0x0], $0xffff  }
0x2ef: {  	v13 =	vor.u32 v20, v0;
	v9 =	vld.idx.msk [tilespmem:v9+s13+$0x0], $0xffff  }
0x2f0: {  	v15 =	vor.u32 v19, v2;
	v16 =	vor.u32 v19, v1;
	[tilespmem:$0x1F6C0] =	vst v19;
	v19 =	vld [tilespmem:$0x1F890]  }
0x2f1: {  	v14 =	vor.u32 v40, v0  }
0x2f2: {  	v7 =	vor.u32 v24, v0  }
0x2f3: {  	v10 =	vor.u32 v18, v2  }
0x2f4: {  	v12 =	vor.u32 v49, v3;
	[tilespmem:v13+s16+$0x0] =	vst.idx.msk $0xffff, v4  }
0x2f5: {  	v17 =	vor.u32 v19, v3;
	[tilespmem:$0x1F6D0] =	vst v18  }
0x2f6: {  	[tilespmem:v14+s16+$0x0] =	vst.idx.msk $0xffff, v5;
	v5 =	vld.idx.msk [tilespmem:v15+s13+$0x0], $0xffff  }
0x2f7: {  	v4 =	vor.u32 v18, v1;
	v18 =	vld [tilespmem:$0x1F9F0];
	[tilespmem:v7+s16+$0x0] =	vst.idx.msk $0xffff, v6  }
0x2f8: {  	v6 =	vld.idx.msk [tilespmem:v10+s13+$0x0], $0xffff;
	[tilespmem:$0x1F6E0] =	vst v37  }
0x2f9: {  	v15 =	vld [tilespmem:$0x1FA90];
	[tilespmem:v12+s16+$0x0] =	vst.idx.msk $0xffff, v8  }
0x2fa: {  	v11 =	vor.u32 v21, v1;
	[tilespmem:v17+s16+$0x0] =	vst.idx.msk $0xffff, v9  }
0x2fb: {  	v9 =	vld [tilespmem:$0x1F6F0]  }
0x2fc: {  	v12 =	vld [tilespmem:$0x1F700];
	_ =	sdelay $0x1  }
0x2fd: {  	v13 =	vor.u32 v18, v3  }
0x2fe: {  	v8 =	vld.idx.msk [tilespmem:v11+s13+$0x0], $0xffff  }
0x2ff: {  	v58 =	vld [tilespmem:$0x1F8A0]  }
0x300: {  	v17 =	vcombine.low v9, v12;
	v9 =	vld.idx.msk [tilespmem:v16+s13+$0x0], $0xffff  }
0x301: {  	v24 =	vcombine.low v30, v27;
	v10 =	vor.u32 v15, v3;
	v16 =	vld [tilespmem:$0x1F710]  }
0x302: {  	v11 =	vor.u32 v19, v0;
	v12 =	vor.u32 v18, v0;
	v18 =	vld [tilespmem:$0x1F720];
	[tilespmem:v13+s16+$0x0] =	vst.idx.msk $0xffff, v5  }
0x303: {  	v30 =	vmov v23;
	v14 =	vor.u32 v24, v2;
	v23 =	vld [tilespmem:$0x1FFC0]  }
0x304: {  	v7 =	vor.u32 v37, v1  }
0x305: {  	v4 =	vld.idx.msk [tilespmem:v4+s13+$0x0], $0xffff;
	v15 =	vor.u32 v15, v0  }
0x306: {  	[tilespmem:v10+s16+$0x0] =	vst.idx.msk $0xffff, v6  }
0x307: {  	[tilespmem:v11+s16+$0x0] =	vst.idx.msk $0xffff, v8  }
0x308: {  	v5 =	vld.idx.msk [tilespmem:v14+s13+$0x0], $0xffff;
	[tilespmem:v12+s16+$0x0] =	vst.idx.msk $0xffff, v9;
	v14 =	vor.u32 v23, v3  }
0x309: {  	v6 =	vld.idx.msk [tilespmem:v7+s13+$0x0], $0xffff;
	[tilespmem:$0x1F730] =	vst v17  }
0x30a: {  	v8 =	vor.u32 v58, v1;
	[tilespmem:v15+s16+$0x0] =	vst.idx.msk $0xffff, v4  }
0x30b: {  	v7 =	vor.u32 v36, v0;
	v48 =	vcombine.low v16, v18;
	v16 =	vor.u32 v58, v2;
	v59 =	vld [tilespmem:$0x1F8B0];
	_ =	sdelay $0x1  }
0x30c: {  	v10 =	vor.u32 v48, v2;
	[tilespmem:v14+s16+$0x0] =	vst.idx.msk $0xffff, v5  }
0x30d: {  	v13 =	vor.u32 v17, v2;
	v38 =	vld [tilespmem:$0x1FA00]  }
0x30e: {  	v9 =	vor.u32 v17, v1;
	v8 =	vld.idx.msk [tilespmem:v8+s13+$0x0], $0xffff  }
0x30f: {  	v4 =	vld.idx.msk [tilespmem:v16+s13+$0x0], $0xffff;
	v12 =	vor.u32 v59, v3;
	[tilespmem:v7+s16+$0x0] =	vst.idx.msk $0xffff, v6  }
0x310: {  	v11 =	vor.u32 v48, v1;
	v14 =	vor.u32 v59, v0;
	v42 =	vld [tilespmem:$0x1F8C0]  }
0x311: {  	v6 =	vor.u32 v39, v3;
	v7 =	vld.idx.msk [tilespmem:v10+s13+$0x0], $0xffff  }
0x312: {  	v5 =	vld.idx.msk [tilespmem:v13+s13+$0x0], $0xffff;
	v13 =	vor.u32 v38, v3  }
0x313: {  	v9 =	vld.idx.msk [tilespmem:v9+s13+$0x0], $0xffff;
	v10 =	vor.u32 v30, v1;
	v15 =	vor.u32 v38, v0  }
0x314: {  	[tilespmem:v12+s16+$0x0] =	vst.idx.msk $0xffff, v4  }
0x315: {  	v4 =	vld.idx.msk [tilespmem:v11+s13+$0x0], $0xffff;
	v11 =	vor.u32 v39, v0;
	[tilespmem:v14+s16+$0x0] =	vst.idx.msk $0xffff, v8;
	v16 =	vor.u32 v42, v2  }
0x316: {  	[tilespmem:v6+s16+$0x0] =	vst.idx.msk $0xffff, v7  }
0x317: {  	[tilespmem:v13+s16+$0x0] =	vst.idx.msk $0xffff, v5  }
0x318: {  	v10 =	vld.idx.msk [tilespmem:v10+s13+$0x0], $0xffff;
	[tilespmem:v15+s16+$0x0] =	vst.idx.msk $0xffff, v9  }
0x319: {  	v36 =	vcombine.low v53, v45;
	v61 =	vld [tilespmem:$0x1F8D0]  }
0x31a: {  	v14 =	vld.idx.msk [tilespmem:v16+s13+$0x0], $0xffff;
	[tilespmem:v11+s16+$0x0] =	vst.idx.msk $0xffff, v4  }
0x31b: {  	v32 =	vcombine.low v47, v43;
	v12 =	vor.u32 v36, v2;
	v47 =	vld [tilespmem:$0x1FE70]  }
0x31c: {  	v15 =	vld [tilespmem:$0x1F750]  }
0x31d: {  	v6 =	vor.u32 v42, v1;
	v55 =	vld [tilespmem:$0x1FAB0]  }
0x31e: {  	v5 =	vor.u32 v32, v2;
	v16 =	vld [tilespmem:$0x1F8E0]  }
0x31f: {  	v7 =	vor.u32 v35, v0;
	[tilespmem:$0x1F740] =	vst v25;
	v56 =	vld [tilespmem:$0x1F910]  }
0x320: {  	v8 =	vor.u32 v36, v1;
	v11 =	vor.u32 v33, v3;
	v12 =	vld.idx.msk [tilespmem:v12+s13+$0x0], $0xffff  }
0x321: {  	v9 =	vor.u32 v32, v1;
	v45 =	vld [tilespmem:$0x1FA50];
	v13 =	vor.u32 v61, v3  }
0x322: {  	v4 =	vor.u32 v25, v1;
	v6 =	vld.idx.msk [tilespmem:v6+s13+$0x0], $0xffff;
	v17 =	vor.u32 v61, v0  }
0x323: {  	v5 =	vld.idx.msk [tilespmem:v5+s13+$0x0], $0xffff;
	v60 =	vcombine.low v15, v41;
	v15 =	vor.u32 v55, v3;
	v16 =	vor.u32 v16, v2  }
0x324: {  	v41 =	vld [tilespmem:$0x1F8E0];
	[tilespmem:v7+s16+$0x0] =	vst.idx.msk $0xffff, v10  }
0x325: {  	v20 =	vor.u32 v33, v0;
	v8 =	vld.idx.msk [tilespmem:v8+s13+$0x0], $0xffff;
	[tilespmem:v11+s16+$0x0] =	vst.idx.msk $0xffff, v12  }
0x326: {  	v9 =	vld.idx.msk [tilespmem:v9+s13+$0x0], $0xffff;
	[tilespmem:v13+s16+$0x0] =	vst.idx.msk $0xffff, v14  }
0x327: {  	v19 =	vld.idx.msk [tilespmem:v4+s13+$0x0], $0xffff;
	[tilespmem:v17+s16+$0x0] =	vst.idx.msk $0xffff, v6  }
0x328: {  	v16 =	vld.idx.msk [tilespmem:v16+s13+$0x0], $0xffff;
	[tilespmem:v15+s16+$0x0] =	vst.idx.msk $0xffff, v5  }
0x329: {  	v35 =	vcombine.low v57, v54;
	v10 =	vor.u32 v60, v2;
	[tilespmem:$0x1F760] =	vst v50;
	v43 =	vld [tilespmem:$0x1FA20]  }
0x32a: {  	[tilespmem:v20+s16+$0x0] =	vst.idx.msk $0xffff, v8  }
0x32b: {  	v44 =	vcombine.low v22, v26;
	v26 =	vor.u32 v55, v0;
	v14 =	vor.u32 v35, v2;
	v57 =	vld [tilespmem:$0x1FAC0]  }
0x32c: {  	v18 =	vor.u32 v31, v0  }
0x32d: {  	v25 =	vor.u32 v35, v1;
	v13 =	vor.u32 v34, v3  }
0x32e: {  	v7 =	vor.u32 v41, v1;
	v11 =	vld.idx.msk [tilespmem:v10+s13+$0x0], $0xffff;
	v21 =	vor.u32 v43, v3  }
0x32f: {  	v15 =	vor.u32 v60, v1  }
0x330: {  	[tilespmem:v26+s16+$0x0] =	vst.idx.msk $0xffff, v9;
	v12 =	vld.idx.msk [tilespmem:v14+s13+$0x0], $0xffff;
	v20 =	vor.u32 v57, v3  }
0x331: {  	v37 =	vld [tilespmem:$0x1F8F0];
	[tilespmem:v18+s16+$0x0] =	vst.idx.msk $0xffff, v19  }
0x332: {  	v18 =	vld.idx.msk [tilespmem:v25+s13+$0x0], $0xffff;
	[tilespmem:v13+s16+$0x0] =	vst.idx.msk $0xffff, v16  }
0x333: {  	v10 =	vld.idx.msk [tilespmem:v7+s13+$0x0], $0xffff;
	[tilespmem:v21+s16+$0x0] =	vst.idx.msk $0xffff, v11  }
0x334: {  	v14 =	vld.idx.msk [tilespmem:v15+s13+$0x0], $0xffff;
	[tilespmem:$0x1F770] =	vst v24  }
0x335: {  	v22 =	vor.u32 v50, v1;
	[tilespmem:v20+s16+$0x0] =	vst.idx.msk $0xffff, v12  }
0x336: {  	v27 =	vor.u32 v44, v2;
	v13 =	vld [tilespmem:$0x1F900]  }
0x337: {  	v17 =	vor.u32 v37, v2;
	v25 =	vld [tilespmem:$0x1FA30]  }
0x338: {  	v39 =	vcombine.low v62, v63;
	v26 =	vld [tilespmem:$0x1FAD0]  }
0x339: {  	v4 =	vor.u32 v34, v0  }
0x33a: {  	v8 =	vor.u32 v44, v1;
	v9 =	vor.u32 v39, v2;
	v7 =	vor.u32 v49, v0;
	v19 =	vld.idx.msk [tilespmem:v22+s13+$0x0], $0xffff  }
0x33b: {  	v6 =	vor.u32 v43, v0;
	v5 =	vor.u32 v57, v0;
	v2 =	vor.u32 v39, v1;
	v21 =	vld.idx.msk [tilespmem:v27+s13+$0x0], $0xffff  }
0x33c: {  	v15 =	vor.u32 v37, v1;
	v1 =	vor.u32 v24, v1;
	v20 =	vld.idx.msk [tilespmem:v17+s13+$0x0], $0xffff;
	v12 =	vor.u32 v13, v3  }
0x33d: {  	[tilespmem:$0x1F780] =	vst v29;
	v11 =	vor.u32 v25, v3;
	v3 =	vor.u32 v26, v3;
	v13 =	vor.u32 v13, v0  }
0x33e: {  	s25 =	simm.s32 $0x0;
	[tilespmem:$0x1F790] =	vst v30;
	v17 =	vor.u32 v25, v0;
	v16 =	vor.u32 v26, v0;
	v0 =	vor.u32 v23, v0  }
.LBB2_2:
0x33f: {  	v9 =	vld.idx.msk [tilespmem:v9+s13+$0x0], $0xffff  }
0x340: {  	v31 =	vld [tilespmem:$0x1FF30]  }
0x341: {  	v40 =	vld [tilespmem:$0x1FE60]  }
0x342: {  	[tilespmem:v6+s16+$0x0] =	vst.idx.msk $0xffff, v14;
	v54 =	vld [tilespmem:$0x1FFF0]  }
0x343: {  	v6 =	vld.idx.msk [tilespmem:v8+s13+$0x0], $0xffff;
	[tilespmem:v5+s16+$0x0] =	vst.idx.msk $0xffff, v18  }
0x344: {  	[tilespmem:v12+s16+$0x0] =	vst.idx.msk $0xffff, v20;
	v12 =	vld [tilespmem:$0x1F3F0]  }
0x345: {  	[tilespmem:v7+s16+$0x0] =	vst.idx.msk $0xffff, v19;
	v2 =	vld.idx.msk [tilespmem:v2+s13+$0x0], $0xffff  }
0x346: {  	v1 =	vld.idx.msk [tilespmem:v1+s13+$0x0], $0xffff  }
0x347: {  	s24 =	sadd.s32 $0x20, s24;
	[tilespmem:v3+s16+$0x0] =	vst.idx.msk $0xffff, v9;
	v9 =	vld [tilespmem:$0x1FFD0]  }
0x348: {  	s26 =	sadd.s32 $0xFFFFFFF0, s24;
	[tilespmem:v4+s16+$0x0] =	vst.idx.msk $0xffff, v10;
	v5 =	vlaneseq.u32;
	v10 =	vld [tilespmem:$0x1F3E0]  }
0x349: {  	[tilespmem:v11+s16+$0x0] =	vst.idx.msk $0xffff, v21;
	v4 =	vld.idx.msk [tilespmem:v15+s13+$0x0], $0xffff;
	v3 =	vor.u32 s26, v5  }
0x34a: {  	v15 =	vld [tilespmem:$0x1FF20];
	[tilespmem:v16+s16+$0x0] =	vst.idx.msk $0xffff, v2;
	v2 =	vshll.u32 v3, $0x6  }
0x34b: {  	v20 =	vld [tilespmem:$0x1FEE0];
	[tilespmem:v17+s16+$0x0] =	vst.idx.msk $0xffff, v6;
	v7 =	vor.u32 v12, v2  }
0x34c: {  	v21 =	vld [tilespmem:$0x1FAE0];
	[tilespmem:v0+s16+$0x0] =	vst.idx.msk $0xffff, v1;
	v0 =	vor.u32 s24, v5;
	v6 =	vor.u32 v9, v2  }
0x34d: {  	v16 =	vld [tilespmem:$0x1FFE0];
	v3 =	vand.u32 $0x68, v3;
	v1 =	vshll.u32 v0, $0x6;
	v8 =	vor.u32 v10, v2  }
0x34e: {  	[tilespmem:v13+s16+$0x0] =	vst.idx.msk $0xffff, v4;
	v0 =	vand.u32 $0x78, v0;
	v4 =	vor.u32 v5, v1;
	v13 =	vor.u32 v12, v1;
	v12 =	vld [tilespmem:$0x1F400]  }
0x34f: {  	v22 =	vor.u32 v15, v3;
	v5 =	vor.u32 v5, v2;
	v62 =	vor.u32 v15, v0;
	v15 =	vld [tilespmem:$0x1F410]  }
0x350: {  	v9 =	vor.u32 v9, v1;
	v7 =	vld.idx.msk [tilespmem:v7+s13+$0x0], $0xffff  }
0x351: {  	v10 =	vor.u32 v10, v1;
	v6 =	vld.idx.msk [tilespmem:v6+s13+$0x0], $0xffff  }
0x352: {  	v33 =	vor.u32 v21, v0;
	v21 =	vor.u32 v21, v3;
	v8 =	vld.idx.msk [tilespmem:v8+s13+$0x0], $0xffff  }
0x353: {  	v50 =	vor.u32 v20, v0;
	v20 =	vor.u32 v20, v3;
	v4 =	vld.idx.msk [tilespmem:v4+s13+$0x0], $0xffff  }
0x354: {  	v19 =	vor.u32 v51, v3;
	v5 =	vld.idx.msk [tilespmem:v5+s13+$0x0], $0xffff;
	v23 =	vor.u32 v15, v2  }
0x355: {  	v11 =	vor.u32 v51, v0;
	v9 =	vld.idx.msk [tilespmem:v9+s13+$0x0], $0xffff  }
0x356: {  	v63 =	vmov v25;
	v17 =	vor.u32 v16, v2;
	v25 =	vor.u32 v16, v1;
	v10 =	vld.idx.msk [tilespmem:v10+s13+$0x0], $0xffff  }
0x357: {  	v18 =	vor.u32 v12, v2;
	v16 =	vor.u32 v15, v1;
	[tilespmem:v21+s16+$0x0] =	vst.idx.msk $0xffff, v7;
	v7 =	vld.idx.msk [tilespmem:v13+s13+$0x0], $0xffff  }
0x358: {  	v15 =	vor.u32 v31, v3;
	v13 =	vor.u32 v31, v0;
	[tilespmem:v20+s16+$0x0] =	vst.idx.msk $0xffff, v6;
	v31 =	vld [tilespmem:$0x1FE10]  }
0x359: {  	[tilespmem:v19+s16+$0x0] =	vst.idx.msk $0xffff, v5;
	v5 =	vld.idx.msk [tilespmem:v23+s13+$0x0], $0xffff  }
0x35a: {  	[tilespmem:v11+s16+$0x0] =	vst.idx.msk $0xffff, v4;
	v4 =	vld [tilespmem:$0x1FAF0]  }
0x35b: {  	v14 =	vor.u32 v52, v2;
	v17 =	vld.idx.msk [tilespmem:v17+s13+$0x0], $0xffff  }
0x35c: {  	v24 =	vor.u32 v52, v1;
	[tilespmem:v22+s16+$0x0] =	vst.idx.msk $0xffff, v8;
	v23 =	vld [tilespmem:$0x1F430]  }
0x35d: {  	v18 =	vld.idx.msk [tilespmem:v18+s13+$0x0], $0xffff  }
0x35e: {  	[tilespmem:v50+s16+$0x0] =	vst.idx.msk $0xffff, v9;
	v50 =	vld [tilespmem:$0x1F460]  }
0x35f: {  	[tilespmem:v62+s16+$0x0] =	vst.idx.msk $0xffff, v10;
	v62 =	vld [tilespmem:$0x1FB20]  }
0x360: {  	v14 =	vld.idx.msk [tilespmem:v14+s13+$0x0], $0xffff  }
0x361: {  	v27 =	vor.u32 v56, v3;
	v9 =	vld.idx.msk [tilespmem:v24+s13+$0x0], $0xffff  }
0x362: {  	v34 =	vmov v26;
	v26 =	vor.u32 v46, v3;
	v25 =	vld.idx.msk [tilespmem:v25+s13+$0x0], $0xffff  }
0x363: {  	v20 =	vor.u32 v40, v2;
	v24 =	vor.u32 v40, v1;
	v40 =	vld [tilespmem:$0x1F9C0]  }
0x364: {  	v21 =	vor.u32 v54, v2;
	[tilespmem:v33+s16+$0x0] =	vst.idx.msk $0xffff, v7;
	v33 =	vld [tilespmem:$0x1FB50]  }
0x365: {  	v53 =	vor.u32 v56, v0;
	v6 =	vor.u32 v4, v3;
	v19 =	vor.u32 v4, v0;
	v4 =	vld [tilespmem:$0x1F420]  }
0x366: {  	v11 =	vor.u32 v46, v0;
	[tilespmem:v27+s16+$0x0] =	vst.idx.msk $0xffff, v17;
	v27 =	vld [tilespmem:$0x1FB00]  }
0x367: {  	[tilespmem:v26+s16+$0x0] =	vst.idx.msk $0xffff, v14;
	v14 =	vld.idx.msk [tilespmem:v16+s13+$0x0], $0xffff  }
0x368: {  	v12 =	vor.u32 v12, v1;
	v26 =	vld [tilespmem:$0x1FA40]  }
0x369: {  	[tilespmem:v15+s16+$0x0] =	vst.idx.msk $0xffff, v18;
	v18 =	vld.idx.msk [tilespmem:v21+s13+$0x0], $0xffff  }
0x36a: {  	v8 =	vor.u32 v23, v2;
	[tilespmem:v53+s16+$0x0] =	vst.idx.msk $0xffff, v25;
	v53 =	vld [tilespmem:$0x1FB10]  }
0x36b: {  	[tilespmem:v11+s16+$0x0] =	vst.idx.msk $0xffff, v9;
	v16 =	vld.idx.msk [tilespmem:v20+s13+$0x0], $0xffff  }
0x36c: {  	v23 =	vor.u32 v23, v1;
	v24 =	vld.idx.msk [tilespmem:v24+s13+$0x0], $0xffff  }
0x36d: {  	v9 =	vor.u32 v47, v0;
	[tilespmem:v6+s16+$0x0] =	vst.idx.msk $0xffff, v5;
	v5 =	vld.idx.msk [tilespmem:v12+s13+$0x0], $0xffff  }
0x36e: {  	v22 =	vor.u32 v4, v2;
	v10 =	vor.u32 v4, v1;
	v4 =	vor.u32 v54, v1;
	v54 =	vld [tilespmem:$0x1F5E0]  }
0x36f: {  	v7 =	vld.idx.msk [tilespmem:v8+s13+$0x0], $0xffff  }
0x370: {  	v11 =	vor.u32 v31, v0;
	v8 =	vor.u32 v31, v3;
	v31 =	vld [tilespmem:$0x1FE80];
	[tilespmem:v19+s16+$0x0] =	vst.idx.msk $0xffff, v14  }
0x371: {  	v14 =	vld.idx.msk [tilespmem:v23+s13+$0x0], $0xffff  }
0x372: {  	v23 =	vld [tilespmem:$0x1FE90]  }
0x373: {  	v12 =	vor.u32 v27, v3;
	[tilespmem:v9+s16+$0x0] =	vst.idx.msk $0xffff, v24;
	v24 =	vld [tilespmem:$0x1FF40]  }
0x374: {  	v17 =	vor.u32 v50, v2;
	v20 =	vld.idx.msk [tilespmem:v22+s13+$0x0], $0xffff  }
0x375: {  	v22 =	vor.u32 v27, v0;
	v27 =	vld [tilespmem:$0x1F440]  }
0x376: {  	v6 =	vor.u32 v47, v3;
	v4 =	vld.idx.msk [tilespmem:v4+s13+$0x0], $0xffff  }
0x377: {  	v15 =	vor.u32 v26, v3;
	[tilespmem:v13+s16+$0x0] =	vst.idx.msk $0xffff, v5;
	v13 =	vld [tilespmem:$0x1F450]  }
0x378: {  	[tilespmem:v12+s16+$0x0] =	vst.idx.msk $0xffff, v7;
	v10 =	vld.idx.msk [tilespmem:v10+s13+$0x0], $0xffff  }
0x379: {  	v7 =	vld.idx.msk [tilespmem:v17+s13+$0x0], $0xffff  }
0x37a: {  	v21 =	vor.u32 v26, v0;
	v25 =	vor.u32 v31, v2;
	v17 =	vor.u32 v50, v1;
	v50 =	vld [tilespmem:$0x1FB30]  }
0x37b: {  	[tilespmem:v6+s16+$0x0] =	vst.idx.msk $0xffff, v16;
	v26 =	vor.u32 v27, v2;
	v12 =	vor.u32 v27, v1;
	v27 =	vld [tilespmem:$0x1F490]  }
0x37c: {  	[tilespmem:v15+s16+$0x0] =	vst.idx.msk $0xffff, v20;
	v15 =	vor.u32 v31, v1;
	v31 =	vld [tilespmem:$0x1FF80]  }
0x37d: {  	v9 =	vor.u32 v24, v3;
	[tilespmem:v11+s16+$0x0] =	vst.idx.msk $0xffff, v4;
	v11 =	vor.u32 v24, v0;
	v24 =	vld [tilespmem:$0x1F4E0]  }
0x37e: {  	v6 =	vor.u32 v53, v3;
	[tilespmem:v22+s16+$0x0] =	vst.idx.msk $0xffff, v14;
	v14 =	vor.u32 v53, v0;
	v53 =	vld [tilespmem:$0x1F810]  }
0x37f: {  	v5 =	vor.u32 v13, v2;
	v16 =	vld.idx.msk [tilespmem:v25+s13+$0x0], $0xffff  }
0x380: {  	v25 =	vld [tilespmem:$0x1F960]  }
0x381: {  	[tilespmem:v21+s16+$0x0] =	vst.idx.msk $0xffff, v10;
	v21 =	vld [tilespmem:$0x1F7A0]  }
0x382: {  	[tilespmem:v8+s16+$0x0] =	vst.idx.msk $0xffff, v18;
	v13 =	vor.u32 v13, v1;
	v17 =	vld.idx.msk [tilespmem:v17+s13+$0x0], $0xffff  }
0x383: {  	v19 =	vld.idx.msk [tilespmem:v26+s13+$0x0], $0xffff  }
0x384: {  	v18 =	vor.u32 v23, v3;
	v5 =	vld.idx.msk [tilespmem:v5+s13+$0x0], $0xffff  }
0x385: {  	v4 =	vld.idx.msk [tilespmem:v12+s13+$0x0], $0xffff  }
0x386: {  	v8 =	vor.u32 v27, v2;
	v10 =	vld.idx.msk [tilespmem:v15+s13+$0x0], $0xffff  }
0x387: {  	v13 =	vld.idx.msk [tilespmem:v13+s13+$0x0], $0xffff  }
0x388: {  	v23 =	vor.u32 v23, v0;
	[tilespmem:v6+s16+$0x0] =	vst.idx.msk $0xffff, v7;
	v26 =	vld [tilespmem:$0x1F540];
	v15 =	vor.u32 v21, v2  }
0x389: {  	v7 =	vor.u32 v25, v0;
	[tilespmem:v18+s16+$0x0] =	vst.idx.msk $0xffff, v16;
	v18 =	vld [tilespmem:$0x1F480]  }
0x38a: {  	v20 =	vor.u32 v25, v3;
	v25 =	vld [tilespmem:$0x1F500]  }
0x38b: {  	v6 =	vld.idx.msk [tilespmem:v8+s13+$0x0], $0xffff  }
0x38c: {  	v16 =	vor.u32 v28, v2;
	[tilespmem:v9+s16+$0x0] =	vst.idx.msk $0xffff, v5;
	v9 =	vor.u32 v28, v1;
	v28 =	vld [tilespmem:$0x1F7C0]  }
0x38d: {  	v8 =	vor.u32 v62, v3;
	[tilespmem:v23+s16+$0x0] =	vst.idx.msk $0xffff, v10;
	v10 =	vld.idx.msk [tilespmem:v15+s13+$0x0], $0xffff  }
0x38e: {  	v5 =	vor.u32 v18, v2;
	[tilespmem:v7+s16+$0x0] =	vst.idx.msk $0xffff, v4;
	v4 =	vor.u32 v18, v1;
	v18 =	vld [tilespmem:$0x1F7B0]  }
0x38f: {  	v12 =	vor.u32 v25, v2;
	[tilespmem:v20+s16+$0x0] =	vst.idx.msk $0xffff, v19;
	v19 =	vld [tilespmem:$0x1FEF0]  }
0x390: {  	v7 =	vor.u32 v27, v1;
	v27 =	vld [tilespmem:$0x1F4F0]  }
0x391: {  	[tilespmem:v11+s16+$0x0] =	vst.idx.msk $0xffff, v13;
	v11 =	vld.idx.msk [tilespmem:v16+s13+$0x0], $0xffff  }
0x392: {  	v9 =	vld.idx.msk [tilespmem:v9+s13+$0x0], $0xffff  }
0x393: {  	[tilespmem:v8+s16+$0x0] =	vst.idx.msk $0xffff, v6;
	v8 =	vor.u32 v21, v1;
	v21 =	vor.u32 v62, v0;
	v62 =	vld [tilespmem:$0x1FA60]  }
0x394: {  	v6 =	vld.idx.msk [tilespmem:v12+s13+$0x0], $0xffff;
	v12 =	vor.u32 v18, v3  }
0x395: {  	v15 =	vor.u32 v31, v3;
	v5 =	vld.idx.msk [tilespmem:v5+s13+$0x0], $0xffff  }
0x396: {  	[tilespmem:v14+s16+$0x0] =	vst.idx.msk $0xffff, v17;
	v20 =	vor.u32 v45, v0;
	v4 =	vld.idx.msk [tilespmem:v4+s13+$0x0], $0xffff  }
0x397: {  	v7 =	vld.idx.msk [tilespmem:v7+s13+$0x0], $0xffff  }
0x398: {  	v22 =	vor.u32 v24, v2;
	v16 =	vor.u32 v26, v2;
	v13 =	vor.u32 v19, v3;
	v8 =	vld.idx.msk [tilespmem:v8+s13+$0x0], $0xffff  }
0x399: {  	v23 =	vor.u32 v27, v2;
	[tilespmem:v12+s16+$0x0] =	vst.idx.msk $0xffff, v10;
	v10 =	vor.u32 v27, v1;
	v27 =	vld [tilespmem:$0x1F590]  }
0x39a: {  	v14 =	vor.u32 v45, v3;
	[tilespmem:v15+s16+$0x0] =	vst.idx.msk $0xffff, v6;
	v12 =	vor.u32 v25, v1;
	v25 =	vld [tilespmem:$0x1F7D0]  }
0x39b: {  	v17 =	vor.u32 v18, v0;
	v18 =	vor.u32 v19, v0;
	[tilespmem:v20+s16+$0x0] =	vst.idx.msk $0xffff, v4;
	v20 =	vld [tilespmem:$0x1F7E0]  }
0x39c: {  	[tilespmem:v21+s16+$0x0] =	vst.idx.msk $0xffff, v7;
	v7 =	vor.u32 v31, v0;
	v31 =	vld [tilespmem:$0x1FB40]  }
0x39d: {  	[tilespmem:v13+s16+$0x0] =	vst.idx.msk $0xffff, v11;
	v6 =	vld.idx.msk [tilespmem:v16+s13+$0x0], $0xffff  }
0x39e: {  	v16 =	vld.idx.msk [tilespmem:v22+s13+$0x0], $0xffff  }
0x39f: {  	v19 =	vor.u32 v28, v2;
	[tilespmem:v14+s16+$0x0] =	vst.idx.msk $0xffff, v5;
	v22 =	vld [tilespmem:$0x1F9B0]  }
0x3a0: {  	v24 =	vor.u32 v24, v1;
	[tilespmem:v18+s16+$0x0] =	vst.idx.msk $0xffff, v9;
	v9 =	vld.idx.msk [tilespmem:v23+s13+$0x0], $0xffff  }
0x3a1: {  	v23 =	vld [tilespmem:$0x1FF50]  }
0x3a2: {  	v21 =	vld [tilespmem:$0x1F7F0]  }
0x3a3: {  	v11 =	vor.u32 v50, v3;
	v14 =	vor.u32 v28, v1;
	v28 =	vld [tilespmem:$0x1F800]  }
0x3a4: {  	v13 =	vld.idx.msk [tilespmem:v19+s13+$0x0], $0xffff;
	v5 =	vor.u32 v27, v2  }
0x3a5: {  	[tilespmem:v17+s16+$0x0] =	vst.idx.msk $0xffff, v8;
	v17 =	vld.idx.msk [tilespmem:v24+s13+$0x0], $0xffff;
	v19 =	vor.u32 v22, v3  }
0x3a6: {  	v24 =	vld [tilespmem:$0x1F570];
	v18 =	vor.u32 v23, v3  }
0x3a7: {  	v15 =	vor.u32 v25, v3;
	v12 =	vld.idx.msk [tilespmem:v12+s13+$0x0], $0xffff  }
0x3a8: {  	[tilespmem:v11+s16+$0x0] =	vst.idx.msk $0xffff, v6;
	v6 =	vld.idx.msk [tilespmem:v10+s13+$0x0], $0xffff  }
0x3a9: {  	v22 =	vor.u32 v22, v0;
	v5 =	vld.idx.msk [tilespmem:v5+s13+$0x0], $0xffff  }
0x3aa: {  	v4 =	vor.u32 v23, v0;
	v10 =	vor.u32 v20, v2;
	[tilespmem:v19+s16+$0x0] =	vst.idx.msk $0xffff, v16;
	v16 =	vld [tilespmem:$0x1F520]  }
0x3ab: {  	v11 =	vor.u32 v31, v3;
	[tilespmem:v18+s16+$0x0] =	vst.idx.msk $0xffff, v9;
	v18 =	vld [tilespmem:$0x1F530]  }
0x3ac: {  	v8 =	vor.u32 v25, v0;
	[tilespmem:v15+s16+$0x0] =	vst.idx.msk $0xffff, v13;
	v13 =	vld.idx.msk [tilespmem:v14+s13+$0x0], $0xffff;
	v15 =	vor.u32 v54, v2  }
0x3ad: {  	v25 =	vld [tilespmem:$0x1F580];
	v20 =	vor.u32 v20, v1  }
0x3ae: {  	v23 =	vld [tilespmem:$0x1FF60];
	[tilespmem:v22+s16+$0x0] =	vst.idx.msk $0xffff, v17  }
0x3af: {  	[tilespmem:v4+s16+$0x0] =	vst.idx.msk $0xffff, v6;
	v4 =	vld.idx.msk [tilespmem:v10+s13+$0x0], $0xffff;
	v14 =	vor.u32 v16, v2  }
0x3b0: {  	v19 =	vor.u32 v21, v3;
	v22 =	vld [tilespmem:$0x1FF00];
	[tilespmem:v11+s16+$0x0] =	vst.idx.msk $0xffff, v5;
	v9 =	vor.u32 v18, v2  }
0x3b1: {  	[tilespmem:v8+s16+$0x0] =	vst.idx.msk $0xffff, v13;
	v16 =	vor.u32 v16, v1;
	v5 =	vld.idx.msk [tilespmem:v15+s13+$0x0], $0xffff  }
0x3b2: {  	v17 =	vor.u32 v18, v1;
	v20 =	vld.idx.msk [tilespmem:v20+s13+$0x0], $0xffff  }
0x3b3: {  	v13 =	vor.u32 v33, v3;
	v18 =	vor.u32 v26, v1;
	v15 =	vor.u32 v50, v0;
	v50 =	vld [tilespmem:$0x1FB60]  }
0x3b4: {  	[tilespmem:v7+s16+$0x0] =	vst.idx.msk $0xffff, v12;
	v8 =	vor.u32 v21, v0;
	v11 =	vld.idx.msk [tilespmem:v14+s13+$0x0], $0xffff  }
0x3b5: {  	[tilespmem:v19+s16+$0x0] =	vst.idx.msk $0xffff, v4;
	v19 =	vor.u32 v28, v1;
	v7 =	vld.idx.msk [tilespmem:v9+s13+$0x0], $0xffff  }
0x3b6: {  	v6 =	vor.u32 v22, v3;
	v9 =	vor.u32 v29, v2;
	v16 =	vld.idx.msk [tilespmem:v16+s13+$0x0], $0xffff  }
0x3b7: {  	v21 =	vor.u32 v28, v2;
	v17 =	vld.idx.msk [tilespmem:v17+s13+$0x0], $0xffff  }
0x3b8: {  	v10 =	vor.u32 v23, v3;
	v28 =	vor.u32 v62, v3;
	[tilespmem:v13+s16+$0x0] =	vst.idx.msk $0xffff, v5;
	v5 =	vld.idx.msk [tilespmem:v18+s13+$0x0], $0xffff  }
0x3b9: {  	v14 =	vor.u32 v22, v0;
	[tilespmem:v8+s16+$0x0] =	vst.idx.msk $0xffff, v20;
	v8 =	vor.u32 v62, v0;
	v62 =	vld [tilespmem:$0x1F820]  }
0x3ba: {  	v12 =	vor.u32 v23, v0;
	v23 =	vor.u32 v25, v2;
	v19 =	vld.idx.msk [tilespmem:v19+s13+$0x0], $0xffff  }
0x3bb: {  	[tilespmem:v6+s16+$0x0] =	vst.idx.msk $0xffff, v11;
	v6 =	vld.idx.msk [tilespmem:v9+s13+$0x0], $0xffff  }
0x3bc: {  	v4 =	vor.u32 v53, v3;
	v11 =	vld.idx.msk [tilespmem:v21+s13+$0x0], $0xffff  }
0x3bd: {  	v22 =	vor.u32 v24, v2;
	v9 =	vor.u32 v53, v0;
	[tilespmem:v10+s16+$0x0] =	vst.idx.msk $0xffff, v7;
	v53 =	vld [tilespmem:$0x1FF90]  }
0x3be: {  	[tilespmem:v14+s16+$0x0] =	vst.idx.msk $0xffff, v16;
	v14 =	vor.u32 v31, v0;
	v31 =	vld [tilespmem:$0x1F5D0]  }
0x3bf: {  	v24 =	vor.u32 v24, v1;
	v21 =	vld.idx.msk [tilespmem:v23+s13+$0x0], $0xffff  }
0x3c0: {  	v26 =	vor.u32 v27, v1;
	v23 =	vld [tilespmem:$0x1F5C0]  }
0x3c1: {  	v27 =	vor.u32 v40, v3;
	v10 =	vor.u32 v40, v0;
	v40 =	vld [tilespmem:$0x1F670];
	v20 =	vor.u32 v62, v2  }
0x3c2: {  	[tilespmem:v12+s16+$0x0] =	vst.idx.msk $0xffff, v17;
	v13 =	vld.idx.msk [tilespmem:v22+s13+$0x0], $0xffff  }
0x3c3: {  	[tilespmem:v15+s16+$0x0] =	vst.idx.msk $0xffff, v5;
	v5 =	vor.u32 v62, v1;
	v62 =	vld [tilespmem:$0x1F860]  }
0x3c4: {  	v12 =	vld.idx.msk [tilespmem:v24+s13+$0x0], $0xffff;
	v22 =	vor.u32 v31, v2;
	[tilespmem:v4+s16+$0x0] =	vst.idx.msk $0xffff, v11  }
0x3c5: {  	v16 =	vor.u32 v23, v2;
	v17 =	vor.u32 v23, v1;
	v23 =	vor.u32 v31, v1;
	v31 =	vld [tilespmem:$0x1F9D0]  }
0x3c6: {  	v25 =	vor.u32 v25, v1;
	v7 =	vor.u32 v53, v3;
	[tilespmem:v9+s16+$0x0] =	vst.idx.msk $0xffff, v19;
	v20 =	vld.idx.msk [tilespmem:v20+s13+$0x0], $0xffff  }
0x3c7: {  	[tilespmem:v27+s16+$0x0] =	vst.idx.msk $0xffff, v13;
	v27 =	vld [tilespmem:$0x1F6E0]  }
0x3c8: {  	[tilespmem:v28+s16+$0x0] =	vst.idx.msk $0xffff, v21;
	v28 =	vld [tilespmem:$0x1F610]  }
0x3c9: {  	v5 =	vld.idx.msk [tilespmem:v5+s13+$0x0], $0xffff  }
0x3ca: {  	v18 =	vor.u32 v40, v2;
	[tilespmem:v10+s16+$0x0] =	vst.idx.msk $0xffff, v12;
	v12 =	vor.u32 v33, v0;
	v33 =	vld [tilespmem:$0x1F760]  }
0x3cb: {  	[tilespmem:v7+s16+$0x0] =	vst.idx.msk $0xffff, v6;
	v6 =	vld.idx.msk [tilespmem:v25+s13+$0x0], $0xffff  }
0x3cc: {  	v25 =	vld [tilespmem:$0x1F830]  }
0x3cd: {  	v22 =	vld.idx.msk [tilespmem:v22+s13+$0x0], $0xffff  }
0x3ce: {  	v7 =	vor.u32 v54, v1;
	v54 =	vld [tilespmem:$0x1F840]  }
0x3cf: {  	v11 =	vld.idx.msk [tilespmem:v18+s13+$0x0], $0xffff  }
0x3d0: {  	v18 =	vld.idx.msk [tilespmem:v26+s13+$0x0], $0xffff  }
0x3d1: {  	v26 =	vld [tilespmem:$0x1FA70]  }
0x3d2: {  	v13 =	vor.u32 v31, v3;
	v16 =	vld.idx.msk [tilespmem:v16+s13+$0x0], $0xffff  }
0x3d3: {  	v15 =	vor.u32 v50, v3;
	v19 =	vor.u32 v31, v0;
	v31 =	vld [tilespmem:$0x1F620]  }
0x3d4: {  	v24 =	vor.u32 v27, v2;
	v4 =	vor.u32 v25, v3;
	[tilespmem:v8+s16+$0x0] =	vst.idx.msk $0xffff, v6;
	v8 =	vld.idx.msk [tilespmem:v17+s13+$0x0], $0xffff  }
0x3d5: {  	v9 =	vor.u32 v25, v0;
	[tilespmem:v14+s16+$0x0] =	vst.idx.msk $0xffff, v18;
	v14 =	vor.u32 v29, v1;
	v29 =	vld [tilespmem:$0x1FB70]  }
0x3d6: {  	v25 =	vor.u32 v54, v2;
	v21 =	vor.u32 v26, v3;
	v10 =	vor.u32 v26, v0;
	v18 =	vld.idx.msk [tilespmem:v23+s13+$0x0], $0xffff  }
0x3d7: {  	v26 =	vor.u32 v28, v2;
	[tilespmem:v13+s16+$0x0] =	vst.idx.msk $0xffff, v16;
	v16 =	vor.u32 v28, v1;
	v28 =	vld [tilespmem:$0x1F850]  }
0x3d8: {  	v6 =	vor.u32 v31, v2;
	[tilespmem:v15+s16+$0x0] =	vst.idx.msk $0xffff, v11;
	v11 =	vor.u32 v31, v1;
	v31 =	vld [tilespmem:$0x1F740]  }
0x3d9: {  	v15 =	vld.idx.msk [tilespmem:v24+s13+$0x0], $0xffff  }
0x3da: {  	v7 =	vld.idx.msk [tilespmem:v7+s13+$0x0], $0xffff;
	[tilespmem:v4+s16+$0x0] =	vst.idx.msk $0xffff, v20  }
0x3db: {  	v20 =	vld.idx.msk [tilespmem:v25+s13+$0x0], $0xffff  }
0x3dc: {  	[tilespmem:v9+s16+$0x0] =	vst.idx.msk $0xffff, v5;
	v25 =	vld [tilespmem:$0x1FF10]  }
0x3dd: {  	[tilespmem:v21+s16+$0x0] =	vst.idx.msk $0xffff, v22;
	v21 =	vld.idx.msk [tilespmem:v26+s13+$0x0], $0xffff  }
0x3de: {  	v17 =	vor.u32 v54, v1;
	[tilespmem:v19+s16+$0x0] =	vst.idx.msk $0xffff, v8;
	v26 =	vld [tilespmem:$0x1FF70]  }
0x3df: {  	v4 =	vor.u32 v29, v3;
	v23 =	vor.u32 v28, v3;
	v5 =	vor.u32 v28, v0;
	v28 =	vld [tilespmem:$0x1FFA0]  }
0x3e0: {  	v16 =	vld.idx.msk [tilespmem:v16+s13+$0x0], $0xffff  }
0x3e1: {  	[tilespmem:v10+s16+$0x0] =	vst.idx.msk $0xffff, v18;
	v6 =	vld.idx.msk [tilespmem:v6+s13+$0x0], $0xffff  }
0x3e2: {  	[tilespmem:v12+s16+$0x0] =	vst.idx.msk $0xffff, v7;
	v11 =	vld.idx.msk [tilespmem:v11+s13+$0x0], $0xffff  }
0x3e3: {  	v14 =	vld.idx.msk [tilespmem:v14+s13+$0x0], $0xffff  }
0x3e4: {  	v13 =	vor.u32 v30, v2;
	[tilespmem:v4+s16+$0x0] =	vst.idx.msk $0xffff, v15;
	v4 =	vld.idx.msk [tilespmem:v17+s13+$0x0], $0xffff  }
0x3e5: {  	v19 =	vor.u32 v62, v2;
	v24 =	vor.u32 v25, v3;
	v8 =	vor.u32 v25, v0;
	v25 =	vld [tilespmem:$0x1F650]  }
0x3e6: {  	v22 =	vor.u32 v26, v3;
	v9 =	vor.u32 v26, v0;
	v26 =	vld [tilespmem:$0x1F660]  }
0x3e7: {  	v15 =	vor.u32 v53, v0;
	v53 =	vld [tilespmem:$0x1FB80]  }
0x3e8: {  	[tilespmem:v23+s16+$0x0] =	vst.idx.msk $0xffff, v20;
	v20 =	vor.u32 v62, v1;
	v62 =	vld [tilespmem:$0x1FFC0]  }
0x3e9: {  	v13 =	vld.idx.msk [tilespmem:v13+s13+$0x0], $0xffff  }
0x3ea: {  	v18 =	vor.u32 v28, v3;
	v19 =	vld.idx.msk [tilespmem:v19+s13+$0x0], $0xffff  }
0x3eb: {  	v10 =	vor.u32 v26, v2;
	v12 =	vor.u32 v26, v1;
	[tilespmem:v24+s16+$0x0] =	vst.idx.msk $0xffff, v21;
	v26 =	vld [tilespmem:$0x1F870]  }
0x3ec: {  	v7 =	vor.u32 v31, v2;
	v21 =	vor.u32 v40, v1;
	[tilespmem:v22+s16+$0x0] =	vst.idx.msk $0xffff, v6;
	v40 =	vld [tilespmem:$0x1F9E0]  }
0x3ed: {  	v17 =	vor.u32 v25, v2;
	v6 =	vor.u32 v25, v1;
	v25 =	vld [tilespmem:$0x1FA80];
	[tilespmem:v5+s16+$0x0] =	vst.idx.msk $0xffff, v4  }
0x3ee: {  	[tilespmem:v9+s16+$0x0] =	vst.idx.msk $0xffff, v11;
	v9 =	vor.u32 v50, v0;
	v50 =	vld [tilespmem:$0x1F770]  }
0x3ef: {  	[tilespmem:v8+s16+$0x0] =	vst.idx.msk $0xffff, v16;
	v16 =	vld.idx.msk [tilespmem:v20+s13+$0x0], $0xffff  }
0x3f0: {  	[tilespmem:v18+s16+$0x0] =	vst.idx.msk $0xffff, v13;
	v20 =	vld [tilespmem:$0x1F6D0]  }
0x3f1: {  	v7 =	vld.idx.msk [tilespmem:v7+s13+$0x0], $0xffff  }
0x3f2: {  	v23 =	vor.u32 v26, v3;
	v17 =	vld.idx.msk [tilespmem:v17+s13+$0x0], $0xffff  }
0x3f3: {  	v13 =	vor.u32 v53, v3;
	v4 =	vld.idx.msk [tilespmem:v10+s13+$0x0], $0xffff  }
0x3f4: {  	v18 =	vor.u32 v33, v2;
	v24 =	vor.u32 v25, v3;
	v8 =	vor.u32 v25, v0;
	v25 =	vld [tilespmem:$0x1F880]  }
0x3f5: {  	v6 =	vld.idx.msk [tilespmem:v6+s13+$0x0], $0xffff  }
0x3f6: {  	[tilespmem:v15+s16+$0x0] =	vst.idx.msk $0xffff, v14;
	v12 =	vld.idx.msk [tilespmem:v12+s13+$0x0], $0xffff  }
0x3f7: {  	v15 =	vor.u32 v20, v2;
	[tilespmem:v23+s16+$0x0] =	vst.idx.msk $0xffff, v19;
	v19 =	vld [tilespmem:$0x1F6C0]  }
0x3f8: {  	v22 =	vor.u32 v40, v3;
	v5 =	vor.u32 v26, v0;
	v26 =	vld [tilespmem:$0x1F9F0];
	[tilespmem:v13+s16+$0x0] =	vst.idx.msk $0xffff, v7  }
0x3f9: {  	v13 =	vld.idx.msk [tilespmem:v18+s13+$0x0], $0xffff;
	v11 =	vor.u32 v25, v2  }
0x3fa: {  	[tilespmem:v24+s16+$0x0] =	vst.idx.msk $0xffff, v4;
	v24 =	vld [tilespmem:$0x1F890]  }
0x3fb: {  	v10 =	vor.u32 v40, v0;
	v4 =	vor.u32 v25, v1;
	v25 =	vld [tilespmem:$0x1FA90]  }
0x3fc: {  	[tilespmem:v8+s16+$0x0] =	vst.idx.msk $0xffff, v12;
	v8 =	vld.idx.msk [tilespmem:v15+s13+$0x0], $0xffff;
	v14 =	vor.u32 v19, v2  }
0x3fd: {  	[tilespmem:v22+s16+$0x0] =	vst.idx.msk $0xffff, v17;
	v17 =	vor.u32 v19, v1;
	v19 =	vor.u32 v20, v1;
	v20 =	vld.idx.msk [tilespmem:v21+s13+$0x0], $0xffff  }
0x3fe: {  	[tilespmem:v5+s16+$0x0] =	vst.idx.msk $0xffff, v16;
	v5 =	vld.idx.msk [tilespmem:v11+s13+$0x0], $0xffff;
	v11 =	vor.u32 v49, v3  }
0x3ff: {  	v22 =	vor.u32 v24, v3;
	v16 =	vor.u32 v24, v0;
	v24 =	vld [tilespmem:$0x1F730]  }
0x400: {  	[tilespmem:v10+s16+$0x0] =	vst.idx.msk $0xffff, v6;
	v10 =	vor.u32 v50, v2;
	v4 =	vld.idx.msk [tilespmem:v4+s13+$0x0], $0xffff  }
0x401: {  	v21 =	vor.u32 v27, v1;
	v6 =	vld.idx.msk [tilespmem:v14+s13+$0x0], $0xffff  }
0x402: {  	v15 =	vor.u32 v58, v2;
	v7 =	vor.u32 v25, v3;
	[tilespmem:v9+s16+$0x0] =	vst.idx.msk $0xffff, v20;
	v17 =	vld.idx.msk [tilespmem:v17+s13+$0x0], $0xffff  }
0x403: {  	v20 =	vor.u32 v48, v2;
	[tilespmem:v11+s16+$0x0] =	vst.idx.msk $0xffff, v13;
	v13 =	vld.idx.msk [tilespmem:v19+s13+$0x0], $0xffff  }
0x404: {  	v23 =	vor.u32 v26, v3;
	v9 =	vor.u32 v29, v0;
	v11 =	vor.u32 v58, v1;
	v29 =	vld [tilespmem:$0x1FAA0]  }
0x405: {  	v12 =	vor.u32 v25, v0;
	v14 =	vor.u32 v26, v0;
	v10 =	vld.idx.msk [tilespmem:v10+s13+$0x0], $0xffff  }
0x406: {  	v25 =	vor.u32 v48, v1;
	v18 =	vor.u32 v24, v2;
	[tilespmem:v22+s16+$0x0] =	vst.idx.msk $0xffff, v5;
	v21 =	vld.idx.msk [tilespmem:v21+s13+$0x0], $0xffff  }
0x407: {  	v27 =	vor.u32 v59, v3;
	v24 =	vor.u32 v24, v1;
	[tilespmem:v7+s16+$0x0] =	vst.idx.msk $0xffff, v8;
	v15 =	vld.idx.msk [tilespmem:v15+s13+$0x0], $0xffff  }
0x408: {  	v26 =	vor.u32 v30, v1;
	v5 =	vor.u32 v38, v3;
	[tilespmem:v16+s16+$0x0] =	vst.idx.msk $0xffff, v4;
	v20 =	vld.idx.msk [tilespmem:v20+s13+$0x0], $0xffff  }
0x409: {  	v19 =	vor.u32 v29, v3;
	[tilespmem:v23+s16+$0x0] =	vst.idx.msk $0xffff, v6;
	v6 =	vor.u32 v62, v3;
	v11 =	vld.idx.msk [tilespmem:v11+s13+$0x0], $0xffff  }
0x40a: {  	v8 =	vor.u32 v29, v0;
	v23 =	vor.u32 v42, v2;
	[tilespmem:v14+s16+$0x0] =	vst.idx.msk $0xffff, v17;
	v29 =	vld [tilespmem:$0x1FA10]  }
0x40b: {  	v4 =	vor.u32 v28, v0;
	v28 =	vor.u32 v32, v2;
	[tilespmem:v12+s16+$0x0] =	vst.idx.msk $0xffff, v13;
	v18 =	vld.idx.msk [tilespmem:v18+s13+$0x0], $0xffff  }
0x40c: {  	v16 =	vor.u32 v36, v2;
	v25 =	vld.idx.msk [tilespmem:v25+s13+$0x0], $0xffff;
	[tilespmem:v9+s16+$0x0] =	vst.idx.msk $0xffff, v21  }
0x40d: {  	v12 =	vor.u32 v32, v1;
	[tilespmem:v27+s16+$0x0] =	vst.idx.msk $0xffff, v15;
	v21 =	vld.idx.msk [tilespmem:v26+s13+$0x0], $0xffff  }
0x40e: {  	v22 =	vor.u32 v59, v0;
	v13 =	vor.u32 v31, v1;
	[tilespmem:v6+s16+$0x0] =	vst.idx.msk $0xffff, v10;
	v10 =	vld.idx.msk [tilespmem:v24+s13+$0x0], $0xffff  }
0x40f: {  	v6 =	vor.u32 v42, v1;
	v23 =	vld.idx.msk [tilespmem:v23+s13+$0x0], $0xffff;
	[tilespmem:v19+s16+$0x0] =	vst.idx.msk $0xffff, v20  }
0x410: {  	v7 =	vor.u32 v38, v0;
	[tilespmem:v5+s16+$0x0] =	vst.idx.msk $0xffff, v18;
	v27 =	vld.idx.msk [tilespmem:v28+s13+$0x0], $0xffff  }
0x411: {  	v14 =	vor.u32 v36, v1;
	v17 =	vor.u32 v61, v3;
	[tilespmem:v8+s16+$0x0] =	vst.idx.msk $0xffff, v25;
	v16 =	vld.idx.msk [tilespmem:v16+s13+$0x0], $0xffff  }
0x412: {  	v9 =	vor.u32 v55, v3;
	v5 =	vor.u32 v41, v2;
	v12 =	vld.idx.msk [tilespmem:v12+s13+$0x0], $0xffff;
	[tilespmem:v4+s16+$0x0] =	vst.idx.msk $0xffff, v21  }
0x413: {  	[tilespmem:v22+s16+$0x0] =	vst.idx.msk $0xffff, v11;
	v28 =	vor.u32 v35, v2;
	v13 =	vld.idx.msk [tilespmem:v13+s13+$0x0], $0xffff  }
0x414: {  	v24 =	vor.u32 v29, v3;
	v11 =	vld.idx.msk [tilespmem:v6+s13+$0x0], $0xffff  }
0x415: {  	v19 =	vor.u32 v53, v0;
	v20 =	vor.u32 v60, v2;
	[tilespmem:v7+s16+$0x0] =	vst.idx.msk $0xffff, v10;
	v6 =	vld [tilespmem:$0x1FEB0]  }
0x416: {  	v18 =	vor.u32 v29, v0;
	v25 =	vor.u32 v33, v1;
	[tilespmem:v17+s16+$0x0] =	vst.idx.msk $0xffff, v23;
	v14 =	vld.idx.msk [tilespmem:v14+s13+$0x0], $0xffff  }
0x417: {  	v22 =	vor.u32 v60, v1;
	v17 =	vld.idx.msk [tilespmem:v5+s13+$0x0], $0xffff;
	[tilespmem:v9+s16+$0x0] =	vst.idx.msk $0xffff, v27  }
0x418: {  	v15 =	vor.u32 v61, v0;
	v27 =	vld.idx.msk [tilespmem:v28+s13+$0x0], $0xffff  }
0x419: {  	v31 =	vor.u32 v55, v0;
	v10 =	vor.u32 v41, v1;
	[tilespmem:v24+s16+$0x0] =	vst.idx.msk $0xffff, v16;
	v28 =	vld [tilespmem:$0x1F470]  }
0x41a: {  	v29 =	vor.u32 v35, v1;
	v23 =	vor.u32 v57, v3;
	v21 =	vld.idx.msk [tilespmem:v20+s13+$0x0], $0xffff;
	[tilespmem:v19+s16+$0x0] =	vst.idx.msk $0xffff, v13  }
0x41b: {  	v26 =	vor.u32 v43, v3;
	v19 =	vld.idx.msk [tilespmem:v25+s13+$0x0], $0xffff;
	[tilespmem:v18+s16+$0x0] =	vst.idx.msk $0xffff, v14  }
0x41c: {  	v8 =	vor.u32 v44, v1;
	v24 =	vor.u32 v44, v2;
	v30 =	vor.u32 v6, v3;
	v14 =	vld.idx.msk [tilespmem:v22+s13+$0x0], $0xffff  }
0x41d: {  	s25 =	sadd.s32 $0x2, s25;
	v7 =	vor.u32 v49, v0;
	v16 =	vor.u32 v37, v2;
	[tilespmem:v15+s16+$0x0] =	vst.idx.msk $0xffff, v11;
	v22 =	vld [tilespmem:$0x1F900]  }
0x41e: {  	p0 =	slt.u32 s25, $0x6;
	v5 =	vor.u32 v57, v0;
	v9 =	vor.u32 v39, v2;
	[tilespmem:v31+s16+$0x0] =	vst.idx.msk $0xffff, v12;
	v10 =	vld.idx.msk [tilespmem:v10+s13+$0x0], $0xffff  }
.Ltmp0:
0x41f: {  	v2 =	vor.u32 v39, v1;
	v4 =	vor.u32 v6, v0;
	v18 =	vld.idx.msk [tilespmem:v29+s13+$0x0], $0xffff;
	[tilespmem:v23+s16+$0x0] =	vst.idx.msk $0xffff, v27;
	(pc) =	sbr.rel @p0 .LBB2_2-.Ltmp0, $4  }
0x420: {  	v25 =	vmov v63;
	v6 =	vor.u32 v43, v0;
	v15 =	vor.u32 v37, v1;
	v29 =	vld [tilespmem:$0x1F780];
	[tilespmem:v26+s16+$0x0] =	vst.idx.msk $0xffff, v21  }
0x421: {  	v1 =	vor.u32 v50, v1;
	v11 =	vor.u32 v63, v3;
	v21 =	vld.idx.msk [tilespmem:v24+s13+$0x0], $0xffff;
	[tilespmem:v30+s16+$0x0] =	vst.idx.msk $0xffff, v17  }
0x422: {  	v17 =	vor.u32 v63, v0;
	v20 =	vld.idx.msk [tilespmem:v16+s13+$0x0], $0xffff;
	v16 =	vor.u32 v34, v0;
	v12 =	vor.u32 v22, v3  }
0x423: {  	v26 =	vmovc v34;
	v30 =	vld [tilespmem:$0x1F790];
	v3 =	vor.u32 v34, v3;
	v13 =	vor.u32 v22, v0;
	v0 =	vor.u32 v62, v0  }
0x424: {  	v54 =	vld [tilespmem:$0x1FB10]  }
0x425: {  	v43 =	vld [tilespmem:$0x1FB20]  }
0x426: {  	v55 =	vld [tilespmem:$0x1FB30];
	[tilespmem:$0x1F370] =	vst v39  }
0x427: {  	v38 =	vld [tilespmem:$0x1FAF0];
	[tilespmem:$0x1F380] =	vst v35  }
0x428: {  	v40 =	vld [tilespmem:$0x1FB00];
	[tilespmem:$0x1F390] =	vst v44  }
0x429: {  	v62 =	vld [tilespmem:$0x1FF80];
	[tilespmem:$0x1F3A0] =	vst v60  }
0x42a: {  	v24 =	vld [tilespmem:$0x1FF40];
	[tilespmem:$0x1F3B0] =	vst v32  }
0x42b: {  	v49 =	vld [tilespmem:$0x1FF70];
	[tilespmem:$0x1F3C0] =	vst v36  }
0x42c: {  	v57 =	vld [tilespmem:$0x1FF30];
	[tilespmem:$0x1F3D0] =	vst v48  }
0x42d: {  	v53 =	vld [tilespmem:$0x1FF20];
	[tilespmem:v4+s16+$0x0] =	vst.idx.msk $0xffff, v10  }
0x42e: {  	v59 =	vld.idx.msk [tilespmem:v9+s13+$0x0], $0xffff;
	[tilespmem:v6+s16+$0x0] =	vst.idx.msk $0xffff, v14  }
0x42f: {  	[tilespmem:v5+s16+$0x0] =	vst.idx.msk $0xffff, v18;
	v60 =	vld.idx.msk [tilespmem:v15+s13+$0x0], $0xffff  }
0x430: {  	[tilespmem:v7+s16+$0x0] =	vst.idx.msk $0xffff, v19;
	v61 =	vld.idx.msk [tilespmem:v8+s13+$0x0], $0xffff  }
0x431: {  	v2 =	vld.idx.msk [tilespmem:v2+s13+$0x0], $0xffff;
	[tilespmem:v11+s16+$0x0] =	vst.idx.msk $0xffff, v21  }
0x432: {  	v1 =	vld.idx.msk [tilespmem:v1+s13+$0x0], $0xffff;
	[tilespmem:v12+s16+$0x0] =	vst.idx.msk $0xffff, v20  }
0x433: {  	[tilespmem:v3+s16+$0x0] =	vst.idx.msk $0xffff, v59  }
0x434: {  	[tilespmem:v13+s16+$0x0] =	vst.idx.msk $0xffff, v60  }
0x435: {  	[tilespmem:v17+s16+$0x0] =	vst.idx.msk $0xffff, v61  }
0x436: {  	[tilespmem:v16+s16+$0x0] =	vst.idx.msk $0xffff, v2  }
0x437: {  	[tilespmem:v0+s16+$0x0] =	vst.idx.msk $0xffff, v1  }
0x438: {  	[tilespmem:s13], [sflag:$0x1] =	stream.indirect.gather [hbm4b:s4+s12], $0x40, s17, s12, $0xb8;
	[tilespmem:$0xE400] =	vst v63  }
0x439: {  	s24 =	simm.s32 $0xA400  }
0x43a: {  	[hbm4b:s6+s3] =	stream.linear.scatter [tilespmem:s24], [sflag:$0x3], $0x400, $0x38;
	[tilespmem:$0xE400] =	vst v63  }
0x43b: {  	s25 =	smov.u32 s6;
	s24 =	simm.s32 $0x1000  }
.LBB2_4:
0x43c: {  	p0 =	sne.s32 s24, $0x7000  }
.Ltmp1:
0x43d: {  	_ = 	snop;
	(pc) =	sbr.rel @p0 .LBB2_4-.Ltmp1, $4  }
0x43e: {  	_ = 	snop  }
0x43f: {  	s26 =	sshra.s32 s24, $0x2;
	s24 =	sadd.s32 $0x1000, s24  }
0x440: {  	s25 =	sadd.s32 $0x4000, s25;
	s26 =	sadd.s32 $0xA400, s26  }
0x441: {  	[hbm4b:s25+s3] =	stream.linear.scatter [tilespmem:s26], [sflag:$0x3], $0x400, $0x38;
	[tilespmem:$0xE400] =	vst v63  }
0x442: {  	s24 =	simm.s32 $0x10;
	v25 =	vlaneseq.u32;
	v13 =	vld [tilespmem:$0x1F3F0];
	_ =	swait.ge [sflag:s18], $0x2000  }
0x443: {  	s25 =	simm.s32 $0x0;
	v0 =	vor.u32 s24, v25;
	v26 =	vld [tilespmem:$0x1FFD0]  }
0x444: {  	v2 =	vor.u32 s25, v25;
	v29 =	vld [tilespmem:$0x1F3E0];
	v1 =	vshll.u32 v0, $0x6  }
0x445: {  	v3 =	vshll.u32 v2, $0x6;
	v4 =	vor.u32 v25, v1  }
0x446: {  	v6 =	vor.u32 v25, v3  }
0x447: {  	v20 =	vld [tilespmem:$0x1FAE0];
	v5 =	vor.u32 v13, v3  }
0x448: {  	[sflag:s18] =	ssyncset.done $0x0;
	v21 =	vld [tilespmem:$0x1FEE0];
	v7 =	vor.u32 v26, v3  }
0x449: {  	v19 =	vld [tilespmem:$0x1F410];
	[sflag:s18] =	ssyncadd.s32 $0xFFFFE000;
	v0 =	vand.u32 $0x78, v0;
	v8 =	vor.u32 v29, v3  }
0x44a: {  	v10 =	vor.u32 v51, v0;
	v9 =	vor.u32 v26, v1;
	v4 =	vld.idx.msk [tilespmem:v4+s14+$0x0], $0xffff  }
0x44b: {  	v2 =	vand.u32 $0x68, v2;
	v6 =	vld.idx.msk [tilespmem:v6+s14+$0x0], $0xffff  }
0x44c: {  	v11 =	vor.u32 v29, v1;
	v12 =	vor.u32 v20, v2;
	v5 =	vld.idx.msk [tilespmem:v5+s14+$0x0], $0xffff  }
0x44d: {  	v14 =	vor.u32 v51, v2;
	v7 =	vld.idx.msk [tilespmem:v7+s14+$0x0], $0xffff  }
0x44e: {  	v13 =	vor.u32 v13, v1;
	v15 =	vor.u32 v21, v2;
	v8 =	vld.idx.msk [tilespmem:v8+s14+$0x0], $0xffff  }
0x44f: {  	v18 =	vor.u32 v53, v2;
	v16 =	vor.u32 v19, v3;
	v9 =	vld.idx.msk [tilespmem:v9+s14+$0x0], $0xffff;
	[tilespmem:v10+s19+$0x0] =	vst.idx.msk $0xffff, v4  }
0x450: {  	v61 =	vor.u32 v52, v1;
	v4 =	vor.u32 v21, v0;
	v27 =	vld [tilespmem:$0x1FFE0]  }
0x451: {  	v11 =	vld.idx.msk [tilespmem:v11+s14+$0x0], $0xffff;
	[tilespmem:v12+s19+$0x0] =	vst.idx.msk $0xffff, v5  }
0x452: {  	v5 =	vor.u32 v53, v0;
	v30 =	vld [tilespmem:$0x1F400];
	[tilespmem:v14+s19+$0x0] =	vst.idx.msk $0xffff, v6  }
0x453: {  	v17 =	vor.u32 v52, v3;
	v13 =	vld.idx.msk [tilespmem:v13+s14+$0x0], $0xffff;
	v6 =	vor.u32 v20, v0;
	[tilespmem:v15+s19+$0x0] =	vst.idx.msk $0xffff, v7  }
0x454: {  	v32 =	vld.idx.msk [tilespmem:v16+s14+$0x0], $0xffff;
	[tilespmem:v18+s19+$0x0] =	vst.idx.msk $0xffff, v8  }
0x455: {  	v33 =	vor.u32 v38, v2;
	v14 =	vld.idx.msk [tilespmem:v61+s14+$0x0], $0xffff;
	[tilespmem:v4+s19+$0x0] =	vst.idx.msk $0xffff, v9;
	v59 =	vor.u32 v27, v3  }
0x456: {  	v21 =	vld [tilespmem:$0x1F910]  }
0x457: {  	v23 =	vld [tilespmem:$0x1F430];
	[tilespmem:v5+s19+$0x0] =	vst.idx.msk $0xffff, v11;
	v60 =	vor.u32 v30, v3  }
0x458: {  	v18 =	vor.u32 v46, v2;
	v17 =	vld.idx.msk [tilespmem:v17+s14+$0x0], $0xffff;
	v7 =	vor.u32 v27, v1;
	[tilespmem:v6+s19+$0x0] =	vst.idx.msk $0xffff, v13  }
0x459: {  	v5 =	vor.u32 v19, v1;
	v19 =	vld [tilespmem:$0x1FE60]  }
0x45a: {  	v8 =	vor.u32 v30, v1;
	v6 =	vor.u32 v46, v0;
	[tilespmem:v33+s19+$0x0] =	vst.idx.msk $0xffff, v32;
	v35 =	vld.idx.msk [tilespmem:v59+s14+$0x0], $0xffff  }
0x45b: {  	v4 =	vor.u32 v21, v2;
	v42 =	vor.u32 v21, v0;
	v21 =	vld [tilespmem:$0x1FFF0]  }
0x45c: {  	v37 =	vor.u32 v57, v2;
	v36 =	vor.u32 v23, v3;
	v12 =	vld.idx.msk [tilespmem:v60+s14+$0x0], $0xffff  }
0x45d: {  	v7 =	vld.idx.msk [tilespmem:v7+s14+$0x0], $0xffff;
	[tilespmem:v18+s19+$0x0] =	vst.idx.msk $0xffff, v17  }
0x45e: {  	v31 =	vld [tilespmem:$0x1F420]  }
0x45f: {  	v47 =	vor.u32 v57, v0;
	v8 =	vld.idx.msk [tilespmem:v8+s14+$0x0], $0xffff;
	[tilespmem:v6+s19+$0x0] =	vst.idx.msk $0xffff, v14  }
0x460: {  	v5 =	vld.idx.msk [tilespmem:v5+s14+$0x0], $0xffff;
	[tilespmem:v4+s19+$0x0] =	vst.idx.msk $0xffff, v35  }
0x461: {  	v41 =	vor.u32 v19, v3;
	v48 =	vld.idx.msk [tilespmem:v36+s14+$0x0], $0xffff;
	[tilespmem:v37+s19+$0x0] =	vst.idx.msk $0xffff, v12  }
0x462: {  	v44 =	vor.u32 v21, v3;
	v4 =	vor.u32 v19, v1;
	v19 =	vld [tilespmem:$0x1FE70]  }
0x463: {  	v36 =	vld [tilespmem:$0x1F460];
	[tilespmem:v42+s19+$0x0] =	vst.idx.msk $0xffff, v7  }
0x464: {  	v61 =	vor.u32 v21, v1;
	v21 =	vld [tilespmem:$0x1FE10];
	[tilespmem:v47+s19+$0x0] =	vst.idx.msk $0xffff, v8  }
0x465: {  	v50 =	vor.u32 v40, v2;
	v18 =	vor.u32 v31, v3;
	v56 =	vld [tilespmem:$0x1FA40]  }
0x466: {  	v60 =	vor.u32 v38, v0;
	v13 =	vld.idx.msk [tilespmem:v41+s14+$0x0], $0xffff  }
0x467: {  	v16 =	vld.idx.msk [tilespmem:v44+s14+$0x0], $0xffff;
	v6 =	vor.u32 v19, v2  }
0x468: {  	v4 =	vld.idx.msk [tilespmem:v4+s14+$0x0], $0xffff  }
0x469: {  	v12 =	vld.idx.msk [tilespmem:v61+s14+$0x0], $0xffff;
	v33 =	vor.u32 v21, v2  }
0x46a: {  	[tilespmem:v50+s19+$0x0] =	vst.idx.msk $0xffff, v48;
	v18 =	vld.idx.msk [tilespmem:v18+s14+$0x0], $0xffff;
	v32 =	vor.u32 v36, v3;
	v35 =	vor.u32 v56, v2  }
0x46b: {  	v37 =	vor.u32 v19, v0;
	v19 =	vld [tilespmem:$0x1FE80];
	[tilespmem:v60+s19+$0x0] =	vst.idx.msk $0xffff, v5  }
0x46c: {  	v5 =	vor.u32 v21, v0;
	v21 =	vld [tilespmem:$0x1F440];
	[tilespmem:v6+s19+$0x0] =	vst.idx.msk $0xffff, v13  }
0x46d: {  	v8 =	vor.u32 v23, v1;
	v23 =	vld [tilespmem:$0x1F450]  }
0x46e: {  	v7 =	vor.u32 v31, v1;
	[tilespmem:v33+s19+$0x0] =	vst.idx.msk $0xffff, v16  }
0x46f: {  	v42 =	vld.idx.msk [tilespmem:v32+s14+$0x0], $0xffff;
	[tilespmem:v35+s19+$0x0] =	vst.idx.msk $0xffff, v18  }
0x470: {  	v39 =	vmov v38;
	v38 =	vor.u32 v19, v3;
	v48 =	vor.u32 v19, v1;
	v19 =	vld [tilespmem:$0x1F490];
	[tilespmem:v37+s19+$0x0] =	vst.idx.msk $0xffff, v4  }
0x471: {  	v41 =	vor.u32 v21, v3;
	v4 =	vor.u32 v21, v1;
	v21 =	vld [tilespmem:$0x1FE90];
	[tilespmem:v5+s19+$0x0] =	vst.idx.msk $0xffff, v12  }
0x472: {  	v44 =	vor.u32 v54, v2;
	v6 =	vor.u32 v23, v3;
	v5 =	vor.u32 v23, v1;
	v23 =	vld [tilespmem:$0x1F960]  }
0x473: {  	v7 =	vld.idx.msk [tilespmem:v7+s14+$0x0], $0xffff;
	v47 =	vor.u32 v56, v0  }
0x474: {  	v8 =	vld.idx.msk [tilespmem:v8+s14+$0x0], $0xffff  }
0x475: {  	v50 =	vor.u32 v40, v0;
	v10 =	vld.idx.msk [tilespmem:v38+s14+$0x0], $0xffff;
	v18 =	vor.u32 v19, v3  }
0x476: {  	v16 =	vld.idx.msk [tilespmem:v48+s14+$0x0], $0xffff;
	v60 =	vor.u32 v21, v2  }
0x477: {  	v11 =	vld.idx.msk [tilespmem:v41+s14+$0x0], $0xffff;
	[tilespmem:v44+s19+$0x0] =	vst.idx.msk $0xffff, v42;
	v61 =	vor.u32 v23, v2  }
0x478: {  	v33 =	vor.u32 v24, v2;
	[tilespmem:v47+s19+$0x0] =	vst.idx.msk $0xffff, v7;
	v6 =	vld.idx.msk [tilespmem:v6+s14+$0x0], $0xffff  }
0x479: {  	v7 =	vor.u32 v21, v0;
	v21 =	vld [tilespmem:$0x1F7A0]  }
0x47a: {  	[tilespmem:v50+s19+$0x0] =	vst.idx.msk $0xffff, v8;
	v37 =	vld.idx.msk [tilespmem:v18+s14+$0x0], $0xffff;
	v18 =	vor.u32 v43, v2  }
0x47b: {  	v4 =	vld.idx.msk [tilespmem:v4+s14+$0x0], $0xffff;
	[tilespmem:v60+s19+$0x0] =	vst.idx.msk $0xffff, v10  }
0x47c: {  	v32 =	vor.u32 v36, v1;
	v38 =	vor.u32 v23, v0;
	v23 =	vld [tilespmem:$0x1F480];
	[tilespmem:v61+s19+$0x0] =	vst.idx.msk $0xffff, v11  }
0x47d: {  	v58 =	vmov v24;
	v42 =	vor.u32 v24, v0;
	v8 =	vor.u32 v28, v3;
	v24 =	vld [tilespmem:$0x1F500];
	[tilespmem:v33+s19+$0x0] =	vst.idx.msk $0xffff, v6  }
0x47e: {  	v5 =	vld.idx.msk [tilespmem:v5+s14+$0x0], $0xffff;
	v35 =	vor.u32 v21, v3;
	[tilespmem:v7+s19+$0x0] =	vst.idx.msk $0xffff, v16  }
0x47f: {  	v31 =	vld [tilespmem:$0x1F7B0];
	[tilespmem:v18+s19+$0x0] =	vst.idx.msk $0xffff, v37  }
0x480: {  	v47 =	vor.u32 v21, v1;
	v21 =	vld [tilespmem:$0x1FEF0]  }
0x481: {  	v13 =	vld.idx.msk [tilespmem:v32+s14+$0x0], $0xffff;
	v6 =	vor.u32 v54, v0;
	v7 =	vor.u32 v28, v1  }
0x482: {  	v8 =	vld.idx.msk [tilespmem:v8+s14+$0x0], $0xffff;
	[tilespmem:v38+s19+$0x0] =	vst.idx.msk $0xffff, v4  }
0x483: {  	v15 =	vld.idx.msk [tilespmem:v35+s14+$0x0], $0xffff;
	[tilespmem:v42+s19+$0x0] =	vst.idx.msk $0xffff, v5;
	v41 =	vor.u32 v23, v3  }
0x484: {  	v4 =	vor.u32 v19, v1;
	v19 =	vld [tilespmem:$0x1F7C0];
	v44 =	vor.u32 v24, v3;
	v48 =	vor.u32 v31, v2  }
0x485: {  	v14 =	vld.idx.msk [tilespmem:v47+s14+$0x0], $0xffff;
	v18 =	vor.u32 v21, v2  }
0x486: {  	[tilespmem:v6+s19+$0x0] =	vst.idx.msk $0xffff, v13;
	v7 =	vld.idx.msk [tilespmem:v7+s14+$0x0], $0xffff  }
0x487: {  	v50 =	vor.u32 v23, v1;
	v23 =	vld [tilespmem:$0x1F4E0]  }
0x488: {  	v54 =	vor.u32 v45, v2;
	v10 =	vld.idx.msk [tilespmem:v41+s14+$0x0], $0xffff  }
0x489: {  	v60 =	vor.u32 v62, v2;
	v5 =	vor.u32 v19, v3;
	v59 =	vld.idx.msk [tilespmem:v44+s14+$0x0], $0xffff;
	[tilespmem:v48+s19+$0x0] =	vst.idx.msk $0xffff, v15  }
0x48a: {  	v6 =	vor.u32 v31, v0;
	v37 =	vld [tilespmem:$0x1F540];
	[tilespmem:v18+s19+$0x0] =	vst.idx.msk $0xffff, v8  }
0x48b: {  	v32 =	vor.u32 v21, v0;
	v21 =	vld [tilespmem:$0x1F4F0]  }
0x48c: {  	v17 =	vld.idx.msk [tilespmem:v50+s14+$0x0], $0xffff;
	v61 =	vor.u32 v23, v3;
	v8 =	vor.u32 v45, v0  }
0x48d: {  	v4 =	vld.idx.msk [tilespmem:v4+s14+$0x0], $0xffff;
	[tilespmem:v54+s19+$0x0] =	vst.idx.msk $0xffff, v10  }
0x48e: {  	v5 =	vld.idx.msk [tilespmem:v5+s14+$0x0], $0xffff;
	[tilespmem:v60+s19+$0x0] =	vst.idx.msk $0xffff, v59  }
0x48f: {  	v35 =	vor.u32 v43, v0;
	v38 =	vor.u32 v19, v1;
	v19 =	vld [tilespmem:$0x1F7D0];
	[tilespmem:v6+s19+$0x0] =	vst.idx.msk $0xffff, v14  }
0x490: {  	v18 =	vor.u32 v21, v3;
	v6 =	vor.u32 v21, v1;
	v21 =	vld [tilespmem:$0x1F9B0];
	[tilespmem:v32+s19+$0x0] =	vst.idx.msk $0xffff, v7  }
0x491: {  	v45 =	vor.u32 v23, v1;
	v13 =	vld.idx.msk [tilespmem:v61+s14+$0x0], $0xffff;
	[tilespmem:v8+s19+$0x0] =	vst.idx.msk $0xffff, v17  }
0x492: {  	v33 =	vor.u32 v37, v3;
	v7 =	vor.u32 v24, v1;
	v24 =	vld [tilespmem:$0x1FF50]  }
0x493: {  	v23 =	vld [tilespmem:$0x1F7E0]  }
0x494: {  	v10 =	vld.idx.msk [tilespmem:v38+s14+$0x0], $0xffff;
	[tilespmem:v35+s19+$0x0] =	vst.idx.msk $0xffff, v4  }
0x495: {  	v47 =	vor.u32 v19, v2;
	v4 =	vor.u32 v19, v0;
	v19 =	vld [tilespmem:$0x1F590]  }
0x496: {  	v11 =	vld.idx.msk [tilespmem:v45+s14+$0x0], $0xffff;
	v48 =	vor.u32 v21, v2  }
0x497: {  	v54 =	vor.u32 v55, v2;
	v50 =	vld.idx.msk [tilespmem:v33+s14+$0x0], $0xffff  }
0x498: {  	v18 =	vld.idx.msk [tilespmem:v18+s14+$0x0], $0xffff;
	v8 =	vor.u32 v24, v2;
	v59 =	vor.u32 v23, v3  }
0x499: {  	v6 =	vld.idx.msk [tilespmem:v6+s14+$0x0], $0xffff  }
0x49a: {  	v7 =	vld.idx.msk [tilespmem:v7+s14+$0x0], $0xffff;
	v60 =	vor.u32 v19, v3;
	[tilespmem:v47+s19+$0x0] =	vst.idx.msk $0xffff, v5  }
0x49b: {  	v5 =	vor.u32 v21, v0;
	v21 =	vld [tilespmem:$0x1F520];
	[tilespmem:v48+s19+$0x0] =	vst.idx.msk $0xffff, v13  }
0x49c: {  	v32 =	vor.u32 v24, v0;
	v24 =	vld [tilespmem:$0x1F530];
	[tilespmem:v54+s19+$0x0] =	vst.idx.msk $0xffff, v50  }
0x49d: {  	[tilespmem:v8+s19+$0x0] =	vst.idx.msk $0xffff, v18;
	v17 =	vld.idx.msk [tilespmem:v59+s14+$0x0], $0xffff  }
0x49e: {  	v41 =	vor.u32 v23, v1;
	v23 =	vld [tilespmem:$0x1F7F0]  }
0x49f: {  	v35 =	vor.u32 v62, v0;
	[tilespmem:v4+s19+$0x0] =	vst.idx.msk $0xffff, v10;
	v9 =	vld.idx.msk [tilespmem:v60+s14+$0x0], $0xffff  }
0x4a0: {  	v50 =	vld [tilespmem:$0x1FB40];
	[tilespmem:v5+s19+$0x0] =	vst.idx.msk $0xffff, v11;
	v5 =	vor.u32 v37, v1  }
0x4a1: {  	v33 =	vor.u32 v24, v3;
	v4 =	vor.u32 v24, v1;
	v24 =	vld [tilespmem:$0x1FF00];
	[tilespmem:v32+s19+$0x0] =	vst.idx.msk $0xffff, v6  }
0x4a2: {  	v61 =	vor.u32 v21, v3;
	v8 =	vor.u32 v21, v1;
	v21 =	vld [tilespmem:$0x1FF60]  }
0x4a3: {  	v37 =	vld [tilespmem:$0x1F5E0]  }
0x4a4: {  	v16 =	vld.idx.msk [tilespmem:v41+s14+$0x0], $0xffff;
	[tilespmem:v35+s19+$0x0] =	vst.idx.msk $0xffff, v7  }
0x4a5: {  	v18 =	vor.u32 v23, v2;
	v7 =	vor.u32 v23, v0;
	v23 =	vld [tilespmem:$0x1F800]  }
0x4a6: {  	v43 =	vor.u32 v50, v2;
	v5 =	vld.idx.msk [tilespmem:v5+s14+$0x0], $0xffff  }
0x4a7: {  	v12 =	vld.idx.msk [tilespmem:v61+s14+$0x0], $0xffff;
	v44 =	vor.u32 v24, v2  }
0x4a8: {  	v45 =	vld.idx.msk [tilespmem:v33+s14+$0x0], $0xffff;
	v6 =	vor.u32 v21, v2;
	v47 =	vor.u32 v37, v3  }
0x4a9: {  	v8 =	vld.idx.msk [tilespmem:v8+s14+$0x0], $0xffff  }
0x4aa: {  	v4 =	vld.idx.msk [tilespmem:v4+s14+$0x0], $0xffff;
	[tilespmem:v18+s19+$0x0] =	vst.idx.msk $0xffff, v17;
	v48 =	vor.u32 v23, v3  }
0x4ab: {  	v54 =	vor.u32 v24, v0;
	v24 =	vld [tilespmem:$0x1F570];
	[tilespmem:v43+s19+$0x0] =	vst.idx.msk $0xffff, v9  }
0x4ac: {  	v60 =	vld [tilespmem:$0x1F580];
	[tilespmem:v44+s19+$0x0] =	vst.idx.msk $0xffff, v12  }
0x4ad: {  	v59 =	vor.u32 v21, v0;
	[tilespmem:v6+s19+$0x0] =	vst.idx.msk $0xffff, v45;
	v33 =	vld.idx.msk [tilespmem:v47+s14+$0x0], $0xffff  }
0x4ae: {  	v43 =	vld [tilespmem:$0x1FB50]  }
0x4af: {  	v32 =	vor.u32 v23, v1;
	[tilespmem:v7+s19+$0x0] =	vst.idx.msk $0xffff, v16;
	v15 =	vld.idx.msk [tilespmem:v48+s14+$0x0], $0xffff  }
0x4b0: {  	v18 =	vor.u32 v24, v3;
	v23 =	vld [tilespmem:$0x1F810];
	[tilespmem:v54+s19+$0x0] =	vst.idx.msk $0xffff, v8  }
0x4b1: {  	v62 =	vor.u32 v55, v0;
	v6 =	vor.u32 v24, v1;
	v24 =	vld [tilespmem:$0x1F9C0]  }
0x4b2: {  	v47 =	vld [tilespmem:$0x1F780];
	[tilespmem:v59+s19+$0x0] =	vst.idx.msk $0xffff, v4  }
0x4b3: {  	v61 =	vor.u32 v60, v3;
	v4 =	vor.u32 v19, v1;
	v19 =	vld [tilespmem:$0x1FA60]  }
0x4b4: {  	v7 =	vor.u32 v60, v1;
	v12 =	vld.idx.msk [tilespmem:v32+s14+$0x0], $0xffff  }
0x4b5: {  	v35 =	vor.u32 v43, v2;
	v48 =	vld.idx.msk [tilespmem:v18+s14+$0x0], $0xffff  }
0x4b6: {  	[tilespmem:v62+s19+$0x0] =	vst.idx.msk $0xffff, v5;
	v6 =	vld.idx.msk [tilespmem:v6+s14+$0x0], $0xffff;
	v38 =	vor.u32 v23, v2  }
0x4b7: {  	v5 =	vor.u32 v23, v0;
	v23 =	vld [tilespmem:$0x1F820];
	v8 =	vor.u32 v24, v2  }
0x4b8: {  	v10 =	vld.idx.msk [tilespmem:v61+s14+$0x0], $0xffff;
	v54 =	vor.u32 v19, v2  }
0x4b9: {  	v7 =	vld.idx.msk [tilespmem:v7+s14+$0x0], $0xffff;
	v18 =	vor.u32 v47, v3  }
0x4ba: {  	v4 =	vld.idx.msk [tilespmem:v4+s14+$0x0], $0xffff;
	[tilespmem:v35+s19+$0x0] =	vst.idx.msk $0xffff, v33  }
0x4bb: {  	v59 =	vor.u32 v24, v0;
	v41 =	vld [tilespmem:$0x1F5C0];
	[tilespmem:v38+s19+$0x0] =	vst.idx.msk $0xffff, v15  }
0x4bc: {  	v42 =	vmov v55;
	v61 =	vor.u32 v19, v0;
	v55 =	vor.u32 v23, v3;
	v19 =	vld [tilespmem:$0x1F5D0];
	[tilespmem:v8+s19+$0x0] =	vst.idx.msk $0xffff, v48  }
0x4bd: {  	v44 =	vld [tilespmem:$0x1FF90];
	[tilespmem:v54+s19+$0x0] =	vst.idx.msk $0xffff, v10  }
0x4be: {  	v8 =	vor.u32 v23, v1;
	v32 =	vld.idx.msk [tilespmem:v18+s14+$0x0], $0xffff;
	[tilespmem:v5+s19+$0x0] =	vst.idx.msk $0xffff, v12  }
0x4bf: {  	v23 =	vld [tilespmem:$0x1F830]  }
0x4c0: {  	v24 =	vld [tilespmem:$0x1F670];
	v60 =	vor.u32 v41, v3  }
0x4c1: {  	[tilespmem:v59+s19+$0x0] =	vst.idx.msk $0xffff, v6;
	v35 =	vor.u32 v41, v1;
	v11 =	vld.idx.msk [tilespmem:v55+s14+$0x0], $0xffff  }
0x4c2: {  	v62 =	vor.u32 v19, v3;
	v6 =	vor.u32 v19, v1;
	v19 =	vld [tilespmem:$0x1F9D0];
	v18 =	vor.u32 v44, v2  }
0x4c3: {  	v33 =	vor.u32 v50, v0;
	[tilespmem:v61+s19+$0x0] =	vst.idx.msk $0xffff, v7;
	v8 =	vld.idx.msk [tilespmem:v8+s14+$0x0], $0xffff  }
0x4c4: {  	v55 =	vld [tilespmem:$0x1FA70];
	v5 =	vor.u32 v23, v2  }
0x4c5: {  	v14 =	vld.idx.msk [tilespmem:v60+s14+$0x0], $0xffff  }
0x4c6: {  	v10 =	vld.idx.msk [tilespmem:v35+s14+$0x0], $0xffff  }
0x4c7: {  	v7 =	vor.u32 v37, v1;
	v45 =	vor.u32 v24, v3;
	v16 =	vld.idx.msk [tilespmem:v62+s14+$0x0], $0xffff;
	[tilespmem:v18+s19+$0x0] =	vst.idx.msk $0xffff, v32  }
0x4c8: {  	v60 =	vor.u32 v23, v0;
	v54 =	vor.u32 v19, v2;
	v23 =	vld [tilespmem:$0x1F840];
	[tilespmem:v33+s19+$0x0] =	vst.idx.msk $0xffff, v4  }
0x4c9: {  	v59 =	vor.u32 v55, v2;
	v4 =	vor.u32 v19, v0;
	v19 =	vld [tilespmem:$0x1F610];
	[tilespmem:v5+s19+$0x0] =	vst.idx.msk $0xffff, v11  }
0x4ca: {  	v48 =	vld [tilespmem:$0x1F620]  }
0x4cb: {  	v38 =	vld [tilespmem:$0x1FB60]  }
0x4cc: {  	v6 =	vld.idx.msk [tilespmem:v6+s14+$0x0], $0xffff  }
0x4cd: {  	v62 =	vld.idx.msk [tilespmem:v45+s14+$0x0], $0xffff;
	[tilespmem:v54+s19+$0x0] =	vst.idx.msk $0xffff, v14;
	v18 =	vor.u32 v23, v3  }
0x4ce: {  	v7 =	vld.idx.msk [tilespmem:v7+s14+$0x0], $0xffff;
	v54 =	vor.u32 v55, v0;
	[tilespmem:v59+s19+$0x0] =	vst.idx.msk $0xffff, v16;
	v55 =	vor.u32 v23, v1  }
0x4cf: {  	v23 =	vld [tilespmem:$0x1F6E0];
	[tilespmem:v60+s19+$0x0] =	vst.idx.msk $0xffff, v8;
	v61 =	vor.u32 v19, v3;
	v8 =	vor.u32 v19, v1  }
0x4d0: {  	v19 =	vld [tilespmem:$0x1F850];
	[tilespmem:v4+s19+$0x0] =	vst.idx.msk $0xffff, v10;
	v5 =	vor.u32 v48, v3;
	v45 =	vor.u32 v38, v2  }
0x4d1: {  	v32 =	vor.u32 v43, v0;
	v35 =	vld [tilespmem:$0x1FF10]  }
0x4d2: {  	v18 =	vld.idx.msk [tilespmem:v18+s14+$0x0], $0xffff  }
0x4d3: {  	v14 =	vld.idx.msk [tilespmem:v55+s14+$0x0], $0xffff  }
0x4d4: {  	[tilespmem:v54+s19+$0x0] =	vst.idx.msk $0xffff, v6;
	v9 =	vld.idx.msk [tilespmem:v61+s14+$0x0], $0xffff  }
0x4d5: {  	v33 =	vor.u32 v23, v3;
	v17 =	vor.u32 v19, v2;
	[tilespmem:v45+s19+$0x0] =	vst.idx.msk $0xffff, v62;
	v5 =	vld.idx.msk [tilespmem:v5+s14+$0x0], $0xffff  }
0x4d6: {  	v6 =	vor.u32 v19, v0;
	v59 =	vor.u32 v35, v2;
	v19 =	vld [tilespmem:$0x1F860];
	[tilespmem:v32+s19+$0x0] =	vst.idx.msk $0xffff, v7  }
0x4d7: {  	v4 =	vor.u32 v48, v1;
	v48 =	vor.u32 v49, v2;
	v55 =	vld [tilespmem:$0x1FB70]  }
0x4d8: {  	v8 =	vld.idx.msk [tilespmem:v8+s14+$0x0], $0xffff  }
0x4d9: {  	v11 =	vor.u32 v47, v1;
	v47 =	vld [tilespmem:$0x1F650]  }
0x4da: {  	v32 =	vld.idx.msk [tilespmem:v33+s14+$0x0], $0xffff;
	[tilespmem:v17+s19+$0x0] =	vst.idx.msk $0xffff, v18  }
0x4db: {  	v54 =	vld [tilespmem:$0x1F660];
	[tilespmem:v59+s19+$0x0] =	vst.idx.msk $0xffff, v9;
	v13 =	vor.u32 v19, v3  }
0x4dc: {  	v62 =	vld [tilespmem:$0x1F790];
	[tilespmem:v48+s19+$0x0] =	vst.idx.msk $0xffff, v5;
	v48 =	vor.u32 v19, v1;
	v33 =	vor.u32 v55, v2  }
0x4dd: {  	v35 =	vor.u32 v35, v0;
	v4 =	vld.idx.msk [tilespmem:v4+s14+$0x0], $0xffff  }
0x4de: {  	v11 =	vld.idx.msk [tilespmem:v11+s14+$0x0], $0xffff;
	v59 =	vor.u32 v49, v0;
	[tilespmem:v6+s19+$0x0] =	vst.idx.msk $0xffff, v14  }
0x4df: {  	v19 =	vld [tilespmem:$0x1F870]  }
0x4e0: {  	v13 =	vld.idx.msk [tilespmem:v13+s14+$0x0], $0xffff  }
0x4e1: {  	v7 =	vor.u32 v47, v3;
	v12 =	vld.idx.msk [tilespmem:v48+s14+$0x0], $0xffff;
	[tilespmem:v33+s19+$0x0] =	vst.idx.msk $0xffff, v32  }
0x4e2: {  	v5 =	vor.u32 v44, v0;
	v6 =	vor.u32 v47, v1;
	v32 =	vld [tilespmem:$0x1F9E0];
	[tilespmem:v35+s19+$0x0] =	vst.idx.msk $0xffff, v8  }
0x4e3: {  	v61 =	vld [tilespmem:$0x1FA80];
	[tilespmem:v59+s19+$0x0] =	vst.idx.msk $0xffff, v4  }
0x4e4: {  	v18 =	vor.u32 v54, v3;
	v8 =	vor.u32 v24, v1;
	v24 =	vld [tilespmem:$0x1F880]  }
0x4e5: {  	v60 =	vmov v49;
	v45 =	vor.u32 v62, v3;
	v49 =	vor.u32 v19, v2;
	v59 =	vld [tilespmem:$0x1FFA0]  }
0x4e6: {  	v7 =	vld.idx.msk [tilespmem:v7+s14+$0x0], $0xffff  }
0x4e7: {  	v15 =	vor.u32 v54, v1;
	v6 =	vld.idx.msk [tilespmem:v6+s14+$0x0], $0xffff;
	[tilespmem:v5+s19+$0x0] =	vst.idx.msk $0xffff, v11  }
0x4e8: {  	v5 =	vor.u32 v19, v0;
	v19 =	vld [tilespmem:$0x1F6C0];
	v33 =	vor.u32 v32, v2  }
0x4e9: {  	v18 =	vld.idx.msk [tilespmem:v18+s14+$0x0], $0xffff;
	v35 =	vor.u32 v61, v2  }
0x4ea: {  	v9 =	vld.idx.msk [tilespmem:v45+s14+$0x0], $0xffff;
	[tilespmem:v49+s19+$0x0] =	vst.idx.msk $0xffff, v13;
	v4 =	vor.u32 v24, v3;
	v54 =	vor.u32 v59, v2  }
0x4eb: {  	v37 =	vld [tilespmem:$0x1F740]  }
0x4ec: {  	v15 =	vld.idx.msk [tilespmem:v15+s14+$0x0], $0xffff  }
0x4ed: {  	v48 =	vor.u32 v32, v0;
	v8 =	vld.idx.msk [tilespmem:v8+s14+$0x0], $0xffff;
	v11 =	vor.u32 v19, v3;
	[tilespmem:v33+s19+$0x0] =	vst.idx.msk $0xffff, v7  }
0x4ee: {  	v7 =	vor.u32 v61, v0;
	v32 =	vld [tilespmem:$0x1F6D0];
	[tilespmem:v35+s19+$0x0] =	vst.idx.msk $0xffff, v18  }
0x4ef: {  	[tilespmem:v54+s19+$0x0] =	vst.idx.msk $0xffff, v9;
	v4 =	vld.idx.msk [tilespmem:v4+s14+$0x0], $0xffff  }
0x4f0: {  	v49 =	vor.u32 v37, v3;
	v9 =	vor.u32 v19, v1;
	v19 =	vld [tilespmem:$0x1F890];
	[tilespmem:v5+s19+$0x0] =	vst.idx.msk $0xffff, v12  }
0x4f1: {  	v21 =	vld [tilespmem:$0x1F9F0]  }
0x4f2: {  	v35 =	vor.u32 v38, v0;
	v18 =	vor.u32 v24, v1;
	v11 =	vld.idx.msk [tilespmem:v11+s14+$0x0], $0xffff;
	[tilespmem:v48+s19+$0x0] =	vst.idx.msk $0xffff, v6  }
0x4f3: {  	v47 =	vld [tilespmem:$0x1FB80];
	[tilespmem:v7+s19+$0x0] =	vst.idx.msk $0xffff, v15  }
0x4f4: {  	v6 =	vor.u32 v23, v1;
	v33 =	vor.u32 v32, v3;
	v23 =	vld [tilespmem:$0x1FA90]  }
0x4f5: {  	v13 =	vld.idx.msk [tilespmem:v49+s14+$0x0], $0xffff;
	v54 =	vor.u32 v19, v2  }
0x4f6: {  	v45 =	vld [tilespmem:$0x1F8A0];
	v12 =	vor.u32 v21, v2  }
0x4f7: {  	[tilespmem:v35+s19+$0x0] =	vst.idx.msk $0xffff, v8;
	v18 =	vld.idx.msk [tilespmem:v18+s14+$0x0], $0xffff  }
0x4f8: {  	v5 =	vor.u32 v32, v1;
	v32 =	vld [tilespmem:$0x1F760];
	v14 =	vor.u32 v47, v2  }
0x4f9: {  	v7 =	vor.u32 v23, v2;
	v16 =	vld.idx.msk [tilespmem:v33+s14+$0x0], $0xffff  }
0x4fa: {  	v9 =	vld.idx.msk [tilespmem:v9+s14+$0x0], $0xffff;
	v8 =	vor.u32 v19, v0;
	[tilespmem:v54+s19+$0x0] =	vst.idx.msk $0xffff, v4  }
0x4fb: {  	v4 =	vor.u32 v21, v0;
	v21 =	vld [tilespmem:$0x1F730];
	[tilespmem:v12+s19+$0x0] =	vst.idx.msk $0xffff, v11  }
0x4fc: {  	v15 =	vor.u32 v45, v3;
	v33 =	vor.u32 v23, v0;
	v23 =	vld [tilespmem:$0x1F3D0]  }
0x4fd: {  	v6 =	vld.idx.msk [tilespmem:v6+s14+$0x0], $0xffff;
	v17 =	vor.u32 v32, v3;
	[tilespmem:v14+s19+$0x0] =	vst.idx.msk $0xffff, v13  }
0x4fe: {  	v5 =	vld.idx.msk [tilespmem:v5+s14+$0x0], $0xffff;
	[tilespmem:v7+s19+$0x0] =	vst.idx.msk $0xffff, v16  }
0x4ff: {  	v49 =	vld [tilespmem:$0x1F8B0];
	[tilespmem:v8+s19+$0x0] =	vst.idx.msk $0xffff, v18  }
0x500: {  	v14 =	vor.u32 v45, v1;
	v48 =	vld [tilespmem:$0x1FFB0]  }
0x501: {  	v15 =	vld.idx.msk [tilespmem:v15+s14+$0x0], $0xffff;
	v35 =	vor.u32 v23, v3  }
0x502: {  	v17 =	vld.idx.msk [tilespmem:v17+s14+$0x0], $0xffff;
	[tilespmem:v4+s19+$0x0] =	vst.idx.msk $0xffff, v9  }
0x503: {  	v13 =	vor.u32 v55, v0;
	v54 =	vor.u32 v21, v3;
	v4 =	vld [tilespmem:$0x1FA00];
	[tilespmem:v33+s19+$0x0] =	vst.idx.msk $0xffff, v5  }
0x504: {  	v19 =	vor.u32 v62, v1;
	v62 =	vld [tilespmem:$0x1FAA0];
	v45 =	vor.u32 v49, v2  }
0x505: {  	v14 =	vld.idx.msk [tilespmem:v14+s14+$0x0], $0xffff;
	v18 =	vor.u32 v48, v2  }
0x506: {  	v11 =	vld.idx.msk [tilespmem:v35+s14+$0x0], $0xffff  }
0x507: {  	v7 =	vor.u32 v21, v1;
	v35 =	vld [tilespmem:$0x1F770]  }
0x508: {  	v8 =	vor.u32 v23, v1;
	v9 =	vor.u32 v4, v2;
	v10 =	vld.idx.msk [tilespmem:v54+s14+$0x0], $0xffff;
	[tilespmem:v13+s19+$0x0] =	vst.idx.msk $0xffff, v6  }
0x509: {  	v5 =	vor.u32 v62, v2;
	v23 =	vld [tilespmem:$0x1F8C0];
	[tilespmem:v45+s19+$0x0] =	vst.idx.msk $0xffff, v15  }
0x50a: {  	v6 =	vor.u32 v49, v0;
	v33 =	vld [tilespmem:$0x1F3C0];
	[tilespmem:v18+s19+$0x0] =	vst.idx.msk $0xffff, v17  }
0x50b: {  	v15 =	vor.u32 v4, v0;
	v4 =	vld [tilespmem:$0x1F3B0]  }
0x50c: {  	v7 =	vld.idx.msk [tilespmem:v7+s14+$0x0], $0xffff;
	v54 =	vor.u32 v35, v3  }
0x50d: {  	v8 =	vld.idx.msk [tilespmem:v8+s14+$0x0], $0xffff;
	v45 =	vor.u32 v62, v0;
	[tilespmem:v9+s19+$0x0] =	vst.idx.msk $0xffff, v10  }
0x50e: {  	v19 =	vld.idx.msk [tilespmem:v19+s14+$0x0], $0xffff;
	v9 =	vor.u32 v59, v0;
	[tilespmem:v5+s19+$0x0] =	vst.idx.msk $0xffff, v11  }
0x50f: {  	v16 =	vor.u32 v33, v3;
	v5 =	vor.u32 v33, v1;
	v33 =	vld [tilespmem:$0x1FFC0];
	[tilespmem:v6+s19+$0x0] =	vst.idx.msk $0xffff, v14  }
0x510: {  	v13 =	vor.u32 v23, v3;
	v18 =	vor.u32 v4, v3;
	v6 =	vor.u32 v4, v1;
	v4 =	vld [tilespmem:$0x1F8D0]  }
0x511: {  	[tilespmem:v15+s19+$0x0] =	vst.idx.msk $0xffff, v7;
	v11 =	vld.idx.msk [tilespmem:v54+s14+$0x0], $0xffff  }
0x512: {  	v10 =	vor.u32 v23, v1;
	v23 =	vld [tilespmem:$0x1FA10];
	[tilespmem:v45+s19+$0x0] =	vst.idx.msk $0xffff, v8  }
0x513: {  	v7 =	vor.u32 v37, v1;
	v37 =	vld [tilespmem:$0x1FAB0]  }
0x514: {  	v45 =	vld [tilespmem:$0x1F8E0]  }
0x515: {  	v13 =	vld.idx.msk [tilespmem:v13+s14+$0x0], $0xffff;
	[tilespmem:v9+s19+$0x0] =	vst.idx.msk $0xffff, v19  }
0x516: {  	v19 =	vld [tilespmem:$0x1F3A0];
	v54 =	vor.u32 v33, v2  }
0x517: {  	v10 =	vld.idx.msk [tilespmem:v10+s14+$0x0], $0xffff;
	v14 =	vor.u32 v4, v2  }
0x518: {  	v16 =	vld.idx.msk [tilespmem:v16+s14+$0x0], $0xffff;
	v15 =	vor.u32 v23, v2  }
0x519: {  	v18 =	vld.idx.msk [tilespmem:v18+s14+$0x0], $0xffff;
	v8 =	vor.u32 v37, v2;
	v17 =	vor.u32 v45, v3  }
0x51a: {  	v5 =	vld.idx.msk [tilespmem:v5+s14+$0x0], $0xffff  }
0x51b: {  	v9 =	vor.u32 v4, v0;
	v6 =	vld.idx.msk [tilespmem:v6+s14+$0x0], $0xffff;
	v21 =	vor.u32 v19, v3;
	[tilespmem:v54+s19+$0x0] =	vst.idx.msk $0xffff, v11  }
0x51c: {  	v54 =	vor.u32 v23, v0;
	v4 =	vld [tilespmem:$0x1F380];
	[tilespmem:v14+s19+$0x0] =	vst.idx.msk $0xffff, v13  }
0x51d: {  	v7 =	vld.idx.msk [tilespmem:v7+s14+$0x0], $0xffff;
	[tilespmem:v15+s19+$0x0] =	vst.idx.msk $0xffff, v16  }
0x51e: {  	[tilespmem:v8+s19+$0x0] =	vst.idx.msk $0xffff, v18;
	v17 =	vld.idx.msk [tilespmem:v17+s14+$0x0], $0xffff  }
0x51f: {  	v49 =	vor.u32 v19, v1;
	v13 =	vor.u32 v37, v0;
	v14 =	vor.u32 v45, v1;
	v19 =	vld [tilespmem:$0x1FEB0]  }
0x520: {  	v45 =	vor.u32 v47, v0;
	[tilespmem:v9+s19+$0x0] =	vst.idx.msk $0xffff, v10;
	v9 =	vld.idx.msk [tilespmem:v21+s14+$0x0], $0xffff  }
0x521: {  	v12 =	vor.u32 v4, v3;
	v8 =	vor.u32 v4, v1;
	v4 =	vld [tilespmem:$0x1FA20];
	[tilespmem:v54+s19+$0x0] =	vst.idx.msk $0xffff, v5  }
0x522: {  	v21 =	vld [tilespmem:$0x1FAC0]  }
0x523: {  	v54 =	vld [tilespmem:$0x1F8F0]  }
0x524: {  	v14 =	vld.idx.msk [tilespmem:v14+s14+$0x0], $0xffff;
	[tilespmem:v13+s19+$0x0] =	vst.idx.msk $0xffff, v6;
	v18 =	vor.u32 v19, v2  }
0x525: {  	v6 =	vor.u32 v19, v0;
	v19 =	vld [tilespmem:$0x1F390];
	[tilespmem:v45+s19+$0x0] =	vst.idx.msk $0xffff, v7  }
0x526: {  	v23 =	vor.u32 v32, v1;
	v10 =	vor.u32 v4, v2;
	v7 =	vor.u32 v4, v0;
	v4 =	vld [tilespmem:$0x1F370]  }
0x527: {  	v15 =	vld.idx.msk [tilespmem:v49+s14+$0x0], $0xffff  }
0x528: {  	v12 =	vld.idx.msk [tilespmem:v12+s14+$0x0], $0xffff;
	v5 =	vor.u32 v21, v2;
	v11 =	vor.u32 v54, v3  }
0x529: {  	v8 =	vld.idx.msk [tilespmem:v8+s14+$0x0], $0xffff;
	v45 =	vor.u32 v21, v0;
	v49 =	vor.u32 v54, v1;
	[tilespmem:v18+s19+$0x0] =	vst.idx.msk $0xffff, v17  }
0x52a: {  	v13 =	vor.u32 v19, v3;
	[tilespmem:v6+s19+$0x0] =	vst.idx.msk $0xffff, v14  }
0x52b: {  	v54 =	vor.u32 v48, v0;
	v18 =	vld.idx.msk [tilespmem:v23+s14+$0x0], $0xffff;
	v3 =	vor.u32 v4, v3;
	[tilespmem:v10+s19+$0x0] =	vst.idx.msk $0xffff, v9  }
0x52c: {  	[tilespmem:v7+s19+$0x0] =	vst.idx.msk $0xffff, v15  }
0x52d: {  	[tilespmem:v5+s19+$0x0] =	vst.idx.msk $0xffff, v12;
	v5 =	vor.u32 v22, v2;
	v10 =	vld.idx.msk [tilespmem:v11+s14+$0x0], $0xffff  }
0x52e: {  	v7 =	vor.u32 v19, v1;
	[tilespmem:v45+s19+$0x0] =	vst.idx.msk $0xffff, v8;
	v45 =	vor.u32 v22, v0;
	v49 =	vld.idx.msk [tilespmem:v49+s14+$0x0], $0xffff  }
0x52f: {  	v6 =	vor.u32 v63, v2;
	v8 =	vor.u32 v4, v1;
	v32 =	vld.idx.msk [tilespmem:v13+s14+$0x0], $0xffff  }
0x530: {  	v2 =	vor.u32 v34, v2;
	[tilespmem:v54+s19+$0x0] =	vst.idx.msk $0xffff, v18;
	v54 =	vor.u32 v35, v1;
	v3 =	vld.idx.msk [tilespmem:v3+s14+$0x0], $0xffff;
	_ =	sdelay $0x1  }
0x531: {  	[tilespmem:v5+s19+$0x0] =	vst.idx.msk $0xffff, v10  }
0x532: {  	v5 =	vld.idx.msk [tilespmem:v7+s14+$0x0], $0xffff;
	[tilespmem:v45+s19+$0x0] =	vst.idx.msk $0xffff, v49  }
0x533: {  	v1 =	vor.u32 v63, v0;
	v4 =	vld.idx.msk [tilespmem:v8+s14+$0x0], $0xffff;
	[tilespmem:v6+s19+$0x0] =	vst.idx.msk $0xffff, v32  }
0x534: {  	v35 =	vmov v39;
	v39 =	vmov v40;
	v49 =	vmov v28;
	v6 =	vld.idx.msk [tilespmem:v54+s14+$0x0], $0xffff;
	[tilespmem:v2+s19+$0x0] =	vst.idx.msk $0xffff, v3  }
0x535: {  	s24 =	simm.s32 $0x0;
	s25 =	simm.s32 $0x30;
	v54 =	vmovc v58;
	v2 =	vor.u32 v34, v0;
	v3 =	vor.u32 v33, v0;
	v33 =	vmovc v37;
	v37 =	vmov v22  }
.LBB2_6:
0x536: {  	_ =	sdelay $0x2  }
0x537: {  	v0 =	vor.u32 s25, v25  }
0x538: {  	s26 =	sadd.s32 $0xFFFFFFF0, s25;
	v15 =	vld [tilespmem:$0x1FEE0];
	[tilespmem:v1+s19+$0x0] =	vst.idx.msk $0xffff, v5;
	v1 =	vshll.u32 v0, $0x6  }
0x539: {  	v32 =	vld [tilespmem:$0x1FAE0];
	v5 =	vor.u32 s26, v25;
	[tilespmem:v2+s19+$0x0] =	vst.idx.msk $0xffff, v4;
	v4 =	vor.u32 v25, v1  }
0x53a: {  	v58 =	vld [tilespmem:$0x1F910];
	v2 =	vshll.u32 v5, $0x6;
	v7 =	vor.u32 v26, v1  }
0x53b: {  	[tilespmem:v3+s19+$0x0] =	vst.idx.msk $0xffff, v6;
	v3 =	vld [tilespmem:$0x1F3F0];
	v6 =	vor.u32 v25, v2  }
0x53c: {  	v18 =	vld [tilespmem:$0x1FFF0];
	v14 =	vor.u32 v30, v1;
	v8 =	vor.u32 v26, v2  }
0x53d: {  	v10 =	vor.u32 v29, v2;
	[tilespmem:$0x1F190] =	vst v14;
	v14 =	vld [tilespmem:$0x1F410]  }
0x53e: {  	v0 =	vand.u32 $0x78, v0;
	v4 =	vld.idx.msk [tilespmem:v4+s14+$0x0], $0xffff  }
0x53f: {  	v11 =	vor.u32 v29, v1;
	v13 =	vor.u32 v51, v0;
	v7 =	vld.idx.msk [tilespmem:v7+s14+$0x0], $0xffff  }
0x540: {  	v9 =	vor.u32 v3, v2;
	v12 =	vor.u32 v3, v1;
	v3 =	vor.u32 v20, v0;
	v6 =	vld.idx.msk [tilespmem:v6+s14+$0x0], $0xffff  }
0x541: {  	v22 =	vor.u32 v15, v0;
	v20 =	vor.u32 v52, v1;
	[tilespmem:$0x1F180] =	vst v3;
	v3 =	vand.u32 $0x68, v5;
	v8 =	vld.idx.msk [tilespmem:v8+s14+$0x0], $0xffff  }
0x542: {  	v21 =	vor.u32 v27, v1;
	v63 =	vor.u32 v46, v0;
	v23 =	vor.u32 v51, v3;
	v10 =	vld.idx.msk [tilespmem:v10+s14+$0x0], $0xffff  }
0x543: {  	v16 =	vor.u32 v52, v2;
	v17 =	vor.u32 v27, v2;
	v24 =	vor.u32 v15, v3;
	v15 =	vld [tilespmem:$0x1FE60]  }
0x544: {  	[tilespmem:$0x1F1A0] =	vst v63;
	v63 =	vor.u32 v58, v0;
	v27 =	vor.u32 v53, v3;
	v29 =	vor.u32 v58, v3;
	v58 =	vld [tilespmem:$0x1F420]  }
0x545: {  	v25 =	vor.u32 v32, v3;
	v5 =	vld.idx.msk [tilespmem:v9+s14+$0x0], $0xffff;
	[tilespmem:v13+s19+$0x0] =	vst.idx.msk $0xffff, v4  }
0x546: {  	[tilespmem:v22+s19+$0x0] =	vst.idx.msk $0xffff, v7;
	v7 =	vld.idx.msk [tilespmem:v20+s14+$0x0], $0xffff  }
0x547: {  	v19 =	vor.u32 v30, v2;
	[tilespmem:v23+s19+$0x0] =	vst.idx.msk $0xffff, v6;
	v20 =	vld [tilespmem:$0x1F440]  }
0x548: {  	v26 =	vor.u32 v46, v3;
	v16 =	vld.idx.msk [tilespmem:v16+s14+$0x0], $0xffff  }
0x549: {  	v12 =	vld.idx.msk [tilespmem:v12+s14+$0x0], $0xffff;
	[tilespmem:v27+s19+$0x0] =	vst.idx.msk $0xffff, v10  }
0x54a: {  	v28 =	vor.u32 v14, v2;
	v4 =	vld.idx.msk [tilespmem:v11+s14+$0x0], $0xffff;
	[tilespmem:v25+s19+$0x0] =	vst.idx.msk $0xffff, v5;
	v5 =	vor.u32 v58, v1  }
0x54b: {  	[tilespmem:$0x1F1C0] =	vst v5;
	v5 =	vld [tilespmem:$0x1F430]  }
0x54c: {  	v45 =	vor.u32 v53, v0;
	v30 =	vor.u32 v57, v3;
	[tilespmem:v24+s19+$0x0] =	vst.idx.msk $0xffff, v8;
	v19 =	vld.idx.msk [tilespmem:v19+s14+$0x0], $0xffff  }
0x54d: {  	v11 =	vor.u32 v20, v2;
	[tilespmem:v26+s19+$0x0] =	vst.idx.msk $0xffff, v16;
	v26 =	vor.u32 v20, v1;
	v20 =	vld [tilespmem:$0x1F1A0]  }
0x54e: {  	v13 =	vor.u32 v58, v2;
	v17 =	vld.idx.msk [tilespmem:v17+s14+$0x0], $0xffff  }
0x54f: {  	v8 =	vor.u32 v35, v3;
	v6 =	vld.idx.msk [tilespmem:v28+s14+$0x0], $0xffff  }
0x550: {  	v24 =	vor.u32 v5, v1;
	v10 =	vor.u32 v5, v2;
	v5 =	vld [tilespmem:$0x1FE10]  }
0x551: {  	[tilespmem:v45+s19+$0x0] =	vst.idx.msk $0xffff, v4;
	v4 =	vld.idx.msk [tilespmem:v21+s14+$0x0], $0xffff  }
0x552: {  	v21 =	vld [tilespmem:$0x1F450];
	[tilespmem:v30+s19+$0x0] =	vst.idx.msk $0xffff, v19  }
0x553: {  	v9 =	vor.u32 v15, v2;
	v13 =	vld.idx.msk [tilespmem:v13+s14+$0x0], $0xffff  }
0x554: {  	v40 =	vor.u32 v14, v1;
	v14 =	vor.u32 v18, v2;
	[tilespmem:v8+s19+$0x0] =	vst.idx.msk $0xffff, v6;
	v6 =	vld [tilespmem:$0x1F190]  }
0x555: {  	v27 =	vor.u32 v5, v3;
	v5 =	vor.u32 v5, v0;
	[tilespmem:v20+s19+$0x0] =	vst.idx.msk $0xffff, v7;
	v7 =	vld [tilespmem:$0x1F960]  }
0x556: {  	v28 =	vor.u32 v56, v3;
	[tilespmem:$0x1F1D0] =	vst v5;
	v5 =	vld [tilespmem:$0x1F180]  }
0x557: {  	v58 =	vld [tilespmem:$0x1FE70];
	v8 =	vor.u32 v21, v2  }
0x558: {  	v32 =	vor.u32 v57, v0;
	[tilespmem:v29+s19+$0x0] =	vst.idx.msk $0xffff, v17;
	v9 =	vld.idx.msk [tilespmem:v9+s14+$0x0], $0xffff  }
0x559: {  	[tilespmem:$0x1F1B0] =	vst v32;
	v14 =	vld.idx.msk [tilespmem:v14+s14+$0x0], $0xffff  }
0x55a: {  	[tilespmem:v63+s19+$0x0] =	vst.idx.msk $0xffff, v4;
	v20 =	vor.u32 v7, v3;
	v63 =	vor.u32 v7, v0;
	v7 =	vld [tilespmem:$0x1F1B0]  }
0x55b: {  	v17 =	vor.u32 v39, v3;
	[tilespmem:v28+s19+$0x0] =	vst.idx.msk $0xffff, v13;
	v10 =	vld.idx.msk [tilespmem:v10+s14+$0x0], $0xffff  }
0x55c: {  	v15 =	vor.u32 v15, v1;
	v8 =	vld.idx.msk [tilespmem:v8+s14+$0x0], $0xffff  }
0x55d: {  	v6 =	vld.idx.msk [tilespmem:v6+s14+$0x0], $0xffff  }
0x55e: {  	[tilespmem:v5+s19+$0x0] =	vst.idx.msk $0xffff, v12;
	v12 =	vld [tilespmem:$0x1FE80]  }
0x55f: {  	v19 =	vor.u32 v36, v2;
	v25 =	vor.u32 v58, v3;
	v29 =	vld.idx.msk [tilespmem:v40+s14+$0x0], $0xffff  }
0x560: {  	[tilespmem:v17+s19+$0x0] =	vst.idx.msk $0xffff, v10;
	v40 =	vld [tilespmem:$0x1FE90]  }
0x561: {  	v32 =	vor.u32 v35, v0;
	v4 =	vld.idx.msk [tilespmem:v15+s14+$0x0], $0xffff;
	[tilespmem:v27+s19+$0x0] =	vst.idx.msk $0xffff, v14  }
0x562: {  	v11 =	vld.idx.msk [tilespmem:v11+s14+$0x0], $0xffff;
	[tilespmem:v7+s19+$0x0] =	vst.idx.msk $0xffff, v6;
	v7 =	vor.u32 v54, v0  }
0x563: {  	v18 =	vor.u32 v18, v1;
	v22 =	vor.u32 v36, v1;
	[tilespmem:$0x1F1F0] =	vst v7;
	v7 =	vld [tilespmem:$0x1FB10]  }
0x564: {  	[tilespmem:v25+s19+$0x0] =	vst.idx.msk $0xffff, v9;
	v10 =	vor.u32 v49, v2;
	v19 =	vld.idx.msk [tilespmem:v19+s14+$0x0], $0xffff;
	v5 =	vor.u32 v12, v2  }
0x565: {  	v16 =	vor.u32 v12, v1;
	v12 =	vor.u32 v40, v3;
	v36 =	vor.u32 v40, v0;
	v40 =	vld [tilespmem:$0x1F7A0]  }
0x566: {  	[tilespmem:v32+s19+$0x0] =	vst.idx.msk $0xffff, v29;
	v32 =	vld [tilespmem:$0x1F480]  }
0x567: {  	[tilespmem:v20+s19+$0x0] =	vst.idx.msk $0xffff, v11;
	v24 =	vld.idx.msk [tilespmem:v24+s14+$0x0], $0xffff  }
0x568: {  	v45 =	vor.u32 v39, v0;
	[tilespmem:$0x1F1E0] =	vst v36;
	v36 =	vor.u32 v7, v0;
	v25 =	vor.u32 v7, v3;
	v7 =	vld [tilespmem:$0x1F1C0]  }
0x569: {  	v10 =	vld.idx.msk [tilespmem:v10+s14+$0x0], $0xffff  }
0x56a: {  	v6 =	vld.idx.msk [tilespmem:v18+s14+$0x0], $0xffff  }
0x56b: {  	v5 =	vld.idx.msk [tilespmem:v5+s14+$0x0], $0xffff  }
0x56c: {  	v18 =	vor.u32 v40, v2;
	v27 =	vor.u32 v40, v1;
	v40 =	vld [tilespmem:$0x1F1D0]  }
0x56d: {  	v9 =	vor.u32 v32, v2;
	v28 =	vor.u32 v32, v1;
	v32 =	vld [tilespmem:$0x1FF50];
	[tilespmem:v45+s19+$0x0] =	vst.idx.msk $0xffff, v24  }
0x56e: {  	v22 =	vld.idx.msk [tilespmem:v22+s14+$0x0], $0xffff  }
0x56f: {  	v30 =	vor.u32 v21, v1;
	v21 =	vor.u32 v54, v3;
	[tilespmem:v25+s19+$0x0] =	vst.idx.msk $0xffff, v19;
	v19 =	vld [tilespmem:$0x1F7C0]  }
0x570: {  	v23 =	vor.u32 v58, v0;
	v29 =	vld.idx.msk [tilespmem:v7+s14+$0x0], $0xffff  }
0x571: {  	v7 =	vld [tilespmem:$0x1F490]  }
0x572: {  	v15 =	vor.u32 v31, v3;
	v25 =	vor.u32 v31, v0;
	v31 =	vld [tilespmem:$0x1F9B0]  }
0x573: {  	[tilespmem:v12+s19+$0x0] =	vst.idx.msk $0xffff, v5;
	v12 =	vld [tilespmem:$0x1F540]  }
0x574: {  	[tilespmem:v21+s19+$0x0] =	vst.idx.msk $0xffff, v8;
	v18 =	vld.idx.msk [tilespmem:v18+s14+$0x0], $0xffff  }
0x575: {  	[tilespmem:v23+s19+$0x0] =	vst.idx.msk $0xffff, v4;
	v9 =	vld.idx.msk [tilespmem:v9+s14+$0x0], $0xffff  }
0x576: {  	[tilespmem:v36+s19+$0x0] =	vst.idx.msk $0xffff, v22;
	v36 =	vld [tilespmem:$0x1F7E0];
	v4 =	vor.u32 v7, v1  }
0x577: {  	[tilespmem:$0x1F200] =	vst v4;
	v4 =	vld [tilespmem:$0x1FEF0]  }
0x578: {  	v22 =	vld [tilespmem:$0x1F530]  }
0x579: {  	v58 =	vor.u32 v56, v0;
	[tilespmem:v40+s19+$0x0] =	vst.idx.msk $0xffff, v6;
	v6 =	vld.idx.msk [tilespmem:v16+s14+$0x0], $0xffff  }
0x57a: {  	v16 =	vld [tilespmem:$0x1F500]  }
0x57b: {  	v26 =	vld.idx.msk [tilespmem:v26+s14+$0x0], $0xffff  }
0x57c: {  	v14 =	vor.u32 v7, v2;
	v7 =	vld [tilespmem:$0x1FA50];
	v23 =	vor.u32 v4, v3;
	v4 =	vor.u32 v4, v0  }
0x57d: {  	[tilespmem:$0x1F210] =	vst v4;
	v4 =	vld [tilespmem:$0x1FB20]  }
0x57e: {  	[tilespmem:v58+s19+$0x0] =	vst.idx.msk $0xffff, v29;
	v29 =	vld [tilespmem:$0x1F4E0]  }
0x57f: {  	v24 =	vld.idx.msk [tilespmem:v30+s14+$0x0], $0xffff  }
0x580: {  	v13 =	vor.u32 v49, v1;
	[tilespmem:v63+s19+$0x0] =	vst.idx.msk $0xffff, v26;
	v63 =	vld [tilespmem:$0x1F1F0]  }
0x581: {  	v30 =	vld [tilespmem:$0x1F4F0];
	v17 =	vor.u32 v7, v3;
	v58 =	vor.u32 v7, v0;
	v7 =	vor.u32 v19, v2  }
0x582: {  	v14 =	vld.idx.msk [tilespmem:v14+s14+$0x0], $0xffff;
	v40 =	vor.u32 v4, v0;
	v4 =	vor.u32 v4, v3  }
0x583: {  	v5 =	vor.u32 v29, v2;
	v8 =	vor.u32 v29, v1;
	v29 =	vld [tilespmem:$0x1F1E0]  }
0x584: {  	v20 =	vor.u32 v19, v1;
	v19 =	vld [tilespmem:$0x1F7D0]  }
0x585: {  	[tilespmem:v15+s19+$0x0] =	vst.idx.msk $0xffff, v18;
	v13 =	vld.idx.msk [tilespmem:v13+s14+$0x0], $0xffff  }
0x586: {  	v7 =	vld.idx.msk [tilespmem:v7+s14+$0x0], $0xffff  }
0x587: {  	v45 =	vor.u32 v16, v2;
	[tilespmem:v4+s19+$0x0] =	vst.idx.msk $0xffff, v14;
	v14 =	vld [tilespmem:$0x1FF80]  }
0x588: {  	[tilespmem:v63+s19+$0x0] =	vst.idx.msk $0xffff, v24;
	v24 =	vld [tilespmem:$0x1FF60]  }
0x589: {  	v11 =	vor.u32 v30, v2;
	v21 =	vor.u32 v30, v1;
	v30 =	vor.u32 v19, v3;
	v28 =	vld.idx.msk [tilespmem:v28+s14+$0x0], $0xffff  }
0x58a: {  	v15 =	vor.u32 v36, v2;
	[tilespmem:v23+s19+$0x0] =	vst.idx.msk $0xffff, v10;
	v23 =	vor.u32 v36, v1;
	v36 =	vld [tilespmem:$0x1F200]  }
0x58b: {  	v5 =	vld.idx.msk [tilespmem:v5+s14+$0x0], $0xffff;
	[tilespmem:v29+s19+$0x0] =	vst.idx.msk $0xffff, v6;
	v6 =	vor.u32 v31, v3  }
0x58c: {  	[tilespmem:v17+s19+$0x0] =	vst.idx.msk $0xffff, v9;
	v4 =	vld.idx.msk [tilespmem:v45+s14+$0x0], $0xffff;
	v45 =	vor.u32 v19, v0;
	v26 =	vor.u32 v14, v3  }
0x58d: {  	v27 =	vld.idx.msk [tilespmem:v27+s14+$0x0], $0xffff;
	[tilespmem:$0x1F220] =	vst v45;
	v45 =	vor.u32 v31, v0;
	v31 =	vor.u32 v12, v2  }
0x58e: {  	[tilespmem:v30+s19+$0x0] =	vst.idx.msk $0xffff, v7;
	v19 =	vld [tilespmem:$0x1F520]  }
0x58f: {  	v11 =	vld.idx.msk [tilespmem:v11+s14+$0x0], $0xffff;
	[tilespmem:v58+s19+$0x0] =	vst.idx.msk $0xffff, v28  }
0x590: {  	v15 =	vld.idx.msk [tilespmem:v15+s14+$0x0], $0xffff;
	[tilespmem:v6+s19+$0x0] =	vst.idx.msk $0xffff, v5  }
0x591: {  	v5 =	vld [tilespmem:$0x1F580];
	[tilespmem:v26+s19+$0x0] =	vst.idx.msk $0xffff, v4  }
0x592: {  	[tilespmem:v25+s19+$0x0] =	vst.idx.msk $0xffff, v27;
	v25 =	vor.u32 v42, v3;
	v31 =	vld.idx.msk [tilespmem:v31+s14+$0x0], $0xffff  }
0x593: {  	v58 =	vor.u32 v24, v0;
	v18 =	vor.u32 v19, v2;
	v9 =	vor.u32 v19, v1;
	v19 =	vld [tilespmem:$0x1F7F0]  }
0x594: {  	[tilespmem:$0x1F260] =	vst v58;
	v58 =	vld [tilespmem:$0x1F800]  }
0x595: {  	v17 =	vor.u32 v22, v1;
	v29 =	vor.u32 v32, v3;
	v21 =	vld.idx.msk [tilespmem:v21+s14+$0x0], $0xffff  }
0x596: {  	v10 =	vor.u32 v22, v2;
	v32 =	vor.u32 v32, v0;
	v36 =	vld.idx.msk [tilespmem:v36+s14+$0x0], $0xffff;
	v6 =	vor.u32 v5, v2  }
0x597: {  	v4 =	vor.u32 v24, v3;
	[tilespmem:v25+s19+$0x0] =	vst.idx.msk $0xffff, v31;
	v31 =	vor.u32 v5, v1;
	v5 =	vld [tilespmem:$0x1F220]  }
0x598: {  	v16 =	vor.u32 v16, v1;
	v22 =	vor.u32 v12, v1;
	v12 =	vld [tilespmem:$0x1FF00];
	[tilespmem:$0x1F230] =	vst v4;
	v4 =	vor.u32 v19, v0  }
0x599: {  	[tilespmem:$0x1F240] =	vst v4;
	v4 =	vld [tilespmem:$0x1F210]  }
0x59a: {  	[tilespmem:v29+s19+$0x0] =	vst.idx.msk $0xffff, v11;
	v20 =	vld.idx.msk [tilespmem:v20+s14+$0x0], $0xffff  }
0x59b: {  	v10 =	vld.idx.msk [tilespmem:v10+s14+$0x0], $0xffff;
	[tilespmem:v32+s19+$0x0] =	vst.idx.msk $0xffff, v21  }
0x59c: {  	v17 =	vld.idx.msk [tilespmem:v17+s14+$0x0], $0xffff;
	[tilespmem:v40+s19+$0x0] =	vst.idx.msk $0xffff, v36  }
0x59d: {  	v16 =	vld.idx.msk [tilespmem:v16+s14+$0x0], $0xffff  }
0x59e: {  	v18 =	vld.idx.msk [tilespmem:v18+s14+$0x0], $0xffff  }
0x59f: {  	v26 =	vor.u32 v12, v3;
	[tilespmem:v5+s19+$0x0] =	vst.idx.msk $0xffff, v20;
	v20 =	vld [tilespmem:$0x1F5E0]  }
0x5a0: {  	v24 =	vld [tilespmem:$0x1F570]  }
0x5a1: {  	[tilespmem:v4+s19+$0x0] =	vst.idx.msk $0xffff, v13;
	v4 =	vld [tilespmem:$0x1F590]  }
0x5a2: {  	v63 =	vor.u32 v14, v0;
	v8 =	vld.idx.msk [tilespmem:v8+s14+$0x0], $0xffff  }
0x5a3: {  	v7 =	vor.u32 v58, v2;
	v14 =	vor.u32 v19, v3;
	v19 =	vor.u32 v58, v1;
	v58 =	vld [tilespmem:$0x1FA60]  }
0x5a4: {  	[tilespmem:v26+s19+$0x0] =	vst.idx.msk $0xffff, v18;
	v5 =	vor.u32 v20, v2;
	v26 =	vor.u32 v20, v1;
	v20 =	vld [tilespmem:$0x1F240]  }
0x5a5: {  	v36 =	vld [tilespmem:$0x1F9C0];
	v12 =	vor.u32 v12, v0  }
0x5a6: {  	[tilespmem:$0x1F250] =	vst v12;
	v12 =	vld [tilespmem:$0x1F810];
	v13 =	vor.u32 v4, v2  }
0x5a7: {  	[tilespmem:v45+s19+$0x0] =	vst.idx.msk $0xffff, v8;
	v8 =	vld.idx.msk [tilespmem:v23+s14+$0x0], $0xffff  }
0x5a8: {  	v40 =	vor.u32 v42, v0;
	[tilespmem:v63+s19+$0x0] =	vst.idx.msk $0xffff, v16;
	v63 =	vld [tilespmem:$0x1F250]  }
0x5a9: {  	[tilespmem:$0x1F270] =	vst v40;
	v30 =	vor.u32 v24, v2;
	v27 =	vor.u32 v58, v3;
	v40 =	vor.u32 v58, v0;
	v58 =	vld [tilespmem:$0x1F5D0]  }
0x5aa: {  	[tilespmem:v14+s19+$0x0] =	vst.idx.msk $0xffff, v15;
	v15 =	vor.u32 v41, v2;
	v18 =	vor.u32 v41, v1;
	v41 =	vld [tilespmem:$0x1F830]  }
0x5ab: {  	v11 =	vld.idx.msk [tilespmem:v13+s14+$0x0], $0xffff  }
0x5ac: {  	v28 =	vor.u32 v4, v1;
	v4 =	vor.u32 v50, v3;
	[tilespmem:v20+s19+$0x0] =	vst.idx.msk $0xffff, v8;
	v8 =	vld [tilespmem:$0x1F9D0]  }
0x5ad: {  	v7 =	vld.idx.msk [tilespmem:v7+s14+$0x0], $0xffff  }
0x5ae: {  	[tilespmem:$0x1F280] =	vst v40;
	v40 =	vld [tilespmem:$0x1F780]  }
0x5af: {  	v29 =	vor.u32 v36, v3;
	v30 =	vld.idx.msk [tilespmem:v30+s14+$0x0], $0xffff  }
0x5b0: {  	v45 =	vld [tilespmem:$0x1F820]  }
0x5b1: {  	[tilespmem:v4+s19+$0x0] =	vst.idx.msk $0xffff, v11;
	v4 =	vld [tilespmem:$0x1F230];
	v20 =	vor.u32 v8, v3;
	v8 =	vor.u32 v8, v0  }
0x5b2: {  	[tilespmem:$0x1F290] =	vst v8;
	v8 =	vld [tilespmem:$0x1F260]  }
0x5b3: {  	v9 =	vld.idx.msk [tilespmem:v9+s14+$0x0], $0xffff  }
0x5b4: {  	v25 =	vor.u32 v24, v1;
	v24 =	vor.u32 v12, v3;
	[tilespmem:v29+s19+$0x0] =	vst.idx.msk $0xffff, v30;
	v11 =	vld.idx.msk [tilespmem:v22+s14+$0x0], $0xffff  }
0x5b5: {  	v23 =	vor.u32 v12, v0;
	v12 =	vor.u32 v58, v2;
	v22 =	vor.u32 v58, v1;
	v58 =	vld [tilespmem:$0x1FA70]  }
0x5b6: {  	v15 =	vld.idx.msk [tilespmem:v15+s14+$0x0], $0xffff  }
0x5b7: {  	v5 =	vld.idx.msk [tilespmem:v5+s14+$0x0], $0xffff  }
0x5b8: {  	v16 =	vor.u32 v41, v3;
	[tilespmem:v63+s19+$0x0] =	vst.idx.msk $0xffff, v9;
	v63 =	vld.idx.msk [tilespmem:v19+s14+$0x0], $0xffff  }
0x5b9: {  	v14 =	vor.u32 v45, v2;
	v19 =	vor.u32 v41, v0;
	v41 =	vld [tilespmem:$0x1F670];
	[tilespmem:v4+s19+$0x0] =	vst.idx.msk $0xffff, v10  }
0x5ba: {  	v10 =	vor.u32 v43, v3;
	v6 =	vld.idx.msk [tilespmem:v6+s14+$0x0], $0xffff;
	[tilespmem:v8+s19+$0x0] =	vst.idx.msk $0xffff, v17;
	v8 =	vor.u32 v58, v0  }
0x5bb: {  	v4 =	vor.u32 v40, v2;
	[tilespmem:$0x1F2A0] =	vst v8;
	v8 =	vld [tilespmem:$0x1F270]  }
0x5bc: {  	v17 =	vld.idx.msk [tilespmem:v25+s14+$0x0], $0xffff  }
0x5bd: {  	[tilespmem:v24+s19+$0x0] =	vst.idx.msk $0xffff, v7;
	v25 =	vld [tilespmem:$0x1F840]  }
0x5be: {  	v14 =	vld.idx.msk [tilespmem:v14+s14+$0x0], $0xffff;
	[tilespmem:v23+s19+$0x0] =	vst.idx.msk $0xffff, v63  }
0x5bf: {  	v63 =	vld [tilespmem:$0x1FF10];
	[tilespmem:v10+s19+$0x0] =	vst.idx.msk $0xffff, v5  }
0x5c0: {  	v24 =	vor.u32 v44, v3;
	v4 =	vld.idx.msk [tilespmem:v4+s14+$0x0], $0xffff  }
0x5c1: {  	v36 =	vor.u32 v36, v0;
	[tilespmem:v27+s19+$0x0] =	vst.idx.msk $0xffff, v6;
	v6 =	vor.u32 v41, v2;
	v5 =	vld.idx.msk [tilespmem:v31+s14+$0x0], $0xffff  }
0x5c2: {  	v31 =	vld [tilespmem:$0x1F620];
	v10 =	vor.u32 v25, v1  }
0x5c3: {  	[tilespmem:v8+s19+$0x0] =	vst.idx.msk $0xffff, v11;
	v8 =	vor.u32 v25, v2;
	v25 =	vor.u32 v40, v1;
	v40 =	vld [tilespmem:$0x1F280]  }
0x5c4: {  	v12 =	vld.idx.msk [tilespmem:v12+s14+$0x0], $0xffff  }
0x5c5: {  	v21 =	vor.u32 v58, v3;
	v58 =	vld [tilespmem:$0x1F610];
	[tilespmem:v24+s19+$0x0] =	vst.idx.msk $0xffff, v4  }
0x5c6: {  	v6 =	vld.idx.msk [tilespmem:v6+s14+$0x0], $0xffff;
	[tilespmem:v36+s19+$0x0] =	vst.idx.msk $0xffff, v17  }
0x5c7: {  	v4 =	vld.idx.msk [tilespmem:v18+s14+$0x0], $0xffff  }
0x5c8: {  	v32 =	vor.u32 v50, v0;
	v7 =	vor.u32 v31, v2;
	v28 =	vld.idx.msk [tilespmem:v28+s14+$0x0], $0xffff  }
0x5c9: {  	v18 =	vld [tilespmem:$0x1F660]  }
0x5ca: {  	v29 =	vor.u32 v58, v1;
	v11 =	vor.u32 v58, v2;
	v58 =	vld [tilespmem:$0x1F850]  }
0x5cb: {  	[tilespmem:v40+s19+$0x0] =	vst.idx.msk $0xffff, v5;
	v40 =	vld [tilespmem:$0x1F6E0]  }
0x5cc: {  	[tilespmem:v21+s19+$0x0] =	vst.idx.msk $0xffff, v12;
	v17 =	vld [tilespmem:$0x1F650]  }
0x5cd: {  	v13 =	vor.u32 v45, v1;
	v7 =	vld.idx.msk [tilespmem:v7+s14+$0x0], $0xffff;
	[tilespmem:v32+s19+$0x0] =	vst.idx.msk $0xffff, v28  }
0x5ce: {  	v45 =	vor.u32 v43, v0;
	[tilespmem:v16+s19+$0x0] =	vst.idx.msk $0xffff, v14;
	v26 =	vld.idx.msk [tilespmem:v26+s14+$0x0], $0xffff;
	v5 =	vor.u32 v60, v0  }
0x5cf: {  	v16 =	vor.u32 v38, v3;
	v14 =	vor.u32 v18, v2;
	v21 =	vor.u32 v18, v1;
	[tilespmem:$0x1F2C0] =	vst v5;
	v5 =	vld [tilespmem:$0x1F860]  }
0x5d0: {  	v18 =	vld [tilespmem:$0x1F290];
	v30 =	vor.u32 v58, v3;
	v36 =	vor.u32 v58, v0;
	v58 =	vor.u32 v40, v2  }
0x5d1: {  	v8 =	vld.idx.msk [tilespmem:v8+s14+$0x0], $0xffff  }
0x5d2: {  	[tilespmem:v20+s19+$0x0] =	vst.idx.msk $0xffff, v15;
	v27 =	vor.u32 v31, v1;
	v31 =	vor.u32 v60, v3;
	v32 =	vld [tilespmem:$0x1F9E0]  }
0x5d3: {  	[tilespmem:v45+s19+$0x0] =	vst.idx.msk $0xffff, v26;
	v45 =	vld [tilespmem:$0x1F6C0]  }
0x5d4: {  	[tilespmem:v16+s19+$0x0] =	vst.idx.msk $0xffff, v6;
	v24 =	vor.u32 v5, v2;
	v20 =	vor.u32 v5, v1;
	v5 =	vld [tilespmem:$0x1F870]  }
0x5d5: {  	v9 =	vor.u32 v63, v0;
	v15 =	vld.idx.msk [tilespmem:v58+s14+$0x0], $0xffff  }
0x5d6: {  	[tilespmem:$0x1F2B0] =	vst v9;
	v58 =	vld [tilespmem:$0x1F790]  }
0x5d7: {  	[tilespmem:v31+s19+$0x0] =	vst.idx.msk $0xffff, v7  }
0x5d8: {  	v9 =	vor.u32 v17, v2;
	v12 =	vor.u32 v17, v1;
	[tilespmem:v18+s19+$0x0] =	vst.idx.msk $0xffff, v4  }
0x5d9: {  	v13 =	vld.idx.msk [tilespmem:v13+s14+$0x0], $0xffff;
	v17 =	vor.u32 v41, v1;
	v41 =	vor.u32 v55, v3;
	[tilespmem:v30+s19+$0x0] =	vst.idx.msk $0xffff, v8  }
0x5da: {  	v11 =	vld.idx.msk [tilespmem:v11+s14+$0x0], $0xffff;
	v8 =	vor.u32 v45, v2;
	v7 =	vor.u32 v45, v1;
	v28 =	vor.u32 v5, v3  }
0x5db: {  	v45 =	vld [tilespmem:$0x1F890];
	v18 =	vor.u32 v5, v0;
	v5 =	vor.u32 v32, v0;
	v26 =	vor.u32 v58, v2  }
0x5dc: {  	v23 =	vor.u32 v63, v3;
	[tilespmem:$0x1F2D0] =	vst v5;
	v5 =	vld [tilespmem:$0x1F2A0];
	_ =	sdelay $0x1  }
0x5dd: {  	[tilespmem:v19+s19+$0x0] =	vst.idx.msk $0xffff, v13;
	v22 =	vld.idx.msk [tilespmem:v22+s14+$0x0], $0xffff  }
0x5de: {  	v4 =	vld.idx.msk [tilespmem:v10+s14+$0x0], $0xffff;
	[tilespmem:v41+s19+$0x0] =	vst.idx.msk $0xffff, v15  }
0x5df: {  	v15 =	vld.idx.msk [tilespmem:v26+s14+$0x0], $0xffff  }
0x5e0: {  	[tilespmem:v23+s19+$0x0] =	vst.idx.msk $0xffff, v11;
	v31 =	vor.u32 v45, v3;
	v26 =	vor.u32 v45, v0;
	v45 =	vld [tilespmem:$0x1F2B0]  }
0x5e1: {  	v19 =	vor.u32 v32, v3;
	v9 =	vld.idx.msk [tilespmem:v9+s14+$0x0], $0xffff  }
0x5e2: {  	v29 =	vld.idx.msk [tilespmem:v29+s14+$0x0], $0xffff  }
0x5e3: {  	[tilespmem:v5+s19+$0x0] =	vst.idx.msk $0xffff, v22;
	v22 =	vld [tilespmem:$0x1F9F0];
	_ =	sdelay $0x1  }
0x5e4: {  	v14 =	vld.idx.msk [tilespmem:v14+s14+$0x0], $0xffff  }
0x5e5: {  	v13 =	vor.u32 v61, v3;
	[tilespmem:v19+s19+$0x0] =	vst.idx.msk $0xffff, v9;
	v19 =	vld [tilespmem:$0x1F3D0]  }
0x5e6: {  	[tilespmem:v36+s19+$0x0] =	vst.idx.msk $0xffff, v4;
	v24 =	vld.idx.msk [tilespmem:v24+s14+$0x0], $0xffff  }
0x5e7: {  	v36 =	vor.u32 v22, v3;
	[tilespmem:v45+s19+$0x0] =	vst.idx.msk $0xffff, v29;
	v45 =	vor.u32 v22, v0;
	v22 =	vld [tilespmem:$0x1F730];
	_ =	sdelay $0x2  }
0x5e8: {  	[tilespmem:v13+s19+$0x0] =	vst.idx.msk $0xffff, v14  }
0x5e9: {  	v32 =	vld [tilespmem:$0x1F6D0];
	v9 =	vor.u32 v19, v2;
	[tilespmem:v28+s19+$0x0] =	vst.idx.msk $0xffff, v24  }
0x5ea: {  	v28 =	vor.u32 v22, v2;
	v13 =	vor.u32 v22, v1;
	v22 =	vor.u32 v19, v1;
	v19 =	vld [tilespmem:$0x1F8B0]  }
0x5eb: {  	v4 =	vld [tilespmem:$0x1FA90]  }
0x5ec: {  	v6 =	vld [tilespmem:$0x1F880];
	v41 =	vor.u32 v59, v3  }
0x5ed: {  	v25 =	vld.idx.msk [tilespmem:v25+s14+$0x0], $0xffff  }
0x5ee: {  	v11 =	vor.u32 v32, v2;
	v30 =	vor.u32 v32, v1;
	v32 =	vld [tilespmem:$0x1F2C0]  }
0x5ef: {  	v14 =	vor.u32 v19, v3;
	v29 =	vor.u32 v19, v0;
	v19 =	vld [tilespmem:$0x1F2D0]  }
0x5f0: {  	v63 =	vor.u32 v44, v0;
	v16 =	vor.u32 v4, v3;
	v27 =	vld.idx.msk [tilespmem:v27+s14+$0x0], $0xffff  }
0x5f1: {  	v4 =	vor.u32 v4, v0;
	[tilespmem:v41+s19+$0x0] =	vst.idx.msk $0xffff, v15;
	v15 =	vor.u32 v58, v1;
	v58 =	vld [tilespmem:$0x1FA00]  }
0x5f2: {  	[tilespmem:$0x1F300] =	vst v4;
	v5 =	vor.u32 v61, v0;
	v12 =	vld.idx.msk [tilespmem:v12+s14+$0x0], $0xffff  }
0x5f3: {  	v4 =	vld [tilespmem:$0x1F740];
	[tilespmem:$0x1F2E0] =	vst v5;
	v5 =	vor.u32 v38, v0  }
0x5f4: {  	v23 =	vor.u32 v6, v1;
	[tilespmem:$0x1F2F0] =	vst v5;
	v5 =	vor.u32 v6, v2;
	v6 =	vor.u32 v40, v1;
	v40 =	vld [tilespmem:$0x1F8A0]  }
0x5f5: {  	[tilespmem:v63+s19+$0x0] =	vst.idx.msk $0xffff, v25;
	v20 =	vld.idx.msk [tilespmem:v20+s14+$0x0], $0xffff  }
0x5f6: {  	v17 =	vld.idx.msk [tilespmem:v17+s14+$0x0], $0xffff;
	[tilespmem:v32+s19+$0x0] =	vst.idx.msk $0xffff, v27  }
0x5f7: {  	v11 =	vld.idx.msk [tilespmem:v11+s14+$0x0], $0xffff;
	[tilespmem:v19+s19+$0x0] =	vst.idx.msk $0xffff, v12;
	v19 =	vor.u32 v58, v0  }
0x5f8: {  	v27 =	vor.u32 v4, v2;
	[tilespmem:$0x1F310] =	vst v19;
	v19 =	vld [tilespmem:$0x1F2E0]  }
0x5f9: {  	v24 =	vor.u32 v40, v2;
	v10 =	vor.u32 v40, v1;
	v40 =	vld [tilespmem:$0x1F760]  }
0x5fa: {  	v5 =	vld.idx.msk [tilespmem:v5+s14+$0x0], $0xffff  }
0x5fb: {  	v21 =	vld.idx.msk [tilespmem:v21+s14+$0x0], $0xffff  }
0x5fc: {  	[tilespmem:v18+s19+$0x0] =	vst.idx.msk $0xffff, v20;
	v20 =	vld [tilespmem:$0x1F3C0]  }
0x5fd: {  	v18 =	vor.u32 v47, v3;
	v32 =	vor.u32 v59, v0;
	[tilespmem:v16+s19+$0x0] =	vst.idx.msk $0xffff, v11;
	v27 =	vld.idx.msk [tilespmem:v27+s14+$0x0], $0xffff  }
0x5fe: {  	v8 =	vld.idx.msk [tilespmem:v8+s14+$0x0], $0xffff;
	[tilespmem:$0x1F330] =	vst v32;
	v12 =	vor.u32 v40, v2  }
0x5ff: {  	v23 =	vld.idx.msk [tilespmem:v23+s14+$0x0], $0xffff;
	[tilespmem:v31+s19+$0x0] =	vst.idx.msk $0xffff, v5  }
0x600: {  	v32 =	vld [tilespmem:$0x1FA10];
	[tilespmem:v19+s19+$0x0] =	vst.idx.msk $0xffff, v21;
	v19 =	vor.u32 v62, v0  }
0x601: {  	[tilespmem:$0x1F320] =	vst v19;
	v19 =	vld [tilespmem:$0x1F2F0]  }
0x602: {  	v31 =	vor.u32 v20, v2;
	[tilespmem:v18+s19+$0x0] =	vst.idx.msk $0xffff, v27;
	v7 =	vld.idx.msk [tilespmem:v7+s14+$0x0], $0xffff  }
0x603: {  	v18 =	vor.u32 v20, v1;
	v20 =	vor.u32 v4, v1;
	v4 =	vor.u32 v48, v3;
	v11 =	vld.idx.msk [tilespmem:v12+s14+$0x0], $0xffff  }
0x604: {  	[tilespmem:v36+s19+$0x0] =	vst.idx.msk $0xffff, v8;
	v8 =	vld [tilespmem:$0x1F3B0]  }
0x605: {  	v9 =	vld.idx.msk [tilespmem:v9+s14+$0x0], $0xffff  }
0x606: {  	v25 =	vor.u32 v62, v3;
	[tilespmem:v26+s19+$0x0] =	vst.idx.msk $0xffff, v23;
	v16 =	vld.idx.msk [tilespmem:v28+s14+$0x0], $0xffff  }
0x607: {  	v41 =	vor.u32 v58, v3;
	[tilespmem:v45+s19+$0x0] =	vst.idx.msk $0xffff, v7;
	v7 =	vld.idx.msk [tilespmem:v10+s14+$0x0], $0xffff  }
0x608: {  	[tilespmem:v4+s19+$0x0] =	vst.idx.msk $0xffff, v11;
	v4 =	vld [tilespmem:$0x1FEB0]  }
0x609: {  	v27 =	vor.u32 v8, v1;
	[tilespmem:v19+s19+$0x0] =	vst.idx.msk $0xffff, v17;
	v19 =	vor.u32 v8, v2;
	v8 =	vld [tilespmem:$0x1F8D0];
	_ =	sdelay $0x1  }
0x60a: {  	[tilespmem:v25+s19+$0x0] =	vst.idx.msk $0xffff, v9;
	v25 =	vld [tilespmem:$0x1FA20]  }
0x60b: {  	[tilespmem:v41+s19+$0x0] =	vst.idx.msk $0xffff, v16;
	v58 =	vld [tilespmem:$0x1F8C0]  }
0x60c: {  	[tilespmem:v29+s19+$0x0] =	vst.idx.msk $0xffff, v7;
	v41 =	vor.u32 v4, v3;
	v29 =	vor.u32 v4, v0;
	v4 =	vld [tilespmem:$0x1F310]  }
0x60d: {  	v24 =	vld.idx.msk [tilespmem:v24+s14+$0x0], $0xffff;
	v21 =	vor.u32 v8, v3;
	v23 =	vor.u32 v8, v0;
	v8 =	vor.u32 v32, v0  }
0x60e: {  	[tilespmem:$0x1F350] =	vst v8;
	v8 =	vld [tilespmem:$0x1F300]  }
0x60f: {  	v13 =	vld.idx.msk [tilespmem:v13+s14+$0x0], $0xffff  }
0x610: {  	v31 =	vld.idx.msk [tilespmem:v31+s14+$0x0], $0xffff;
	v5 =	vor.u32 v58, v2  }
0x611: {  	v36 =	vor.u32 v58, v1;
	v58 =	vor.u32 v33, v3;
	v30 =	vld.idx.msk [tilespmem:v30+s14+$0x0], $0xffff  }
0x612: {  	[tilespmem:$0x1F340] =	vst v58;
	v58 =	vld [tilespmem:$0x1F770]  }
0x613: {  	[tilespmem:v14+s19+$0x0] =	vst.idx.msk $0xffff, v24;
	v6 =	vld.idx.msk [tilespmem:v6+s14+$0x0], $0xffff  }
0x614: {  	v63 =	vor.u32 v55, v0;
	[tilespmem:v4+s19+$0x0] =	vst.idx.msk $0xffff, v13;
	v4 =	vld [tilespmem:$0x1F320]  }
0x615: {  	v5 =	vld.idx.msk [tilespmem:v5+s14+$0x0], $0xffff  }
0x616: {  	v28 =	vor.u32 v32, v3;
	v32 =	vld [tilespmem:$0x1F3A0];
	[tilespmem:v8+s19+$0x0] =	vst.idx.msk $0xffff, v30  }
0x617: {  	v45 =	vld.idx.msk [tilespmem:v22+s14+$0x0], $0xffff  }
0x618: {  	v7 =	vld.idx.msk [tilespmem:v19+s14+$0x0], $0xffff  }
0x619: {  	v13 =	vld.idx.msk [tilespmem:v36+s14+$0x0], $0xffff;
	[tilespmem:v63+s19+$0x0] =	vst.idx.msk $0xffff, v6;
	v6 =	vor.u32 v47, v0  }
0x61a: {  	[tilespmem:$0x1F360] =	vst v6;
	v6 =	vld [tilespmem:$0x1F8E0]  }
0x61b: {  	v26 =	vor.u32 v58, v2;
	v24 =	vor.u32 v32, v2;
	v16 =	vor.u32 v32, v1;
	v32 =	vld [tilespmem:$0x1FFC0]  }
0x61c: {  	[tilespmem:v4+s19+$0x0] =	vst.idx.msk $0xffff, v45;
	v4 =	vld [tilespmem:$0x1F330]  }
0x61d: {  	v22 =	vld [tilespmem:$0x1F380]  }
0x61e: {  	v18 =	vld.idx.msk [tilespmem:v18+s14+$0x0], $0xffff  }
0x61f: {  	v63 =	vld.idx.msk [tilespmem:v15+s14+$0x0], $0xffff  }
0x620: {  	v15 =	vld.idx.msk [tilespmem:v26+s14+$0x0], $0xffff;
	v10 =	vor.u32 v6, v2  }
0x621: {  	v12 =	vor.u32 v6, v1;
	v6 =	vld [tilespmem:$0x1FAC0];
	v9 =	vor.u32 v32, v3  }
0x622: {  	v8 =	vor.u32 v22, v2;
	v26 =	vor.u32 v22, v1;
	v22 =	vor.u32 v40, v1;
	v40 =	vld [tilespmem:$0x1F8F0]  }
0x623: {  	[tilespmem:v21+s19+$0x0] =	vst.idx.msk $0xffff, v5;
	v45 =	vld [tilespmem:$0x1F390]  }
0x624: {  	[tilespmem:v4+s19+$0x0] =	vst.idx.msk $0xffff, v63;
	v63 =	vld [tilespmem:$0x1F370]  }
0x625: {  	[tilespmem:v23+s19+$0x0] =	vst.idx.msk $0xffff, v13;
	v10 =	vld.idx.msk [tilespmem:v10+s14+$0x0], $0xffff  }
0x626: {  	[tilespmem:v28+s19+$0x0] =	vst.idx.msk $0xffff, v31;
	v12 =	vld.idx.msk [tilespmem:v12+s14+$0x0], $0xffff  }
0x627: {  	v30 =	vor.u32 v33, v0;
	[tilespmem:v9+s19+$0x0] =	vst.idx.msk $0xffff, v15;
	v9 =	vld.idx.msk [tilespmem:v27+s14+$0x0], $0xffff  }
0x628: {  	v24 =	vld.idx.msk [tilespmem:v24+s14+$0x0], $0xffff;
	v19 =	vor.u32 v6, v3;
	v14 =	vor.u32 v6, v0  }
0x629: {  	v36 =	vor.u32 v40, v2;
	v4 =	vor.u32 v45, v2;
	v6 =	vor.u32 v63, v2;
	v2 =	vld [tilespmem:$0x1F340]  }
0x62a: {  	[tilespmem:v41+s19+$0x0] =	vst.idx.msk $0xffff, v10;
	v41 =	vld [tilespmem:$0x1F5C0]  }
0x62b: {  	[tilespmem:v29+s19+$0x0] =	vst.idx.msk $0xffff, v12;
	v29 =	vld [tilespmem:$0x1F3E0]  }
0x62c: {  	[tilespmem:v30+s19+$0x0] =	vst.idx.msk $0xffff, v9;
	v30 =	vld [tilespmem:$0x1F400]  }
0x62d: {  	v17 =	vor.u32 v25, v3;
	v21 =	vor.u32 v63, v1;
	v63 =	vld [tilespmem:$0x1F360]  }
0x62e: {  	v27 =	vor.u32 v58, v1;
	v5 =	vor.u32 v40, v1;
	v45 =	vor.u32 v45, v1;
	v1 =	vld [tilespmem:$0x1FA30]  }
0x62f: {  	v20 =	vld.idx.msk [tilespmem:v20+s14+$0x0], $0xffff  }
0x630: {  	v10 =	vld.idx.msk [tilespmem:v36+s14+$0x0], $0xffff  }
0x631: {  	[tilespmem:v2+s19+$0x0] =	vst.idx.msk $0xffff, v7;
	v2 =	vld [tilespmem:$0x1F350]  }
0x632: {  	[tilespmem:v17+s19+$0x0] =	vst.idx.msk $0xffff, v24;
	v36 =	vld [tilespmem:$0x1F460]  }
0x633: {  	v17 =	vld.idx.msk [tilespmem:v4+s14+$0x0], $0xffff;
	v31 =	vor.u32 v1, v3  }
0x634: {  	v12 =	vld.idx.msk [tilespmem:v5+s14+$0x0], $0xffff  }
0x635: {  	[tilespmem:v63+s19+$0x0] =	vst.idx.msk $0xffff, v20;
	v7 =	vld.idx.msk [tilespmem:v8+s14+$0x0], $0xffff  }
0x636: {  	v11 =	vor.u32 v48, v0;
	v9 =	vld.idx.msk [tilespmem:v22+s14+$0x0], $0xffff  }
0x637: {  	v28 =	vor.u32 v37, v3;
	v25 =	vor.u32 v25, v0;
	v58 =	vor.u32 v37, v0;
	v20 =	vld [tilespmem:$0x1FAE0]  }
0x638: {  	v1 =	vor.u32 v1, v0;
	v8 =	vor.u32 v34, v3;
	[tilespmem:v31+s19+$0x0] =	vst.idx.msk $0xffff, v17;
	v31 =	vld [tilespmem:$0x1F7B0]  }
0x639: {  	v3 =	vor.u32 v32, v0;
	[tilespmem:v2+s19+$0x0] =	vst.idx.msk $0xffff, v18;
	v2 =	vor.u32 v34, v0;
	v0 =	vld.idx.msk [tilespmem:v26+s14+$0x0], $0xffff  }
0x63a: {  	s24 =	sadd.s32 $0x2, s24;
	[tilespmem:v19+s19+$0x0] =	vst.idx.msk $0xffff, v7;
	v16 =	vld.idx.msk [tilespmem:v16+s14+$0x0], $0xffff  }
0x63b: {  	p0 =	slt.u32 s24, $0x6;
	[tilespmem:v11+s19+$0x0] =	vst.idx.msk $0xffff, v9;
	v7 =	vld.idx.msk [tilespmem:v6+s14+$0x0], $0xffff  }
.Ltmp2:
0x63c: {  	[tilespmem:v28+s19+$0x0] =	vst.idx.msk $0xffff, v10;
	v6 =	vld.idx.msk [tilespmem:v27+s14+$0x0], $0xffff;
	(pc) =	sbr.rel @p0 .LBB2_6-.Ltmp2, $4  }
0x63d: {  	[tilespmem:v58+s19+$0x0] =	vst.idx.msk $0xffff, v12;
	v27 =	vld [tilespmem:$0x1FFE0]  }
0x63e: {  	v26 =	vld [tilespmem:$0x1FFD0];
	[tilespmem:v14+s19+$0x0] =	vst.idx.msk $0xffff, v0  }
0x63f: {  	[tilespmem:v25+s19+$0x0] =	vst.idx.msk $0xffff, v16;
	v4 =	vld.idx.msk [tilespmem:v21+s14+$0x0], $0xffff  }
0x640: {  	s25 =	sadd.s32 $0x20, s25;
	[tilespmem:v8+s19+$0x0] =	vst.idx.msk $0xffff, v7;
	v25 =	vlaneseq.u32;
	v5 =	vld.idx.msk [tilespmem:v45+s14+$0x0], $0xffff  }
0x641: {  	_ =	sdelay $0x3  }
0x642: {  	[tilespmem:v3+s19+$0x0] =	vst.idx.msk $0xffff, v6  }
0x643: {  	[tilespmem:v2+s19+$0x0] =	vst.idx.msk $0xffff, v4  }
0x644: {  	s24 =	simm.s32 $0x0;
	s25 =	smov.u32 s8;
	[tilespmem:v1+s19+$0x0] =	vst.idx.msk $0xffff, v5  }
0x645: {  	[tilespmem:s14], [sflag:$0x2] =	stream.indirect.gather [hbm4b:s4+s12], $0x40, s20, s12, $0xb8;
	[tilespmem:$0xE400] =	vst v63  }
.LBB2_8:
0x646: {  	p0 =	sne.s32 s24, $0x7000  }
.Ltmp3:
0x647: {  	_ = 	snop;
	(pc) =	sbr.rel @p0 .LBB2_8-.Ltmp3, $4  }
0x648: {  	s26 =	sshra.s32 s24, $0x2  }
0x649: {  	s26 =	sadd.s32 $0xC400, s26  }
0x64a: {  	[hbm4b:s25+s3] =	stream.linear.scatter [tilespmem:s26], [sflag:$0x4], $0x400, $0x38;
	[tilespmem:$0xE400] =	vst v63  }
0x64b: {  	s24 =	sadd.s32 $0x1000, s24;
	s25 =	sadd.s32 $0x4000, s25  }
0x64c: {  	v3 =	vld [tilespmem:$0x1FF30]  }
0x64d: {  	v18 =	vld [tilespmem:$0x1FA40]  }
0x64e: {  	v9 =	vld [tilespmem:$0x1FF50]  }
0x64f: {  	v58 =	vld [tilespmem:$0x1FF60]  }
0x650: {  	v14 =	vld [tilespmem:$0x1FF80]  }
0x651: {  	v57 =	vld [tilespmem:$0x1FFF0]  }
0x652: {  	v21 =	vld [tilespmem:$0x1F470]  }
0x653: {  	v10 =	vld [tilespmem:$0x1F480]  }
0x654: {  	v43 =	vld [tilespmem:$0x1F440]  }
0x655: {  	v13 =	vld [tilespmem:$0x1F450]  }
0x656: {  	v55 =	vld [tilespmem:$0x1F420]  }
0x657: {  	v36 =	vld [tilespmem:$0x1F3F0]  }
0x658: {  	v41 =	vld [tilespmem:$0x1F410]  }
0x659: {  	v39 =	vld [tilespmem:$0x1F430]  }
0x65a: {  	v32 =	vld [tilespmem:$0x1F490]  }
0x65b: {  	v34 =	vld [tilespmem:$0x1F540]  }
0x65c: {  	v60 =	vld [tilespmem:$0x1F4E0]  }
0x65d: {  	v49 =	vld [tilespmem:$0x1F520]  }
0x65e: {  	v1 =	vld [tilespmem:$0x1FE70]  }
0x65f: {  	v22 =	vld [tilespmem:$0x1FE80]  }
0x660: {  	v2 =	vld [tilespmem:$0x1FE90]  }
0x661: {  	v24 =	vld [tilespmem:$0x1F7B0]  }
0x662: {  	v16 =	vld [tilespmem:$0x1F960]  }
0x663: {  	v4 =	vld [tilespmem:$0x1FEF0]  }
0x664: {  	v20 =	vld [tilespmem:$0x1FF00]  }
0x665: {  	s24 =	simm.s32 $0x1;
	s25 =	smov.u32 s10;
	s26 =	smov.u32 s9;
	v47 =	vld [tilespmem:$0x1F9B0]  }
.LBB2_10:
0x666: {  	v28 =	vld [tilespmem:$0x1FF40]  }
0x667: {  	v40 =	vld [tilespmem:$0x1F7D0]  }
0x668: {  	v37 =	vld [tilespmem:$0x1F7C0]  }
0x669: {  	v35 =	vld [tilespmem:$0x1FE10]  }
0x66a: {  	v48 =	vmov v34;
	v34 =	vmov v16;
	v16 =	vld [tilespmem:$0x1F910]  }
0x66b: {  	v62 =	vmov v20;
	v20 =	vld [tilespmem:$0x1FE60];
	_ =	swait.ge [sflag:s15], $0x2000  }
0x66c: {  	[sflag:s15] =	ssyncset.done $0x0  }
0x66d: {  	[sflag:s15] =	ssyncadd.s32 $0xFFFFE000  }
0x66e: {  	_ =	swait.ge [sflag:s21], $0x400  }
0x66f: {  	[sflag:s21] =	ssyncset.done $0x0  }
0x670: {  	[sflag:s21] =	ssyncadd.s32 $0xFFFFFC00  }
0x671: {  	_ =	swait.ge [sflag:s21], $0x400  }
0x672: {  	[sflag:s21] =	ssyncset.done $0x0  }
0x673: {  	[sflag:s21] =	ssyncadd.s32 $0xFFFFFC00  }
0x674: {  	_ =	swait.ge [sflag:s21], $0x400  }
0x675: {  	[sflag:s21] =	ssyncset.done $0x0  }
0x676: {  	[sflag:s21] =	ssyncadd.s32 $0xFFFFFC00  }
0x677: {  	_ =	swait.ge [sflag:s21], $0x400  }
0x678: {  	[sflag:s21] =	ssyncset.done $0x0  }
0x679: {  	[sflag:s21] =	ssyncadd.s32 $0xFFFFFC00  }
0x67a: {  	_ =	swait.ge [sflag:s21], $0x400  }
0x67b: {  	[sflag:s21] =	ssyncset.done $0x0  }
0x67c: {  	[sflag:s21] =	ssyncadd.s32 $0xFFFFFC00  }
0x67d: {  	_ =	swait.ge [sflag:s21], $0x400  }
0x67e: {  	[sflag:s21] =	ssyncset.done $0x0  }
0x67f: {  	s28 =	simm.s32 $0x10;
	[sflag:s21] =	ssyncadd.s32 $0xFFFFFC00  }
0x680: {  	s29 =	simm.s32 $0x0;
	v23 =	vmov v2;
	v0 =	vor.u32 s28, v25;
	_ =	swait.ge [sflag:s21], $0x400  }
0x681: {  	v45 =	vmovc v32;
	v32 =	vmovc v22;
	v22 =	vmov v1;
	v2 =	vor.u32 s29, v25;
	v1 =	vshll.u32 v0, $0x6;
	[sflag:s21] =	ssyncset.done $0x0  }
0x682: {  	v31 =	vmovc v3;
	v38 =	vmov v4;
	v3 =	vshll.u32 v2, $0x6;
	v4 =	vor.u32 v25, v1;
	[sflag:s21] =	ssyncadd.s32 $0xFFFFFC00  }
0x683: {  	v6 =	vor.u32 v25, v3;
	_ =	swait.ge [sflag:s21], $0x400  }
0x684: {  	v61 =	vmov v24;
	v5 =	vor.u32 v36, v3;
	v24 =	vld [tilespmem:$0x1FAE0]  }
0x685: {  	v50 =	vmov v18;
	v7 =	vor.u32 v26, v3;
	[sflag:s21] =	ssyncset.done $0x0;
	v18 =	vld [tilespmem:$0x1FEE0]  }
0x686: {  	v0 =	vand.u32 $0x78, v0;
	v44 =	vmov v47;
	v47 =	vmov v21;
	v21 =	vld [tilespmem:$0x1F7A0];
	[sflag:s21] =	ssyncadd.s32 $0xFFFFFC00  }
0x687: {  	v42 =	vmov v10;
	v2 =	vand.u32 $0x68, v2;
	v10 =	vor.u32 v51, v0;
	v4 =	vld.idx.msk [tilespmem:v4+s13+$0x0], $0xffff  }
0x688: {  	v53 =	vmov v14;
	v8 =	vor.u32 v29, v3;
	v14 =	vor.u32 v51, v2;
	v6 =	vld.idx.msk [tilespmem:v6+s13+$0x0], $0xffff  }
0x689: {  	v54 =	vmov v9;
	v9 =	vor.u32 v26, v1;
	v5 =	vld.idx.msk [tilespmem:v5+s13+$0x0], $0xffff;
	v12 =	vor.u32 v24, v2  }
0x68a: {  	v63 =	vmov v43;
	v43 =	vor.u32 v41, v3;
	v7 =	vld.idx.msk [tilespmem:v7+s13+$0x0], $0xffff;
	v15 =	vor.u32 v18, v2  }
0x68b: {  	v59 =	vmov v58;
	v58 =	vld [tilespmem:$0x1FF20]  }
0x68c: {  	v19 =	vmov v13;
	v13 =	vor.u32 v36, v1;
	v56 =	vld [tilespmem:$0x1F9D0];
	[tilespmem:v10+s16+$0x0] =	vst.idx.msk $0xffff, v4  }
0x68d: {  	v17 =	vor.u32 v52, v3;
	v8 =	vld.idx.msk [tilespmem:v8+s13+$0x0], $0xffff;
	[tilespmem:v14+s16+$0x0] =	vst.idx.msk $0xffff, v6  }
0x68e: {  	v11 =	vor.u32 v29, v1;
	v9 =	vld.idx.msk [tilespmem:v9+s13+$0x0], $0xffff;
	[tilespmem:v12+s16+$0x0] =	vst.idx.msk $0xffff, v5  }
0x68f: {  	v4 =	vor.u32 v18, v0;
	v10 =	vor.u32 v27, v3;
	[tilespmem:v15+s16+$0x0] =	vst.idx.msk $0xffff, v7;
	v15 =	vld.idx.msk [tilespmem:v43+s13+$0x0], $0xffff  }
0x690: {  	v33 =	vor.u32 v58, v2;
	v43 =	vld [tilespmem:$0x1FAF0]  }
0x691: {  	v13 =	vld.idx.msk [tilespmem:v13+s13+$0x0], $0xffff;
	v6 =	vor.u32 v24, v0  }
0x692: {  	v18 =	vor.u32 v46, v2;
	v17 =	vld.idx.msk [tilespmem:v17+s13+$0x0], $0xffff  }
0x693: {  	v11 =	vld.idx.msk [tilespmem:v11+s13+$0x0], $0xffff;
	v5 =	vor.u32 v58, v0  }
0x694: {  	v58 =	vor.u32 v30, v3;
	[tilespmem:v4+s16+$0x0] =	vst.idx.msk $0xffff, v9;
	v4 =	vor.u32 v16, v2;
	v9 =	vld.idx.msk [tilespmem:v10+s13+$0x0], $0xffff  }
0x695: {  	v14 =	vor.u32 v52, v1;
	[tilespmem:v33+s16+$0x0] =	vst.idx.msk $0xffff, v8;
	v24 =	vor.u32 v43, v2  }
0x696: {  	[tilespmem:v6+s16+$0x0] =	vst.idx.msk $0xffff, v13  }
0x697: {  	v8 =	vor.u32 v30, v1;
	[tilespmem:v18+s16+$0x0] =	vst.idx.msk $0xffff, v17  }
0x698: {  	v7 =	vor.u32 v27, v1;
	[tilespmem:v5+s16+$0x0] =	vst.idx.msk $0xffff, v11  }
0x699: {  	v5 =	vor.u32 v41, v1;
	v11 =	vor.u32 v31, v2;
	v12 =	vld.idx.msk [tilespmem:v58+s13+$0x0], $0xffff;
	[tilespmem:v4+s16+$0x0] =	vst.idx.msk $0xffff, v9  }
0x69a: {  	v6 =	vor.u32 v46, v0;
	v14 =	vld.idx.msk [tilespmem:v14+s13+$0x0], $0xffff;
	v58 =	vor.u32 v20, v3;
	[tilespmem:v24+s16+$0x0] =	vst.idx.msk $0xffff, v15  }
0x69b: {  	v33 =	vor.u32 v39, v3;
	v24 =	vld [tilespmem:$0x1FB00]  }
0x69c: {  	v17 =	vor.u32 v31, v0;
	v8 =	vld.idx.msk [tilespmem:v8+s13+$0x0], $0xffff  }
0x69d: {  	v7 =	vld.idx.msk [tilespmem:v7+s13+$0x0], $0xffff;
	v15 =	vor.u32 v16, v0  }
0x69e: {  	v5 =	vld.idx.msk [tilespmem:v5+s13+$0x0], $0xffff;
	[tilespmem:v11+s16+$0x0] =	vst.idx.msk $0xffff, v12;
	v11 =	vor.u32 v43, v0  }
0x69f: {  	v18 =	vor.u32 v55, v3;
	v13 =	vld.idx.msk [tilespmem:v58+s13+$0x0], $0xffff;
	[tilespmem:v6+s16+$0x0] =	vst.idx.msk $0xffff, v14;
	v6 =	vor.u32 v22, v2  }
0x6a0: {  	v16 =	vor.u32 v57, v3;
	v9 =	vld.idx.msk [tilespmem:v33+s13+$0x0], $0xffff;
	v33 =	vor.u32 v24, v2  }
0x6a1: {  	v12 =	vor.u32 v57, v1;
	v57 =	vld [tilespmem:$0x1F460];
	[tilespmem:v17+s16+$0x0] =	vst.idx.msk $0xffff, v8  }
0x6a2: {  	[tilespmem:v15+s16+$0x0] =	vst.idx.msk $0xffff, v7  }
0x6a3: {  	v7 =	vor.u32 v55, v1;
	[tilespmem:v11+s16+$0x0] =	vst.idx.msk $0xffff, v5  }
0x6a4: {  	v4 =	vor.u32 v20, v1;
	v18 =	vld.idx.msk [tilespmem:v18+s13+$0x0], $0xffff;
	[tilespmem:v6+s16+$0x0] =	vst.idx.msk $0xffff, v13  }
0x6a5: {  	v58 =	vor.u32 v35, v2;
	v8 =	vor.u32 v39, v1;
	v16 =	vld.idx.msk [tilespmem:v16+s13+$0x0], $0xffff;
	[tilespmem:v33+s16+$0x0] =	vst.idx.msk $0xffff, v9  }
0x6a6: {  	v17 =	vor.u32 v50, v2;
	v14 =	vor.u32 v57, v3;
	v31 =	vld [tilespmem:$0x1FB10]  }
0x6a7: {  	v5 =	vor.u32 v35, v0;
	v12 =	vld.idx.msk [tilespmem:v12+s13+$0x0], $0xffff  }
0x6a8: {  	v50 =	vor.u32 v50, v0;
	v7 =	vld.idx.msk [tilespmem:v7+s13+$0x0], $0xffff  }
0x6a9: {  	v10 =	vor.u32 v32, v3;
	v4 =	vld.idx.msk [tilespmem:v4+s13+$0x0], $0xffff;
	v33 =	vor.u32 v22, v0  }
0x6aa: {  	v11 =	vor.u32 v63, v3;
	v8 =	vld.idx.msk [tilespmem:v8+s13+$0x0], $0xffff;
	v22 =	vor.u32 v24, v0;
	[tilespmem:v58+s16+$0x0] =	vst.idx.msk $0xffff, v16  }
0x6ab: {  	v6 =	vor.u32 v19, v3;
	v13 =	vld.idx.msk [tilespmem:v14+s13+$0x0], $0xffff;
	[tilespmem:v17+s16+$0x0] =	vst.idx.msk $0xffff, v18;
	v39 =	vor.u32 v31, v2  }
0x6ac: {  	[tilespmem:v5+s16+$0x0] =	vst.idx.msk $0xffff, v12  }
0x6ad: {  	v58 =	vor.u32 v32, v1;
	[tilespmem:v50+s16+$0x0] =	vst.idx.msk $0xffff, v7  }
0x6ae: {  	v10 =	vld.idx.msk [tilespmem:v10+s13+$0x0], $0xffff;
	[tilespmem:v33+s16+$0x0] =	vst.idx.msk $0xffff, v4;
	v4 =	vor.u32 v63, v1;
	v33 =	vor.u32 v23, v2  }
0x6af: {  	v35 =	vor.u32 v34, v2;
	v32 =	vor.u32 v45, v3;
	v11 =	vld.idx.msk [tilespmem:v11+s13+$0x0], $0xffff;
	[tilespmem:v22+s16+$0x0] =	vst.idx.msk $0xffff, v8  }
0x6b0: {  	v6 =	vld.idx.msk [tilespmem:v6+s13+$0x0], $0xffff;
	[tilespmem:v39+s16+$0x0] =	vst.idx.msk $0xffff, v13  }
0x6b1: {  	v24 =	vld [tilespmem:$0x1FB20]  }
0x6b2: {  	v16 =	vld.idx.msk [tilespmem:v58+s13+$0x0], $0xffff  }
0x6b3: {  	v5 =	vor.u32 v19, v1;
	v7 =	vor.u32 v23, v0;
	v4 =	vld.idx.msk [tilespmem:v4+s13+$0x0], $0xffff;
	[tilespmem:v33+s16+$0x0] =	vst.idx.msk $0xffff, v10  }
0x6b4: {  	v13 =	vor.u32 v57, v1;
	v39 =	vor.u32 v28, v2;
	v57 =	vld.idx.msk [tilespmem:v32+s13+$0x0], $0xffff;
	[tilespmem:v35+s16+$0x0] =	vst.idx.msk $0xffff, v11  }
0x6b5: {  	v50 =	vor.u32 v21, v3;
	v63 =	vor.u32 v34, v0;
	v32 =	vld [tilespmem:$0x1F500]  }
0x6b6: {  	v8 =	vor.u32 v47, v3;
	v58 =	vor.u32 v24, v2;
	_ =	sdelay $0x1  }
0x6b7: {  	v23 =	vor.u32 v21, v1;
	v5 =	vld.idx.msk [tilespmem:v5+s13+$0x0], $0xffff;
	v11 =	vor.u32 v28, v0;
	[tilespmem:v7+s16+$0x0] =	vst.idx.msk $0xffff, v16  }
0x6b8: {  	v7 =	vor.u32 v47, v1;
	[tilespmem:v39+s16+$0x0] =	vst.idx.msk $0xffff, v6;
	v6 =	vor.u32 v31, v0;
	v13 =	vld.idx.msk [tilespmem:v13+s13+$0x0], $0xffff  }
0x6b9: {  	v15 =	vld.idx.msk [tilespmem:v50+s13+$0x0], $0xffff;
	[tilespmem:v63+s16+$0x0] =	vst.idx.msk $0xffff, v4;
	v39 =	vor.u32 v61, v2;
	v22 =	vor.u32 v32, v3  }
0x6ba: {  	v10 =	vor.u32 v42, v3;
	v47 =	vor.u32 v38, v2;
	v8 =	vld.idx.msk [tilespmem:v8+s13+$0x0], $0xffff;
	[tilespmem:v58+s16+$0x0] =	vst.idx.msk $0xffff, v57  }
0x6bb: {  	v50 =	vld [tilespmem:$0x1FA50]  }
0x6bc: {  	v14 =	vld.idx.msk [tilespmem:v23+s13+$0x0], $0xffff;
	[tilespmem:v11+s16+$0x0] =	vst.idx.msk $0xffff, v5  }
0x6bd: {  	v17 =	vor.u32 v42, v1;
	v38 =	vor.u32 v38, v0;
	v7 =	vld.idx.msk [tilespmem:v7+s13+$0x0], $0xffff;
	[tilespmem:v6+s16+$0x0] =	vst.idx.msk $0xffff, v13  }
0x6be: {  	v34 =	vor.u32 v53, v2;
	v4 =	vor.u32 v45, v1;
	v33 =	vld.idx.msk [tilespmem:v22+s13+$0x0], $0xffff;
	[tilespmem:v39+s16+$0x0] =	vst.idx.msk $0xffff, v15  }
0x6bf: {  	v35 =	vor.u32 v60, v3;
	v10 =	vld.idx.msk [tilespmem:v10+s13+$0x0], $0xffff;
	v6 =	vor.u32 v61, v0;
	[tilespmem:v47+s16+$0x0] =	vst.idx.msk $0xffff, v8  }
0x6c0: {  	v5 =	vor.u32 v37, v3;
	v22 =	vld [tilespmem:$0x1F4F0];
	v63 =	vor.u32 v50, v2;
	_ =	sdelay $0x1  }
0x6c1: {  	v57 =	vor.u32 v60, v1;
	v17 =	vld.idx.msk [tilespmem:v17+s13+$0x0], $0xffff;
	[tilespmem:v38+s16+$0x0] =	vst.idx.msk $0xffff, v7  }
0x6c2: {  	v39 =	vor.u32 v48, v3;
	v4 =	vld.idx.msk [tilespmem:v4+s13+$0x0], $0xffff;
	v8 =	vor.u32 v50, v0;
	[tilespmem:v34+s16+$0x0] =	vst.idx.msk $0xffff, v33  }
0x6c3: {  	v58 =	vmov v45;
	v13 =	vld.idx.msk [tilespmem:v35+s13+$0x0], $0xffff;
	[tilespmem:v6+s16+$0x0] =	vst.idx.msk $0xffff, v14  }
0x6c4: {  	v45 =	vor.u32 v24, v0;
	v5 =	vld.idx.msk [tilespmem:v5+s13+$0x0], $0xffff;
	v42 =	vor.u32 v22, v3;
	[tilespmem:v63+s16+$0x0] =	vst.idx.msk $0xffff, v10  }
0x6c5: {  	v60 =	vor.u32 v40, v2;
	v33 =	vld [tilespmem:$0x1FB30]  }
0x6c6: {  	v47 =	vor.u32 v37, v1;
	v61 =	vor.u32 v44, v2;
	v11 =	vld.idx.msk [tilespmem:v57+s13+$0x0], $0xffff  }
0x6c7: {  	v63 =	vld.idx.msk [tilespmem:v39+s13+$0x0], $0xffff;
	[tilespmem:v8+s16+$0x0] =	vst.idx.msk $0xffff, v17  }
0x6c8: {  	v7 =	vor.u32 v32, v1;
	v6 =	vor.u32 v22, v1;
	v37 =	vld [tilespmem:$0x1F7E0]  }
0x6c9: {  	v8 =	vor.u32 v54, v2;
	v18 =	vld.idx.msk [tilespmem:v42+s13+$0x0], $0xffff;
	[tilespmem:v45+s16+$0x0] =	vst.idx.msk $0xffff, v4;
	v4 =	vor.u32 v40, v0  }
0x6ca: {  	v40 =	vor.u32 v49, v3;
	v23 =	vld [tilespmem:$0x1F590];
	[tilespmem:v60+s16+$0x0] =	vst.idx.msk $0xffff, v5;
	v35 =	vor.u32 v33, v2  }
0x6cb: {  	v10 =	vld.idx.msk [tilespmem:v47+s13+$0x0], $0xffff;
	[tilespmem:v61+s16+$0x0] =	vst.idx.msk $0xffff, v13  }
0x6cc: {  	v5 =	vor.u32 v44, v0;
	v28 =	vld [tilespmem:$0x1F530]  }
0x6cd: {  	v42 =	vor.u32 v54, v0;
	v6 =	vld.idx.msk [tilespmem:v6+s13+$0x0], $0xffff;
	v38 =	vor.u32 v37, v3  }
0x6ce: {  	v7 =	vld.idx.msk [tilespmem:v7+s13+$0x0], $0xffff;
	[tilespmem:v8+s16+$0x0] =	vst.idx.msk $0xffff, v18  }
0x6cf: {  	v12 =	vld.idx.msk [tilespmem:v40+s13+$0x0], $0xffff;
	v39 =	vor.u32 v23, v3;
	[tilespmem:v35+s16+$0x0] =	vst.idx.msk $0xffff, v63  }
0x6d0: {  	v45 =	vor.u32 v53, v0;
	v47 =	vor.u32 v37, v1;
	v53 =	vld [tilespmem:$0x1F7F0];
	[tilespmem:v4+s16+$0x0] =	vst.idx.msk $0xffff, v10  }
0x6d1: {  	v44 =	vor.u32 v28, v3;
	v20 =	vld [tilespmem:$0x1FB40];
	[tilespmem:v5+s16+$0x0] =	vst.idx.msk $0xffff, v11  }
0x6d2: {  	v8 =	vor.u32 v49, v1;
	v17 =	vld.idx.msk [tilespmem:v38+s13+$0x0], $0xffff;
	[tilespmem:v42+s16+$0x0] =	vst.idx.msk $0xffff, v6  }
0x6d3: {  	v21 =	vld [tilespmem:$0x1F5E0]  }
0x6d4: {  	v4 =	vor.u32 v28, v1;
	v9 =	vld.idx.msk [tilespmem:v39+s13+$0x0], $0xffff  }
0x6d5: {  	v5 =	vor.u32 v48, v1;
	v16 =	vld.idx.msk [tilespmem:v47+s13+$0x0], $0xffff;
	v54 =	vor.u32 v53, v2  }
0x6d6: {  	v61 =	vld.idx.msk [tilespmem:v44+s13+$0x0], $0xffff;
	v57 =	vor.u32 v20, v2  }
0x6d7: {  	v60 =	vor.u32 v62, v2;
	[tilespmem:v45+s16+$0x0] =	vst.idx.msk $0xffff, v7;
	v8 =	vld.idx.msk [tilespmem:v8+s13+$0x0], $0xffff  }
0x6d8: {  	v6 =	vor.u32 v59, v2;
	v34 =	vld [tilespmem:$0x1F800];
	v63 =	vor.u32 v21, v3  }
0x6d9: {  	v7 =	vor.u32 v53, v0;
	v4 =	vld.idx.msk [tilespmem:v4+s13+$0x0], $0xffff  }
0x6da: {  	v40 =	vor.u32 v62, v0;
	v5 =	vld.idx.msk [tilespmem:v5+s13+$0x0], $0xffff;
	[tilespmem:v54+s16+$0x0] =	vst.idx.msk $0xffff, v17  }
0x6db: {  	v24 =	vld [tilespmem:$0x1F570];
	[tilespmem:v57+s16+$0x0] =	vst.idx.msk $0xffff, v9  }
0x6dc: {  	v44 =	vor.u32 v59, v0;
	v45 =	vld [tilespmem:$0x1F580];
	[tilespmem:v60+s16+$0x0] =	vst.idx.msk $0xffff, v12  }
0x6dd: {  	[tilespmem:v6+s16+$0x0] =	vst.idx.msk $0xffff, v61;
	v53 =	vld.idx.msk [tilespmem:v63+s13+$0x0], $0xffff  }
0x6de: {  	v35 =	vor.u32 v34, v3;
	v37 =	vld [tilespmem:$0x1FB50];
	[tilespmem:v7+s16+$0x0] =	vst.idx.msk $0xffff, v16  }
0x6df: {  	v49 =	vor.u32 v34, v1;
	v59 =	vld [tilespmem:$0x1F810];
	[tilespmem:v40+s16+$0x0] =	vst.idx.msk $0xffff, v8  }
0x6e0: {  	v48 =	vor.u32 v33, v0;
	v61 =	vld [tilespmem:$0x1F9C0];
	v42 =	vor.u32 v24, v3  }
0x6e1: {  	v6 =	vor.u32 v24, v1;
	v24 =	vld [tilespmem:$0x1F780];
	[tilespmem:v44+s16+$0x0] =	vst.idx.msk $0xffff, v4  }
0x6e2: {  	v47 =	vor.u32 v45, v3;
	v39 =	vld [tilespmem:$0x1FA60]  }
0x6e3: {  	v15 =	vld.idx.msk [tilespmem:v35+s13+$0x0], $0xffff;
	v54 =	vor.u32 v37, v2  }
0x6e4: {  	v12 =	vld.idx.msk [tilespmem:v49+s13+$0x0], $0xffff;
	v60 =	vor.u32 v59, v2  }
0x6e5: {  	[tilespmem:v48+s16+$0x0] =	vst.idx.msk $0xffff, v5;
	v8 =	vor.u32 v61, v2;
	v17 =	vld.idx.msk [tilespmem:v42+s13+$0x0], $0xffff  }
0x6e6: {  	v63 =	vld [tilespmem:$0x1F820]  }
0x6e7: {  	v7 =	vor.u32 v45, v1;
	v40 =	vor.u32 v39, v2;
	v10 =	vld.idx.msk [tilespmem:v47+s13+$0x0], $0xffff  }
0x6e8: {  	v4 =	vor.u32 v23, v1;
	v5 =	vor.u32 v59, v0;
	v6 =	vld.idx.msk [tilespmem:v6+s13+$0x0], $0xffff;
	[tilespmem:v54+s16+$0x0] =	vst.idx.msk $0xffff, v53  }
0x6e9: {  	v49 =	vld [tilespmem:$0x1F5C0];
	[tilespmem:v60+s16+$0x0] =	vst.idx.msk $0xffff, v15  }
0x6ea: {  	v62 =	vor.u32 v24, v3;
	v60 =	vld [tilespmem:$0x1F5D0];
	[tilespmem:v8+s16+$0x0] =	vst.idx.msk $0xffff, v17  }
0x6eb: {  	v48 =	vor.u32 v61, v0;
	v45 =	vld [tilespmem:$0x1FF90]  }
0x6ec: {  	v7 =	vld.idx.msk [tilespmem:v7+s13+$0x0], $0xffff;
	v38 =	vor.u32 v63, v3;
	v54 =	vor.u32 v39, v0;
	[tilespmem:v40+s16+$0x0] =	vst.idx.msk $0xffff, v10  }
0x6ed: {  	v4 =	vld.idx.msk [tilespmem:v4+s13+$0x0], $0xffff;
	[tilespmem:v5+s16+$0x0] =	vst.idx.msk $0xffff, v12  }
0x6ee: {  	v8 =	vor.u32 v63, v1;
	v40 =	vld [tilespmem:$0x1F830]  }
0x6ef: {  	v62 =	vld.idx.msk [tilespmem:v62+s13+$0x0], $0xffff;
	v53 =	vor.u32 v49, v3  }
0x6f0: {  	v57 =	vld [tilespmem:$0x1F670];
	[tilespmem:v48+s16+$0x0] =	vst.idx.msk $0xffff, v6;
	v39 =	vor.u32 v49, v1;
	v63 =	vor.u32 v45, v2  }
0x6f1: {  	v11 =	vld.idx.msk [tilespmem:v38+s13+$0x0], $0xffff;
	[tilespmem:v54+s16+$0x0] =	vst.idx.msk $0xffff, v7  }
0x6f2: {  	v34 =	vor.u32 v20, v0;
	v47 =	vld [tilespmem:$0x1FA70];
	v61 =	vor.u32 v60, v3  }
0x6f3: {  	v8 =	vld.idx.msk [tilespmem:v8+s13+$0x0], $0xffff;
	v5 =	vor.u32 v40, v2  }
0x6f4: {  	v14 =	vld.idx.msk [tilespmem:v53+s13+$0x0], $0xffff  }
0x6f5: {  	v6 =	vor.u32 v60, v1;
	v10 =	vld.idx.msk [tilespmem:v39+s13+$0x0], $0xffff;
	[tilespmem:v63+s16+$0x0] =	vst.idx.msk $0xffff, v62  }
0x6f6: {  	v42 =	vor.u32 v57, v3;
	v53 =	vld [tilespmem:$0x1F840]  }
0x6f7: {  	v38 =	vor.u32 v56, v2;
	v16 =	vld.idx.msk [tilespmem:v61+s13+$0x0], $0xffff;
	[tilespmem:v34+s16+$0x0] =	vst.idx.msk $0xffff, v4  }
0x6f8: {  	v7 =	vor.u32 v21, v1;
	v48 =	vor.u32 v47, v2;
	v63 =	vld [tilespmem:$0x1F610];
	[tilespmem:v5+s16+$0x0] =	vst.idx.msk $0xffff, v11  }
0x6f9: {  	v49 =	vor.u32 v40, v0;
	v40 =	vld [tilespmem:$0x1FB60]  }
0x6fa: {  	v6 =	vld.idx.msk [tilespmem:v6+s13+$0x0], $0xffff  }
0x6fb: {  	v4 =	vor.u32 v56, v0;
	v61 =	vld.idx.msk [tilespmem:v42+s13+$0x0], $0xffff;
	v54 =	vor.u32 v53, v3  }
0x6fc: {  	v60 =	vld [tilespmem:$0x1F620];
	[tilespmem:v38+s16+$0x0] =	vst.idx.msk $0xffff, v14  }
0x6fd: {  	v7 =	vld.idx.msk [tilespmem:v7+s13+$0x0], $0xffff;
	[tilespmem:v48+s16+$0x0] =	vst.idx.msk $0xffff, v16;
	v42 =	vor.u32 v53, v1  }
0x6fe: {  	v39 =	vld [tilespmem:$0x1F6E0];
	[tilespmem:v49+s16+$0x0] =	vst.idx.msk $0xffff, v8;
	v59 =	vor.u32 v63, v3;
	v62 =	vor.u32 v40, v2  }
0x6ff: {  	v49 =	vld [tilespmem:$0x1F850]  }
0x700: {  	v34 =	vor.u32 v47, v0;
	[tilespmem:v4+s16+$0x0] =	vst.idx.msk $0xffff, v10;
	v8 =	vor.u32 v63, v1;
	v18 =	vld.idx.msk [tilespmem:v54+s13+$0x0], $0xffff  }
0x701: {  	v47 =	vor.u32 v37, v0;
	v54 =	vld [tilespmem:$0x1FF10]  }
0x702: {  	v14 =	vld.idx.msk [tilespmem:v42+s13+$0x0], $0xffff  }
0x703: {  	v5 =	vor.u32 v60, v3;
	v9 =	vld.idx.msk [tilespmem:v59+s13+$0x0], $0xffff;
	[tilespmem:v62+s16+$0x0] =	vst.idx.msk $0xffff, v61  }
0x704: {  	v44 =	vmov v31;
	v48 =	vor.u32 v39, v3;
	v31 =	vld [tilespmem:$0x1FF70]  }
0x705: {  	v8 =	vld.idx.msk [tilespmem:v8+s13+$0x0], $0xffff;
	[tilespmem:v34+s16+$0x0] =	vst.idx.msk $0xffff, v6  }
0x706: {  	v4 =	vor.u32 v60, v1;
	v53 =	vor.u32 v49, v2;
	v59 =	vld [tilespmem:$0x1F860];
	[tilespmem:v47+s16+$0x0] =	vst.idx.msk $0xffff, v7  }
0x707: {  	v56 =	vor.u32 v54, v2;
	v35 =	vld [tilespmem:$0x1FB70]  }
0x708: {  	v5 =	vld.idx.msk [tilespmem:v5+s13+$0x0], $0xffff;
	v6 =	vor.u32 v49, v0  }
0x709: {  	v11 =	vor.u32 v24, v1;
	v38 =	vld.idx.msk [tilespmem:v48+s13+$0x0], $0xffff;
	v12 =	vor.u32 v31, v2  }
0x70a: {  	v24 =	vld [tilespmem:$0x1F650]  }
0x70b: {  	v4 =	vld.idx.msk [tilespmem:v4+s13+$0x0], $0xffff;
	[tilespmem:v53+s16+$0x0] =	vst.idx.msk $0xffff, v18;
	v13 =	vor.u32 v59, v3  }
0x70c: {  	v49 =	vld [tilespmem:$0x1F660];
	v59 =	vor.u32 v59, v1;
	v47 =	vor.u32 v35, v2;
	[tilespmem:v56+s16+$0x0] =	vst.idx.msk $0xffff, v9  }
0x70d: {  	v48 =	vor.u32 v54, v0;
	v42 =	vld [tilespmem:$0x1F790];
	[tilespmem:v6+s16+$0x0] =	vst.idx.msk $0xffff, v14  }
0x70e: {  	v11 =	vld.idx.msk [tilespmem:v11+s13+$0x0], $0xffff;
	v54 =	vor.u32 v31, v0;
	[tilespmem:v12+s16+$0x0] =	vst.idx.msk $0xffff, v5  }
0x70f: {  	v7 =	vor.u32 v24, v3;
	v6 =	vor.u32 v24, v1;
	v24 =	vld [tilespmem:$0x1F870]  }
0x710: {  	v13 =	vld.idx.msk [tilespmem:v13+s13+$0x0], $0xffff  }
0x711: {  	v5 =	vor.u32 v45, v0;
	v12 =	vld.idx.msk [tilespmem:v59+s13+$0x0], $0xffff;
	[tilespmem:v47+s16+$0x0] =	vst.idx.msk $0xffff, v38  }
0x712: {  	v31 =	vld [tilespmem:$0x1F9E0];
	[tilespmem:v48+s16+$0x0] =	vst.idx.msk $0xffff, v8  }
0x713: {  	v53 =	vor.u32 v49, v3;
	v62 =	vld [tilespmem:$0x1FA80];
	[tilespmem:v54+s16+$0x0] =	vst.idx.msk $0xffff, v4  }
0x714: {  	v19 =	vld [tilespmem:$0x1F880]  }
0x715: {  	v56 =	vor.u32 v42, v3;
	v21 =	vld [tilespmem:$0x1FFA0]  }
0x716: {  	v15 =	vor.u32 v49, v1;
	v7 =	vld.idx.msk [tilespmem:v7+s13+$0x0], $0xffff;
	[tilespmem:v5+s16+$0x0] =	vst.idx.msk $0xffff, v11;
	v60 =	vor.u32 v24, v2  }
0x717: {  	v5 =	vor.u32 v24, v0;
	v24 =	vld [tilespmem:$0x1F6C0]  }
0x718: {  	v8 =	vor.u32 v57, v1;
	v18 =	vld.idx.msk [tilespmem:v53+s13+$0x0], $0xffff;
	v61 =	vor.u32 v31, v2  }
0x719: {  	v6 =	vld.idx.msk [tilespmem:v6+s13+$0x0], $0xffff;
	v17 =	vor.u32 v62, v2  }
0x71a: {  	v38 =	vld.idx.msk [tilespmem:v56+s13+$0x0], $0xffff;
	v4 =	vor.u32 v19, v3;
	v47 =	vor.u32 v21, v2  }
0x71b: {  	v15 =	vld.idx.msk [tilespmem:v15+s13+$0x0], $0xffff;
	[tilespmem:v60+s16+$0x0] =	vst.idx.msk $0xffff, v13  }
0x71c: {  	v48 =	vor.u32 v24, v3;
	v57 =	vld [tilespmem:$0x1F740]  }
0x71d: {  	v49 =	vor.u32 v31, v0;
	v8 =	vld.idx.msk [tilespmem:v8+s13+$0x0], $0xffff;
	[tilespmem:v61+s16+$0x0] =	vst.idx.msk $0xffff, v7  }
0x71e: {  	v7 =	vor.u32 v62, v0;
	v54 =	vld [tilespmem:$0x1F6D0];
	[tilespmem:v17+s16+$0x0] =	vst.idx.msk $0xffff, v18  }
0x71f: {  	[tilespmem:v47+s16+$0x0] =	vst.idx.msk $0xffff, v38;
	v4 =	vld.idx.msk [tilespmem:v4+s13+$0x0], $0xffff  }
0x720: {  	v59 =	vor.u32 v24, v1;
	v24 =	vld [tilespmem:$0x1F890]  }
0x721: {  	[tilespmem:v5+s16+$0x0] =	vst.idx.msk $0xffff, v12;
	v11 =	vld.idx.msk [tilespmem:v48+s13+$0x0], $0xffff;
	v53 =	vor.u32 v57, v3  }
0x722: {  	v56 =	vor.u32 v40, v0;
	v40 =	vld [tilespmem:$0x1F9F0];
	[tilespmem:v49+s16+$0x0] =	vst.idx.msk $0xffff, v6  }
0x723: {  	v61 =	vld [tilespmem:$0x1FB80];
	[tilespmem:v7+s16+$0x0] =	vst.idx.msk $0xffff, v15  }
0x724: {  	v16 =	vor.u32 v54, v3;
	v31 =	vld [tilespmem:$0x1FA90]  }
0x725: {  	v18 =	vor.u32 v19, v1;
	v9 =	vld.idx.msk [tilespmem:v59+s13+$0x0], $0xffff  }
0x726: {  	v6 =	vor.u32 v39, v1;
	v38 =	vor.u32 v24, v2;
	v48 =	vld.idx.msk [tilespmem:v53+s13+$0x0], $0xffff  }
0x727: {  	v47 =	vor.u32 v40, v2;
	v53 =	vld [tilespmem:$0x1F8A0];
	[tilespmem:v56+s16+$0x0] =	vst.idx.msk $0xffff, v8  }
0x728: {  	v8 =	vor.u32 v24, v0;
	v49 =	vor.u32 v61, v2;
	v24 =	vld [tilespmem:$0x1F760]  }
0x729: {  	v5 =	vor.u32 v54, v1;
	v7 =	vor.u32 v31, v2;
	v16 =	vld.idx.msk [tilespmem:v16+s13+$0x0], $0xffff  }
0x72a: {  	v18 =	vld.idx.msk [tilespmem:v18+s13+$0x0], $0xffff  }
0x72b: {  	v6 =	vld.idx.msk [tilespmem:v6+s13+$0x0], $0xffff;
	[tilespmem:v38+s16+$0x0] =	vst.idx.msk $0xffff, v4  }
0x72c: {  	v54 =	vor.u32 v53, v3;
	v34 =	vld [tilespmem:$0x1F730];
	[tilespmem:v47+s16+$0x0] =	vst.idx.msk $0xffff, v11  }
0x72d: {  	v4 =	vor.u32 v40, v0;
	v56 =	vor.u32 v24, v3;
	v60 =	vld [tilespmem:$0x1F3D0];
	[tilespmem:v49+s16+$0x0] =	vst.idx.msk $0xffff, v48  }
0x72e: {  	v59 =	vor.u32 v31, v0;
	v5 =	vld.idx.msk [tilespmem:v5+s13+$0x0], $0xffff;
	[tilespmem:v7+s16+$0x0] =	vst.idx.msk $0xffff, v16  }
0x72f: {  	v49 =	vld [tilespmem:$0x1F8B0];
	[tilespmem:v8+s16+$0x0] =	vst.idx.msk $0xffff, v18  }
0x730: {  	v31 =	vld [tilespmem:$0x1FFB0]  }
0x731: {  	v47 =	vor.u32 v35, v0;
	v48 =	vor.u32 v53, v1;
	v15 =	vld.idx.msk [tilespmem:v54+s13+$0x0], $0xffff  }
0x732: {  	[tilespmem:v4+s16+$0x0] =	vst.idx.msk $0xffff, v9;
	v17 =	vld.idx.msk [tilespmem:v56+s13+$0x0], $0xffff  }
0x733: {  	v38 =	vor.u32 v34, v3;
	v56 =	vld [tilespmem:$0x1FA00];
	[tilespmem:v59+s16+$0x0] =	vst.idx.msk $0xffff, v5  }
0x734: {  	v62 =	vor.u32 v60, v3;
	v59 =	vld [tilespmem:$0x1FAA0];
	v53 =	vor.u32 v49, v2  }
0x735: {  	v35 =	vld [tilespmem:$0x1F770]  }
0x736: {  	v4 =	vor.u32 v42, v1;
	v14 =	vld.idx.msk [tilespmem:v48+s13+$0x0], $0xffff;
	[tilespmem:v47+s16+$0x0] =	vst.idx.msk $0xffff, v6  }
0x737: {  	v7 =	vor.u32 v34, v1;
	v47 =	vld [tilespmem:$0x1F8C0]  }
0x738: {  	v8 =	vor.u32 v60, v1;
	v54 =	vor.u32 v31, v2;
	v10 =	vld.idx.msk [tilespmem:v38+s13+$0x0], $0xffff  }
0x739: {  	v9 =	vor.u32 v56, v2;
	v60 =	vld.idx.msk [tilespmem:v62+s13+$0x0], $0xffff;
	[tilespmem:v53+s16+$0x0] =	vst.idx.msk $0xffff, v15  }
0x73a: {  	v6 =	vor.u32 v49, v0;
	v5 =	vor.u32 v59, v2;
	v62 =	vor.u32 v35, v3;
	v49 =	vld [tilespmem:$0x1F3C0]  }
0x73b: {  	v4 =	vld.idx.msk [tilespmem:v4+s13+$0x0], $0xffff  }
0x73c: {  	v7 =	vld.idx.msk [tilespmem:v7+s13+$0x0], $0xffff;
	v48 =	vor.u32 v56, v0  }
0x73d: {  	v8 =	vld.idx.msk [tilespmem:v8+s13+$0x0], $0xffff;
	[tilespmem:v54+s16+$0x0] =	vst.idx.msk $0xffff, v17;
	v54 =	vor.u32 v59, v0  }
0x73e: {  	v56 =	vld [tilespmem:$0x1F3B0];
	[tilespmem:v9+s16+$0x0] =	vst.idx.msk $0xffff, v10  }
0x73f: {  	[tilespmem:v5+s16+$0x0] =	vst.idx.msk $0xffff, v60;
	v59 =	vld.idx.msk [tilespmem:v62+s13+$0x0], $0xffff;
	v53 =	vor.u32 v49, v3  }
0x740: {  	v34 =	vld [tilespmem:$0x1FFC0];
	[tilespmem:v6+s16+$0x0] =	vst.idx.msk $0xffff, v14  }
0x741: {  	v62 =	vld [tilespmem:$0x1F8D0];
	[tilespmem:v48+s16+$0x0] =	vst.idx.msk $0xffff, v7  }
0x742: {  	v48 =	vld [tilespmem:$0x1FA10];
	[tilespmem:v54+s16+$0x0] =	vst.idx.msk $0xffff, v8  }
0x743: {  	v13 =	vor.u32 v47, v3;
	v54 =	vld [tilespmem:$0x1F8E0]  }
0x744: {  	v9 =	vor.u32 v21, v0;
	v18 =	vor.u32 v56, v3;
	v16 =	vld.idx.msk [tilespmem:v53+s13+$0x0], $0xffff  }
0x745: {  	v53 =	vld [tilespmem:$0x1FAB0]  }
0x746: {  	v10 =	vor.u32 v47, v1  }
0x747: {  	v5 =	vor.u32 v49, v1;
	v60 =	vor.u32 v34, v2  }
0x748: {  	v13 =	vld.idx.msk [tilespmem:v13+s13+$0x0], $0xffff;
	v47 =	vor.u32 v62, v2  }
0x749: {  	v6 =	vor.u32 v56, v1;
	[tilespmem:v9+s16+$0x0] =	vst.idx.msk $0xffff, v4;
	v49 =	vor.u32 v48, v2;
	v18 =	vld.idx.msk [tilespmem:v18+s13+$0x0], $0xffff  }
0x74a: {  	v7 =	vor.u32 v57, v1;
	v57 =	vld [tilespmem:$0x1F3A0];
	v56 =	vor.u32 v54, v3;
	v8 =	vor.u32 v53, v2  }
0x74b: {  	v10 =	vld.idx.msk [tilespmem:v10+s13+$0x0], $0xffff;
	v4 =	vor.u32 v62, v0  }
0x74c: {  	v5 =	vld.idx.msk [tilespmem:v5+s13+$0x0], $0xffff;
	[tilespmem:v60+s16+$0x0] =	vst.idx.msk $0xffff, v59;
	v59 =	vor.u32 v48, v0  }
0x74d: {  	v60 =	vld [tilespmem:$0x1F380];
	[tilespmem:v47+s16+$0x0] =	vst.idx.msk $0xffff, v13  }
0x74e: {  	v6 =	vld.idx.msk [tilespmem:v6+s13+$0x0], $0xffff;
	[tilespmem:v49+s16+$0x0] =	vst.idx.msk $0xffff, v16  }
0x74f: {  	v42 =	vor.u32 v57, v3;
	v17 =	vld.idx.msk [tilespmem:v56+s13+$0x0], $0xffff;
	[tilespmem:v8+s16+$0x0] =	vst.idx.msk $0xffff, v18  }
0x750: {  	v14 =	vor.u32 v54, v1;
	v47 =	vor.u32 v53, v0;
	v53 =	vld [tilespmem:$0x1FEB0];
	[tilespmem:v4+s16+$0x0] =	vst.idx.msk $0xffff, v10  }
0x751: {  	v56 =	vld [tilespmem:$0x1FA20];
	[tilespmem:v59+s16+$0x0] =	vst.idx.msk $0xffff, v5  }
0x752: {  	v62 =	vor.u32 v60, v3;
	v59 =	vld [tilespmem:$0x1FAC0]  }
0x753: {  	v7 =	vld.idx.msk [tilespmem:v7+s13+$0x0], $0xffff;
	v49 =	vor.u32 v57, v1  }
0x754: {  	v48 =	vor.u32 v61, v0;
	v9 =	vld.idx.msk [tilespmem:v42+s13+$0x0], $0xffff  }
0x755: {  	v14 =	vld.idx.msk [tilespmem:v14+s13+$0x0], $0xffff;
	v54 =	vor.u32 v53, v2  }
0x756: {  	v4 =	vor.u32 v24, v1;
	v24 =	vld [tilespmem:$0x1F8F0];
	v57 =	vor.u32 v56, v2  }
0x757: {  	v12 =	vld.idx.msk [tilespmem:v62+s13+$0x0], $0xffff;
	v5 =	vor.u32 v59, v2  }
0x758: {  	[tilespmem:v47+s16+$0x0] =	vst.idx.msk $0xffff, v6;
	v49 =	vld.idx.msk [tilespmem:v49+s13+$0x0], $0xffff  }
0x759: {  	v8 =	vor.u32 v60, v1;
	v62 =	vld [tilespmem:$0x1F390];
	[tilespmem:v48+s16+$0x0] =	vst.idx.msk $0xffff, v7;
	v6 =	vor.u32 v53, v0  }
0x75a: {  	v48 =	vld [tilespmem:$0x1F370];
	v7 =	vor.u32 v56, v0;
	[tilespmem:v54+s16+$0x0] =	vst.idx.msk $0xffff, v17  }
0x75b: {  	[tilespmem:v57+s16+$0x0] =	vst.idx.msk $0xffff, v9  }
0x75c: {  	[tilespmem:v5+s16+$0x0] =	vst.idx.msk $0xffff, v12  }
0x75d: {  	v60 =	vor.u32 v24, v3;
	v12 =	vld [tilespmem:$0x1F900]  }
0x75e: {  	v8 =	vld.idx.msk [tilespmem:v8+s13+$0x0], $0xffff;
	v53 =	vor.u32 v59, v0;
	v54 =	vor.u32 v24, v1;
	[tilespmem:v6+s16+$0x0] =	vst.idx.msk $0xffff, v14  }
0x75f: {  	v47 =	vor.u32 v62, v3;
	v14 =	vld [tilespmem:$0x1FA30];
	[tilespmem:v7+s16+$0x0] =	vst.idx.msk $0xffff, v49  }
0x760: {  	v3 =	vor.u32 v48, v3;
	v15 =	vld [tilespmem:$0x1FAD0]  }
0x761: {  	v4 =	vld.idx.msk [tilespmem:v4+s13+$0x0], $0xffff;
	v56 =	vor.u32 v31, v0  }
0x762: {  	v57 =	vld.idx.msk [tilespmem:v60+s13+$0x0], $0xffff;
	v5 =	vor.u32 v12, v2  }
0x763: {  	[tilespmem:v53+s16+$0x0] =	vst.idx.msk $0xffff, v8;
	v8 =	vor.u32 v48, v1;
	v60 =	vld.idx.msk [tilespmem:v54+s13+$0x0], $0xffff;
	v12 =	vor.u32 v12, v0  }
0x764: {  	v59 =	vld.idx.msk [tilespmem:v47+s13+$0x0], $0xffff;
	v7 =	vor.u32 v62, v1;
	v6 =	vor.u32 v14, v2  }
0x765: {  	v62 =	vor.u32 v35, v1;
	v3 =	vld.idx.msk [tilespmem:v3+s13+$0x0], $0xffff;
	v2 =	vor.u32 v15, v2  }
0x766: {  	[tilespmem:v56+s16+$0x0] =	vst.idx.msk $0xffff, v4  }
0x767: {  	[tilespmem:v5+s16+$0x0] =	vst.idx.msk $0xffff, v57  }
0x768: {  	v4 =	vld.idx.msk [tilespmem:v8+s13+$0x0], $0xffff;
	[tilespmem:v12+s16+$0x0] =	vst.idx.msk $0xffff, v60  }
0x769: {  	s28 =	smulhi.u32 $0x51EB851F, s24;
	v5 =	vld.idx.msk [tilespmem:v7+s13+$0x0], $0xffff;
	[tilespmem:v6+s16+$0x0] =	vst.idx.msk $0xffff, v59  }
0x76a: {  	v6 =	vld.idx.msk [tilespmem:v62+s13+$0x0], $0xffff;
	[tilespmem:v2+s16+$0x0] =	vst.idx.msk $0xffff, v3  }
0x76b: {  	s28 =	sshrl.u32 s28, $0x3;
	v40 =	vmov v44;
	v44 =	vld [tilespmem:$0x1F470]  }
0x76c: {  	s29 =	smul.u32 $0x31FFC00, s28;
	v39 =	vmovc v43;
	v42 =	vmov v33;
	v33 =	vmov v23;
	v35 =	vmov v20;
	v60 =	vld [tilespmem:$0x1F480]  }
0x76d: {  	s31 =	simm.s32 $0x30;
	v47 =	vmovc v32;
	v49 =	vmovc v50;
	v32 =	vmov v21;
	v48 =	vmov v28;
	v56 =	vmov v58;
	v43 =	vld [tilespmem:$0x1F440]  }
0x76e: {  	s28 =	ssub.s32 s25, s29;
	s30 =	ssub.s32 s26, s29;
	s29 =	simm.s32 $0x0;
	v1 =	vor.u32 v14, v0;
	v62 =	vmovc v22;
	v2 =	vor.u32 v15, v0;
	v3 =	vor.u32 v34, v0;
	v58 =	vld [tilespmem:$0x1F450]  }
.LBB2_11:
0x76f: {  	v24 =	vld [tilespmem:$0x1FEE0]  }
0x770: {  	v28 =	vld [tilespmem:$0x1FF20]  }
0x771: {  	v57 =	vld [tilespmem:$0x1F910]  }
0x772: {  	v0 =	vor.u32 s31, v25;
	v38 =	vld [tilespmem:$0x1FF30]  }
0x773: {  	v59 =	vld [tilespmem:$0x1FE60];
	[tilespmem:v1+s16+$0x0] =	vst.idx.msk $0xffff, v5;
	v1 =	vshll.u32 v0, $0x6  }
0x774: {  	s1 =	sadd.s32 $0xFFFFFFF0, s31;
	v50 =	vld [tilespmem:$0x1FFF0];
	[tilespmem:v2+s16+$0x0] =	vst.idx.msk $0xffff, v4;
	v4 =	vor.u32 v25, v1  }
0x775: {  	v53 =	vld [tilespmem:$0x1FE70];
	v5 =	vor.u32 s1, v25;
	v0 =	vand.u32 $0x78, v0;
	v7 =	vor.u32 v26, v1  }
0x776: {  	v54 =	vld [tilespmem:$0x1FE10];
	v2 =	vshll.u32 v5, $0x6;
	v11 =	vor.u32 v29, v1;
	v12 =	vor.u32 v36, v1  }
0x777: {  	[tilespmem:v3+s16+$0x0] =	vst.idx.msk $0xffff, v6;
	v3 =	vand.u32 $0x68, v5;
	v6 =	vor.u32 v25, v2;
	v9 =	vor.u32 v36, v2;
	v25 =	vld [tilespmem:$0x1FAE0]  }
0x778: {  	v10 =	vor.u32 v29, v2;
	v29 =	vor.u32 v57, v3;
	v36 =	vor.u32 v57, v0;
	v57 =	vld [tilespmem:$0x1FA40]  }
0x779: {  	v8 =	vor.u32 v26, v2;
	v4 =	vld.idx.msk [tilespmem:v4+s13+$0x0], $0xffff  }
0x77a: {  	v7 =	vld.idx.msk [tilespmem:v7+s13+$0x0], $0xffff  }
0x77b: {  	v12 =	vld.idx.msk [tilespmem:v12+s13+$0x0], $0xffff  }
0x77c: {  	v13 =	vor.u32 v51, v0;
	v14 =	vor.u32 v24, v0;
	v15 =	vor.u32 v28, v0;
	v5 =	vld.idx.msk [tilespmem:v9+s13+$0x0], $0xffff  }
0x77d: {  	v20 =	vor.u32 v52, v1;
	v21 =	vor.u32 v27, v1;
	v22 =	vor.u32 v41, v1;
	v6 =	vld.idx.msk [tilespmem:v6+s13+$0x0], $0xffff  }
0x77e: {  	v17 =	vor.u32 v27, v2;
	v19 =	vor.u32 v30, v2;
	v27 =	vor.u32 v28, v3;
	v8 =	vld.idx.msk [tilespmem:v8+s13+$0x0], $0xffff  }
0x77f: {  	v28 =	vor.u32 v41, v2;
	v18 =	vor.u32 v25, v0;
	v25 =	vor.u32 v25, v3;
	v10 =	vld.idx.msk [tilespmem:v10+s13+$0x0], $0xffff  }
0x780: {  	v41 =	vor.u32 v38, v0;
	v9 =	vor.u32 v30, v1;
	v30 =	vor.u32 v38, v3;
	v38 =	vld [tilespmem:$0x1F9B0]  }
0x781: {  	v16 =	vor.u32 v52, v2;
	[tilespmem:v13+s16+$0x0] =	vst.idx.msk $0xffff, v4;
	v4 =	vld.idx.msk [tilespmem:v11+s13+$0x0], $0xffff  }
0x782: {  	v23 =	vor.u32 v51, v3;
	v52 =	vor.u32 v50, v2;
	v13 =	vor.u32 v50, v1;
	v50 =	vld [tilespmem:$0x1F7E0]  }
0x783: {  	v24 =	vor.u32 v24, v3;
	[tilespmem:v14+s16+$0x0] =	vst.idx.msk $0xffff, v7;
	v7 =	vld.idx.msk [tilespmem:v20+s13+$0x0], $0xffff  }
0x784: {  	v51 =	vor.u32 v59, v2;
	[tilespmem:v25+s16+$0x0] =	vst.idx.msk $0xffff, v5;
	v5 =	vor.u32 v59, v1;
	v59 =	vld [tilespmem:$0x1FB00]  }
0x785: {  	v14 =	vor.u32 v53, v0;
	v25 =	vor.u32 v53, v3;
	v53 =	vld [tilespmem:$0x1FE80]  }
0x786: {  	[tilespmem:v27+s16+$0x0] =	vst.idx.msk $0xffff, v10;
	v27 =	vor.u32 v54, v3;
	v20 =	vor.u32 v54, v0;
	v54 =	vld [tilespmem:$0x1F460]  }
0x787: {  	[tilespmem:v23+s16+$0x0] =	vst.idx.msk $0xffff, v6;
	v6 =	vld.idx.msk [tilespmem:v28+s13+$0x0], $0xffff  }
0x788: {  	v31 =	vor.u32 v46, v0;
	v16 =	vld.idx.msk [tilespmem:v16+s13+$0x0], $0xffff  }
0x789: {  	[tilespmem:v24+s16+$0x0] =	vst.idx.msk $0xffff, v8;
	v8 =	vor.u32 v39, v3;
	v28 =	vld [tilespmem:$0x1F430]  }
0x78a: {  	v17 =	vld.idx.msk [tilespmem:v17+s13+$0x0], $0xffff  }
0x78b: {  	v26 =	vor.u32 v46, v3;
	[tilespmem:v18+s16+$0x0] =	vst.idx.msk $0xffff, v12;
	v19 =	vld.idx.msk [tilespmem:v19+s13+$0x0], $0xffff  }
0x78c: {  	v22 =	vld.idx.msk [tilespmem:v22+s13+$0x0], $0xffff;
	[tilespmem:v15+s16+$0x0] =	vst.idx.msk $0xffff, v4  }
0x78d: {  	v4 =	vld.idx.msk [tilespmem:v21+s13+$0x0], $0xffff;
	[tilespmem:v31+s16+$0x0] =	vst.idx.msk $0xffff, v7  }
0x78e: {  	v11 =	vor.u32 v55, v2;
	v15 =	vor.u32 v57, v0;
	[tilespmem:v8+s16+$0x0] =	vst.idx.msk $0xffff, v6;
	v6 =	vld.idx.msk [tilespmem:v9+s13+$0x0], $0xffff  }
0x78f: {  	v24 =	vor.u32 v28, v1;
	v10 =	vor.u32 v28, v2;
	v28 =	vor.u32 v57, v3;
	v57 =	vld [tilespmem:$0x1FE90]  }
0x790: {  	v12 =	vor.u32 v59, v0;
	[tilespmem:v26+s16+$0x0] =	vst.idx.msk $0xffff, v16;
	v16 =	vor.u32 v59, v3;
	v59 =	vld [tilespmem:$0x1F960]  }
0x791: {  	v7 =	vor.u32 v54, v1;
	[tilespmem:v30+s16+$0x0] =	vst.idx.msk $0xffff, v19;
	v19 =	vor.u32 v54, v2;
	v54 =	vld [tilespmem:$0x1FEF0]  }
0x792: {  	[tilespmem:v29+s16+$0x0] =	vst.idx.msk $0xffff, v17;
	v26 =	vld.idx.msk [tilespmem:v51+s13+$0x0], $0xffff  }
0x793: {  	v51 =	vld.idx.msk [tilespmem:v52+s13+$0x0], $0xffff  }
0x794: {  	v46 =	vor.u32 v39, v0;
	v11 =	vld.idx.msk [tilespmem:v11+s13+$0x0], $0xffff  }
0x795: {  	[tilespmem:v36+s16+$0x0] =	vst.idx.msk $0xffff, v4;
	v4 =	vld.idx.msk [tilespmem:v5+s13+$0x0], $0xffff  }
0x796: {  	v9 =	vld.idx.msk [tilespmem:v10+s13+$0x0], $0xffff  }
0x797: {  	v23 =	vor.u32 v55, v1;
	v18 =	vor.u32 v53, v2;
	v10 =	vor.u32 v53, v1;
	v53 =	vld [tilespmem:$0x1FF40]  }
0x798: {  	v21 =	vor.u32 v43, v2;
	[tilespmem:v41+s16+$0x0] =	vst.idx.msk $0xffff, v6;
	v6 =	vld.idx.msk [tilespmem:v13+s13+$0x0], $0xffff  }
0x799: {  	[tilespmem:v46+s16+$0x0] =	vst.idx.msk $0xffff, v22;
	v30 =	vor.u32 v57, v3;
	v5 =	vor.u32 v57, v0;
	v57 =	vld [tilespmem:$0x1F7A0]  }
0x79a: {  	v8 =	vor.u32 v58, v2;
	v24 =	vld.idx.msk [tilespmem:v24+s13+$0x0], $0xffff  }
0x79b: {  	v31 =	vor.u32 v59, v3;
	v36 =	vor.u32 v59, v0;
	v59 =	vld [tilespmem:$0x1F7B0]  }
0x79c: {  	[tilespmem:v25+s16+$0x0] =	vst.idx.msk $0xffff, v26;
	v23 =	vld.idx.msk [tilespmem:v23+s13+$0x0], $0xffff  }
0x79d: {  	[tilespmem:v27+s16+$0x0] =	vst.idx.msk $0xffff, v51;
	v18 =	vld.idx.msk [tilespmem:v18+s13+$0x0], $0xffff  }
0x79e: {  	[tilespmem:v28+s16+$0x0] =	vst.idx.msk $0xffff, v11;
	v21 =	vld.idx.msk [tilespmem:v21+s13+$0x0], $0xffff  }
0x79f: {  	v8 =	vld.idx.msk [tilespmem:v8+s13+$0x0], $0xffff;
	[tilespmem:v14+s16+$0x0] =	vst.idx.msk $0xffff, v4  }
0x7a0: {  	v17 =	vor.u32 v43, v1;
	[tilespmem:v20+s16+$0x0] =	vst.idx.msk $0xffff, v6;
	v6 =	vld.idx.msk [tilespmem:v10+s13+$0x0], $0xffff  }
0x7a1: {  	[tilespmem:v16+s16+$0x0] =	vst.idx.msk $0xffff, v9;
	v16 =	vor.u32 v57, v2;
	v27 =	vor.u32 v57, v1;
	v57 =	vld [tilespmem:$0x1F7C0]  }
0x7a2: {  	v46 =	vor.u32 v59, v3;
	v10 =	vor.u32 v59, v0;
	v59 =	vld [tilespmem:$0x1FF50]  }
0x7a3: {  	v29 =	vor.u32 v58, v1;
	v52 =	vor.u32 v53, v3;
	v9 =	vor.u32 v53, v0;
	v53 =	vld [tilespmem:$0x1F520]  }
0x7a4: {  	v41 =	vor.u32 v44, v2;
	v19 =	vld.idx.msk [tilespmem:v19+s13+$0x0], $0xffff  }
0x7a5: {  	[tilespmem:v12+s16+$0x0] =	vst.idx.msk $0xffff, v24;
	v17 =	vld.idx.msk [tilespmem:v17+s13+$0x0], $0xffff  }
0x7a6: {  	v25 =	vor.u32 v40, v3;
	[tilespmem:v15+s16+$0x0] =	vst.idx.msk $0xffff, v23;
	v7 =	vld.idx.msk [tilespmem:v7+s13+$0x0], $0xffff  }
0x7a7: {  	v22 =	vor.u32 v60, v2;
	[tilespmem:v30+s16+$0x0] =	vst.idx.msk $0xffff, v18;
	v30 =	vld [tilespmem:$0x1F4E0]  }
0x7a8: {  	v24 =	vld.idx.msk [tilespmem:v29+s13+$0x0], $0xffff;
	[tilespmem:v31+s16+$0x0] =	vst.idx.msk $0xffff, v21  }
0x7a9: {  	v13 =	vor.u32 v40, v0;
	v41 =	vld.idx.msk [tilespmem:v41+s13+$0x0], $0xffff  }
0x7aa: {  	v16 =	vld.idx.msk [tilespmem:v16+s13+$0x0], $0xffff;
	[tilespmem:v52+s16+$0x0] =	vst.idx.msk $0xffff, v8  }
0x7ab: {  	v29 =	vor.u32 v57, v1;
	[tilespmem:v25+s16+$0x0] =	vst.idx.msk $0xffff, v19;
	v25 =	vor.u32 v57, v2;
	v57 =	vld [tilespmem:$0x1F7D0]  }
0x7ac: {  	v26 =	vor.u32 v56, v2;
	[tilespmem:v5+s16+$0x0] =	vst.idx.msk $0xffff, v6;
	v22 =	vld.idx.msk [tilespmem:v22+s13+$0x0], $0xffff  }
0x7ad: {  	[tilespmem:v36+s16+$0x0] =	vst.idx.msk $0xffff, v17;
	v27 =	vld.idx.msk [tilespmem:v27+s13+$0x0], $0xffff  }
0x7ae: {  	[tilespmem:v13+s16+$0x0] =	vst.idx.msk $0xffff, v7;
	v13 =	vor.u32 v50, v2;
	v36 =	vor.u32 v50, v1;
	v50 =	vld [tilespmem:$0x1F7F0]  }
0x7af: {  	v11 =	vor.u32 v44, v1;
	v14 =	vor.u32 v54, v3;
	v19 =	vor.u32 v54, v0;
	v54 =	vld [tilespmem:$0x1FF60]  }
0x7b0: {  	v4 =	vor.u32 v56, v1;
	v6 =	vor.u32 v38, v3;
	v17 =	vor.u32 v38, v0;
	v38 =	vld [tilespmem:$0x1F9D0]  }
0x7b1: {  	v28 =	vor.u32 v60, v1;
	v20 =	vld.idx.msk [tilespmem:v26+s13+$0x0], $0xffff  }
0x7b2: {  	v51 =	vor.u32 v49, v3;
	v52 =	vor.u32 v59, v3;
	v26 =	vld [tilespmem:$0x1FB20]  }
0x7b3: {  	v12 =	vor.u32 v30, v2;
	[tilespmem:v9+s16+$0x0] =	vst.idx.msk $0xffff, v24;
	v9 =	vor.u32 v59, v0;
	v59 =	vld [tilespmem:$0x1F540]  }
0x7b4: {  	v21 =	vor.u32 v62, v2;
	v11 =	vld.idx.msk [tilespmem:v11+s13+$0x0], $0xffff  }
0x7b5: {  	v4 =	vld.idx.msk [tilespmem:v4+s13+$0x0], $0xffff  }
0x7b6: {  	v8 =	vor.u32 v30, v1;
	v28 =	vld.idx.msk [tilespmem:v28+s13+$0x0], $0xffff;
	[tilespmem:v46+s16+$0x0] =	vst.idx.msk $0xffff, v16  }
0x7b7: {  	v15 =	vor.u32 v49, v0;
	[tilespmem:v14+s16+$0x0] =	vst.idx.msk $0xffff, v41;
	v25 =	vld.idx.msk [tilespmem:v25+s13+$0x0], $0xffff  }
0x7b8: {  	v30 =	vor.u32 v62, v1;
	[tilespmem:v51+s16+$0x0] =	vst.idx.msk $0xffff, v22;
	v12 =	vld.idx.msk [tilespmem:v12+s13+$0x0], $0xffff  }
0x7b9: {  	v31 =	vor.u32 v57, v3;
	[tilespmem:v10+s16+$0x0] =	vst.idx.msk $0xffff, v27;
	v10 =	vld.idx.msk [tilespmem:v21+s13+$0x0], $0xffff  }
0x7ba: {  	v46 =	vor.u32 v50, v3;
	v27 =	vor.u32 v50, v0;
	[tilespmem:v19+s16+$0x0] =	vst.idx.msk $0xffff, v11;
	v50 =	vld.idx.msk [tilespmem:v29+s13+$0x0], $0xffff  }
0x7bb: {  	v23 =	vor.u32 v26, v0;
	v26 =	vor.u32 v26, v3;
	v8 =	vld.idx.msk [tilespmem:v8+s13+$0x0], $0xffff  }
0x7bc: {  	v51 =	vor.u32 v54, v3;
	[tilespmem:v15+s16+$0x0] =	vst.idx.msk $0xffff, v28;
	v15 =	vor.u32 v54, v0;
	v54 =	vld [tilespmem:$0x1F800]  }
0x7bd: {  	v18 =	vor.u32 v47, v2;
	v28 =	vld.idx.msk [tilespmem:v30+s13+$0x0], $0xffff  }
0x7be: {  	v5 =	vor.u32 v47, v1;
	v30 =	vld [tilespmem:$0x1F580]  }
0x7bf: {  	[tilespmem:v31+s16+$0x0] =	vst.idx.msk $0xffff, v25;
	v31 =	vld [tilespmem:$0x1F570]  }
0x7c0: {  	v16 =	vor.u32 v53, v2;
	[tilespmem:v26+s16+$0x0] =	vst.idx.msk $0xffff, v20;
	v20 =	vor.u32 v57, v0;
	v57 =	vld [tilespmem:$0x1FF80]  }
0x7c1: {  	v13 =	vld.idx.msk [tilespmem:v13+s13+$0x0], $0xffff  }
0x7c2: {  	v14 =	vor.u32 v48, v2;
	[tilespmem:v23+s16+$0x0] =	vst.idx.msk $0xffff, v4;
	v18 =	vld.idx.msk [tilespmem:v18+s13+$0x0], $0xffff  }
0x7c3: {  	v41 =	vor.u32 v48, v1;
	v22 =	vor.u32 v53, v1;
	v5 =	vld.idx.msk [tilespmem:v5+s13+$0x0], $0xffff  }
0x7c4: {  	[tilespmem:v6+s16+$0x0] =	vst.idx.msk $0xffff, v12;
	v23 =	vor.u32 v54, v2;
	v12 =	vor.u32 v54, v1;
	v54 =	vld [tilespmem:$0x1F810]  }
0x7c5: {  	v16 =	vld.idx.msk [tilespmem:v16+s13+$0x0], $0xffff  }
0x7c6: {  	[tilespmem:v52+s16+$0x0] =	vst.idx.msk $0xffff, v10;
	v26 =	vor.u32 v57, v3;
	v7 =	vor.u32 v57, v0;
	v57 =	vld [tilespmem:$0x1FF00]  }
0x7c7: {  	v14 =	vld.idx.msk [tilespmem:v14+s13+$0x0], $0xffff;
	[tilespmem:v17+s16+$0x0] =	vst.idx.msk $0xffff, v8  }
0x7c8: {  	[tilespmem:v9+s16+$0x0] =	vst.idx.msk $0xffff, v28;
	v9 =	vld.idx.msk [tilespmem:v22+s13+$0x0], $0xffff  }
0x7c9: {  	v6 =	vor.u32 v30, v2;
	v28 =	vld.idx.msk [tilespmem:v41+s13+$0x0], $0xffff  }
0x7ca: {  	v24 =	vor.u32 v59, v2;
	[tilespmem:v20+s16+$0x0] =	vst.idx.msk $0xffff, v50;
	v50 =	vld [tilespmem:$0x1F780]  }
0x7cb: {  	[tilespmem:v26+s16+$0x0] =	vst.idx.msk $0xffff, v18;
	v26 =	vor.u32 v57, v3;
	v29 =	vor.u32 v57, v0;
	v57 =	vld [tilespmem:$0x1F9C0]  }
0x7cc: {  	[tilespmem:v46+s16+$0x0] =	vst.idx.msk $0xffff, v13;
	v8 =	vld.idx.msk [tilespmem:v36+s13+$0x0], $0xffff;
	v18 =	vor.u32 v59, v1  }
0x7cd: {  	v23 =	vld.idx.msk [tilespmem:v23+s13+$0x0], $0xffff;
	[tilespmem:v51+s16+$0x0] =	vst.idx.msk $0xffff, v14  }
0x7ce: {  	v6 =	vld.idx.msk [tilespmem:v6+s13+$0x0], $0xffff  }
0x7cf: {  	v53 =	vor.u32 v42, v3;
	v25 =	vor.u32 v31, v2;
	v21 =	vor.u32 v31, v1;
	v24 =	vld.idx.msk [tilespmem:v24+s13+$0x0], $0xffff  }
0x7d0: {  	[tilespmem:v7+s16+$0x0] =	vst.idx.msk $0xffff, v5;
	v31 =	vor.u32 v57, v3;
	v36 =	vor.u32 v57, v0;
	v57 =	vld [tilespmem:$0x1F5C0]  }
0x7d1: {  	v59 =	vor.u32 v33, v2;
	[tilespmem:v27+s16+$0x0] =	vst.idx.msk $0xffff, v8;
	v18 =	vld.idx.msk [tilespmem:v18+s13+$0x0], $0xffff  }
0x7d2: {  	[tilespmem:v29+s16+$0x0] =	vst.idx.msk $0xffff, v9;
	v9 =	vld.idx.msk [tilespmem:v12+s13+$0x0], $0xffff  }
0x7d3: {  	v8 =	vor.u32 v38, v3;
	v29 =	vor.u32 v38, v0;
	v38 =	vld [tilespmem:$0x1F670]  }
0x7d4: {  	v4 =	vor.u32 v42, v0;
	[tilespmem:v53+s16+$0x0] =	vst.idx.msk $0xffff, v24;
	v53 =	vld [tilespmem:$0x1F5E0]  }
0x7d5: {  	v17 =	vor.u32 v54, v0;
	v24 =	vor.u32 v30, v1;
	v30 =	vor.u32 v54, v3;
	v54 =	vld [tilespmem:$0x1F820]  }
0x7d6: {  	v11 =	vor.u32 v33, v1;
	v10 =	vld.idx.msk [tilespmem:v59+s13+$0x0], $0xffff  }
0x7d7: {  	[tilespmem:v26+s16+$0x0] =	vst.idx.msk $0xffff, v16;
	v59 =	vld [tilespmem:$0x1FA60]  }
0x7d8: {  	v52 =	vor.u32 v35, v3;
	v25 =	vld.idx.msk [tilespmem:v25+s13+$0x0], $0xffff  }
0x7d9: {  	[tilespmem:v15+s16+$0x0] =	vst.idx.msk $0xffff, v28;
	v15 =	vld.idx.msk [tilespmem:v21+s13+$0x0], $0xffff;
	v13 =	vor.u32 v57, v2  }
0x7da: {  	[tilespmem:v4+s16+$0x0] =	vst.idx.msk $0xffff, v18;
	v20 =	vor.u32 v53, v2;
	v46 =	vor.u32 v53, v1;
	v53 =	vld [tilespmem:$0x1F830]  }
0x7db: {  	v11 =	vld.idx.msk [tilespmem:v11+s13+$0x0], $0xffff  }
0x7dc: {  	[tilespmem:v17+s16+$0x0] =	vst.idx.msk $0xffff, v9;
	v19 =	vor.u32 v59, v3;
	v22 =	vor.u32 v59, v0;
	v59 =	vld [tilespmem:$0x1F5D0]  }
0x7dd: {  	v7 =	vor.u32 v54, v2;
	[tilespmem:v52+s16+$0x0] =	vst.idx.msk $0xffff, v10;
	v10 =	vor.u32 v54, v1;
	v54 =	vld [tilespmem:$0x1FA70]  }
0x7de: {  	v9 =	vor.u32 v50, v1;
	[tilespmem:v31+s16+$0x0] =	vst.idx.msk $0xffff, v25;
	v52 =	vor.u32 v50, v2;
	v50 =	vld [tilespmem:$0x1FF70]  }
0x7df: {  	v13 =	vld.idx.msk [tilespmem:v13+s13+$0x0], $0xffff  }
0x7e0: {  	v16 =	vld.idx.msk [tilespmem:v20+s13+$0x0], $0xffff  }
0x7e1: {  	[tilespmem:v30+s16+$0x0] =	vst.idx.msk $0xffff, v23;
	v51 =	vor.u32 v53, v3;
	v12 =	vor.u32 v53, v0;
	v53 =	vld [tilespmem:$0x1F620]  }
0x7e2: {  	v14 =	vor.u32 v37, v3;
	v7 =	vld.idx.msk [tilespmem:v7+s13+$0x0], $0xffff  }
0x7e3: {  	v20 =	vor.u32 v57, v1;
	v57 =	vld [tilespmem:$0x1F850]  }
0x7e4: {  	v27 =	vor.u32 v54, v3;
	v21 =	vor.u32 v54, v0;
	v54 =	vld [tilespmem:$0x1F840]  }
0x7e5: {  	v28 =	vor.u32 v63, v2;
	v41 =	vor.u32 v59, v2;
	v26 =	vor.u32 v59, v1;
	v59 =	vld [tilespmem:$0x1FF10]  }
0x7e6: {  	[tilespmem:v36+s16+$0x0] =	vst.idx.msk $0xffff, v15;
	v10 =	vld.idx.msk [tilespmem:v10+s13+$0x0], $0xffff  }
0x7e7: {  	[tilespmem:v14+s16+$0x0] =	vst.idx.msk $0xffff, v16;
	v14 =	vld.idx.msk [tilespmem:v24+s13+$0x0], $0xffff  }
0x7e8: {  	[tilespmem:v19+s16+$0x0] =	vst.idx.msk $0xffff, v6;
	v16 =	vor.u32 v53, v2;
	v19 =	vor.u32 v53, v1;
	v53 =	vld [tilespmem:$0x1F860]  }
0x7e9: {  	[tilespmem:v8+s16+$0x0] =	vst.idx.msk $0xffff, v13;
	v31 =	vor.u32 v57, v3;
	v15 =	vor.u32 v57, v0;
	v57 =	vld [tilespmem:$0x1F6E0]  }
0x7ea: {  	v28 =	vld.idx.msk [tilespmem:v28+s13+$0x0], $0xffff  }
0x7eb: {  	v23 =	vld.idx.msk [tilespmem:v52+s13+$0x0], $0xffff  }
0x7ec: {  	v41 =	vld.idx.msk [tilespmem:v41+s13+$0x0], $0xffff  }
0x7ed: {  	v5 =	vor.u32 v35, v0;
	v17 =	vor.u32 v59, v3;
	v36 =	vor.u32 v59, v0;
	v59 =	vld [tilespmem:$0x1F650]  }
0x7ee: {  	v18 =	vor.u32 v54, v2;
	v24 =	vor.u32 v54, v1;
	v54 =	vld [tilespmem:$0x1F660]  }
0x7ef: {  	v6 =	vor.u32 v38, v2;
	[tilespmem:v12+s16+$0x0] =	vst.idx.msk $0xffff, v10;
	v10 =	vor.u32 v38, v1;
	v38 =	vld [tilespmem:$0x1F9E0]  }
0x7f0: {  	v25 =	vor.u32 v45, v3;
	[tilespmem:v22+s16+$0x0] =	vst.idx.msk $0xffff, v14;
	v14 =	vld.idx.msk [tilespmem:v20+s13+$0x0], $0xffff  }
0x7f1: {  	v52 =	vor.u32 v50, v3;
	v20 =	vor.u32 v50, v0;
	v50 =	vld [tilespmem:$0x1FB60]  }
0x7f2: {  	[tilespmem:v5+s16+$0x0] =	vst.idx.msk $0xffff, v11;
	v11 =	vld.idx.msk [tilespmem:v26+s13+$0x0], $0xffff  }
0x7f3: {  	[tilespmem:v51+s16+$0x0] =	vst.idx.msk $0xffff, v7;
	v26 =	vld.idx.msk [tilespmem:v46+s13+$0x0], $0xffff  }
0x7f4: {  	v18 =	vld.idx.msk [tilespmem:v18+s13+$0x0], $0xffff  }
0x7f5: {  	v13 =	vor.u32 v53, v1;
	[tilespmem:v25+s16+$0x0] =	vst.idx.msk $0xffff, v23;
	v23 =	vor.u32 v53, v2;
	v53 =	vld [tilespmem:$0x1F870]  }
0x7f6: {  	v5 =	vor.u32 v54, v2;
	[tilespmem:v27+s16+$0x0] =	vst.idx.msk $0xffff, v41;
	v41 =	vor.u32 v54, v1;
	v54 =	vld [tilespmem:$0x1FA80]  }
0x7f7: {  	v30 =	vor.u32 v63, v1;
	v25 =	vor.u32 v59, v2;
	v27 =	vor.u32 v59, v1;
	v59 =	vld [tilespmem:$0x1F880]  }
0x7f8: {  	[tilespmem:v17+s16+$0x0] =	vst.idx.msk $0xffff, v28;
	v28 =	vld [tilespmem:$0x1F6D0]  }
0x7f9: {  	v6 =	vld.idx.msk [tilespmem:v6+s13+$0x0], $0xffff  }
0x7fa: {  	v16 =	vld.idx.msk [tilespmem:v16+s13+$0x0], $0xffff  }
0x7fb: {  	v12 =	vor.u32 v38, v3;
	[tilespmem:v29+s16+$0x0] =	vst.idx.msk $0xffff, v14;
	v14 =	vor.u32 v38, v0;
	v38 =	vld [tilespmem:$0x1FB70]  }
0x7fc: {  	v4 =	vor.u32 v37, v0;
	v30 =	vld.idx.msk [tilespmem:v30+s13+$0x0], $0xffff  }
0x7fd: {  	[tilespmem:v31+s16+$0x0] =	vst.idx.msk $0xffff, v18;
	v31 =	vld [tilespmem:$0x1F6C0]  }
0x7fe: {  	v7 =	vor.u32 v50, v3;
	[tilespmem:v21+s16+$0x0] =	vst.idx.msk $0xffff, v11;
	v21 =	vor.u32 v50, v0;
	v50 =	vld [tilespmem:$0x1F790]  }
0x7ff: {  	v25 =	vld.idx.msk [tilespmem:v25+s13+$0x0], $0xffff  }
0x800: {  	v51 =	vor.u32 v54, v3;
	v11 =	vor.u32 v54, v0;
	v54 =	vld [tilespmem:$0x1F3D0]  }
0x801: {  	[tilespmem:v4+s16+$0x0] =	vst.idx.msk $0xffff, v26;
	v19 =	vld.idx.msk [tilespmem:v19+s13+$0x0], $0xffff  }
0x802: {  	v9 =	vld.idx.msk [tilespmem:v9+s13+$0x0], $0xffff  }
0x803: {  	v8 =	vor.u32 v57, v2;
	v23 =	vld.idx.msk [tilespmem:v23+s13+$0x0], $0xffff;
	[tilespmem:v52+s16+$0x0] =	vst.idx.msk $0xffff, v16  }
0x804: {  	v5 =	vld.idx.msk [tilespmem:v5+s13+$0x0], $0xffff  }
0x805: {  	v22 =	vor.u32 v45, v0;
	[tilespmem:v7+s16+$0x0] =	vst.idx.msk $0xffff, v6;
	v6 =	vld.idx.msk [tilespmem:v24+s13+$0x0], $0xffff  }
0x806: {  	v26 =	vor.u32 v59, v1;
	v24 =	vor.u32 v59, v2;
	v59 =	vld [tilespmem:$0x1F890]  }
0x807: {  	v46 =	vor.u32 v53, v3;
	v7 =	vor.u32 v53, v0;
	v53 =	vld [tilespmem:$0x1F9F0]  }
0x808: {  	v8 =	vld.idx.msk [tilespmem:v8+s13+$0x0], $0xffff;
	[tilespmem:v36+s16+$0x0] =	vst.idx.msk $0xffff, v30  }
0x809: {  	[tilespmem:v20+s16+$0x0] =	vst.idx.msk $0xffff, v19;
	v27 =	vld.idx.msk [tilespmem:v27+s13+$0x0], $0xffff  }
0x80a: {  	v29 =	vor.u32 v38, v3;
	[tilespmem:v22+s16+$0x0] =	vst.idx.msk $0xffff, v9;
	v9 =	vor.u32 v38, v0;
	v38 =	vld [tilespmem:$0x1F8B0]  }
0x80b: {  	v36 =	vld.idx.msk [tilespmem:v41+s13+$0x0], $0xffff  }
0x80c: {  	v4 =	vor.u32 v31, v2;
	[tilespmem:v46+s16+$0x0] =	vst.idx.msk $0xffff, v23;
	v10 =	vld.idx.msk [tilespmem:v10+s13+$0x0], $0xffff  }
0x80d: {  	v18 =	vor.u32 v50, v2;
	[tilespmem:v15+s16+$0x0] =	vst.idx.msk $0xffff, v6;
	v6 =	vor.u32 v57, v1;
	v57 =	vld [tilespmem:$0x1FA90]  }
0x80e: {  	v17 =	vor.u32 v28, v2;
	v24 =	vld.idx.msk [tilespmem:v24+s13+$0x0], $0xffff  }
0x80f: {  	v28 =	vor.u32 v28, v1;
	v16 =	vor.u32 v31, v1;
	[tilespmem:v12+s16+$0x0] =	vst.idx.msk $0xffff, v25;
	v13 =	vld.idx.msk [tilespmem:v13+s13+$0x0], $0xffff  }
0x810: {  	v15 =	vor.u32 v53, v3;
	[tilespmem:v29+s16+$0x0] =	vst.idx.msk $0xffff, v8;
	v29 =	vor.u32 v53, v0;
	v53 =	vld [tilespmem:$0x1F730]  }
0x811: {  	v4 =	vld.idx.msk [tilespmem:v4+s13+$0x0], $0xffff  }
0x812: {  	v31 =	vor.u32 v59, v3;
	v8 =	vld.idx.msk [tilespmem:v18+s13+$0x0], $0xffff  }
0x813: {  	v18 =	vor.u32 v59, v0;
	v59 =	vld [tilespmem:$0x1F8A0];
	[tilespmem:v14+s16+$0x0] =	vst.idx.msk $0xffff, v27  }
0x814: {  	[tilespmem:v11+s16+$0x0] =	vst.idx.msk $0xffff, v36;
	v11 =	vld.idx.msk [tilespmem:v16+s13+$0x0], $0xffff  }
0x815: {  	v28 =	vld.idx.msk [tilespmem:v28+s13+$0x0], $0xffff  }
0x816: {  	[tilespmem:v21+s16+$0x0] =	vst.idx.msk $0xffff, v10;
	v52 =	vor.u32 v57, v3;
	v19 =	vor.u32 v57, v0;
	v57 =	vld [tilespmem:$0x1F740]  }
0x817: {  	[tilespmem:v31+s16+$0x0] =	vst.idx.msk $0xffff, v24;
	v31 =	vld [tilespmem:$0x1F3C0]  }
0x818: {  	v30 =	vor.u32 v32, v3;
	v6 =	vld.idx.msk [tilespmem:v6+s13+$0x0], $0xffff  }
0x819: {  	[tilespmem:v51+s16+$0x0] =	vst.idx.msk $0xffff, v5;
	v23 =	vor.u32 v53, v2;
	v5 =	vor.u32 v53, v1;
	v53 =	vld [tilespmem:$0x1FA00]  }
0x81a: {  	[tilespmem:v7+s16+$0x0] =	vst.idx.msk $0xffff, v13;
	v7 =	vld.idx.msk [tilespmem:v17+s13+$0x0], $0xffff  }
0x81b: {  	v46 =	vor.u32 v38, v3;
	v17 =	vor.u32 v38, v0;
	v38 =	vld [tilespmem:$0x1F760]  }
0x81c: {  	v22 =	vor.u32 v59, v2;
	v25 =	vor.u32 v59, v1;
	v59 =	vld [tilespmem:$0x1FAA0]  }
0x81d: {  	v41 =	vor.u32 v54, v1;
	v26 =	vld.idx.msk [tilespmem:v26+s13+$0x0], $0xffff  }
0x81e: {  	[tilespmem:v30+s16+$0x0] =	vst.idx.msk $0xffff, v8;
	v8 =	vor.u32 v50, v1;
	v50 =	vld [tilespmem:$0x1F770]  }
0x81f: {  	[tilespmem:v15+s16+$0x0] =	vst.idx.msk $0xffff, v4;
	v30 =	vor.u32 v53, v3;
	v27 =	vor.u32 v53, v0;
	v53 =	vld [tilespmem:$0x1F3B0]  }
0x820: {  	v12 =	vor.u32 v54, v2;
	[tilespmem:v29+s16+$0x0] =	vst.idx.msk $0xffff, v11;
	v23 =	vld.idx.msk [tilespmem:v23+s13+$0x0], $0xffff  }
0x821: {  	[tilespmem:v19+s16+$0x0] =	vst.idx.msk $0xffff, v28;
	v5 =	vld.idx.msk [tilespmem:v5+s13+$0x0], $0xffff  }
0x822: {  	v28 =	vld.idx.msk [tilespmem:v41+s13+$0x0], $0xffff  }
0x823: {  	v20 =	vor.u32 v57, v2;
	v51 =	vor.u32 v59, v3;
	v16 =	vor.u32 v59, v0;
	v59 =	vld [tilespmem:$0x1F8C0]  }
0x824: {  	[tilespmem:v52+s16+$0x0] =	vst.idx.msk $0xffff, v7;
	v22 =	vld.idx.msk [tilespmem:v22+s13+$0x0], $0xffff  }
0x825: {  	v24 =	vor.u32 v31, v2;
	[tilespmem:v9+s16+$0x0] =	vst.idx.msk $0xffff, v6;
	v12 =	vld.idx.msk [tilespmem:v12+s13+$0x0], $0xffff  }
0x826: {  	[tilespmem:v18+s16+$0x0] =	vst.idx.msk $0xffff, v26;
	v8 =	vld.idx.msk [tilespmem:v8+s13+$0x0], $0xffff  }
0x827: {  	v13 =	vor.u32 v31, v1;
	v11 =	vld.idx.msk [tilespmem:v25+s13+$0x0], $0xffff  }
0x828: {  	v54 =	vor.u32 v61, v3;
	v20 =	vld.idx.msk [tilespmem:v20+s13+$0x0], $0xffff  }
0x829: {  	[tilespmem:v30+s16+$0x0] =	vst.idx.msk $0xffff, v23;
	v21 =	vor.u32 v59, v2;
	v15 =	vor.u32 v59, v1;
	v59 =	vld [tilespmem:$0x1FA10]  }
0x82a: {  	v14 =	vor.u32 v38, v2;
	[tilespmem:v27+s16+$0x0] =	vst.idx.msk $0xffff, v5;
	v24 =	vld.idx.msk [tilespmem:v24+s13+$0x0], $0xffff  }
0x82b: {  	[tilespmem:v46+s16+$0x0] =	vst.idx.msk $0xffff, v22;
	v46 =	vor.u32 v38, v1;
	v38 =	vld [tilespmem:$0x1FA20]  }
0x82c: {  	v4 =	vor.u32 v53, v2;
	v13 =	vld.idx.msk [tilespmem:v13+s13+$0x0], $0xffff  }
0x82d: {  	[tilespmem:v54+s16+$0x0] =	vst.idx.msk $0xffff, v20;
	v54 =	vld [tilespmem:$0x1F8D0]  }
0x82e: {  	v20 =	vor.u32 v53, v1;
	v53 =	vld [tilespmem:$0x1FFB0]  }
0x82f: {  	v7 =	vld.idx.msk [tilespmem:v14+s13+$0x0], $0xffff  }
0x830: {  	[tilespmem:v51+s16+$0x0] =	vst.idx.msk $0xffff, v12;
	v14 =	vor.u32 v57, v1;
	v57 =	vld [tilespmem:$0x1FAB0]  }
0x831: {  	v10 =	vor.u32 v32, v0;
	v4 =	vld.idx.msk [tilespmem:v4+s13+$0x0], $0xffff  }
0x832: {  	v36 =	vor.u32 v59, v3;
	v29 =	vor.u32 v59, v0;
	v59 =	vld [tilespmem:$0x1F8E0]  }
0x833: {  	[tilespmem:v17+s16+$0x0] =	vst.idx.msk $0xffff, v11;
	v21 =	vld.idx.msk [tilespmem:v21+s13+$0x0], $0xffff  }
0x834: {  	[tilespmem:v16+s16+$0x0] =	vst.idx.msk $0xffff, v28;
	v5 =	vld.idx.msk [tilespmem:v15+s13+$0x0], $0xffff  }
0x835: {  	v31 =	vor.u32 v54, v3;
	v52 =	vor.u32 v53, v3;
	v25 =	vor.u32 v54, v0;
	v54 =	vld [tilespmem:$0x1F380]  }
0x836: {  	[tilespmem:v10+s16+$0x0] =	vst.idx.msk $0xffff, v8;
	v8 =	vor.u32 v53, v0;
	v53 =	vld.idx.msk [tilespmem:v20+s13+$0x0], $0xffff  }
0x837: {  	v18 =	vor.u32 v57, v3;
	v19 =	vor.u32 v57, v0;
	v57 =	vld [tilespmem:$0x1F3A0]  }
0x838: {  	v26 =	vor.u32 v50, v2;
	v14 =	vld.idx.msk [tilespmem:v14+s13+$0x0], $0xffff  }
0x839: {  	v6 =	vor.u32 v61, v0;
	v9 =	vor.u32 v59, v2;
	[tilespmem:v29+s16+$0x0] =	vst.idx.msk $0xffff, v13;
	v29 =	vld [tilespmem:$0x1F3E0]  }
0x83a: {  	[tilespmem:v52+s16+$0x0] =	vst.idx.msk $0xffff, v7;
	v7 =	vor.u32 v59, v1;
	v59 =	vld [tilespmem:$0x1FEB0]  }
0x83b: {  	v41 =	vor.u32 v54, v2;
	v30 =	vor.u32 v54, v1;
	v54 =	vld [tilespmem:$0x1FAC0]  }
0x83c: {  	v15 =	vor.u32 v38, v0;
	v52 =	vor.u32 v38, v3;
	v38 =	vld [tilespmem:$0x1F390]  }
0x83d: {  	[tilespmem:v31+s16+$0x0] =	vst.idx.msk $0xffff, v21;
	v23 =	vld.idx.msk [tilespmem:v26+s13+$0x0], $0xffff  }
0x83e: {  	[tilespmem:v6+s16+$0x0] =	vst.idx.msk $0xffff, v14;
	v9 =	vld.idx.msk [tilespmem:v9+s13+$0x0], $0xffff  }
0x83f: {  	v6 =	vld.idx.msk [tilespmem:v46+s13+$0x0], $0xffff  }
0x840: {  	v46 =	vld [tilespmem:$0x1FEA0]  }
0x841: {  	v22 =	vor.u32 v57, v2;
	v51 =	vor.u32 v59, v3;
	v17 =	vor.u32 v59, v0;
	v59 =	vld [tilespmem:$0x1F8F0]  }
0x842: {  	[tilespmem:v18+s16+$0x0] =	vst.idx.msk $0xffff, v4;
	v11 =	vor.u32 v54, v3;
	v16 =	vor.u32 v54, v0;
	v54 =	vld [tilespmem:$0x1F370]  }
0x843: {  	v12 =	vor.u32 v34, v3;
	v4 =	vld.idx.msk [tilespmem:v41+s13+$0x0], $0xffff  }
0x844: {  	[tilespmem:v25+s16+$0x0] =	vst.idx.msk $0xffff, v5;
	v41 =	vld [tilespmem:$0x1F410]  }
0x845: {  	[tilespmem:v36+s16+$0x0] =	vst.idx.msk $0xffff, v24;
	v26 =	vor.u32 v57, v1;
	v5 =	vld.idx.msk [tilespmem:v7+s13+$0x0], $0xffff  }
0x846: {  	v24 =	vor.u32 v50, v1;
	v10 =	vor.u32 v38, v2;
	v22 =	vld.idx.msk [tilespmem:v22+s13+$0x0], $0xffff  }
0x847: {  	v21 =	vor.u32 v38, v1;
	v27 =	vor.u32 v59, v2;
	v28 =	vor.u32 v54, v2;
	v2 =	vld [tilespmem:$0x1F900]  }
0x848: {  	[tilespmem:v12+s16+$0x0] =	vst.idx.msk $0xffff, v23;
	v59 =	vor.u32 v59, v1;
	v23 =	vor.u32 v54, v1;
	v1 =	vld [tilespmem:$0x1FA30]  }
0x849: {  	v54 =	vld [tilespmem:$0x1FAD0]  }
0x84a: {  	[tilespmem:v19+s16+$0x0] =	vst.idx.msk $0xffff, v53;
	v7 =	vld.idx.msk [tilespmem:v26+s13+$0x0], $0xffff  }
0x84b: {  	v26 =	vld [tilespmem:$0x1FFD0];
	[tilespmem:v8+s16+$0x0] =	vst.idx.msk $0xffff, v6  }
0x84c: {  	v6 =	vld.idx.msk [tilespmem:v24+s13+$0x0], $0xffff;
	[tilespmem:v51+s16+$0x0] =	vst.idx.msk $0xffff, v9  }
0x84d: {  	v51 =	vld [tilespmem:$0x1FEC0];
	[tilespmem:v52+s16+$0x0] =	vst.idx.msk $0xffff, v22;
	v31 =	vor.u32 v2, v3  }
0x84e: {  	v52 =	vld [tilespmem:$0x1FED0];
	v36 =	vor.u32 v1, v3;
	v57 =	vor.u32 v54, v3;
	v25 =	vor.u32 v2, v0  }
0x84f: {  	v1 =	vor.u32 v1, v0;
	v2 =	vor.u32 v54, v0;
	v3 =	vor.u32 v34, v0;
	v0 =	vld.idx.msk [tilespmem:v30+s13+$0x0], $0xffff  }
0x850: {  	v9 =	vld.idx.msk [tilespmem:v27+s13+$0x0], $0xffff  }
0x851: {  	[tilespmem:v11+s16+$0x0] =	vst.idx.msk $0xffff, v4;
	v10 =	vld.idx.msk [tilespmem:v10+s13+$0x0], $0xffff  }
0x852: {  	s29 =	sadd.s32 $0x2, s29;
	[tilespmem:v17+s16+$0x0] =	vst.idx.msk $0xffff, v5;
	v11 =	vld.idx.msk [tilespmem:v28+s13+$0x0], $0xffff  }
0x853: {  	p0 =	slt.u32 s29, $0x6;
	[tilespmem:v15+s16+$0x0] =	vst.idx.msk $0xffff, v7;
	v59 =	vld.idx.msk [tilespmem:v59+s13+$0x0], $0xffff  }
.Ltmp4:
0x854: {  	v5 =	vld.idx.msk [tilespmem:v21+s13+$0x0], $0xffff;
	[tilespmem:v16+s16+$0x0] =	vst.idx.msk $0xffff, v0;
	(pc) =	sbr.rel @p0 .LBB2_11-.Ltmp4, $4  }
0x855: {  	v30 =	vld [tilespmem:$0x1F400];
	[tilespmem:v31+s16+$0x0] =	vst.idx.msk $0xffff, v9  }
0x856: {  	v27 =	vld [tilespmem:$0x1FFE0];
	[tilespmem:v36+s16+$0x0] =	vst.idx.msk $0xffff, v10  }
0x857: {  	v36 =	vld [tilespmem:$0x1F3F0];
	[tilespmem:v57+s16+$0x0] =	vst.idx.msk $0xffff, v11  }
0x858: {  	s31 =	sadd.s32 $0x20, s31;
	[tilespmem:v25+s16+$0x0] =	vst.idx.msk $0xffff, v59;
	v25 =	vlaneseq.u32;
	v4 =	vld.idx.msk [tilespmem:v23+s13+$0x0], $0xffff  }
0x859: {  	_ =	sdelay $0x2  }
0x85a: {  	v19 =	vld [tilespmem:$0x1F900];
	p0 =	seq.s32 s24, $0x63  }
0x85b: {  	v47 =	vld [tilespmem:$0x1F8F0];
	[tilespmem:v1+s16+$0x0] =	vst.idx.msk $0xffff, v5;
	s1 =	sshll.u32 @!p0 s24, $0x8  }
0x85c: {  	[tilespmem:v3+s16+$0x0] =	vst.idx.msk $0xffff, v6;
	s29 =	sand.u32 @!p0 $0x3FFFFF00, s1  }
0x85d: {  	s31 =	simm.s32 @!p0 $0x80;
	s0 =	simm.s32 @!p0 $0x6400;
	s1 =	sadd.s32 @!p0 $0x100, s29;
	[tilespmem:v2+s16+$0x0] =	vst.idx.msk $0xffff, v4  }
0x85e: {  	[tilespmem:s0], [sflag:$0x1] =	stream.indirect.gather @!p0 [hbm4b:s4+s31], $0x40, s1, s31, $0xb8;
	[tilespmem:$0xE400] =	vst v63  }
0x85f: {  	s1 =	sshrl.u32 s30, $0x3  }
0x860: {  	s31 =	simm.s32 $0x1000;
	s0 =	sadd.s32 s2, s1;
	s1 =	simm.s32 $0xA400  }
0x861: {  	[hbm4b:s0+s3] =	stream.linear.scatter [tilespmem:s1], [sflag:$0x3], $0x400, $0x38;
	[tilespmem:$0xE400] =	vst v63  }
.LBB2_13:
0x862: {  	p1 =	sne.s32 s31, $0x7000  }
.Ltmp5:
0x863: {  	_ = 	snop;
	(pc) =	sbr.rel @p1 .LBB2_13-.Ltmp5, $4  }
0x864: {  	s30 =	sadd.s32 $0x20000, s30  }
0x865: {  	s0 =	sshra.s32 s31, $0x2;
	s1 =	sshrl.u32 s30, $0x3  }
0x866: {  	s31 =	sadd.s32 $0x1000, s31;
	s0 =	sadd.s32 $0xA400, s0;
	s1 =	sadd.s32 s2, s1  }
0x867: {  	[hbm4b:s1+s3] =	stream.linear.scatter [tilespmem:s0], [sflag:$0x3], $0x400, $0x38;
	[tilespmem:$0xE400] =	vst v63  }
0x868: {  	_ =	swait.ge [sflag:s18], $0x2000  }
0x869: {  	[sflag:s18] =	ssyncset.done $0x0  }
0x86a: {  	[sflag:s18] =	ssyncadd.s32 $0xFFFFE000  }
0x86b: {  	_ =	swait.ge [sflag:s22], $0x400  }
0x86c: {  	[sflag:s22] =	ssyncset.done $0x0  }
0x86d: {  	[sflag:s22] =	ssyncadd.s32 $0xFFFFFC00  }
0x86e: {  	_ =	swait.ge [sflag:s22], $0x400  }
0x86f: {  	[sflag:s22] =	ssyncset.done $0x0  }
0x870: {  	[sflag:s22] =	ssyncadd.s32 $0xFFFFFC00  }
0x871: {  	_ =	swait.ge [sflag:s22], $0x400  }
0x872: {  	[sflag:s22] =	ssyncset.done $0x0  }
0x873: {  	[sflag:s22] =	ssyncadd.s32 $0xFFFFFC00  }
0x874: {  	_ =	swait.ge [sflag:s22], $0x400  }
0x875: {  	[sflag:s22] =	ssyncset.done $0x0  }
0x876: {  	[sflag:s22] =	ssyncadd.s32 $0xFFFFFC00  }
0x877: {  	_ =	swait.ge [sflag:s22], $0x400  }
0x878: {  	[sflag:s22] =	ssyncset.done $0x0  }
0x879: {  	[sflag:s22] =	ssyncadd.s32 $0xFFFFFC00  }
0x87a: {  	_ =	swait.ge [sflag:s22], $0x400  }
0x87b: {  	[sflag:s22] =	ssyncset.done $0x0  }
0x87c: {  	s0 =	simm.s32 $0x10;
	[sflag:s22] =	ssyncadd.s32 $0xFFFFFC00  }
0x87d: {  	s1 =	simm.s32 $0x0;
	v1 =	vor.u32 s0, v25;
	_ =	swait.ge [sflag:s22], $0x400  }
0x87e: {  	v2 =	vor.u32 s1, v25;
	v0 =	vshll.u32 v1, $0x6;
	[sflag:s22] =	ssyncset.done $0x0  }
0x87f: {  	v3 =	vshll.u32 v2, $0x6;
	v4 =	vor.u32 v25, v0;
	[sflag:s22] =	ssyncadd.s32 $0xFFFFFC00  }
0x880: {  	v5 =	vor.u32 v36, v3;
	_ =	swait.ge [sflag:s22], $0x400  }
0x881: {  	v6 =	vor.u32 v25, v3;
	v21 =	vld [tilespmem:$0x1FAE0]  }
0x882: {  	v7 =	vor.u32 v26, v3;
	[sflag:s22] =	ssyncset.done $0x0;
	v22 =	vld [tilespmem:$0x1FEE0]  }
0x883: {  	v8 =	vor.u32 v29, v3;
	v23 =	vld [tilespmem:$0x1FF20];
	[sflag:s22] =	ssyncadd.s32 $0xFFFFFC00  }
0x884: {  	v1 =	vand.u32 $0x78, v1;
	v9 =	vor.u32 v26, v0;
	v4 =	vld.idx.msk [tilespmem:v4+s14+$0x0], $0xffff  }
0x885: {  	v2 =	vand.u32 $0x68, v2;
	v10 =	vor.u32 v51, v1;
	v11 =	vor.u32 v29, v0;
	v5 =	vld.idx.msk [tilespmem:v5+s14+$0x0], $0xffff  }
0x886: {  	v13 =	vor.u32 v36, v0;
	v14 =	vor.u32 v51, v2;
	v6 =	vld.idx.msk [tilespmem:v6+s14+$0x0], $0xffff  }
0x887: {  	v17 =	vor.u32 v52, v3;
	v7 =	vld.idx.msk [tilespmem:v7+s14+$0x0], $0xffff;
	v12 =	vor.u32 v21, v2  }
0x888: {  	v59 =	vor.u32 v52, v0;
	v8 =	vld.idx.msk [tilespmem:v8+s14+$0x0], $0xffff;
	v15 =	vor.u32 v22, v2  }
0x889: {  	v9 =	vld.idx.msk [tilespmem:v9+s14+$0x0], $0xffff;
	v18 =	vor.u32 v23, v2  }
0x88a: {  	v16 =	vor.u32 v41, v3;
	v11 =	vld.idx.msk [tilespmem:v11+s14+$0x0], $0xffff;
	[tilespmem:v10+s19+$0x0] =	vst.idx.msk $0xffff, v4;
	v4 =	vor.u32 v22, v1  }
0x88b: {  	v13 =	vld.idx.msk [tilespmem:v13+s14+$0x0], $0xffff;
	[tilespmem:v14+s19+$0x0] =	vst.idx.msk $0xffff, v6  }
0x88c: {  	v17 =	vld.idx.msk [tilespmem:v17+s14+$0x0], $0xffff;
	[tilespmem:v12+s19+$0x0] =	vst.idx.msk $0xffff, v5;
	v5 =	vor.u32 v23, v1  }
0x88d: {  	v14 =	vld.idx.msk [tilespmem:v59+s14+$0x0], $0xffff;
	[tilespmem:v15+s19+$0x0] =	vst.idx.msk $0xffff, v7  }
0x88e: {  	v57 =	vor.u32 v27, v3;
	v6 =	vor.u32 v21, v1;
	v61 =	vld [tilespmem:$0x1FAF0];
	[tilespmem:v18+s19+$0x0] =	vst.idx.msk $0xffff, v8  }
0x88f: {  	v60 =	vld.idx.msk [tilespmem:v16+s14+$0x0], $0xffff;
	[tilespmem:v4+s19+$0x0] =	vst.idx.msk $0xffff, v9  }
0x890: {  	v58 =	vor.u32 v30, v3;
	v32 =	vld [tilespmem:$0x1F910]  }
0x891: {  	v7 =	vor.u32 v27, v0;
	v34 =	vld [tilespmem:$0x1F430];
	[tilespmem:v5+s19+$0x0] =	vst.idx.msk $0xffff, v11  }
0x892: {  	v8 =	vor.u32 v30, v0;
	v24 =	vld [tilespmem:$0x1FF30]  }
0x893: {  	v33 =	vld.idx.msk [tilespmem:v57+s14+$0x0], $0xffff;
	v5 =	vor.u32 v41, v0;
	v62 =	vor.u32 v61, v2;
	[tilespmem:v6+s19+$0x0] =	vst.idx.msk $0xffff, v13  }
0x894: {  	v63 =	vor.u32 v46, v2;
	v28 =	vld [tilespmem:$0x1FE60]  }
0x895: {  	v12 =	vld.idx.msk [tilespmem:v58+s14+$0x0], $0xffff;
	v4 =	vor.u32 v32, v2  }
0x896: {  	v7 =	vld.idx.msk [tilespmem:v7+s14+$0x0], $0xffff;
	v6 =	vor.u32 v46, v1  }
0x897: {  	v8 =	vld.idx.msk [tilespmem:v8+s14+$0x0], $0xffff;
	v35 =	vor.u32 v34, v3;
	v37 =	vor.u32 v24, v2  }
0x898: {  	v5 =	vld.idx.msk [tilespmem:v5+s14+$0x0], $0xffff;
	[tilespmem:v62+s19+$0x0] =	vst.idx.msk $0xffff, v60  }
0x899: {  	v38 =	vor.u32 v28, v3;
	v40 =	vld [tilespmem:$0x1FFF0];
	[tilespmem:v63+s19+$0x0] =	vst.idx.msk $0xffff, v17  }
0x89a: {  	v39 =	vor.u32 v32, v1;
	v43 =	vor.u32 v24, v1;
	v24 =	vld [tilespmem:$0x1F420];
	[tilespmem:v4+s19+$0x0] =	vst.idx.msk $0xffff, v33  }
0x89b: {  	v4 =	vor.u32 v28, v0;
	v28 =	vld [tilespmem:$0x1FB00];
	[tilespmem:v6+s19+$0x0] =	vst.idx.msk $0xffff, v14  }
0x89c: {  	v45 =	vld.idx.msk [tilespmem:v35+s14+$0x0], $0xffff;
	[tilespmem:v37+s19+$0x0] =	vst.idx.msk $0xffff, v12  }
0x89d: {  	v53 =	vld [tilespmem:$0x1FE70]  }
0x89e: {  	v42 =	vor.u32 v40, v3;
	v13 =	vld.idx.msk [tilespmem:v38+s14+$0x0], $0xffff  }
0x89f: {  	v50 =	vor.u32 v40, v0;
	v54 =	vld [tilespmem:$0x1F460];
	[tilespmem:v39+s19+$0x0] =	vst.idx.msk $0xffff, v7  }
0x8a0: {  	v44 =	vor.u32 v24, v3;
	v7 =	vor.u32 v24, v0;
	v24 =	vld [tilespmem:$0x1FE10];
	v48 =	vor.u32 v28, v2  }
0x8a1: {  	v49 =	vor.u32 v61, v1;
	[tilespmem:v43+s19+$0x0] =	vst.idx.msk $0xffff, v8;
	v4 =	vld.idx.msk [tilespmem:v4+s14+$0x0], $0xffff  }
0x8a2: {  	v57 =	vld [tilespmem:$0x1FA40];
	v6 =	vor.u32 v53, v2  }
0x8a3: {  	v16 =	vld.idx.msk [tilespmem:v42+s14+$0x0], $0xffff  }
0x8a4: {  	v12 =	vld.idx.msk [tilespmem:v50+s14+$0x0], $0xffff  }
0x8a5: {  	v8 =	vor.u32 v34, v0;
	v18 =	vld.idx.msk [tilespmem:v44+s14+$0x0], $0xffff;
	[tilespmem:v48+s19+$0x0] =	vst.idx.msk $0xffff, v45  }
0x8a6: {  	v55 =	vor.u32 v54, v3;
	v56 =	vor.u32 v24, v2;
	v60 =	vld [tilespmem:$0x1FE80];
	[tilespmem:v49+s19+$0x0] =	vst.idx.msk $0xffff, v5  }
0x8a7: {  	v58 =	vor.u32 v57, v2;
	v5 =	vor.u32 v24, v1;
	v24 =	vld [tilespmem:$0x1F440];
	[tilespmem:v6+s19+$0x0] =	vst.idx.msk $0xffff, v13  }
0x8a8: {  	v59 =	vor.u32 v53, v1;
	v32 =	vld [tilespmem:$0x1FB10]  }
0x8a9: {  	v7 =	vld.idx.msk [tilespmem:v7+s14+$0x0], $0xffff  }
0x8aa: {  	v8 =	vld.idx.msk [tilespmem:v8+s14+$0x0], $0xffff  }
0x8ab: {  	v31 =	vld [tilespmem:$0x1F450];
	[tilespmem:v56+s19+$0x0] =	vst.idx.msk $0xffff, v16;
	v61 =	vor.u32 v60, v3  }
0x8ac: {  	v63 =	vld.idx.msk [tilespmem:v55+s14+$0x0], $0xffff;
	[tilespmem:v58+s19+$0x0] =	vst.idx.msk $0xffff, v18;
	v39 =	vor.u32 v60, v0  }
0x8ad: {  	v42 =	vld [tilespmem:$0x1F490];
	[tilespmem:v59+s19+$0x0] =	vst.idx.msk $0xffff, v4;
	v62 =	vor.u32 v24, v3;
	v37 =	vor.u32 v32, v2  }
0x8ae: {  	v44 =	vld [tilespmem:$0x1FE90];
	[tilespmem:v5+s19+$0x0] =	vst.idx.msk $0xffff, v12  }
0x8af: {  	v38 =	vor.u32 v57, v1;
	v4 =	vor.u32 v24, v0;
	v24 =	vld [tilespmem:$0x1F960]  }
0x8b0: {  	v40 =	vor.u32 v28, v1;
	v10 =	vld.idx.msk [tilespmem:v61+s14+$0x0], $0xffff  }
0x8b1: {  	v16 =	vld.idx.msk [tilespmem:v39+s14+$0x0], $0xffff  }
0x8b2: {  	v6 =	vor.u32 v31, v3;
	v11 =	vld.idx.msk [tilespmem:v62+s14+$0x0], $0xffff;
	[tilespmem:v37+s19+$0x0] =	vst.idx.msk $0xffff, v63  }
0x8b3: {  	v43 =	vor.u32 v42, v3;
	v50 =	vld [tilespmem:$0x1FF40]  }
0x8b4: {  	v5 =	vor.u32 v31, v0;
	v4 =	vld.idx.msk [tilespmem:v4+s14+$0x0], $0xffff;
	[tilespmem:v38+s19+$0x0] =	vst.idx.msk $0xffff, v7  }
0x8b5: {  	v49 =	vor.u32 v54, v0;
	v45 =	vor.u32 v44, v2;
	v54 =	vld [tilespmem:$0x1F7A0];
	[tilespmem:v40+s19+$0x0] =	vst.idx.msk $0xffff, v8  }
0x8b6: {  	v48 =	vor.u32 v24, v2;
	v31 =	vld [tilespmem:$0x1FB20]  }
0x8b7: {  	v6 =	vld.idx.msk [tilespmem:v6+s14+$0x0], $0xffff;
	v7 =	vor.u32 v44, v1  }
0x8b8: {  	v56 =	vld.idx.msk [tilespmem:v43+s14+$0x0], $0xffff;
	v53 =	vor.u32 v50, v2  }
0x8b9: {  	v5 =	vld.idx.msk [tilespmem:v5+s14+$0x0], $0xffff  }
0x8ba: {  	v58 =	vor.u32 v24, v1;
	v28 =	vld [tilespmem:$0x1F470];
	[tilespmem:v45+s19+$0x0] =	vst.idx.msk $0xffff, v10;
	v55 =	vor.u32 v54, v3  }
0x8bb: {  	v24 =	vld [tilespmem:$0x1F480];
	[tilespmem:v48+s19+$0x0] =	vst.idx.msk $0xffff, v11;
	v62 =	vor.u32 v54, v0;
	v57 =	vor.u32 v31, v2  }
0x8bc: {  	v22 =	vld [tilespmem:$0x1F500];
	[tilespmem:v7+s19+$0x0] =	vst.idx.msk $0xffff, v16  }
0x8bd: {  	v13 =	vld.idx.msk [tilespmem:v49+s14+$0x0], $0xffff;
	v60 =	vor.u32 v50, v1;
	[tilespmem:v53+s19+$0x0] =	vst.idx.msk $0xffff, v6  }
0x8be: {  	v63 =	vld [tilespmem:$0x1F7B0]  }
0x8bf: {  	v15 =	vld.idx.msk [tilespmem:v55+s14+$0x0], $0xffff  }
0x8c0: {  	v8 =	vor.u32 v28, v3;
	v6 =	vor.u32 v32, v1;
	v14 =	vld.idx.msk [tilespmem:v62+s14+$0x0], $0xffff;
	[tilespmem:v57+s19+$0x0] =	vst.idx.msk $0xffff, v56  }
0x8c1: {  	v59 =	vor.u32 v24, v3;
	v38 =	vor.u32 v24, v0;
	v24 =	vld [tilespmem:$0x1FEF0];
	[tilespmem:v58+s19+$0x0] =	vst.idx.msk $0xffff, v4  }
0x8c2: {  	v40 =	vld [tilespmem:$0x1FA50];
	[tilespmem:v60+s19+$0x0] =	vst.idx.msk $0xffff, v5  }
0x8c3: {  	v7 =	vor.u32 v28, v0;
	v61 =	vor.u32 v22, v3;
	v28 =	vld [tilespmem:$0x1F7C0]  }
0x8c4: {  	v32 =	vld [tilespmem:$0x1FF80]  }
0x8c5: {  	v8 =	vld.idx.msk [tilespmem:v8+s14+$0x0], $0xffff;
	[tilespmem:v6+s19+$0x0] =	vst.idx.msk $0xffff, v13  }
0x8c6: {  	v4 =	vor.u32 v42, v0;
	v37 =	vor.u32 v63, v2;
	v45 =	vld [tilespmem:$0x1F4E0]  }
0x8c7: {  	v10 =	vld.idx.msk [tilespmem:v59+s14+$0x0], $0xffff;
	v39 =	vor.u32 v24, v2  }
0x8c8: {  	v43 =	vld.idx.msk [tilespmem:v61+s14+$0x0], $0xffff;
	v42 =	vor.u32 v40, v2  }
0x8c9: {  	v7 =	vld.idx.msk [tilespmem:v7+s14+$0x0], $0xffff;
	v5 =	vor.u32 v28, v3;
	v44 =	vor.u32 v32, v2  }
0x8ca: {  	v17 =	vld.idx.msk [tilespmem:v38+s14+$0x0], $0xffff  }
0x8cb: {  	v6 =	vor.u32 v63, v1;
	v4 =	vld.idx.msk [tilespmem:v4+s14+$0x0], $0xffff;
	v48 =	vor.u32 v45, v3;
	[tilespmem:v37+s19+$0x0] =	vst.idx.msk $0xffff, v15  }
0x8cc: {  	v49 =	vor.u32 v24, v1;
	v24 =	vld [tilespmem:$0x1F540];
	[tilespmem:v39+s19+$0x0] =	vst.idx.msk $0xffff, v8  }
0x8cd: {  	v8 =	vor.u32 v40, v1;
	v53 =	vld [tilespmem:$0x1F4F0];
	[tilespmem:v42+s19+$0x0] =	vst.idx.msk $0xffff, v10  }
0x8ce: {  	[tilespmem:v44+s19+$0x0] =	vst.idx.msk $0xffff, v43;
	v5 =	vld.idx.msk [tilespmem:v5+s14+$0x0], $0xffff  }
0x8cf: {  	v58 =	vld [tilespmem:$0x1F7D0]  }
0x8d0: {  	v55 =	vor.u32 v31, v1;
	v56 =	vor.u32 v28, v0;
	[tilespmem:v6+s19+$0x0] =	vst.idx.msk $0xffff, v14;
	v13 =	vld.idx.msk [tilespmem:v48+s14+$0x0], $0xffff  }
0x8d1: {  	v60 =	vld [tilespmem:$0x1F9B0];
	[tilespmem:v49+s19+$0x0] =	vst.idx.msk $0xffff, v7  }
0x8d2: {  	v57 =	vor.u32 v45, v0;
	v63 =	vld [tilespmem:$0x1FB30];
	[tilespmem:v8+s19+$0x0] =	vst.idx.msk $0xffff, v17  }
0x8d3: {  	v50 =	vor.u32 v24, v3;
	v28 =	vld [tilespmem:$0x1FF50]  }
0x8d4: {  	v54 =	vor.u32 v53, v3;
	v31 =	vld [tilespmem:$0x1F7E0]  }
0x8d5: {  	v7 =	vor.u32 v22, v0;
	v10 =	vld.idx.msk [tilespmem:v56+s14+$0x0], $0xffff;
	[tilespmem:v55+s19+$0x0] =	vst.idx.msk $0xffff, v4;
	v59 =	vor.u32 v58, v2  }
0x8d6: {  	v23 =	vld [tilespmem:$0x1F590];
	v61 =	vor.u32 v60, v2  }
0x8d7: {  	v11 =	vld.idx.msk [tilespmem:v57+s14+$0x0], $0xffff  }
0x8d8: {  	v6 =	vor.u32 v53, v0;
	v62 =	vld.idx.msk [tilespmem:v50+s14+$0x0], $0xffff;
	v35 =	vor.u32 v63, v2  }
0x8d9: {  	v8 =	vor.u32 v28, v2;
	v37 =	vor.u32 v31, v3;
	v18 =	vld.idx.msk [tilespmem:v54+s14+$0x0], $0xffff  }
0x8da: {  	v7 =	vld.idx.msk [tilespmem:v7+s14+$0x0], $0xffff;
	[tilespmem:v59+s19+$0x0] =	vst.idx.msk $0xffff, v5  }
0x8db: {  	v4 =	vor.u32 v58, v1;
	v38 =	vor.u32 v23, v3;
	v39 =	vld [tilespmem:$0x1F520];
	[tilespmem:v61+s19+$0x0] =	vst.idx.msk $0xffff, v13  }
0x8dc: {  	v42 =	vor.u32 v28, v1;
	v5 =	vor.u32 v60, v1;
	v28 =	vld [tilespmem:$0x1F530]  }
0x8dd: {  	v6 =	vld.idx.msk [tilespmem:v6+s14+$0x0], $0xffff;
	[tilespmem:v35+s19+$0x0] =	vst.idx.msk $0xffff, v62  }
0x8de: {  	[tilespmem:v8+s19+$0x0] =	vst.idx.msk $0xffff, v18;
	v17 =	vld.idx.msk [tilespmem:v37+s14+$0x0], $0xffff  }
0x8df: {  	v48 =	vld [tilespmem:$0x1F7F0]  }
0x8e0: {  	v44 =	vor.u32 v32, v1;
	v45 =	vor.u32 v31, v0;
	[tilespmem:v4+s19+$0x0] =	vst.idx.msk $0xffff, v10;
	v9 =	vld.idx.msk [tilespmem:v38+s14+$0x0], $0xffff  }
0x8e1: {  	v43 =	vor.u32 v28, v3;
	v4 =	vor.u32 v28, v0;
	v28 =	vld [tilespmem:$0x1FB40];
	[tilespmem:v5+s19+$0x0] =	vst.idx.msk $0xffff, v11  }
0x8e2: {  	v40 =	vor.u32 v39, v3;
	v5 =	vor.u32 v24, v0;
	v24 =	vld [tilespmem:$0x1FF00];
	[tilespmem:v42+s19+$0x0] =	vst.idx.msk $0xffff, v6  }
0x8e3: {  	v8 =	vor.u32 v39, v0;
	v31 =	vld [tilespmem:$0x1FF60]  }
0x8e4: {  	v32 =	vld [tilespmem:$0x1F5E0]  }
0x8e5: {  	v16 =	vld.idx.msk [tilespmem:v45+s14+$0x0], $0xffff;
	[tilespmem:v44+s19+$0x0] =	vst.idx.msk $0xffff, v7  }
0x8e6: {  	v49 =	vor.u32 v48, v2;
	v56 =	vld [tilespmem:$0x1F800]  }
0x8e7: {  	v12 =	vld.idx.msk [tilespmem:v40+s14+$0x0], $0xffff;
	v50 =	vor.u32 v28, v2  }
0x8e8: {  	v8 =	vld.idx.msk [tilespmem:v8+s14+$0x0], $0xffff;
	v53 =	vor.u32 v24, v2  }
0x8e9: {  	v54 =	vld.idx.msk [tilespmem:v43+s14+$0x0], $0xffff;
	v6 =	vor.u32 v31, v2;
	v55 =	vor.u32 v32, v3  }
0x8ea: {  	v4 =	vld.idx.msk [tilespmem:v4+s14+$0x0], $0xffff  }
0x8eb: {  	v7 =	vor.u32 v48, v1;
	v5 =	vld.idx.msk [tilespmem:v5+s14+$0x0], $0xffff;
	[tilespmem:v49+s19+$0x0] =	vst.idx.msk $0xffff, v17;
	v57 =	vor.u32 v56, v3  }
0x8ec: {  	v62 =	vor.u32 v63, v1;
	v58 =	vor.u32 v24, v1;
	v24 =	vld [tilespmem:$0x1F570];
	[tilespmem:v50+s19+$0x0] =	vst.idx.msk $0xffff, v9  }
0x8ed: {  	v60 =	vor.u32 v31, v1;
	v63 =	vor.u32 v56, v0;
	v31 =	vld [tilespmem:$0x1F580];
	[tilespmem:v53+s19+$0x0] =	vst.idx.msk $0xffff, v12  }
0x8ee: {  	[tilespmem:v6+s19+$0x0] =	vst.idx.msk $0xffff, v54;
	v33 =	vld.idx.msk [tilespmem:v55+s14+$0x0], $0xffff  }
0x8ef: {  	v21 =	vld [tilespmem:$0x1FB50]  }
0x8f0: {  	[tilespmem:v7+s19+$0x0] =	vst.idx.msk $0xffff, v16;
	v15 =	vld.idx.msk [tilespmem:v57+s14+$0x0], $0xffff  }
0x8f1: {  	v59 =	vor.u32 v24, v3;
	v35 =	vld [tilespmem:$0x1F810]  }
0x8f2: {  	[tilespmem:v58+s19+$0x0] =	vst.idx.msk $0xffff, v8;
	v12 =	vld.idx.msk [tilespmem:v63+s14+$0x0], $0xffff  }
0x8f3: {  	v6 =	vor.u32 v24, v0;
	v24 =	vld [tilespmem:$0x1F9C0]  }
0x8f4: {  	v61 =	vor.u32 v31, v3;
	v7 =	vor.u32 v31, v0;
	v31 =	vld [tilespmem:$0x1F780];
	[tilespmem:v60+s19+$0x0] =	vst.idx.msk $0xffff, v4  }
0x8f5: {  	v40 =	vld [tilespmem:$0x1FA60];
	v34 =	vor.u32 v21, v2  }
0x8f6: {  	[tilespmem:v62+s19+$0x0] =	vst.idx.msk $0xffff, v5;
	v38 =	vld.idx.msk [tilespmem:v59+s14+$0x0], $0xffff  }
0x8f7: {  	v4 =	vor.u32 v23, v0;
	v43 =	vld [tilespmem:$0x1F820];
	v37 =	vor.u32 v35, v2  }
0x8f8: {  	v6 =	vld.idx.msk [tilespmem:v6+s14+$0x0], $0xffff;
	v8 =	vor.u32 v24, v2  }
0x8f9: {  	v5 =	vor.u32 v35, v1;
	v10 =	vld.idx.msk [tilespmem:v61+s14+$0x0], $0xffff  }
0x8fa: {  	v39 =	vor.u32 v31, v3;
	v7 =	vld.idx.msk [tilespmem:v7+s14+$0x0], $0xffff;
	v42 =	vor.u32 v40, v2;
	[tilespmem:v34+s19+$0x0] =	vst.idx.msk $0xffff, v33  }
0x8fb: {  	v45 =	vor.u32 v24, v1;
	v24 =	vld [tilespmem:$0x1F5C0]  }
0x8fc: {  	v4 =	vld.idx.msk [tilespmem:v4+s14+$0x0], $0xffff;
	v44 =	vor.u32 v43, v3;
	[tilespmem:v37+s19+$0x0] =	vst.idx.msk $0xffff, v15  }
0x8fd: {  	v50 =	vld [tilespmem:$0x1F5D0];
	[tilespmem:v8+s19+$0x0] =	vst.idx.msk $0xffff, v38  }
0x8fe: {  	v22 =	vld [tilespmem:$0x1FF90];
	[tilespmem:v5+s19+$0x0] =	vst.idx.msk $0xffff, v12  }
0x8ff: {  	v49 =	vor.u32 v40, v1;
	v8 =	vor.u32 v43, v0;
	v54 =	vld.idx.msk [tilespmem:v39+s14+$0x0], $0xffff;
	[tilespmem:v42+s19+$0x0] =	vst.idx.msk $0xffff, v10  }
0x900: {  	v48 =	vor.u32 v24, v3;
	v57 =	vor.u32 v24, v0;
	v24 =	vld [tilespmem:$0x1F830]  }
0x901: {  	v11 =	vld.idx.msk [tilespmem:v44+s14+$0x0], $0xffff  }
0x902: {  	v56 =	vor.u32 v28, v1;
	v28 =	vld [tilespmem:$0x1F670];
	[tilespmem:v45+s19+$0x0] =	vst.idx.msk $0xffff, v6  }
0x903: {  	v53 =	vor.u32 v50, v3;
	v59 =	vld [tilespmem:$0x1F9D0];
	v55 =	vor.u32 v22, v2  }
0x904: {  	[tilespmem:v49+s19+$0x0] =	vst.idx.msk $0xffff, v7;
	v8 =	vld.idx.msk [tilespmem:v8+s14+$0x0], $0xffff  }
0x905: {  	v61 =	vld [tilespmem:$0x1FA70];
	v5 =	vor.u32 v24, v2  }
0x906: {  	v14 =	vld.idx.msk [tilespmem:v48+s14+$0x0], $0xffff  }
0x907: {  	v6 =	vor.u32 v50, v0;
	v10 =	vld.idx.msk [tilespmem:v57+s14+$0x0], $0xffff  }
0x908: {  	v58 =	vor.u32 v28, v3;
	v16 =	vld.idx.msk [tilespmem:v53+s14+$0x0], $0xffff;
	[tilespmem:v55+s19+$0x0] =	vst.idx.msk $0xffff, v54  }
0x909: {  	v63 =	vor.u32 v24, v1;
	v60 =	vor.u32 v59, v2;
	v24 =	vld [tilespmem:$0x1F840];
	[tilespmem:v56+s19+$0x0] =	vst.idx.msk $0xffff, v4  }
0x90a: {  	v7 =	vor.u32 v32, v0;
	v62 =	vor.u32 v61, v2;
	v38 =	vld [tilespmem:$0x1F610];
	[tilespmem:v5+s19+$0x0] =	vst.idx.msk $0xffff, v11  }
0x90b: {  	v34 =	vld [tilespmem:$0x1FB60]  }
0x90c: {  	v6 =	vld.idx.msk [tilespmem:v6+s14+$0x0], $0xffff;
	v4 =	vor.u32 v59, v1  }
0x90d: {  	v40 =	vld.idx.msk [tilespmem:v58+s14+$0x0], $0xffff  }
0x90e: {  	v33 =	vld [tilespmem:$0x1F620];
	[tilespmem:v60+s19+$0x0] =	vst.idx.msk $0xffff, v14;
	v37 =	vor.u32 v24, v3  }
0x90f: {  	v45 =	vor.u32 v21, v1;
	v7 =	vld.idx.msk [tilespmem:v7+s14+$0x0], $0xffff;
	[tilespmem:v62+s19+$0x0] =	vst.idx.msk $0xffff, v16;
	v44 =	vor.u32 v24, v0  }
0x910: {  	v21 =	vld [tilespmem:$0x1F6E0];
	[tilespmem:v63+s19+$0x0] =	vst.idx.msk $0xffff, v8;
	v39 =	vor.u32 v38, v3;
	v42 =	vor.u32 v34, v2  }
0x911: {  	v49 =	vld [tilespmem:$0x1F850];
	[tilespmem:v4+s19+$0x0] =	vst.idx.msk $0xffff, v10  }
0x912: {  	v43 =	vor.u32 v61, v1;
	v8 =	vor.u32 v38, v0;
	v24 =	vld [tilespmem:$0x1FF10]  }
0x913: {  	v18 =	vld.idx.msk [tilespmem:v37+s14+$0x0], $0xffff  }
0x914: {  	v14 =	vld.idx.msk [tilespmem:v44+s14+$0x0], $0xffff  }
0x915: {  	v5 =	vor.u32 v33, v3;
	v9 =	vld.idx.msk [tilespmem:v39+s14+$0x0], $0xffff;
	[tilespmem:v42+s19+$0x0] =	vst.idx.msk $0xffff, v40  }
0x916: {  	v54 =	vor.u32 v31, v0;
	v48 =	vor.u32 v21, v3;
	v31 =	vld [tilespmem:$0x1FF70]  }
0x917: {  	v4 =	vor.u32 v33, v0;
	v8 =	vld.idx.msk [tilespmem:v8+s14+$0x0], $0xffff;
	[tilespmem:v43+s19+$0x0] =	vst.idx.msk $0xffff, v6  }
0x918: {  	v50 =	vor.u32 v49, v2;
	v56 =	vld [tilespmem:$0x1F860];
	[tilespmem:v45+s19+$0x0] =	vst.idx.msk $0xffff, v7  }
0x919: {  	v53 =	vor.u32 v24, v2;
	v33 =	vld [tilespmem:$0x1FB70]  }
0x91a: {  	v5 =	vld.idx.msk [tilespmem:v5+s14+$0x0], $0xffff;
	v6 =	vor.u32 v49, v1  }
0x91b: {  	v59 =	vld.idx.msk [tilespmem:v48+s14+$0x0], $0xffff;
	v55 =	vor.u32 v31, v2  }
0x91c: {  	v4 =	vld.idx.msk [tilespmem:v4+s14+$0x0], $0xffff  }
0x91d: {  	v61 =	vor.u32 v24, v1;
	v58 =	vld [tilespmem:$0x1F650];
	[tilespmem:v50+s19+$0x0] =	vst.idx.msk $0xffff, v18;
	v57 =	vor.u32 v56, v3  }
0x91e: {  	v24 =	vld [tilespmem:$0x1F660];
	[tilespmem:v53+s19+$0x0] =	vst.idx.msk $0xffff, v9;
	v37 =	vor.u32 v56, v0;
	v60 =	vor.u32 v33, v2  }
0x91f: {  	v63 =	vor.u32 v31, v1;
	v31 =	vld [tilespmem:$0x1F790];
	[tilespmem:v6+s19+$0x0] =	vst.idx.msk $0xffff, v14  }
0x920: {  	v11 =	vld.idx.msk [tilespmem:v54+s14+$0x0], $0xffff;
	[tilespmem:v55+s19+$0x0] =	vst.idx.msk $0xffff, v5  }
0x921: {  	v38 =	vld [tilespmem:$0x1F870]  }
0x922: {  	v13 =	vld.idx.msk [tilespmem:v57+s14+$0x0], $0xffff  }
0x923: {  	v7 =	vor.u32 v58, v3;
	v5 =	vor.u32 v22, v1;
	v12 =	vld.idx.msk [tilespmem:v37+s14+$0x0], $0xffff;
	[tilespmem:v60+s19+$0x0] =	vst.idx.msk $0xffff, v59  }
0x924: {  	v42 =	vld [tilespmem:$0x1F9E0];
	[tilespmem:v61+s19+$0x0] =	vst.idx.msk $0xffff, v8  }
0x925: {  	v62 =	vor.u32 v24, v3;
	v40 =	vor.u32 v24, v0;
	v24 =	vld [tilespmem:$0x1FA80];
	[tilespmem:v63+s19+$0x0] =	vst.idx.msk $0xffff, v4  }
0x926: {  	v6 =	vor.u32 v58, v0;
	v8 =	vor.u32 v28, v0;
	v28 =	vld [tilespmem:$0x1F880]  }
0x927: {  	v35 =	vor.u32 v31, v3;
	v32 =	vld [tilespmem:$0x1FFA0]  }
0x928: {  	v7 =	vld.idx.msk [tilespmem:v7+s14+$0x0], $0xffff;
	[tilespmem:v5+s19+$0x0] =	vst.idx.msk $0xffff, v11;
	v39 =	vor.u32 v38, v2  }
0x929: {  	v49 =	vld [tilespmem:$0x1F6C0];
	v43 =	vor.u32 v42, v2  }
0x92a: {  	v18 =	vld.idx.msk [tilespmem:v62+s14+$0x0], $0xffff  }
0x92b: {  	v6 =	vld.idx.msk [tilespmem:v6+s14+$0x0], $0xffff;
	v44 =	vor.u32 v24, v2  }
0x92c: {  	v45 =	vld.idx.msk [tilespmem:v35+s14+$0x0], $0xffff;
	v4 =	vor.u32 v28, v3;
	v48 =	vor.u32 v32, v2  }
0x92d: {  	v15 =	vld.idx.msk [tilespmem:v40+s14+$0x0], $0xffff;
	[tilespmem:v39+s19+$0x0] =	vst.idx.msk $0xffff, v13  }
0x92e: {  	v5 =	vor.u32 v38, v1;
	v50 =	vor.u32 v49, v3;
	v23 =	vld [tilespmem:$0x1F740];
	[tilespmem:v43+s19+$0x0] =	vst.idx.msk $0xffff, v7  }
0x92f: {  	v53 =	vor.u32 v42, v1;
	v7 =	vor.u32 v24, v1;
	v24 =	vld [tilespmem:$0x1F6D0]  }
0x930: {  	v8 =	vld.idx.msk [tilespmem:v8+s14+$0x0], $0xffff;
	[tilespmem:v44+s19+$0x0] =	vst.idx.msk $0xffff, v18  }
0x931: {  	[tilespmem:v48+s19+$0x0] =	vst.idx.msk $0xffff, v45;
	v4 =	vld.idx.msk [tilespmem:v4+s14+$0x0], $0xffff  }
0x932: {  	v59 =	vld [tilespmem:$0x1F890]  }
0x933: {  	v56 =	vor.u32 v34, v1;
	v57 =	vor.u32 v28, v0;
	[tilespmem:v5+s19+$0x0] =	vst.idx.msk $0xffff, v12;
	v11 =	vld.idx.msk [tilespmem:v50+s14+$0x0], $0xffff  }
0x934: {  	v55 =	vor.u32 v24, v3;
	v5 =	vor.u32 v24, v0;
	v24 =	vld [tilespmem:$0x1F9F0];
	[tilespmem:v53+s19+$0x0] =	vst.idx.msk $0xffff, v6  }
0x935: {  	v58 =	vor.u32 v49, v0;
	v6 =	vor.u32 v21, v0;
	v21 =	vld [tilespmem:$0x1FB80];
	[tilespmem:v7+s19+$0x0] =	vst.idx.msk $0xffff, v15  }
0x936: {  	v54 =	vor.u32 v23, v3;
	v28 =	vld [tilespmem:$0x1FA90]  }
0x937: {  	v60 =	vor.u32 v59, v2;
	v37 =	vld [tilespmem:$0x1F8A0]  }
0x938: {  	v18 =	vld.idx.msk [tilespmem:v57+s14+$0x0], $0xffff;
	[tilespmem:v56+s19+$0x0] =	vst.idx.msk $0xffff, v8  }
0x939: {  	v22 =	vld [tilespmem:$0x1F760];
	v61 =	vor.u32 v24, v2  }
0x93a: {  	v9 =	vld.idx.msk [tilespmem:v58+s14+$0x0], $0xffff  }
0x93b: {  	v62 =	vld.idx.msk [tilespmem:v54+s14+$0x0], $0xffff;
	v63 =	vor.u32 v21, v2  }
0x93c: {  	v16 =	vld.idx.msk [tilespmem:v55+s14+$0x0], $0xffff;
	v7 =	vor.u32 v28, v2;
	v38 =	vor.u32 v37, v3;
	[tilespmem:v60+s19+$0x0] =	vst.idx.msk $0xffff, v4  }
0x93d: {  	v4 =	vor.u32 v24, v1;
	v24 =	vld [tilespmem:$0x1F730]  }
0x93e: {  	v8 =	vor.u32 v59, v1;
	v5 =	vld.idx.msk [tilespmem:v5+s14+$0x0], $0xffff;
	v39 =	vor.u32 v22, v3;
	[tilespmem:v61+s19+$0x0] =	vst.idx.msk $0xffff, v11  }
0x93f: {  	v42 =	vor.u32 v28, v1;
	v28 =	vld [tilespmem:$0x1F3D0]  }
0x940: {  	v6 =	vld.idx.msk [tilespmem:v6+s14+$0x0], $0xffff;
	[tilespmem:v63+s19+$0x0] =	vst.idx.msk $0xffff, v62  }
0x941: {  	[tilespmem:v7+s19+$0x0] =	vst.idx.msk $0xffff, v16;
	v15 =	vld.idx.msk [tilespmem:v38+s14+$0x0], $0xffff  }
0x942: {  	v40 =	vor.u32 v24, v3;
	v7 =	vor.u32 v24, v0;
	v24 =	vld [tilespmem:$0x1F8B0]  }
0x943: {  	v45 =	vor.u32 v37, v0;
	[tilespmem:v8+s19+$0x0] =	vst.idx.msk $0xffff, v18;
	v17 =	vld.idx.msk [tilespmem:v39+s14+$0x0], $0xffff  }
0x944: {  	v43 =	vor.u32 v28, v3;
	v8 =	vor.u32 v28, v0;
	v28 =	vld [tilespmem:$0x1FFB0];
	[tilespmem:v4+s19+$0x0] =	vst.idx.msk $0xffff, v9  }
0x945: {  	v44 =	vor.u32 v33, v1;
	v54 =	vld [tilespmem:$0x1FA00];
	[tilespmem:v42+s19+$0x0] =	vst.idx.msk $0xffff, v5  }
0x946: {  	v58 =	vld [tilespmem:$0x1FAA0]  }
0x947: {  	v34 =	vld [tilespmem:$0x1F770]  }
0x948: {  	v14 =	vld.idx.msk [tilespmem:v45+s14+$0x0], $0xffff  }
0x949: {  	v4 =	vor.u32 v31, v0;
	v60 =	vor.u32 v24, v2;
	v10 =	vld.idx.msk [tilespmem:v40+s14+$0x0], $0xffff  }
0x94a: {  	[tilespmem:v44+s19+$0x0] =	vst.idx.msk $0xffff, v6;
	v7 =	vld.idx.msk [tilespmem:v7+s14+$0x0], $0xffff;
	v61 =	vor.u32 v28, v2  }
0x94b: {  	v49 =	vld [tilespmem:$0x1F8C0];
	v62 =	vor.u32 v54, v2  }
0x94c: {  	v63 =	vld.idx.msk [tilespmem:v43+s14+$0x0], $0xffff;
	v5 =	vor.u32 v58, v2;
	v33 =	vor.u32 v34, v3  }
0x94d: {  	v6 =	vor.u32 v24, v1;
	v8 =	vld.idx.msk [tilespmem:v8+s14+$0x0], $0xffff  }
0x94e: {  	v4 =	vld.idx.msk [tilespmem:v4+s14+$0x0], $0xffff;
	v39 =	vor.u32 v54, v1;
	[tilespmem:v60+s19+$0x0] =	vst.idx.msk $0xffff, v15  }
0x94f: {  	v42 =	vor.u32 v58, v1;
	v43 =	vld [tilespmem:$0x1F3C0];
	[tilespmem:v61+s19+$0x0] =	vst.idx.msk $0xffff, v17  }
0x950: {  	v55 =	vld [tilespmem:$0x1F3B0];
	[tilespmem:v62+s19+$0x0] =	vst.idx.msk $0xffff, v10  }
0x951: {  	v35 =	vor.u32 v49, v3;
	[tilespmem:v5+s19+$0x0] =	vst.idx.msk $0xffff, v63;
	v11 =	vld.idx.msk [tilespmem:v33+s14+$0x0], $0xffff  }
0x952: {  	v53 =	vld [tilespmem:$0x1FFC0];
	[tilespmem:v6+s19+$0x0] =	vst.idx.msk $0xffff, v14  }
0x953: {  	v10 =	vor.u32 v49, v0;
	v50 =	vld [tilespmem:$0x1F8D0];
	[tilespmem:v39+s19+$0x0] =	vst.idx.msk $0xffff, v7  }
0x954: {  	v40 =	vor.u32 v43, v3;
	v62 =	vld [tilespmem:$0x1FA10];
	[tilespmem:v42+s19+$0x0] =	vst.idx.msk $0xffff, v8  }
0x955: {  	v45 =	vor.u32 v32, v1;
	v44 =	vor.u32 v55, v3;
	v33 =	vld [tilespmem:$0x1FAB0]  }
0x956: {  	v13 =	vld.idx.msk [tilespmem:v35+s14+$0x0], $0xffff  }
0x957: {  	v5 =	vor.u32 v43, v0;
	v56 =	vld [tilespmem:$0x1F8E0];
	v37 =	vor.u32 v53, v2  }
0x958: {  	v10 =	vld.idx.msk [tilespmem:v10+s14+$0x0], $0xffff;
	v38 =	vor.u32 v50, v2  }
0x959: {  	v16 =	vld.idx.msk [tilespmem:v40+s14+$0x0], $0xffff;
	v39 =	vor.u32 v62, v2  }
0x95a: {  	v7 =	vor.u32 v23, v0;
	[tilespmem:v45+s19+$0x0] =	vst.idx.msk $0xffff, v4;
	v8 =	vor.u32 v33, v2;
	v18 =	vld.idx.msk [tilespmem:v44+s14+$0x0], $0xffff  }
0x95b: {  	v45 =	vld [tilespmem:$0x1F3A0]  }
0x95c: {  	v6 =	vor.u32 v55, v0;
	v5 =	vld.idx.msk [tilespmem:v5+s14+$0x0], $0xffff;
	v4 =	vor.u32 v50, v1;
	[tilespmem:v37+s19+$0x0] =	vst.idx.msk $0xffff, v11  }
0x95d: {  	v32 =	vor.u32 v62, v1;
	v59 =	vld [tilespmem:$0x1F380];
	[tilespmem:v38+s19+$0x0] =	vst.idx.msk $0xffff, v13  }
0x95e: {  	[tilespmem:v39+s19+$0x0] =	vst.idx.msk $0xffff, v16  }
0x95f: {  	v7 =	vld.idx.msk [tilespmem:v7+s14+$0x0], $0xffff;
	v40 =	vor.u32 v56, v3;
	[tilespmem:v8+s19+$0x0] =	vst.idx.msk $0xffff, v18  }
0x960: {  	v42 =	vor.u32 v45, v3;
	v60 =	vld [tilespmem:$0x1FEB0]  }
0x961: {  	v44 =	vor.u32 v33, v1;
	v48 =	vor.u32 v56, v0;
	v6 =	vld.idx.msk [tilespmem:v6+s14+$0x0], $0xffff;
	[tilespmem:v4+s19+$0x0] =	vst.idx.msk $0xffff, v10  }
0x962: {  	v63 =	vld [tilespmem:$0x1FA20];
	[tilespmem:v32+s19+$0x0] =	vst.idx.msk $0xffff, v5  }
0x963: {  	v35 =	vor.u32 v59, v3;
	v37 =	vld [tilespmem:$0x1FAC0]  }
0x964: {  	v57 =	vor.u32 v21, v1;
	v21 =	vor.u32 v45, v0;
	v17 =	vld.idx.msk [tilespmem:v40+s14+$0x0], $0xffff  }
0x965: {  	v9 =	vld.idx.msk [tilespmem:v42+s14+$0x0], $0xffff;
	v23 =	vor.u32 v60, v2  }
0x966: {  	v14 =	vld.idx.msk [tilespmem:v48+s14+$0x0], $0xffff;
	[tilespmem:v44+s19+$0x0] =	vst.idx.msk $0xffff, v6;
	v6 =	vor.u32 v60, v1  }
0x967: {  	v4 =	vor.u32 v22, v0;
	v61 =	vld [tilespmem:$0x1F390];
	v40 =	vor.u32 v63, v2  }
0x968: {  	v8 =	vor.u32 v59, v0;
	v5 =	vor.u32 v37, v2;
	v12 =	vld.idx.msk [tilespmem:v35+s14+$0x0], $0xffff  }
0x969: {  	v48 =	vld.idx.msk [tilespmem:v21+s14+$0x0], $0xffff;
	[tilespmem:v57+s19+$0x0] =	vst.idx.msk $0xffff, v7;
	v7 =	vor.u32 v63, v1  }
0x96a: {  	v35 =	vld [tilespmem:$0x1F370];
	[tilespmem:v23+s19+$0x0] =	vst.idx.msk $0xffff, v17  }
0x96b: {  	v42 =	vor.u32 v47, v3;
	[tilespmem:v6+s19+$0x0] =	vst.idx.msk $0xffff, v14  }
0x96c: {  	v4 =	vld.idx.msk [tilespmem:v4+s14+$0x0], $0xffff;
	v44 =	vor.u32 v61, v3;
	[tilespmem:v40+s19+$0x0] =	vst.idx.msk $0xffff, v9  }
0x96d: {  	v21 =	vor.u32 v47, v0;
	v8 =	vld.idx.msk [tilespmem:v8+s14+$0x0], $0xffff;
	[tilespmem:v5+s19+$0x0] =	vst.idx.msk $0xffff, v12  }
0x96e: {  	v20 =	vor.u32 v37, v1;
	v57 =	vld [tilespmem:$0x1FA30];
	[tilespmem:v7+s19+$0x0] =	vst.idx.msk $0xffff, v48  }
0x96f: {  	v3 =	vor.u32 v35, v3;
	v38 =	vld [tilespmem:$0x1FAD0]  }
0x970: {  	v22 =	vor.u32 v28, v1;
	v23 =	vld.idx.msk [tilespmem:v42+s14+$0x0], $0xffff  }
0x971: {  	v5 =	vor.u32 v19, v2;
	v40 =	vld.idx.msk [tilespmem:v44+s14+$0x0], $0xffff  }
0x972: {  	v42 =	vor.u32 v19, v1;
	v7 =	vor.u32 v61, v0;
	v44 =	vld.idx.msk [tilespmem:v21+s14+$0x0], $0xffff  }
0x973: {  	[tilespmem:v20+s19+$0x0] =	vst.idx.msk $0xffff, v8;
	v8 =	vor.u32 v35, v0;
	v6 =	vor.u32 v57, v2  }
0x974: {  	v48 =	vor.u32 v34, v0;
	v3 =	vld.idx.msk [tilespmem:v3+s14+$0x0], $0xffff;
	v2 =	vor.u32 v38, v2  }
0x975: {  	[tilespmem:v22+s19+$0x0] =	vst.idx.msk $0xffff, v4  }
0x976: {  	[tilespmem:v5+s19+$0x0] =	vst.idx.msk $0xffff, v23  }
0x977: {  	v0 =	vld.idx.msk [tilespmem:v7+s14+$0x0], $0xffff;
	[tilespmem:v42+s19+$0x0] =	vst.idx.msk $0xffff, v44  }
0x978: {  	v32 =	vmov v19;
	v4 =	vor.u32 v57, v1;
	v5 =	vld.idx.msk [tilespmem:v8+s14+$0x0], $0xffff;
	[tilespmem:v6+s19+$0x0] =	vst.idx.msk $0xffff, v40  }
0x979: {  	s30 =	simm.s32 $0x0;
	s31 =	simm.s32 $0x30;
	v6 =	vld.idx.msk [tilespmem:v48+s14+$0x0], $0xffff;
	[tilespmem:v2+s19+$0x0] =	vst.idx.msk $0xffff, v3;
	v2 =	vor.u32 v38, v1;
	v3 =	vor.u32 v53, v1  }
.LBB2_15:
0x97a: {  	v24 =	vld [tilespmem:$0x1FEE0]  }
0x97b: {  	v28 =	vld [tilespmem:$0x1FF20]  }
0x97c: {  	v7 =	vor.u32 s31, v25;
	v44 =	vld [tilespmem:$0x1FF30]  }
0x97d: {  	v42 =	vld [tilespmem:$0x1FAF0];
	v1 =	vshll.u32 v7, $0x6  }
0x97e: {  	s0 =	sadd.s32 $0xFFFFFFF0, s31;
	v39 =	vld [tilespmem:$0x1FFF0];
	[tilespmem:v2+s19+$0x0] =	vst.idx.msk $0xffff, v5;
	v5 =	vor.u32 v25, v1  }
0x97f: {  	v48 =	vld [tilespmem:$0x1F420];
	[tilespmem:v4+s19+$0x0] =	vst.idx.msk $0xffff, v0;
	v4 =	vor.u32 s0, v25;
	v0 =	vand.u32 $0x78, v7;
	v7 =	vor.u32 v26, v1  }
0x980: {  	v40 =	vld [tilespmem:$0x1F440];
	v12 =	vor.u32 v36, v1;
	v2 =	vshll.u32 v4, $0x6  }
0x981: {  	[tilespmem:v3+s19+$0x0] =	vst.idx.msk $0xffff, v6;
	v6 =	vor.u32 v25, v2;
	v9 =	vor.u32 v36, v2;
	v25 =	vld [tilespmem:$0x1FAE0]  }
0x982: {  	v20 =	vor.u32 v52, v1;
	v16 =	vor.u32 v52, v2;
	v52 =	vld [tilespmem:$0x1F910]  }
0x983: {  	v8 =	vor.u32 v26, v2;
	v5 =	vld.idx.msk [tilespmem:v5+s14+$0x0], $0xffff  }
0x984: {  	v10 =	vor.u32 v29, v2;
	v7 =	vld.idx.msk [tilespmem:v7+s14+$0x0], $0xffff  }
0x985: {  	v11 =	vor.u32 v29, v1;
	v21 =	vor.u32 v27, v1;
	v12 =	vld.idx.msk [tilespmem:v12+s14+$0x0], $0xffff  }
0x986: {  	v22 =	vor.u32 v41, v1;
	v13 =	vor.u32 v51, v0;
	v3 =	vand.u32 $0x68, v4;
	v4 =	vld.idx.msk [tilespmem:v9+s14+$0x0], $0xffff  }
0x987: {  	v14 =	vor.u32 v24, v0;
	v15 =	vor.u32 v28, v0;
	v17 =	vor.u32 v27, v2;
	v6 =	vld.idx.msk [tilespmem:v6+s14+$0x0], $0xffff  }
0x988: {  	v19 =	vor.u32 v30, v2;
	v23 =	vor.u32 v51, v3;
	v24 =	vor.u32 v24, v3;
	v8 =	vld.idx.msk [tilespmem:v8+s14+$0x0], $0xffff  }
0x989: {  	v27 =	vor.u32 v28, v3;
	v28 =	vor.u32 v41, v2;
	v41 =	vor.u32 v44, v0;
	v10 =	vld.idx.msk [tilespmem:v10+s14+$0x0], $0xffff  }
0x98a: {  	v18 =	vor.u32 v25, v0;
	v9 =	vor.u32 v30, v1;
	v30 =	vor.u32 v44, v3;
	v44 =	vld [tilespmem:$0x1FE60]  }
0x98b: {  	v25 =	vor.u32 v25, v3;
	v29 =	vor.u32 v52, v3;
	[tilespmem:v13+s19+$0x0] =	vst.idx.msk $0xffff, v5;
	v5 =	vld.idx.msk [tilespmem:v11+s14+$0x0], $0xffff  }
0x98c: {  	v36 =	vor.u32 v52, v0;
	v52 =	vor.u32 v39, v2;
	v13 =	vor.u32 v39, v1;
	v39 =	vld [tilespmem:$0x1FE70]  }
0x98d: {  	v31 =	vor.u32 v46, v0;
	v26 =	vor.u32 v46, v3;
	[tilespmem:v14+s19+$0x0] =	vst.idx.msk $0xffff, v7;
	v7 =	vld.idx.msk [tilespmem:v20+s14+$0x0], $0xffff  }
0x98e: {  	v46 =	vor.u32 v42, v0;
	[tilespmem:v24+s19+$0x0] =	vst.idx.msk $0xffff, v8;
	v8 =	vor.u32 v42, v3;
	v42 =	vld [tilespmem:$0x1FE10]  }
0x98f: {  	v11 =	vor.u32 v48, v2;
	[tilespmem:v23+s19+$0x0] =	vst.idx.msk $0xffff, v6;
	v23 =	vor.u32 v48, v1;
	v48 =	vld [tilespmem:$0x1FA40]  }
0x990: {  	v51 =	vor.u32 v44, v2;
	[tilespmem:v25+s19+$0x0] =	vst.idx.msk $0xffff, v4;
	v4 =	vor.u32 v44, v1;
	v44 =	vld [tilespmem:$0x1F470]  }
0x991: {  	v6 =	vld.idx.msk [tilespmem:v28+s14+$0x0], $0xffff  }
0x992: {  	v16 =	vld.idx.msk [tilespmem:v16+s14+$0x0], $0xffff  }
0x993: {  	v28 =	vld [tilespmem:$0x1F430]  }
0x994: {  	[tilespmem:v27+s19+$0x0] =	vst.idx.msk $0xffff, v10;
	v17 =	vld.idx.msk [tilespmem:v17+s14+$0x0], $0xffff  }
0x995: {  	[tilespmem:v18+s19+$0x0] =	vst.idx.msk $0xffff, v12;
	v19 =	vld.idx.msk [tilespmem:v19+s14+$0x0], $0xffff  }
0x996: {  	v22 =	vld.idx.msk [tilespmem:v22+s14+$0x0], $0xffff  }
0x997: {  	[tilespmem:v15+s19+$0x0] =	vst.idx.msk $0xffff, v5;
	v5 =	vld.idx.msk [tilespmem:v21+s14+$0x0], $0xffff  }
0x998: {  	v25 =	vor.u32 v39, v3;
	v14 =	vor.u32 v39, v0;
	v39 =	vld [tilespmem:$0x1FB00]  }
0x999: {  	[tilespmem:v31+s19+$0x0] =	vst.idx.msk $0xffff, v7;
	v27 =	vor.u32 v42, v3;
	v20 =	vor.u32 v42, v0;
	v42 =	vld [tilespmem:$0x1FE80]  }
0x99a: {  	v4 =	vld.idx.msk [tilespmem:v4+s14+$0x0], $0xffff  }
0x99b: {  	v15 =	vor.u32 v48, v0;
	v24 =	vor.u32 v28, v1;
	[tilespmem:v8+s19+$0x0] =	vst.idx.msk $0xffff, v6;
	v6 =	vld.idx.msk [tilespmem:v9+s14+$0x0], $0xffff  }
0x99c: {  	v10 =	vor.u32 v28, v2;
	v28 =	vor.u32 v48, v3;
	[tilespmem:v26+s19+$0x0] =	vst.idx.msk $0xffff, v16;
	v48 =	vld [tilespmem:$0x1F450]  }
0x99d: {  	v21 =	vor.u32 v40, v2;
	[tilespmem:v29+s19+$0x0] =	vst.idx.msk $0xffff, v17;
	v17 =	vor.u32 v40, v1;
	v40 =	vld [tilespmem:$0x1FF40]  }
0x99e: {  	v26 =	vld.idx.msk [tilespmem:v51+s14+$0x0], $0xffff  }
0x99f: {  	[tilespmem:v30+s19+$0x0] =	vst.idx.msk $0xffff, v19;
	v51 =	vld.idx.msk [tilespmem:v52+s14+$0x0], $0xffff  }
0x9a0: {  	v11 =	vld.idx.msk [tilespmem:v11+s14+$0x0], $0xffff  }
0x9a1: {  	v12 =	vor.u32 v39, v0;
	v16 =	vor.u32 v39, v3;
	v39 =	vld [tilespmem:$0x1F460]  }
0x9a2: {  	v9 =	vld.idx.msk [tilespmem:v10+s14+$0x0], $0xffff  }
0x9a3: {  	[tilespmem:v46+s19+$0x0] =	vst.idx.msk $0xffff, v22;
	v18 =	vor.u32 v42, v2;
	v10 =	vor.u32 v42, v1;
	v42 =	vld [tilespmem:$0x1FE90]  }
0x9a4: {  	[tilespmem:v36+s19+$0x0] =	vst.idx.msk $0xffff, v5;
	v8 =	vor.u32 v48, v2;
	v29 =	vor.u32 v48, v1;
	v48 =	vld [tilespmem:$0x1F960]  }
0x9a5: {  	[tilespmem:v41+s19+$0x0] =	vst.idx.msk $0xffff, v6;
	v6 =	vld.idx.msk [tilespmem:v13+s14+$0x0], $0xffff  }
0x9a6: {  	v24 =	vld.idx.msk [tilespmem:v24+s14+$0x0], $0xffff  }
0x9a7: {  	v23 =	vld.idx.msk [tilespmem:v23+s14+$0x0], $0xffff  }
0x9a8: {  	[tilespmem:v27+s19+$0x0] =	vst.idx.msk $0xffff, v51;
	v51 =	vld [tilespmem:$0x1F490]  }
0x9a9: {  	v41 =	vor.u32 v44, v2;
	[tilespmem:v28+s19+$0x0] =	vst.idx.msk $0xffff, v11;
	v11 =	vor.u32 v44, v1;
	v44 =	vld [tilespmem:$0x1FF00]  }
0x9aa: {  	v19 =	vor.u32 v39, v2;
	v7 =	vor.u32 v39, v1;
	v39 =	vld [tilespmem:$0x1FB10]  }
0x9ab: {  	[tilespmem:v25+s19+$0x0] =	vst.idx.msk $0xffff, v26;
	v21 =	vld.idx.msk [tilespmem:v21+s14+$0x0], $0xffff  }
0x9ac: {  	v18 =	vld.idx.msk [tilespmem:v18+s14+$0x0], $0xffff  }
0x9ad: {  	v30 =	vor.u32 v42, v3;
	v5 =	vor.u32 v42, v0;
	v42 =	vld [tilespmem:$0x1F7A0]  }
0x9ae: {  	v31 =	vor.u32 v48, v3;
	v36 =	vor.u32 v48, v0;
	v48 =	vld [tilespmem:$0x1F480]  }
0x9af: {  	[tilespmem:v14+s19+$0x0] =	vst.idx.msk $0xffff, v4;
	v8 =	vld.idx.msk [tilespmem:v8+s14+$0x0], $0xffff  }
0x9b0: {  	v52 =	vor.u32 v40, v3;
	[tilespmem:v16+s19+$0x0] =	vst.idx.msk $0xffff, v9;
	v9 =	vor.u32 v40, v0;
	v40 =	vld [tilespmem:$0x1FA50]  }
0x9b1: {  	[tilespmem:v20+s19+$0x0] =	vst.idx.msk $0xffff, v6;
	v6 =	vld.idx.msk [tilespmem:v10+s14+$0x0], $0xffff  }
0x9b2: {  	v17 =	vld.idx.msk [tilespmem:v17+s14+$0x0], $0xffff  }
0x9b3: {  	v19 =	vld.idx.msk [tilespmem:v19+s14+$0x0], $0xffff  }
0x9b4: {  	[tilespmem:v15+s19+$0x0] =	vst.idx.msk $0xffff, v23;
	v13 =	vor.u32 v39, v0;
	v25 =	vor.u32 v39, v3;
	v39 =	vld [tilespmem:$0x1FEF0]  }
0x9b5: {  	[tilespmem:v12+s19+$0x0] =	vst.idx.msk $0xffff, v24;
	v24 =	vld.idx.msk [tilespmem:v29+s14+$0x0], $0xffff  }
0x9b6: {  	v7 =	vld.idx.msk [tilespmem:v7+s14+$0x0], $0xffff  }
0x9b7: {  	v16 =	vor.u32 v42, v2;
	v27 =	vor.u32 v42, v1;
	v42 =	vld [tilespmem:$0x1F7B0]  }
0x9b8: {  	[tilespmem:v30+s19+$0x0] =	vst.idx.msk $0xffff, v18;
	v30 =	vld [tilespmem:$0x1F4E0]  }
0x9b9: {  	v22 =	vor.u32 v48, v2;
	v28 =	vor.u32 v48, v1;
	v48 =	vld [tilespmem:$0x1F500]  }
0x9ba: {  	v26 =	vor.u32 v51, v2;
	[tilespmem:v31+s19+$0x0] =	vst.idx.msk $0xffff, v21;
	v31 =	vld [tilespmem:$0x1F4F0]  }
0x9bb: {  	v4 =	vor.u32 v51, v1;
	v51 =	vor.u32 v40, v3;
	v15 =	vor.u32 v40, v0;
	v40 =	vld [tilespmem:$0x1FF50]  }
0x9bc: {  	v41 =	vld.idx.msk [tilespmem:v41+s14+$0x0], $0xffff  }
0x9bd: {  	[tilespmem:v36+s19+$0x0] =	vst.idx.msk $0xffff, v17;
	v36 =	vld [tilespmem:$0x1F7E0]  }
0x9be: {  	v14 =	vor.u32 v39, v3;
	[tilespmem:v25+s19+$0x0] =	vst.idx.msk $0xffff, v19;
	v19 =	vor.u32 v39, v0;
	v39 =	vld [tilespmem:$0x1F540]  }
0x9bf: {  	v11 =	vld.idx.msk [tilespmem:v11+s14+$0x0], $0xffff  }
0x9c0: {  	v20 =	vld.idx.msk [tilespmem:v26+s14+$0x0], $0xffff  }
0x9c1: {  	[tilespmem:v13+s19+$0x0] =	vst.idx.msk $0xffff, v7;
	v26 =	vld [tilespmem:$0x1FB20]  }
0x9c2: {  	v4 =	vld.idx.msk [tilespmem:v4+s14+$0x0], $0xffff  }
0x9c3: {  	v46 =	vor.u32 v42, v3;
	v10 =	vor.u32 v42, v0;
	v42 =	vld [tilespmem:$0x1F7C0]  }
0x9c4: {  	[tilespmem:v52+s19+$0x0] =	vst.idx.msk $0xffff, v8;
	v16 =	vld.idx.msk [tilespmem:v16+s14+$0x0], $0xffff  }
0x9c5: {  	[tilespmem:v5+s19+$0x0] =	vst.idx.msk $0xffff, v6;
	v18 =	vor.u32 v48, v2;
	v5 =	vor.u32 v48, v1;
	v48 =	vld [tilespmem:$0x1F9B0]  }
0x9c6: {  	v22 =	vld.idx.msk [tilespmem:v22+s14+$0x0], $0xffff  }
0x9c7: {  	[tilespmem:v9+s19+$0x0] =	vst.idx.msk $0xffff, v24;
	v27 =	vld.idx.msk [tilespmem:v27+s14+$0x0], $0xffff  }
0x9c8: {  	v12 =	vor.u32 v30, v2;
	v21 =	vor.u32 v31, v2;
	v8 =	vor.u32 v30, v1;
	v28 =	vld.idx.msk [tilespmem:v28+s14+$0x0], $0xffff  }
0x9c9: {  	v52 =	vor.u32 v40, v3;
	v9 =	vor.u32 v40, v0;
	v40 =	vld [tilespmem:$0x1FA60];
	[tilespmem:v14+s19+$0x0] =	vst.idx.msk $0xffff, v41  }
0x9ca: {  	[tilespmem:v19+s19+$0x0] =	vst.idx.msk $0xffff, v11;
	v25 =	vor.u32 v42, v2;
	v29 =	vor.u32 v42, v1;
	v42 =	vld [tilespmem:$0x1F7D0]  }
0x9cb: {  	v30 =	vor.u32 v31, v1;
	v23 =	vor.u32 v26, v0;
	[tilespmem:v46+s19+$0x0] =	vst.idx.msk $0xffff, v16;
	v46 =	vld [tilespmem:$0x1F520]  }
0x9cc: {  	v26 =	vor.u32 v26, v3;
	v6 =	vor.u32 v48, v3;
	v17 =	vor.u32 v48, v0;
	v48 =	vld [tilespmem:$0x1F530]  }
0x9cd: {  	[tilespmem:v51+s19+$0x0] =	vst.idx.msk $0xffff, v22;
	v12 =	vld.idx.msk [tilespmem:v12+s14+$0x0], $0xffff  }
0x9ce: {  	[tilespmem:v10+s19+$0x0] =	vst.idx.msk $0xffff, v27;
	v8 =	vld.idx.msk [tilespmem:v8+s14+$0x0], $0xffff  }
0x9cf: {  	[tilespmem:v15+s19+$0x0] =	vst.idx.msk $0xffff, v28;
	v10 =	vld.idx.msk [tilespmem:v21+s14+$0x0], $0xffff  }
0x9d0: {  	v28 =	vld.idx.msk [tilespmem:v30+s14+$0x0], $0xffff  }
0x9d1: {  	v30 =	vld [tilespmem:$0x1F580];
	[tilespmem:v26+s19+$0x0] =	vst.idx.msk $0xffff, v20  }
0x9d2: {  	v18 =	vld.idx.msk [tilespmem:v18+s14+$0x0], $0xffff  }
0x9d3: {  	v31 =	vor.u32 v42, v3;
	v20 =	vor.u32 v42, v0;
	v42 =	vld [tilespmem:$0x1FF80]  }
0x9d4: {  	[tilespmem:v23+s19+$0x0] =	vst.idx.msk $0xffff, v4;
	v25 =	vld.idx.msk [tilespmem:v25+s14+$0x0], $0xffff  }
0x9d5: {  	v5 =	vld.idx.msk [tilespmem:v5+s14+$0x0], $0xffff;
	v16 =	vor.u32 v46, v2  }
0x9d6: {  	v14 =	vor.u32 v48, v2;
	v41 =	vor.u32 v48, v1;
	v48 =	vld [tilespmem:$0x1FF60]  }
0x9d7: {  	v22 =	vor.u32 v46, v1;
	v19 =	vld.idx.msk [tilespmem:v29+s14+$0x0], $0xffff  }
0x9d8: {  	[tilespmem:v6+s19+$0x0] =	vst.idx.msk $0xffff, v12;
	v26 =	vor.u32 v42, v3;
	v7 =	vor.u32 v42, v0;
	v42 =	vld [tilespmem:$0x1F7F0]  }
0x9d9: {  	[tilespmem:v31+s19+$0x0] =	vst.idx.msk $0xffff, v25;
	v31 =	vld [tilespmem:$0x1F800]  }
0x9da: {  	v13 =	vor.u32 v36, v2;
	v16 =	vld.idx.msk [tilespmem:v16+s14+$0x0], $0xffff  }
0x9db: {  	[tilespmem:v52+s19+$0x0] =	vst.idx.msk $0xffff, v10;
	v51 =	vor.u32 v48, v3;
	v15 =	vor.u32 v48, v0;
	v48 =	vld [tilespmem:$0x1F9C0]  }
0x9dc: {  	v36 =	vor.u32 v36, v1;
	[tilespmem:v17+s19+$0x0] =	vst.idx.msk $0xffff, v8;
	v14 =	vld.idx.msk [tilespmem:v14+s14+$0x0], $0xffff  }
0x9dd: {  	[tilespmem:v9+s19+$0x0] =	vst.idx.msk $0xffff, v28;
	v9 =	vld.idx.msk [tilespmem:v22+s14+$0x0], $0xffff  }
0x9de: {  	[tilespmem:v20+s19+$0x0] =	vst.idx.msk $0xffff, v19;
	v19 =	vor.u32 v40, v3;
	v22 =	vor.u32 v40, v0;
	v40 =	vld [tilespmem:$0x1F5C0]  }
0x9df: {  	v28 =	vld.idx.msk [tilespmem:v41+s14+$0x0], $0xffff  }
0x9e0: {  	v13 =	vld.idx.msk [tilespmem:v13+s14+$0x0], $0xffff  }
0x9e1: {  	v24 =	vor.u32 v39, v2;
	v8 =	vld.idx.msk [tilespmem:v36+s14+$0x0], $0xffff  }
0x9e2: {  	v6 =	vor.u32 v30, v2;
	[tilespmem:v26+s19+$0x0] =	vst.idx.msk $0xffff, v18;
	v18 =	vor.u32 v39, v1;
	v39 =	vld [tilespmem:$0x1FB30]  }
0x9e3: {  	v46 =	vor.u32 v42, v3;
	v27 =	vor.u32 v42, v0;
	v42 =	vld [tilespmem:$0x1F590]  }
0x9e4: {  	v29 =	vor.u32 v44, v0;
	v26 =	vor.u32 v44, v3;
	v23 =	vor.u32 v31, v2;
	v44 =	vld [tilespmem:$0x1F570]  }
0x9e5: {  	v12 =	vor.u32 v31, v1;
	v31 =	vor.u32 v48, v3;
	v36 =	vor.u32 v48, v0;
	v48 =	vld [tilespmem:$0x1F5D0]  }
0x9e6: {  	[tilespmem:v51+s19+$0x0] =	vst.idx.msk $0xffff, v14;
	v24 =	vld.idx.msk [tilespmem:v24+s14+$0x0], $0xffff  }
0x9e7: {  	v6 =	vld.idx.msk [tilespmem:v6+s14+$0x0], $0xffff  }
0x9e8: {  	[tilespmem:v7+s19+$0x0] =	vst.idx.msk $0xffff, v5;
	v21 =	vor.u32 v39, v3;
	v4 =	vor.u32 v39, v0;
	v39 =	vld [tilespmem:$0x1FB40]  }
0x9e9: {  	v25 =	vor.u32 v44, v2;
	[tilespmem:v46+s19+$0x0] =	vst.idx.msk $0xffff, v13;
	v18 =	vld.idx.msk [tilespmem:v18+s14+$0x0], $0xffff  }
0x9ea: {  	v41 =	vor.u32 v48, v2;
	[tilespmem:v26+s19+$0x0] =	vst.idx.msk $0xffff, v16;
	v26 =	vor.u32 v48, v1;
	v48 =	vld [tilespmem:$0x1FA70]  }
0x9eb: {  	v11 =	vor.u32 v42, v2;
	[tilespmem:v27+s19+$0x0] =	vst.idx.msk $0xffff, v8;
	v23 =	vld.idx.msk [tilespmem:v23+s14+$0x0], $0xffff  }
0x9ec: {  	[tilespmem:v29+s19+$0x0] =	vst.idx.msk $0xffff, v9;
	v9 =	vld.idx.msk [tilespmem:v12+s14+$0x0], $0xffff  }
0x9ed: {  	[tilespmem:v21+s19+$0x0] =	vst.idx.msk $0xffff, v24;
	v21 =	vor.u32 v44, v1;
	v44 =	vld [tilespmem:$0x1F810]  }
0x9ee: {  	v52 =	vor.u32 v39, v3;
	v5 =	vor.u32 v39, v0;
	v39 =	vld [tilespmem:$0x1F820]  }
0x9ef: {  	v25 =	vld.idx.msk [tilespmem:v25+s14+$0x0], $0xffff  }
0x9f0: {  	v10 =	vld.idx.msk [tilespmem:v11+s14+$0x0], $0xffff  }
0x9f1: {  	[tilespmem:v19+s19+$0x0] =	vst.idx.msk $0xffff, v6;
	v11 =	vor.u32 v42, v1;
	v42 =	vld [tilespmem:$0x1F5E0]  }
0x9f2: {  	v41 =	vld.idx.msk [tilespmem:v41+s14+$0x0], $0xffff  }
0x9f3: {  	v24 =	vor.u32 v30, v1;
	v30 =	vor.u32 v44, v3;
	v17 =	vor.u32 v44, v0;
	v44 =	vld [tilespmem:$0x1F9D0]  }
0x9f4: {  	[tilespmem:v15+s19+$0x0] =	vst.idx.msk $0xffff, v28;
	v13 =	vor.u32 v40, v2;
	v15 =	vld.idx.msk [tilespmem:v21+s14+$0x0], $0xffff  }
0x9f5: {  	v27 =	vor.u32 v48, v3;
	v7 =	vor.u32 v39, v2;
	v21 =	vor.u32 v48, v0;
	v48 =	vld [tilespmem:$0x1F620]  }
0x9f6: {  	v20 =	vor.u32 v42, v2;
	[tilespmem:v52+s19+$0x0] =	vst.idx.msk $0xffff, v10;
	v10 =	vor.u32 v39, v1;
	v39 =	vld [tilespmem:$0x1FB50]  }
0x9f7: {  	[tilespmem:v4+s19+$0x0] =	vst.idx.msk $0xffff, v18;
	v46 =	vor.u32 v42, v1;
	v42 =	vld [tilespmem:$0x1F780]  }
0x9f8: {  	[tilespmem:v31+s19+$0x0] =	vst.idx.msk $0xffff, v25;
	v11 =	vld.idx.msk [tilespmem:v11+s14+$0x0], $0xffff  }
0x9f9: {  	v13 =	vld.idx.msk [tilespmem:v13+s14+$0x0], $0xffff  }
0x9fa: {  	v8 =	vor.u32 v44, v3;
	v29 =	vor.u32 v44, v0;
	v44 =	vld [tilespmem:$0x1F850]  }
0x9fb: {  	v16 =	vld.idx.msk [tilespmem:v20+s14+$0x0], $0xffff  }
0x9fc: {  	v20 =	vor.u32 v40, v1;
	v40 =	vld [tilespmem:$0x1F830]  }
0x9fd: {  	[tilespmem:v30+s19+$0x0] =	vst.idx.msk $0xffff, v23;
	v14 =	vor.u32 v39, v3;
	v4 =	vor.u32 v39, v0;
	v39 =	vld [tilespmem:$0x1F840]  }
0x9fe: {  	v7 =	vld.idx.msk [tilespmem:v7+s14+$0x0], $0xffff  }
0x9ff: {  	[tilespmem:v17+s19+$0x0] =	vst.idx.msk $0xffff, v9;
	v52 =	vor.u32 v42, v2;
	v9 =	vor.u32 v42, v1;
	v42 =	vld [tilespmem:$0x1FF10]  }
0xa00: {  	v10 =	vld.idx.msk [tilespmem:v10+s14+$0x0], $0xffff  }
0xa01: {  	[tilespmem:v36+s19+$0x0] =	vst.idx.msk $0xffff, v15;
	v31 =	vor.u32 v44, v3;
	v15 =	vor.u32 v44, v0;
	v44 =	vld [tilespmem:$0x1F860]  }
0xa02: {  	v51 =	vor.u32 v40, v3;
	v12 =	vor.u32 v40, v0;
	v40 =	vld [tilespmem:$0x1F610]  }
0xa03: {  	[tilespmem:v14+s19+$0x0] =	vst.idx.msk $0xffff, v16;
	v14 =	vld.idx.msk [tilespmem:v24+s14+$0x0], $0xffff  }
0xa04: {  	v18 =	vor.u32 v39, v2;
	v24 =	vor.u32 v39, v1;
	v39 =	vld [tilespmem:$0x1FF90]  }
0xa05: {  	v19 =	vor.u32 v48, v1;
	v16 =	vor.u32 v48, v2;
	v48 =	vld [tilespmem:$0x1FF70]  }
0xa06: {  	v17 =	vor.u32 v42, v3;
	v36 =	vor.u32 v42, v0;
	v42 =	vld [tilespmem:$0x1F6E0]  }
0xa07: {  	v23 =	vld.idx.msk [tilespmem:v52+s14+$0x0], $0xffff  }
0xa08: {  	v28 =	vor.u32 v40, v2;
	v30 =	vor.u32 v40, v1;
	v40 =	vld [tilespmem:$0x1F670]  }
0xa09: {  	[tilespmem:v22+s19+$0x0] =	vst.idx.msk $0xffff, v14;
	v14 =	vld.idx.msk [tilespmem:v20+s14+$0x0], $0xffff  }
0xa0a: {  	v52 =	vor.u32 v48, v3;
	v20 =	vor.u32 v48, v0;
	v48 =	vld [tilespmem:$0x1F650]  }
0xa0b: {  	[tilespmem:v51+s19+$0x0] =	vst.idx.msk $0xffff, v7;
	v51 =	vld [tilespmem:$0x1F660]  }
0xa0c: {  	[tilespmem:v27+s19+$0x0] =	vst.idx.msk $0xffff, v41;
	v25 =	vor.u32 v39, v3;
	v22 =	vor.u32 v39, v0;
	v39 =	vld [tilespmem:$0x1FB60]  }
0xa0d: {  	v16 =	vld.idx.msk [tilespmem:v16+s14+$0x0], $0xffff  }
0xa0e: {  	[tilespmem:v5+s19+$0x0] =	vst.idx.msk $0xffff, v11;
	v11 =	vld.idx.msk [tilespmem:v26+s14+$0x0], $0xffff  }
0xa0f: {  	v26 =	vld.idx.msk [tilespmem:v46+s14+$0x0], $0xffff  }
0xa10: {  	[tilespmem:v8+s19+$0x0] =	vst.idx.msk $0xffff, v13;
	v18 =	vld.idx.msk [tilespmem:v18+s14+$0x0], $0xffff  }
0xa11: {  	v13 =	vor.u32 v44, v1;
	[tilespmem:v25+s19+$0x0] =	vst.idx.msk $0xffff, v23;
	v23 =	vor.u32 v44, v2;
	v44 =	vld [tilespmem:$0x1F870]  }
0xa12: {  	v28 =	vld.idx.msk [tilespmem:v28+s14+$0x0], $0xffff  }
0xa13: {  	[tilespmem:v12+s19+$0x0] =	vst.idx.msk $0xffff, v10;
	v6 =	vor.u32 v40, v2;
	v10 =	vor.u32 v40, v1;
	v40 =	vld [tilespmem:$0x1F9E0]  }
0xa14: {  	v25 =	vor.u32 v48, v2;
	v27 =	vor.u32 v48, v1;
	v48 =	vld [tilespmem:$0x1FA80];
	[tilespmem:v29+s19+$0x0] =	vst.idx.msk $0xffff, v14  }
0xa15: {  	v7 =	vor.u32 v39, v3;
	[tilespmem:v21+s19+$0x0] =	vst.idx.msk $0xffff, v11;
	v21 =	vor.u32 v39, v0;
	v39 =	vld [tilespmem:$0x1FB70]  }
0xa16: {  	v30 =	vld.idx.msk [tilespmem:v30+s14+$0x0], $0xffff  }
0xa17: {  	[tilespmem:v31+s19+$0x0] =	vst.idx.msk $0xffff, v18;
	v31 =	vld [tilespmem:$0x1F6C0]  }
0xa18: {  	[tilespmem:v4+s19+$0x0] =	vst.idx.msk $0xffff, v26;
	v19 =	vld.idx.msk [tilespmem:v19+s14+$0x0], $0xffff  }
0xa19: {  	v9 =	vld.idx.msk [tilespmem:v9+s14+$0x0], $0xffff  }
0xa1a: {  	v5 =	vor.u32 v51, v2;
	v6 =	vld.idx.msk [tilespmem:v6+s14+$0x0], $0xffff  }
0xa1b: {  	v41 =	vor.u32 v51, v1;
	v51 =	vor.u32 v48, v3;
	v11 =	vor.u32 v48, v0;
	v48 =	vld [tilespmem:$0x1F880]  }
0xa1c: {  	v12 =	vor.u32 v40, v3;
	v14 =	vor.u32 v40, v0;
	v40 =	vld [tilespmem:$0x1F790]  }
0xa1d: {  	[tilespmem:v17+s19+$0x0] =	vst.idx.msk $0xffff, v28;
	v28 =	vld [tilespmem:$0x1F6D0]  }
0xa1e: {  	[tilespmem:v52+s19+$0x0] =	vst.idx.msk $0xffff, v16;
	v23 =	vld.idx.msk [tilespmem:v23+s14+$0x0], $0xffff  }
0xa1f: {  	v5 =	vld.idx.msk [tilespmem:v5+s14+$0x0], $0xffff  }
0xa20: {  	v25 =	vld.idx.msk [tilespmem:v25+s14+$0x0], $0xffff;
	[tilespmem:v36+s19+$0x0] =	vst.idx.msk $0xffff, v30  }
0xa21: {  	[tilespmem:v20+s19+$0x0] =	vst.idx.msk $0xffff, v19;
	v27 =	vld.idx.msk [tilespmem:v27+s14+$0x0], $0xffff  }
0xa22: {  	v29 =	vor.u32 v39, v3;
	[tilespmem:v22+s19+$0x0] =	vst.idx.msk $0xffff, v9;
	v9 =	vor.u32 v39, v0;
	v39 =	vld [tilespmem:$0x1F8A0]  }
0xa23: {  	v46 =	vor.u32 v44, v3;
	v36 =	vld.idx.msk [tilespmem:v41+s14+$0x0], $0xffff  }
0xa24: {  	v8 =	vor.u32 v42, v2;
	v10 =	vld.idx.msk [tilespmem:v10+s14+$0x0], $0xffff  }
0xa25: {  	v4 =	vor.u32 v31, v2;
	[tilespmem:v7+s19+$0x0] =	vst.idx.msk $0xffff, v6;
	v6 =	vld.idx.msk [tilespmem:v24+s14+$0x0], $0xffff  }
0xa26: {  	v7 =	vor.u32 v44, v0;
	v44 =	vld [tilespmem:$0x1F890]  }
0xa27: {  	v16 =	vor.u32 v31, v1;
	v24 =	vor.u32 v48, v2;
	v26 =	vor.u32 v48, v1;
	v48 =	vld [tilespmem:$0x1FA90]  }
0xa28: {  	[tilespmem:v46+s19+$0x0] =	vst.idx.msk $0xffff, v23;
	v46 =	vld [tilespmem:$0x1F730]  }
0xa29: {  	v8 =	vld.idx.msk [tilespmem:v8+s14+$0x0], $0xffff;
	[tilespmem:v12+s19+$0x0] =	vst.idx.msk $0xffff, v25  }
0xa2a: {  	v17 =	vor.u32 v28, v2;
	v28 =	vor.u32 v28, v1;
	v4 =	vld.idx.msk [tilespmem:v4+s14+$0x0], $0xffff  }
0xa2b: {  	v22 =	vor.u32 v39, v2;
	v25 =	vor.u32 v39, v1;
	v39 =	vld [tilespmem:$0x1FB80];
	[tilespmem:v14+s19+$0x0] =	vst.idx.msk $0xffff, v27  }
0xa2c: {  	[tilespmem:v11+s19+$0x0] =	vst.idx.msk $0xffff, v36;
	v11 =	vld.idx.msk [tilespmem:v16+s14+$0x0], $0xffff  }
0xa2d: {  	v18 =	vor.u32 v40, v2;
	[tilespmem:v15+s19+$0x0] =	vst.idx.msk $0xffff, v6;
	v6 =	vor.u32 v42, v1;
	v42 =	vld [tilespmem:$0x1F9F0]  }
0xa2e: {  	v52 =	vor.u32 v48, v3;
	v19 =	vor.u32 v48, v0;
	v48 =	vld [tilespmem:$0x1F3D0]  }
0xa2f: {  	v24 =	vld.idx.msk [tilespmem:v24+s14+$0x0], $0xffff  }
0xa30: {  	v28 =	vld.idx.msk [tilespmem:v28+s14+$0x0], $0xffff  }
0xa31: {  	v31 =	vor.u32 v44, v3;
	[tilespmem:v29+s19+$0x0] =	vst.idx.msk $0xffff, v8;
	v13 =	vld.idx.msk [tilespmem:v13+s14+$0x0], $0xffff  }
0xa32: {  	v8 =	vld.idx.msk [tilespmem:v18+s14+$0x0], $0xffff  }
0xa33: {  	v18 =	vor.u32 v44, v0;
	v44 =	vld [tilespmem:$0x1F740]  }
0xa34: {  	[tilespmem:v51+s19+$0x0] =	vst.idx.msk $0xffff, v5;
	v15 =	vor.u32 v42, v3;
	v29 =	vor.u32 v42, v0;
	v42 =	vld [tilespmem:$0x1FFA0]  }
0xa35: {  	[tilespmem:v21+s19+$0x0] =	vst.idx.msk $0xffff, v10;
	v12 =	vor.u32 v48, v2;
	v41 =	vor.u32 v48, v1;
	v48 =	vld [tilespmem:$0x1F8B0]  }
0xa36: {  	[tilespmem:v31+s19+$0x0] =	vst.idx.msk $0xffff, v24;
	v6 =	vld.idx.msk [tilespmem:v6+s14+$0x0], $0xffff  }
0xa37: {  	v23 =	vor.u32 v46, v2;
	[tilespmem:v7+s19+$0x0] =	vst.idx.msk $0xffff, v13;
	v7 =	vld.idx.msk [tilespmem:v17+s14+$0x0], $0xffff  }
0xa38: {  	v22 =	vld.idx.msk [tilespmem:v22+s14+$0x0], $0xffff  }
0xa39: {  	v5 =	vor.u32 v46, v1;
	v26 =	vld.idx.msk [tilespmem:v26+s14+$0x0], $0xffff  }
0xa3a: {  	[tilespmem:v19+s19+$0x0] =	vst.idx.msk $0xffff, v28;
	v30 =	vor.u32 v42, v3;
	v10 =	vor.u32 v42, v0;
	v42 =	vld [tilespmem:$0x1FFB0]  }
0xa3b: {  	[tilespmem:v15+s19+$0x0] =	vst.idx.msk $0xffff, v4;
	v28 =	vld.idx.msk [tilespmem:v41+s14+$0x0], $0xffff  }
0xa3c: {  	v20 =	vor.u32 v44, v2;
	v46 =	vor.u32 v48, v3;
	[tilespmem:v52+s19+$0x0] =	vst.idx.msk $0xffff, v7;
	v23 =	vld.idx.msk [tilespmem:v23+s14+$0x0], $0xffff  }
0xa3d: {  	v51 =	vor.u32 v58, v3;
	v21 =	vor.u32 v49, v2;
	[tilespmem:v29+s19+$0x0] =	vst.idx.msk $0xffff, v11;
	v12 =	vld.idx.msk [tilespmem:v12+s14+$0x0], $0xffff  }
0xa3e: {  	v27 =	vor.u32 v54, v0;
	v4 =	vor.u32 v55, v2;
	v5 =	vld.idx.msk [tilespmem:v5+s14+$0x0], $0xffff;
	[tilespmem:v18+s19+$0x0] =	vst.idx.msk $0xffff, v26  }
0xa3f: {  	v17 =	vor.u32 v48, v0;
	v15 =	vor.u32 v49, v1;
	[tilespmem:v9+s19+$0x0] =	vst.idx.msk $0xffff, v6;
	v11 =	vld.idx.msk [tilespmem:v25+s14+$0x0], $0xffff  }
0xa40: {  	[tilespmem:v30+s19+$0x0] =	vst.idx.msk $0xffff, v8;
	v8 =	vor.u32 v40, v1;
	v30 =	vor.u32 v54, v3;
	v40 =	vld [tilespmem:$0x1F760]  }
0xa41: {  	v13 =	vor.u32 v39, v3;
	[tilespmem:v46+s19+$0x0] =	vst.idx.msk $0xffff, v22;
	v20 =	vld.idx.msk [tilespmem:v20+s14+$0x0], $0xffff  }
0xa42: {  	v24 =	vor.u32 v43, v2;
	v31 =	vor.u32 v50, v3;
	v21 =	vld.idx.msk [tilespmem:v21+s14+$0x0], $0xffff;
	[tilespmem:v51+s19+$0x0] =	vst.idx.msk $0xffff, v12  }
0xa43: {  	v9 =	vor.u32 v56, v2;
	v18 =	vor.u32 v33, v3;
	[tilespmem:v27+s19+$0x0] =	vst.idx.msk $0xffff, v5;
	v4 =	vld.idx.msk [tilespmem:v4+s14+$0x0], $0xffff  }
0xa44: {  	v41 =	vor.u32 v59, v2;
	v51 =	vld [tilespmem:$0x1FEC0];
	[tilespmem:v17+s19+$0x0] =	vst.idx.msk $0xffff, v11  }
0xa45: {  	v5 =	vld.idx.msk [tilespmem:v15+s14+$0x0], $0xffff;
	[tilespmem:v30+s19+$0x0] =	vst.idx.msk $0xffff, v23  }
0xa46: {  	v48 =	vor.u32 v40, v2;
	v8 =	vld.idx.msk [tilespmem:v8+s14+$0x0], $0xffff;
	[tilespmem:v13+s19+$0x0] =	vst.idx.msk $0xffff, v20  }
0xa47: {  	v13 =	vor.u32 v43, v1;
	v24 =	vld.idx.msk [tilespmem:v24+s14+$0x0], $0xffff;
	[tilespmem:v31+s19+$0x0] =	vst.idx.msk $0xffff, v21  }
0xa48: {  	v16 =	vor.u32 v58, v0;
	v14 =	vor.u32 v44, v1;
	v9 =	vld.idx.msk [tilespmem:v9+s14+$0x0], $0xffff;
	[tilespmem:v18+s19+$0x0] =	vst.idx.msk $0xffff, v4  }
0xa49: {  	v36 =	vor.u32 v62, v3;
	v18 =	vld.idx.msk [tilespmem:v41+s14+$0x0], $0xffff  }
0xa4a: {  	v44 =	vor.u32 v60, v3;
	v22 =	vor.u32 v45, v2;
	v41 =	vld [tilespmem:$0x1F410]  }
0xa4b: {  	v27 =	vor.u32 v47, v2;
	v7 =	vld.idx.msk [tilespmem:v48+s14+$0x0], $0xffff  }
0xa4c: {  	v11 =	vor.u32 v37, v3;
	[tilespmem:v10+s19+$0x0] =	vst.idx.msk $0xffff, v8;
	v13 =	vld.idx.msk [tilespmem:v13+s14+$0x0], $0xffff  }
0xa4d: {  	[tilespmem:v16+s19+$0x0] =	vst.idx.msk $0xffff, v28;
	v20 =	vor.u32 v55, v1;
	v48 =	vor.u32 v42, v3;
	v14 =	vld.idx.msk [tilespmem:v14+s14+$0x0], $0xffff  }
0xa4e: {  	v28 =	vor.u32 v35, v2;
	[tilespmem:v36+s19+$0x0] =	vst.idx.msk $0xffff, v24;
	v36 =	vld [tilespmem:$0x1F3F0]  }
0xa4f: {  	v29 =	vor.u32 v62, v0;
	v26 =	vor.u32 v34, v2;
	v22 =	vld.idx.msk [tilespmem:v22+s14+$0x0], $0xffff;
	[tilespmem:v44+s19+$0x0] =	vst.idx.msk $0xffff, v9  }
0xa50: {  	v6 =	vor.u32 v39, v0;
	v9 =	vld.idx.msk [tilespmem:v27+s14+$0x0], $0xffff  }
0xa51: {  	v25 =	vor.u32 v50, v0;
	v46 =	vor.u32 v40, v1;
	v27 =	vld [tilespmem:$0x1FFE0];
	[tilespmem:v11+s19+$0x0] =	vst.idx.msk $0xffff, v18  }
0xa52: {  	[tilespmem:v48+s19+$0x0] =	vst.idx.msk $0xffff, v7;
	v7 =	vor.u32 v56, v1;
	v48 =	vld.idx.msk [tilespmem:v20+s14+$0x0], $0xffff  }
0xa53: {  	v52 =	vor.u32 v63, v3;
	v11 =	vld.idx.msk [tilespmem:v28+s14+$0x0], $0xffff  }
0xa54: {  	v24 =	vor.u32 v32, v3;
	v23 =	vld.idx.msk [tilespmem:v26+s14+$0x0], $0xffff;
	[tilespmem:v29+s19+$0x0] =	vst.idx.msk $0xffff, v13  }
0xa55: {  	v19 =	vor.u32 v33, v0;
	v10 =	vor.u32 v61, v2;
	v29 =	vld [tilespmem:$0x1F3E0];
	[tilespmem:v6+s19+$0x0] =	vst.idx.msk $0xffff, v14  }
0xa56: {  	v39 =	vor.u32 v53, v3;
	[tilespmem:v25+s19+$0x0] =	vst.idx.msk $0xffff, v5;
	v26 =	vor.u32 v45, v1;
	v6 =	vld.idx.msk [tilespmem:v46+s14+$0x0], $0xffff  }
0xa57: {  	v17 =	vor.u32 v60, v0;
	v30 =	vor.u32 v59, v1;
	v8 =	vor.u32 v42, v0;
	v5 =	vld.idx.msk [tilespmem:v7+s14+$0x0], $0xffff  }
0xa58: {  	v42 =	vor.u32 v38, v3;
	v20 =	vor.u32 v47, v1;
	v46 =	vld [tilespmem:$0x1FEA0];
	[tilespmem:v52+s19+$0x0] =	vst.idx.msk $0xffff, v22  }
0xa59: {  	v15 =	vor.u32 v63, v0;
	v52 =	vld [tilespmem:$0x1FED0];
	[tilespmem:v24+s19+$0x0] =	vst.idx.msk $0xffff, v9  }
0xa5a: {  	v21 =	vor.u32 v61, v1;
	v31 =	vor.u32 v57, v3;
	v10 =	vld.idx.msk [tilespmem:v10+s14+$0x0], $0xffff;
	[tilespmem:v19+s19+$0x0] =	vst.idx.msk $0xffff, v48  }
0xa5b: {  	[tilespmem:v39+s19+$0x0] =	vst.idx.msk $0xffff, v23;
	v23 =	vor.u32 v35, v1;
	v1 =	vor.u32 v34, v1;
	v7 =	vld.idx.msk [tilespmem:v26+s14+$0x0], $0xffff  }
0xa5c: {  	s30 =	sadd.s32 $0x2, s30;
	v16 =	vor.u32 v37, v0;
	v12 =	vld.idx.msk [tilespmem:v30+s14+$0x0], $0xffff;
	[tilespmem:v17+s19+$0x0] =	vst.idx.msk $0xffff, v5  }
0xa5d: {  	p1 =	slt.u32 s30, $0x6;
	v25 =	vor.u32 v32, v0;
	[tilespmem:v42+s19+$0x0] =	vst.idx.msk $0xffff, v11;
	v48 =	vld.idx.msk [tilespmem:v20+s14+$0x0], $0xffff  }
.Ltmp6:
0xa5e: {  	v26 =	vld [tilespmem:$0x1FFD0];
	[tilespmem:v8+s19+$0x0] =	vst.idx.msk $0xffff, v6;
	(pc) =	sbr.rel @p1 .LBB2_15-.Ltmp6, $4  }
0xa5f: {  	v30 =	vld [tilespmem:$0x1F400];
	[tilespmem:v31+s19+$0x0] =	vst.idx.msk $0xffff, v10  }
0xa60: {  	v4 =	vor.u32 v57, v0;
	[tilespmem:v15+s19+$0x0] =	vst.idx.msk $0xffff, v7;
	v6 =	vld.idx.msk [tilespmem:v1+s14+$0x0], $0xffff  }
0xa61: {  	v2 =	vor.u32 v38, v0;
	v3 =	vor.u32 v53, v0;
	[tilespmem:v16+s19+$0x0] =	vst.idx.msk $0xffff, v12;
	v0 =	vld.idx.msk [tilespmem:v21+s14+$0x0], $0xffff  }
0xa62: {  	s31 =	sadd.s32 $0x20, s31;
	v5 =	vld.idx.msk [tilespmem:v23+s14+$0x0], $0xffff;
	[tilespmem:v25+s19+$0x0] =	vst.idx.msk $0xffff, v48;
	v25 =	vlaneseq.u32  }
0xa63: {  	_ =	sdelay $0x3  }
0xa64: {  	[tilespmem:v3+s19+$0x0] =	vst.idx.msk $0xffff, v6  }
0xa65: {  	s0 =	sadd.s32 @!p0 $0x180, s29;
	[tilespmem:v4+s19+$0x0] =	vst.idx.msk $0xffff, v0  }
0xa66: {  	s1 =	simm.s32 @!p0 $0x80;
	s29 =	simm.s32 @!p0 $0x8400;
	s30 =	sshrl.u32 s28, $0x3;
	[tilespmem:v2+s19+$0x0] =	vst.idx.msk $0xffff, v5  }
0xa67: {  	[tilespmem:s29], [sflag:$0x2] =	stream.indirect.gather @!p0 [hbm4b:s4+s1], $0x40, s0, s1, $0xb8;
	[tilespmem:$0xE400] =	vst v63  }
0xa68: {  	s31 =	simm.s32 $0xC400;
	s0 =	sadd.s32 s2, s30;
	s29 =	simm.s32 $0x1000  }
0xa69: {  	[hbm4b:s0+s3] =	stream.linear.scatter [tilespmem:s31], [sflag:$0x4], $0x400, $0x38;
	[tilespmem:$0xE400] =	vst v63  }
.LBB2_17:
0xa6a: {  	p0 =	sne.s32 s29, $0x7000  }
.Ltmp7:
0xa6b: {  	_ = 	snop;
	(pc) =	sbr.rel @p0 .LBB2_17-.Ltmp7, $4  }
0xa6c: {  	s28 =	sadd.s32 $0x20000, s28  }
0xa6d: {  	s0 =	sshra.s32 s29, $0x2;
	s1 =	sshrl.u32 s28, $0x3  }
0xa6e: {  	s29 =	sadd.s32 $0x1000, s29;
	s0 =	sadd.s32 $0xC400, s0;
	s1 =	sadd.s32 s2, s1  }
0xa6f: {  	[hbm4b:s1+s3] =	stream.linear.scatter [tilespmem:s0], [sflag:$0x4], $0x400, $0x38;
	[tilespmem:$0xE400] =	vst v63  }
0xa70: {  	v1 =	vld [tilespmem:$0x1FE70]  }
0xa71: {  	v22 =	vld [tilespmem:$0x1FE80]  }
0xa72: {  	v2 =	vld [tilespmem:$0x1FE90]  }
0xa73: {  	v24 =	vld [tilespmem:$0x1F7B0]  }
0xa74: {  	v16 =	vld [tilespmem:$0x1F960]  }
0xa75: {  	v4 =	vld [tilespmem:$0x1FEF0]  }
0xa76: {  	v47 =	vld [tilespmem:$0x1F9B0]  }
0xa77: {  	v20 =	vld [tilespmem:$0x1FF00]  }
0xa78: {  	v3 =	vld [tilespmem:$0x1FF30]  }
0xa79: {  	v18 =	vld [tilespmem:$0x1FA40]  }
0xa7a: {  	v9 =	vld [tilespmem:$0x1FF50]  }
0xa7b: {  	v58 =	vld [tilespmem:$0x1FF60]  }
0xa7c: {  	v14 =	vld [tilespmem:$0x1FF80]  }
0xa7d: {  	v57 =	vld [tilespmem:$0x1FFF0]  }
0xa7e: {  	v21 =	vld [tilespmem:$0x1F470]  }
0xa7f: {  	v10 =	vld [tilespmem:$0x1F480]  }
0xa80: {  	v43 =	vld [tilespmem:$0x1F440]  }
0xa81: {  	s24 =	sadd.s32 $0x1, s24;
	v13 =	vld [tilespmem:$0x1F450]  }
0xa82: {  	v55 =	vld [tilespmem:$0x1F420];
	p0 =	sne.s32 s24, $0x64  }
.Ltmp8:
0xa83: {  	v39 =	vld [tilespmem:$0x1F430];
	(pc) =	sbr.rel @p0 .LBB2_10-.Ltmp8, $4  }
0xa84: {  	v32 =	vld [tilespmem:$0x1F490]  }
0xa85: {  	v34 =	vld [tilespmem:$0x1F540]  }
0xa86: {  	v60 =	vld [tilespmem:$0x1F4E0]  }
0xa87: {  	s26 =	sadd.s32 $0x200000, s26;
	s25 =	sadd.s32 $0x200000, s25;
	v49 =	vld [tilespmem:$0x1F520]  }
0xa88: {  	v39 =	vld [tilespmem:$0x1FF20];
	_ =	swait.ge [sflag:s21], $0x400  }
0xa89: {  	[sflag:s21] =	ssyncset.done $0x0  }
0xa8a: {  	[sflag:s21] =	ssyncadd.s32 $0xFFFFFC00  }
0xa8b: {  	_ =	swait.ge [sflag:s21], $0x400  }
0xa8c: {  	[sflag:s21] =	ssyncset.done $0x0  }
0xa8d: {  	[sflag:s21] =	ssyncadd.s32 $0xFFFFFC00  }
0xa8e: {  	_ =	swait.ge [sflag:s21], $0x400  }
0xa8f: {  	[sflag:s21] =	ssyncset.done $0x0  }
0xa90: {  	[sflag:s21] =	ssyncadd.s32 $0xFFFFFC00  }
0xa91: {  	_ =	swait.ge [sflag:s21], $0x400  }
0xa92: {  	[sflag:s21] =	ssyncset.done $0x0  }
0xa93: {  	[sflag:s21] =	ssyncadd.s32 $0xFFFFFC00  }
0xa94: {  	_ =	swait.ge [sflag:s21], $0x400  }
0xa95: {  	[sflag:s21] =	ssyncset.done $0x0  }
0xa96: {  	[sflag:s21] =	ssyncadd.s32 $0xFFFFFC00  }
0xa97: {  	_ =	swait.ge [sflag:s21], $0x400  }
0xa98: {  	[sflag:s21] =	ssyncset.done $0x0  }
0xa99: {  	[sflag:s21] =	ssyncadd.s32 $0xFFFFFC00  }
0xa9a: {  	_ =	swait.ge [sflag:s21], $0x400  }
0xa9b: {  	[sflag:s21] =	ssyncset.done $0x0  }
0xa9c: {  	[sflag:s21] =	ssyncadd.s32 $0xFFFFFC00  }
0xa9d: {  	_ =	swait.ge [sflag:s21], $0x400  }
0xa9e: {  	[sflag:s21] =	ssyncset.done $0x0  }
0xa9f: {  	[sflag:s21] =	ssyncadd.s32 $0xFFFFFC00  }
0xaa0: {  	_ =	swait.ge [sflag:s22], $0x400  }
0xaa1: {  	[sflag:s22] =	ssyncset.done $0x0  }
0xaa2: {  	[sflag:s22] =	ssyncadd.s32 $0xFFFFFC00  }
0xaa3: {  	_ =	swait.ge [sflag:s22], $0x400  }
0xaa4: {  	[sflag:s22] =	ssyncset.done $0x0  }
0xaa5: {  	[sflag:s22] =	ssyncadd.s32 $0xFFFFFC00  }
0xaa6: {  	_ =	swait.ge [sflag:s22], $0x400  }
0xaa7: {  	[sflag:s22] =	ssyncset.done $0x0  }
0xaa8: {  	[sflag:s22] =	ssyncadd.s32 $0xFFFFFC00  }
0xaa9: {  	_ =	swait.ge [sflag:s22], $0x400  }
0xaaa: {  	[sflag:s22] =	ssyncset.done $0x0  }
0xaab: {  	[sflag:s22] =	ssyncadd.s32 $0xFFFFFC00  }
0xaac: {  	_ =	swait.ge [sflag:s22], $0x400  }
0xaad: {  	[sflag:s22] =	ssyncset.done $0x0  }
0xaae: {  	[sflag:s22] =	ssyncadd.s32 $0xFFFFFC00  }
0xaaf: {  	_ =	swait.ge [sflag:s22], $0x400  }
0xab0: {  	[sflag:s22] =	ssyncset.done $0x0  }
0xab1: {  	[sflag:s22] =	ssyncadd.s32 $0xFFFFFC00  }
0xab2: {  	_ =	swait.ge [sflag:s22], $0x400  }
0xab3: {  	s23 =	sadd.s32 $0x1, s23;
	[sflag:s22] =	ssyncset.done $0x0  }
0xab4: {  	p0 =	sne.s32 s23, s7;
	[sflag:s22] =	ssyncadd.s32 $0xFFFFFC00  }
.Ltmp9:
0xab5: {  	_ =	swait.ge [sflag:s22], $0x400;
	(pc) =	sbr.rel @p0 .LBB2_1-.Ltmp9, $4  }
0xab6: {  	v49 =	vld [tilespmem:$0x1FE60]  }
0xab7: {  	v59 =	vld [tilespmem:$0x1FF40]  }
0xab8: {  	v0 =	vmov v57;
	[sflag:s22] =	ssyncset.done $0x0;
	v58 =	vld [tilespmem:$0x1FEE0]  }
0xab9: {  	v42 =	vmovc v4;
	v50 =	vmovc v1;
	v60 =	vmov v22;
	v61 =	vmov v2;
	v12 =	vmov v3;
	v62 =	vld [tilespmem:$0x1FE10];
	[sflag:s22] =	ssyncadd.s32 $0xFFFFFC00  }
0xaba: {  	_ =	sfence.sel $0x180000  }
0xabb: {  	[bflag:$0x0] =	sbarrier.arrive $0xFFFF  }
0xabc: {  	_ =	strace $0x90000047  }
0xabd: {  	s0 =	stileid.u32;
	[bflag:$0x2] =	sbarrier.arrive $0xFFFF  }
0xabe: {  	p0 =	sne.s32 s0, $0x0;
	s0 =	rddreg [dreg:$0x2]  }
0xabf: {  	s0 =	sadd.s32 @!p0 $0x100000, s0  }
0xac0: {  	[sflag:s0] =	ssyncadd.tile.s32 @!p0 $0x1;
	_ =	shalt  }
.Lfunc_end2:
_tile_overlayer_lowered:
.L_overlay_start_2:
0xac1: {  	(tag) =	ssettag $0x2  }
0xac2: {  	s0 =	rddreg [dreg:$0x0];
	s2 =	stileid.u32  }
0xac3: {  	s1 =	rddreg [dreg:$0x1];
	p0 =	sne.s32 s2, $0x0  }
0xac4: {  	s3 =	rddreg [dreg:$0x2];
	[bflag:$0x3] =	sbarrier.arrive $0xFFFF;
	s2 =	simm.s32 @!p0 $0x1C05  }
0xac5: {  	[timem:s3], [sflag:s2] =	dma.local @!p0 [hbm:s0], s1  }
0xac6: {  	s0 =	simm.s32 @!p0 $0x5  }
0xac7: {  	_ =	swait.ge @!p0 [sflag:s0], s1  }
0xac8: {  	s1 =	ssub.s32 @!p0 $0x0, s1;
	[sflag:s0] =	ssyncset.done @!p0 $0x0  }
0xac9: {  	[sflag:s0] =	ssyncadd.s32 @!p0 s1  }
0xaca: {  	[bflag:$0x3] =	sbarrier.arrive $0xFFFF  }
0xacb: {  	_ =	shalt  }

</sc_bundles>
